<compile_context>
chip_gen: v7x
topology: tpu7x:2x2x1
jax: 0.10.2.dev20260603
libtpu: 0.0.44.dev20260713+nightly
codegen_flags: <defaults>
</compile_context>

<pallas_src>
import functools
import math

import jax
import jax.numpy as jnp
from jax import lax
from jax.experimental import pallas as pl
from jax.experimental.pallas import tpu as pltpu
from jax.experimental.pallas import tpu_sc as plsc

LANES = 16


def _allmax(v, lanes):
    for k in (1, 2, 4, 8):
        v = jnp.maximum(v, jnp.take(v, lanes ^ k))
    return v


def _allmin(v, lanes):
    for k in (1, 2, 4, 8):
        v = jnp.minimum(v, jnp.take(v, lanes ^ k))
    return v


@jax.jit
def kernel(weights):
    B, V, U = weights.shape
    assert U == 1024 and V % LANES == 0
    t0 = math.floor(V / math.e - 1.0) + 1
    n_eff = V - t0
    S = 48
    nb = 2 * ((n_eff + 2 * S - 1) // (2 * S))
    start = V - nb * S
    assert start >= 0 and start % 8 == 0
    nchunks = U // LANES
    nvldchunks = nchunks // 2
    ngroups = 4
    gsz = nchunks // ngroups

    info = plsc.get_sparse_core_info()
    nc, ns = info.num_cores, info.num_subcores
    assert B <= nc * ns

    mesh = plsc.VectorSubcoreMesh(core_axis_name="c", subcore_axis_name="s")

    @functools.partial(
        pl.kernel,
        mesh=mesh,
        out_type=(
            jax.ShapeDtypeStruct((B, LANES), jnp.float32),
            jax.ShapeDtypeStruct((B, V), jnp.int32),
        ),
        scratch_types=[
            pltpu.VMEM((S, U), jnp.float32),
            pltpu.VMEM((S, U), jnp.float32),
            pltpu.VMEM((U // 2,), jnp.uint32),
            pltpu.VMEM((2 * LANES,), jnp.int32),
            pltpu.VMEM((V,), jnp.int32),
            pltpu.VMEM((LANES,), jnp.float32),
            pltpu.SMEM((1,), jnp.int32),
            pltpu.SemaphoreType.DMA,
            pltpu.SemaphoreType.DMA,
        ],
    )
    def greedy_sc(w_hbm, size_hbm, seq_hbm, wb0, wb1, mref, bref, selsref,
                  ovec, cntref, sem0, sem1):
        wid = lax.axis_index("s") * nc + lax.axis_index("c")

        @pl.when(wid < B)
        def _worker():
            b = wid
            lanes = lax.iota(jnp.int32, LANES)
            one_i = jnp.int32(1)
            one_u = jnp.uint32(1)
            big_u = jnp.uint32(2**30)
            lanes_u = lanes.astype(jnp.uint32)
            z0u = jnp.uint32(0) - jnp.minimum(lanes_u, one_u)
            oh0 = (one_i - jnp.minimum(lanes, 1)).astype(jnp.float32)

            sent = jnp.full((LANES,), jnp.uint32(0xFFFFFFFF))
            for ci in range(nvldchunks):
                mref[pl.ds(ci * LANES, LANES)] = sent
            ones_i = jnp.full((LANES,), jnp.int32(-1))
            bref[pl.ds(0, LANES)] = ones_i
            bref[pl.ds(LANES, LANES)] = ones_i
            zi = jnp.zeros((LANES,), jnp.int32)
            for ci in range(V // LANES):
                selsref[pl.ds(ci * LANES, LANES)] = zi
            cntref[0] = jnp.int32(0)

            def issue(blk, wb, sem):
                return pltpu.async_copy(
                    w_hbm.at[b, pl.ds(start + blk * S, S), :], wb, sem)

            def wait(blk, wb, sem):
                pltpu.make_async_copy(
                    w_hbm.at[b, pl.ds(start + blk * S, S), :], wb, sem).wait()

            issue(0, wb0, sem0)

            def _scan_step(i, si, wb, mA, mB, acc):
                ks, cs = [], []
                for g in range(ngroups):
                    c0 = g * gsz
                    kg = None
                    cg = jnp.full((LANES,), jnp.uint32(c0 * LANES))
                    for ci in range(c0, c0 + gsz):
                        kv = lax.bitcast_convert_type(
                            wb[si, pl.ds(ci * LANES, LANES)], jnp.uint32)
                        if ci == 0:
                            kv = kv & z0u
                        if ci < nvldchunks:
                            kv = jnp.minimum(
                                kv, mref[pl.ds(ci * LANES, LANES)])
                        else:
                            p = ci - nvldchunks
                            m = mA if p < LANES else mB
                            am = lax.shift_right_arithmetic(
                                lax.shift_left(m, 31 - (p % LANES)), 31)
                            kv = kv & lax.bitcast_convert_type(
                                am, jnp.uint32)
                        if ci == c0:
                            kg = kv
                        else:
                            newmax = jnp.maximum(kg, kv)
                            ind = jnp.minimum(newmax - kg, one_u)
                            cg = jnp.maximum(cg, ind * (ci * LANES))
                            kg = newmax
                    ks.append(kg)
                    cs.append(cg)
                while len(ks) > 1:
                    nks, ncs = [], []
                    for j in range(0, len(ks), 2):
                        k1, c1, k2, c2 = ks[j], cs[j], ks[j+1], cs[j+1]
                        nk = jnp.maximum(k1, k2)
                        ind = jnp.minimum(nk - k1, one_u)
                        ncs.append(jnp.maximum(c1, ind * c2))
                        nks.append(nk)
                    ks, cs = nks, ncs
                kbest, cbest = ks[0], cs[0]
                kmax = _allmax(kbest, lanes)

                gidx = cbest + lanes_u
                sel = gidx + jnp.minimum(kmax - kbest, one_u) * big_u
                sel = _allmin(sel, lanes)
                sel_s = sel[0].astype(jnp.int32)
                mxv = lax.bitcast_convert_type(kmax, jnp.float32)

                g_take = one_i - lax.shift_right_logical(
                    jnp.int32(i - t0), 31)
                g_mark = g_take * jnp.minimum(sel_s, one_i)

                io = i & 15
                sbase = i - io
                d2 = lanes - io
                a2 = jnp.maximum(jnp.minimum(d2 * d2, one_i),
                                 one_i - g_take)
                s_old = selsref[pl.ds(sbase, LANES)]
                selsref[pl.ds(sbase, LANES)] = (
                    s_old * a2 + sel_s * (one_i - a2))

                cntref[0] = cntref[0] + g_mark

                mo = sel_s & 15
                d3 = lanes - mo
                oh3 = one_i - jnp.minimum(d3 * d3, one_i)

                g_hi = lax.shift_right_logical(
                    jnp.int32(sel_s - U // 2), 31)
                g_lo = g_mark * g_hi
                mbase = jnp.minimum(sel_s - mo, U // 2 - LANES)
                ohg = (oh3 * g_lo).astype(jnp.uint32)
                m_old = mref[pl.ds(mbase, LANES)]
                mref[pl.ds(mbase, LANES)] = m_old ^ (jnp.uint32(0) - ohg)

                jsel = sel_s >> 8
                p = (sel_s >> 4) & 15
                d0 = oh3 << p
                dA = jsel - 2
                gA = g_mark * (one_i - jnp.minimum(dA * dA, one_i))
                dB = jsel - 3
                gB = g_mark * (one_i - jnp.minimum(dB * dB, one_i))
                mA = mA ^ (d0 * gA)
                mB = mB ^ (d0 * gB)

                acc = acc + mxv[0] * g_take.astype(jnp.float32)
                return mA, mB, acc

            def do_block(blk, wb, acc):
                mA0 = bref[pl.ds(0, LANES)]
                mB0 = bref[pl.ds(LANES, LANES)]

                def step(si, carry):
                    mA, mB, a = carry
                    i = start + blk * S + si
                    return _scan_step(i, si, wb, mA, mB, a)

                mA, mB, acc = lax.fori_loop(0, S, step, (mA0, mB0, acc))
                bref[pl.ds(0, LANES)] = mA
                bref[pl.ds(LANES, LANES)] = mB
                return acc

            dead_blocks = (t0 - start) // S

            def outer(o, acc):
                for k in range(2):
                    blk = 2 * o + k
                    wb, sem = (wb0, sem0) if k == 0 else (wb1, sem1)
                    nwb, nsem = (wb1, sem1) if k == 0 else (wb0, sem0)

                    @pl.when(blk + 1 < nb)
                    def _prefetch():
                        issue(blk + 1, nwb, nsem)

                    wait(blk, wb, sem)
                    live = (blk >= dead_blocks) & (cntref[0] < U - 1)
                    acc = lax.cond(live,
                                   lambda a, _wb=wb, _blk=blk:
                                       do_block(_blk, _wb, a),
                                   lambda a: a, acc)
                return acc

            acc = lax.fori_loop(0, nb // 2, outer, jnp.float32(0.0))

            ovec[...] = oh0 * (-acc)
            pltpu.sync_copy(ovec, size_hbm.at[b])
            pltpu.sync_copy(selsref, seq_hbm.at[b])

    size_rows, seqs = greedy_sc(weights)
    return size_rows[:, 0], seqs

# --- scband reference (transcript-rebuilt; emitter-appended) ---
"""Pipeline reference for scband-greedy-sc-11940009083011 (READ-ONLY COPY).

The authoritative reference and input builder live on the scoring server;
editing this copy changes nothing except your own understanding.
"""

import jax, jax.numpy as jnp
import numpy as np
import math

B, V, U = 16, 2048, 1024

def setup_inputs(seed: int = 0) -> dict:
    key = jax.random.key(seed)
    weights = jax.random.uniform(key, (B, V, U), dtype=jnp.float32)
    return {"weights": weights}

def reference(weights):
    # Greedy secretary-problem decoder (GreedySC):
    # iterate over online arrivals i = 0..V-1. For each arrival, take current
    # edge weights w, overwrite masked (already-matched) offline nodes with -1,
    # and (after the exploration phase i > V/e - 1) greedily select the max-weight
    # available node; during exploration select index 0 (skip). Accumulate the
    # per-step reward (increase in matching size) and record the selection sequence.
    B_, V_, U_ = weights.shape
    threshold = V_ / math.e - 1.0

    def step(carry, inp):
        matched, size = carry
        i, w = inp  # w: [B, U]
        wm = jnp.where(matched, jnp.float32(-1.0), w)
        wm = wm.at[:, 0].set(0.0)  # index 0 = skip option, weight 0, never masked
        take = i > threshold
        greedy_sel = jnp.argmax(wm, axis=-1).astype(jnp.int32)
        sel = jnp.where(take, greedy_sel, jnp.zeros((B_,), dtype=jnp.int32))
        reward = jnp.take_along_axis(wm, sel[:, None], axis=1)[:, 0]
        reward = jnp.where(take, reward, jnp.float32(0.0))
        onehot = jnp.arange(U_, dtype=jnp.int32)[None, :] == sel[:, None]
        matched_new = matched | (onehot & (sel != 0)[:, None])
        size_new = size + reward
        return (matched_new, size_new), (sel, reward)

    matched0 = jnp.zeros((B_, U_), dtype=bool)
    size0 = jnp.zeros((B_,), dtype=weights.dtype)
    idxs = jnp.arange(V_)
    ws = jnp.swapaxes(weights, 0, 1)  # [V, B, U]
    (matched, size), (sels, rewards) = jax.lax.scan(step, (matched0, size0), (idxs, ws))
    sequences = jnp.swapaxes(sels, 0, 1)  # [B, V]
    return (-size, sequences)

if __name__ == "__main__":
    import jax
    _d = setup_inputs()
    print(jax.jit(kernel)(*tuple(_d.values())))

</pallas_src>

<mosaic_0001>
#map = affine_map<(d0, d1) -> (0, 0, 0)>
#map1 = affine_map<(d0, d1) -> (0, 0)>
module attributes {stable_mosaic.version = 14 : i64} {
  func.func @greedy_sc(%arg0: i32, %arg1: i32, %arg2: memref<16x2048x1024xf32, #tpu.memory_space<hbm>>, %arg3: memref<16x16xf32, #tpu.memory_space<hbm>>, %arg4: memref<16x2048xi32, #tpu.memory_space<hbm>>, %arg5: memref<48x1024xf32, #tpu.memory_space<vmem>>, %arg6: memref<48x1024xf32, #tpu.memory_space<vmem>>, %arg7: memref<512xi32, #tpu.memory_space<vmem>>, %arg8: memref<32xi32, #tpu.memory_space<vmem>>, %arg9: memref<2048xi32, #tpu.memory_space<vmem>>, %arg10: memref<16xf32, #tpu.memory_space<vmem>>, %arg11: memref<1xi32, #tpu.memory_space<smem>>, %arg12: memref<!tpu.dma_semaphore, #tpu.memory_space<semaphore_mem>>, %arg13: memref<!tpu.dma_semaphore, #tpu.memory_space<semaphore_mem>>) attributes {dimension_semantics = [#tpu.dimension_semantics<core_parallel>, #tpu.dimension_semantics<subcore_parallel>], iteration_bounds = array<i64: 2, 16>, scalar_prefetch = 0 : i64, scratch_operands = 9 : i64, tpu.core_type = #tpu.core_type<sc_vector_subcore>, window_params = [{transform_indices = #map}, {transform_indices = #map1}, {transform_indices = #map1}]} {
    %mul3A = arith.constant 2 : i32
    %mul3A_0 = arith.muli %arg1, %mul3A : i32
    %add3A = arith.addi %mul3A_0, %arg0 : i32
    %lt3A = arith.constant 16 : i32
    %lt3A_1 = arith.cmpi slt, %add3A, %lt3A : i32
    %convert_element_type3A = arith.extui %lt3A_1 : i1 to i32
    %cond3A = arith.constant 0 : i32
    %cond3A_2 = arith.cmpi ne, %convert_element_type3A, %cond3A : i32
    scf.if %cond3A_2 {
      %iota3A = tpu.iota {dimensions = array<i32: 0>} : vector<16xi32>
      %min3A = arith.constant 1 : i32
      %min3A_3 = vector.broadcast %min3A : i32 to vector<16xi32>
      %min3A_4 = arith.minui %iota3A, %min3A_3 : vector<16xi32>
      %sub3A = arith.constant 0 : i32
      %sub3A_5 = vector.broadcast %sub3A : i32 to vector<16xi32>
      %sub3A_6 = arith.subi %sub3A_5, %min3A_4 : vector<16xi32>
      %min3A_7 = arith.constant 1 : i32
      %min3A_8 = vector.broadcast %min3A_7 : i32 to vector<16xi32>
      %min3A_9 = arith.minsi %iota3A, %min3A_8 : vector<16xi32>
      %sub3A_10 = arith.constant 1 : i32
      %sub3A_11 = vector.broadcast %sub3A_10 : i32 to vector<16xi32>
      %sub3A_12 = arith.subi %sub3A_11, %min3A_9 : vector<16xi32>
      %convert_element_type3A_13 = arith.sitofp %sub3A_12 : vector<16xi32> to vector<16xf32>
      %broadcast_in_dim3A = arith.constant -1 : i32
      %broadcast_in_dim3A_14 = vector.broadcast %broadcast_in_dim3A : i32 to vector<16xi32>
      %swap3A = arith.constant 0 : index
      %swap3A_15 = tpu.vector_load %arg7[%swap3A] {strides = array<i32>} : memref<512xi32, #tpu.memory_space<vmem>>, vector<16xi32>,
      %swap3A_16 = vector.shape_cast %swap3A_15 : vector<16xi32> to vector<16xi32>
      %swap3A_17 = vector.shape_cast %broadcast_in_dim3A_14 : vector<16xi32> to vector<16xi32>
      tpu.vector_store %arg7[%swap3A], %swap3A_17 {strides = array<i32>} : memref<512xi32, #tpu.memory_space<vmem>>, vector<16xi32>,
      %swap3A_18 = arith.constant 16 : index
      %swap3A_19 = tpu.vector_load %arg7[%swap3A_18] {strides = array<i32>} : memref<512xi32, #tpu.memory_space<vmem>>, vector<16xi32>,
      %swap3A_20 = vector.shape_cast %swap3A_19 : vector<16xi32> to vector<16xi32>
      %swap3A_21 = vector.shape_cast %broadcast_in_dim3A_14 : vector<16xi32> to vector<16xi32>
      tpu.vector_store %arg7[%swap3A_18], %swap3A_21 {strides = array<i32>} : memref<512xi32, #tpu.memory_space<vmem>>, vector<16xi32>,
      %swap3A_22 = arith.constant 32 : index
      %swap3A_23 = tpu.vector_load %arg7[%swap3A_22] {strides = array<i32>} : memref<512xi32, #tpu.memory_space<vmem>>, vector<16xi32>,
      %swap3A_24 = vector.shape_cast %swap3A_23 : vector<16xi32> to vector<16xi32>
      %swap3A_25 = vector.shape_cast %broadcast_in_dim3A_14 : vector<16xi32> to vector<16xi32>
      tpu.vector_store %arg7[%swap3A_22], %swap3A_25 {strides = array<i32>} : memref<512xi32, #tpu.memory_space<vmem>>, vector<16xi32>,
      %swap3A_26 = arith.constant 48 : index
      %swap3A_27 = tpu.vector_load %arg7[%swap3A_26] {strides = array<i32>} : memref<512xi32, #tpu.memory_space<vmem>>, vector<16xi32>,
      %swap3A_28 = vector.shape_cast %swap3A_27 : vector<16xi32> to vector<16xi32>
      %swap3A_29 = vector.shape_cast %broadcast_in_dim3A_14 : vector<16xi32> to vector<16xi32>
      tpu.vector_store %arg7[%swap3A_26], %swap3A_29 {strides = array<i32>} : memref<512xi32, #tpu.memory_space<vmem>>, vector<16xi32>,
      %swap3A_30 = arith.constant 64 : index
      %swap3A_31 = tpu.vector_load %arg7[%swap3A_30] {strides = array<i32>} : memref<512xi32, #tpu.memory_space<vmem>>, vector<16xi32>,
      %swap3A_32 = vector.shape_cast %swap3A_31 : vector<16xi32> to vector<16xi32>
      %swap3A_33 = vector.shape_cast %broadcast_in_dim3A_14 : vector<16xi32> to vector<16xi32>
      tpu.vector_store %arg7[%swap3A_30], %swap3A_33 {strides = array<i32>} : memref<512xi32, #tpu.memory_space<vmem>>, vector<16xi32>,
      %swap3A_34 = arith.constant 80 : index
      %swap3A_35 = tpu.vector_load %arg7[%swap3A_34] {strides = array<i32>} : memref<512xi32, #tpu.memory_space<vmem>>, vector<16xi32>,
      %swap3A_36 = vector.shape_cast %swap3A_35 : vector<16xi32> to vector<16xi32>
      %swap3A_37 = vector.shape_cast %broadcast_in_dim3A_14 : vector<16xi32> to vector<16xi32>
      tpu.vector_store %arg7[%swap3A_34], %swap3A_37 {strides = array<i32>} : memref<512xi32, #tpu.memory_space<vmem>>, vector<16xi32>,
      %swap3A_38 = arith.constant 96 : index
      %swap3A_39 = tpu.vector_load %arg7[%swap3A_38] {strides = array<i32>} : memref<512xi32, #tpu.memory_space<vmem>>, vector<16xi32>,
      %swap3A_40 = vector.shape_cast %swap3A_39 : vector<16xi32> to vector<16xi32>
      %swap3A_41 = vector.shape_cast %broadcast_in_dim3A_14 : vector<16xi32> to vector<16xi32>
      tpu.vector_store %arg7[%swap3A_38], %swap3A_41 {strides = array<i32>} : memref<512xi32, #tpu.memory_space<vmem>>, vector<16xi32>,
      %swap3A_42 = arith.constant 112 : index
      %swap3A_43 = tpu.vector_load %arg7[%swap3A_42] {strides = array<i32>} : memref<512xi32, #tpu.memory_space<vmem>>, vector<16xi32>,
      %swap3A_44 = vector.shape_cast %swap3A_43 : vector<16xi32> to vector<16xi32>
      %swap3A_45 = vector.shape_cast %broadcast_in_dim3A_14 : vector<16xi32> to vector<16xi32>
      tpu.vector_store %arg7[%swap3A_42], %swap3A_45 {strides = array<i32>} : memref<512xi32, #tpu.memory_space<vmem>>, vector<16xi32>,
      %swap3A_46 = arith.constant 128 : index
      %swap3A_47 = tpu.vector_load %arg7[%swap3A_46] {strides = array<i32>} : memref<512xi32, #tpu.memory_space<vmem>>, vector<16xi32>,
      %swap3A_48 = vector.shape_cast %swap3A_47 : vector<16xi32> to vector<16xi32>
      %swap3A_49 = vector.shape_cast %broadcast_in_dim3A_14 : vector<16xi32> to vector<16xi32>
      tpu.vector_store %arg7[%swap3A_46], %swap3A_49 {strides = array<i32>} : memref<512xi32, #tpu.memory_space<vmem>>, vector<16xi32>,
      %swap3A_50 = arith.constant 144 : index
      %swap3A_51 = tpu.vector_load %arg7[%swap3A_50] {strides = array<i32>} : memref<512xi32, #tpu.memory_space<vmem>>, vector<16xi32>,
      %swap3A_52 = vector.shape_cast %swap3A_51 : vector<16xi32> to vector<16xi32>
      %swap3A_53 = vector.shape_cast %broadcast_in_dim3A_14 : vector<16xi32> to vector<16xi32>
      tpu.vector_store %arg7[%swap3A_50], %swap3A_53 {strides = array<i32>} : memref<512xi32, #tpu.memory_space<vmem>>, vector<16xi32>,
      %swap3A_54 = arith.constant 160 : index
      %swap3A_55 = tpu.vector_load %arg7[%swap3A_54] {strides = array<i32>} : memref<512xi32, #tpu.memory_space<vmem>>, vector<16xi32>,
      %swap3A_56 = vector.shape_cast %swap3A_55 : vector<16xi32> to vector<16xi32>
      %swap3A_57 = vector.shape_cast %broadcast_in_dim3A_14 : vector<16xi32> to vector<16xi32>
      tpu.vector_store %arg7[%swap3A_54], %swap3A_57 {strides = array<i32>} : memref<512xi32, #tpu.memory_space<vmem>>, vector<16xi32>,
      %swap3A_58 = arith.constant 176 : index
      %swap3A_59 = tpu.vector_load %arg7[%swap3A_58] {strides = array<i32>} : memref<512xi32, #tpu.memory_space<vmem>>, vector<16xi32>,
      %swap3A_60 = vector.shape_cast %swap3A_59 : vector<16xi32> to vector<16xi32>
      %swap3A_61 = vector.shape_cast %broadcast_in_dim3A_14 : vector<16xi32> to vector<16xi32>
      tpu.vector_store %arg7[%swap3A_58], %swap3A_61 {strides = array<i32>} : memref<512xi32, #tpu.memory_space<vmem>>, vector<16xi32>,
      %swap3A_62 = arith.constant 192 : index
      %swap3A_63 = tpu.vector_load %arg7[%swap3A_62] {strides = array<i32>} : memref<512xi32, #tpu.memory_space<vmem>>, vector<16xi32>,
      %swap3A_64 = vector.shape_cast %swap3A_63 : vector<16xi32> to vector<16xi32>
      %swap3A_65 = vector.shape_cast %broadcast_in_dim3A_14 : vector<16xi32> to vector<16xi32>
      tpu.vector_store %arg7[%swap3A_62], %swap3A_65 {strides = array<i32>} : memref<512xi32, #tpu.memory_space<vmem>>, vector<16xi32>,
      %swap3A_66 = arith.constant 208 : index
      %swap3A_67 = tpu.vector_load %arg7[%swap3A_66] {strides = array<i32>} : memref<512xi32, #tpu.memory_space<vmem>>, vector<16xi32>,
      %swap3A_68 = vector.shape_cast %swap3A_67 : vector<16xi32> to vector<16xi32>
      %swap3A_69 = vector.shape_cast %broadcast_in_dim3A_14 : vector<16xi32> to vector<16xi32>
      tpu.vector_store %arg7[%swap3A_66], %swap3A_69 {strides = array<i32>} : memref<512xi32, #tpu.memory_space<vmem>>, vector<16xi32>,
      %swap3A_70 = arith.constant 224 : index
      %swap3A_71 = tpu.vector_load %arg7[%swap3A_70] {strides = array<i32>} : memref<512xi32, #tpu.memory_space<vmem>>, vector<16xi32>,
      %swap3A_72 = vector.shape_cast %swap3A_71 : vector<16xi32> to vector<16xi32>
      %swap3A_73 = vector.shape_cast %broadcast_in_dim3A_14 : vector<16xi32> to vector<16xi32>
      tpu.vector_store %arg7[%swap3A_70], %swap3A_73 {strides = array<i32>} : memref<512xi32, #tpu.memory_space<vmem>>, vector<16xi32>,
      %swap3A_74 = arith.constant 240 : index
      %swap3A_75 = tpu.vector_load %arg7[%swap3A_74] {strides = array<i32>} : memref<512xi32, #tpu.memory_space<vmem>>, vector<16xi32>,
      %swap3A_76 = vector.shape_cast %swap3A_75 : vector<16xi32> to vector<16xi32>
      %swap3A_77 = vector.shape_cast %broadcast_in_dim3A_14 : vector<16xi32> to vector<16xi32>
      tpu.vector_store %arg7[%swap3A_74], %swap3A_77 {strides = array<i32>} : memref<512xi32, #tpu.memory_space<vmem>>, vector<16xi32>,
      %swap3A_78 = arith.constant 256 : index
      %swap3A_79 = tpu.vector_load %arg7[%swap3A_78] {strides = array<i32>} : memref<512xi32, #tpu.memory_space<vmem>>, vector<16xi32>,
      %swap3A_80 = vector.shape_cast %swap3A_79 : vector<16xi32> to vector<16xi32>
      %swap3A_81 = vector.shape_cast %broadcast_in_dim3A_14 : vector<16xi32> to vector<16xi32>
      tpu.vector_store %arg7[%swap3A_78], %swap3A_81 {strides = array<i32>} : memref<512xi32, #tpu.memory_space<vmem>>, vector<16xi32>,
      %swap3A_82 = arith.constant 272 : index
      %swap3A_83 = tpu.vector_load %arg7[%swap3A_82] {strides = array<i32>} : memref<512xi32, #tpu.memory_space<vmem>>, vector<16xi32>,
      %swap3A_84 = vector.shape_cast %swap3A_83 : vector<16xi32> to vector<16xi32>
      %swap3A_85 = vector.shape_cast %broadcast_in_dim3A_14 : vector<16xi32> to vector<16xi32>
      tpu.vector_store %arg7[%swap3A_82], %swap3A_85 {strides = array<i32>} : memref<512xi32, #tpu.memory_space<vmem>>, vector<16xi32>,
      %swap3A_86 = arith.constant 288 : index
      %swap3A_87 = tpu.vector_load %arg7[%swap3A_86] {strides = array<i32>} : memref<512xi32, #tpu.memory_space<vmem>>, vector<16xi32>,
      %swap3A_88 = vector.shape_cast %swap3A_87 : vector<16xi32> to vector<16xi32>
      %swap3A_89 = vector.shape_cast %broadcast_in_dim3A_14 : vector<16xi32> to vector<16xi32>
      tpu.vector_store %arg7[%swap3A_86], %swap3A_89 {strides = array<i32>} : memref<512xi32, #tpu.memory_space<vmem>>, vector<16xi32>,
      %swap3A_90 = arith.constant 304 : index
      %swap3A_91 = tpu.vector_load %arg7[%swap3A_90] {strides = array<i32>} : memref<512xi32, #tpu.memory_space<vmem>>, vector<16xi32>,
      %swap3A_92 = vector.shape_cast %swap3A_91 : vector<16xi32> to vector<16xi32>
      %swap3A_93 = vector.shape_cast %broadcast_in_dim3A_14 : vector<16xi32> to vector<16xi32>
      tpu.vector_store %arg7[%swap3A_90], %swap3A_93 {strides = array<i32>} : memref<512xi32, #tpu.memory_space<vmem>>, vector<16xi32>,
      %swap3A_94 = arith.constant 320 : index
      %swap3A_95 = tpu.vector_load %arg7[%swap3A_94] {strides = array<i32>} : memref<512xi32, #tpu.memory_space<vmem>>, vector<16xi32>,
      %swap3A_96 = vector.shape_cast %swap3A_95 : vector<16xi32> to vector<16xi32>
      %swap3A_97 = vector.shape_cast %broadcast_in_dim3A_14 : vector<16xi32> to vector<16xi32>
      tpu.vector_store %arg7[%swap3A_94], %swap3A_97 {strides = array<i32>} : memref<512xi32, #tpu.memory_space<vmem>>, vector<16xi32>,
      %swap3A_98 = arith.constant 336 : index
      %swap3A_99 = tpu.vector_load %arg7[%swap3A_98] {strides = array<i32>} : memref<512xi32, #tpu.memory_space<vmem>>, vector<16xi32>,
      %swap3A_100 = vector.shape_cast %swap3A_99 : vector<16xi32> to vector<16xi32>
      %swap3A_101 = vector.shape_cast %broadcast_in_dim3A_14 : vector<16xi32> to vector<16xi32>
      tpu.vector_store %arg7[%swap3A_98], %swap3A_101 {strides = array<i32>} : memref<512xi32, #tpu.memory_space<vmem>>, vector<16xi32>,
      %swap3A_102 = arith.constant 352 : index
      %swap3A_103 = tpu.vector_load %arg7[%swap3A_102] {strides = array<i32>} : memref<512xi32, #tpu.memory_space<vmem>>, vector<16xi32>,
      %swap3A_104 = vector.shape_cast %swap3A_103 : vector<16xi32> to vector<16xi32>
      %swap3A_105 = vector.shape_cast %broadcast_in_dim3A_14 : vector<16xi32> to vector<16xi32>
      tpu.vector_store %arg7[%swap3A_102], %swap3A_105 {strides = array<i32>} : memref<512xi32, #tpu.memory_space<vmem>>, vector<16xi32>,
      %swap3A_106 = arith.constant 368 : index
      %swap3A_107 = tpu.vector_load %arg7[%swap3A_106] {strides = array<i32>} : memref<512xi32, #tpu.memory_space<vmem>>, vector<16xi32>,
      %swap3A_108 = vector.shape_cast %swap3A_107 : vector<16xi32> to vector<16xi32>
      %swap3A_109 = vector.shape_cast %broadcast_in_dim3A_14 : vector<16xi32> to vector<16xi32>
      tpu.vector_store %arg7[%swap3A_106], %swap3A_109 {strides = array<i32>} : memref<512xi32, #tpu.memory_space<vmem>>, vector<16xi32>,
      %swap3A_110 = arith.constant 384 : index
      %swap3A_111 = tpu.vector_load %arg7[%swap3A_110] {strides = array<i32>} : memref<512xi32, #tpu.memory_space<vmem>>, vector<16xi32>,
      %swap3A_112 = vector.shape_cast %swap3A_111 : vector<16xi32> to vector<16xi32>
      %swap3A_113 = vector.shape_cast %broadcast_in_dim3A_14 : vector<16xi32> to vector<16xi32>
      tpu.vector_store %arg7[%swap3A_110], %swap3A_113 {strides = array<i32>} : memref<512xi32, #tpu.memory_space<vmem>>, vector<16xi32>,
      %swap3A_114 = arith.constant 400 : index
      %swap3A_115 = tpu.vector_load %arg7[%swap3A_114] {strides = array<i32>} : memref<512xi32, #tpu.memory_space<vmem>>, vector<16xi32>,
      %swap3A_116 = vector.shape_cast %swap3A_115 : vector<16xi32> to vector<16xi32>
      %swap3A_117 = vector.shape_cast %broadcast_in_dim3A_14 : vector<16xi32> to vector<16xi32>
      tpu.vector_store %arg7[%swap3A_114], %swap3A_117 {strides = array<i32>} : memref<512xi32, #tpu.memory_space<vmem>>, vector<16xi32>,
      %swap3A_118 = arith.constant 416 : index
      %swap3A_119 = tpu.vector_load %arg7[%swap3A_118] {strides = array<i32>} : memref<512xi32, #tpu.memory_space<vmem>>, vector<16xi32>,
      %swap3A_120 = vector.shape_cast %swap3A_119 : vector<16xi32> to vector<16xi32>
      %swap3A_121 = vector.shape_cast %broadcast_in_dim3A_14 : vector<16xi32> to vector<16xi32>
      tpu.vector_store %arg7[%swap3A_118], %swap3A_121 {strides = array<i32>} : memref<512xi32, #tpu.memory_space<vmem>>, vector<16xi32>,
      %swap3A_122 = arith.constant 432 : index
      %swap3A_123 = tpu.vector_load %arg7[%swap3A_122] {strides = array<i32>} : memref<512xi32, #tpu.memory_space<vmem>>, vector<16xi32>,
      %swap3A_124 = vector.shape_cast %swap3A_123 : vector<16xi32> to vector<16xi32>
      %swap3A_125 = vector.shape_cast %broadcast_in_dim3A_14 : vector<16xi32> to vector<16xi32>
      tpu.vector_store %arg7[%swap3A_122], %swap3A_125 {strides = array<i32>} : memref<512xi32, #tpu.memory_space<vmem>>, vector<16xi32>,
      %swap3A_126 = arith.constant 448 : index
      %swap3A_127 = tpu.vector_load %arg7[%swap3A_126] {strides = array<i32>} : memref<512xi32, #tpu.memory_space<vmem>>, vector<16xi32>,
      %swap3A_128 = vector.shape_cast %swap3A_127 : vector<16xi32> to vector<16xi32>
      %swap3A_129 = vector.shape_cast %broadcast_in_dim3A_14 : vector<16xi32> to vector<16xi32>
      tpu.vector_store %arg7[%swap3A_126], %swap3A_129 {strides = array<i32>} : memref<512xi32, #tpu.memory_space<vmem>>, vector<16xi32>,
      %swap3A_130 = arith.constant 464 : index
      %swap3A_131 = tpu.vector_load %arg7[%swap3A_130] {strides = array<i32>} : memref<512xi32, #tpu.memory_space<vmem>>, vector<16xi32>,
      %swap3A_132 = vector.shape_cast %swap3A_131 : vector<16xi32> to vector<16xi32>
      %swap3A_133 = vector.shape_cast %broadcast_in_dim3A_14 : vector<16xi32> to vector<16xi32>
      tpu.vector_store %arg7[%swap3A_130], %swap3A_133 {strides = array<i32>} : memref<512xi32, #tpu.memory_space<vmem>>, vector<16xi32>,
      %swap3A_134 = arith.constant 480 : index
      %swap3A_135 = tpu.vector_load %arg7[%swap3A_134] {strides = array<i32>} : memref<512xi32, #tpu.memory_space<vmem>>, vector<16xi32>,
      %swap3A_136 = vector.shape_cast %swap3A_135 : vector<16xi32> to vector<16xi32>
      %swap3A_137 = vector.shape_cast %broadcast_in_dim3A_14 : vector<16xi32> to vector<16xi32>
      tpu.vector_store %arg7[%swap3A_134], %swap3A_137 {strides = array<i32>} : memref<512xi32, #tpu.memory_space<vmem>>, vector<16xi32>,
      %swap3A_138 = arith.constant 496 : index
      %swap3A_139 = tpu.vector_load %arg7[%swap3A_138] {strides = array<i32>} : memref<512xi32, #tpu.memory_space<vmem>>, vector<16xi32>,
      %swap3A_140 = vector.shape_cast %swap3A_139 : vector<16xi32> to vector<16xi32>
      %swap3A_141 = vector.shape_cast %broadcast_in_dim3A_14 : vector<16xi32> to vector<16xi32>
      tpu.vector_store %arg7[%swap3A_138], %swap3A_141 {strides = array<i32>} : memref<512xi32, #tpu.memory_space<vmem>>, vector<16xi32>,
      %broadcast_in_dim3A_142 = arith.constant -1 : i32
      %broadcast_in_dim3A_143 = vector.broadcast %broadcast_in_dim3A_142 : i32 to vector<16xi32>
      %swap3A_144 = arith.constant 0 : index
      %swap3A_145 = tpu.vector_load %arg8[%swap3A_144] {strides = array<i32>} : memref<32xi32, #tpu.memory_space<vmem>>, vector<16xi32>,
      %swap3A_146 = vector.shape_cast %swap3A_145 : vector<16xi32> to vector<16xi32>
      %swap3A_147 = vector.shape_cast %broadcast_in_dim3A_143 : vector<16xi32> to vector<16xi32>
      tpu.vector_store %arg8[%swap3A_144], %swap3A_147 {strides = array<i32>} : memref<32xi32, #tpu.memory_space<vmem>>, vector<16xi32>,
      %swap3A_148 = arith.constant 16 : index
      %swap3A_149 = tpu.vector_load %arg8[%swap3A_148] {strides = array<i32>} : memref<32xi32, #tpu.memory_space<vmem>>, vector<16xi32>,
      %swap3A_150 = vector.shape_cast %swap3A_149 : vector<16xi32> to vector<16xi32>
      %swap3A_151 = vector.shape_cast %broadcast_in_dim3A_143 : vector<16xi32> to vector<16xi32>
      tpu.vector_store %arg8[%swap3A_148], %swap3A_151 {strides = array<i32>} : memref<32xi32, #tpu.memory_space<vmem>>, vector<16xi32>,
      %broadcast_in_dim3A_152 = arith.constant 0 : i32
      %broadcast_in_dim3A_153 = vector.broadcast %broadcast_in_dim3A_152 : i32 to vector<16xi32>
      %swap3A_154 = arith.constant 0 : index
      %swap3A_155 = tpu.vector_load %arg9[%swap3A_154] {strides = array<i32>} : memref<2048xi32, #tpu.memory_space<vmem>>, vector<16xi32>,
      %swap3A_156 = vector.shape_cast %swap3A_155 : vector<16xi32> to vector<16xi32>
      %swap3A_157 = vector.shape_cast %broadcast_in_dim3A_153 : vector<16xi32> to vector<16xi32>
      tpu.vector_store %arg9[%swap3A_154], %swap3A_157 {strides = array<i32>} : memref<2048xi32, #tpu.memory_space<vmem>>, vector<16xi32>,
      %swap3A_158 = arith.constant 16 : index
      %swap3A_159 = tpu.vector_load %arg9[%swap3A_158] {strides = array<i32>} : memref<2048xi32, #tpu.memory_space<vmem>>, vector<16xi32>,
      %swap3A_160 = vector.shape_cast %swap3A_159 : vector<16xi32> to vector<16xi32>
      %swap3A_161 = vector.shape_cast %broadcast_in_dim3A_153 : vector<16xi32> to vector<16xi32>
      tpu.vector_store %arg9[%swap3A_158], %swap3A_161 {strides = array<i32>} : memref<2048xi32, #tpu.memory_space<vmem>>, vector<16xi32>,
      %swap3A_162 = arith.constant 32 : index
      %swap3A_163 = tpu.vector_load %arg9[%swap3A_162] {strides = array<i32>} : memref<2048xi32, #tpu.memory_space<vmem>>, vector<16xi32>,
      %swap3A_164 = vector.shape_cast %swap3A_163 : vector<16xi32> to vector<16xi32>
      %swap3A_165 = vector.shape_cast %broadcast_in_dim3A_153 : vector<16xi32> to vector<16xi32>
      tpu.vector_store %arg9[%swap3A_162], %swap3A_165 {strides = array<i32>} : memref<2048xi32, #tpu.memory_space<vmem>>, vector<16xi32>,
      %swap3A_166 = arith.constant 48 : index
      %swap3A_167 = tpu.vector_load %arg9[%swap3A_166] {strides = array<i32>} : memref<2048xi32, #tpu.memory_space<vmem>>, vector<16xi32>,
      %swap3A_168 = vector.shape_cast %swap3A_167 : vector<16xi32> to vector<16xi32>
      %swap3A_169 = vector.shape_cast %broadcast_in_dim3A_153 : vector<16xi32> to vector<16xi32>
      tpu.vector_store %arg9[%swap3A_166], %swap3A_169 {strides = array<i32>} : memref<2048xi32, #tpu.memory_space<vmem>>, vector<16xi32>,
      %swap3A_170 = arith.constant 64 : index
      %swap3A_171 = tpu.vector_load %arg9[%swap3A_170] {strides = array<i32>} : memref<2048xi32, #tpu.memory_space<vmem>>, vector<16xi32>,
      %swap3A_172 = vector.shape_cast %swap3A_171 : vector<16xi32> to vector<16xi32>
      %swap3A_173 = vector.shape_cast %broadcast_in_dim3A_153 : vector<16xi32> to vector<16xi32>
      tpu.vector_store %arg9[%swap3A_170], %swap3A_173 {strides = array<i32>} : memref<2048xi32, #tpu.memory_space<vmem>>, vector<16xi32>,
      %swap3A_174 = arith.constant 80 : index
      %swap3A_175 = tpu.vector_load %arg9[%swap3A_174] {strides = array<i32>} : memref<2048xi32, #tpu.memory_space<vmem>>, vector<16xi32>,
      %swap3A_176 = vector.shape_cast %swap3A_175 : vector<16xi32> to vector<16xi32>
      %swap3A_177 = vector.shape_cast %broadcast_in_dim3A_153 : vector<16xi32> to vector<16xi32>
      tpu.vector_store %arg9[%swap3A_174], %swap3A_177 {strides = array<i32>} : memref<2048xi32, #tpu.memory_space<vmem>>, vector<16xi32>,
      %swap3A_178 = arith.constant 96 : index
      %swap3A_179 = tpu.vector_load %arg9[%swap3A_178] {strides = array<i32>} : memref<2048xi32, #tpu.memory_space<vmem>>, vector<16xi32>,
      %swap3A_180 = vector.shape_cast %swap3A_179 : vector<16xi32> to vector<16xi32>
      %swap3A_181 = vector.shape_cast %broadcast_in_dim3A_153 : vector<16xi32> to vector<16xi32>
      tpu.vector_store %arg9[%swap3A_178], %swap3A_181 {strides = array<i32>} : memref<2048xi32, #tpu.memory_space<vmem>>, vector<16xi32>,
      %swap3A_182 = arith.constant 112 : index
      %swap3A_183 = tpu.vector_load %arg9[%swap3A_182] {strides = array<i32>} : memref<2048xi32, #tpu.memory_space<vmem>>, vector<16xi32>,
      %swap3A_184 = vector.shape_cast %swap3A_183 : vector<16xi32> to vector<16xi32>
      %swap3A_185 = vector.shape_cast %broadcast_in_dim3A_153 : vector<16xi32> to vector<16xi32>
      tpu.vector_store %arg9[%swap3A_182], %swap3A_185 {strides = array<i32>} : memref<2048xi32, #tpu.memory_space<vmem>>, vector<16xi32>,
      %swap3A_186 = arith.constant 128 : index
      %swap3A_187 = tpu.vector_load %arg9[%swap3A_186] {strides = array<i32>} : memref<2048xi32, #tpu.memory_space<vmem>>, vector<16xi32>,
      %swap3A_188 = vector.shape_cast %swap3A_187 : vector<16xi32> to vector<16xi32>
      %swap3A_189 = vector.shape_cast %broadcast_in_dim3A_153 : vector<16xi32> to vector<16xi32>
      tpu.vector_store %arg9[%swap3A_186], %swap3A_189 {strides = array<i32>} : memref<2048xi32, #tpu.memory_space<vmem>>, vector<16xi32>,
      %swap3A_190 = arith.constant 144 : index
      %swap3A_191 = tpu.vector_load %arg9[%swap3A_190] {strides = array<i32>} : memref<2048xi32, #tpu.memory_space<vmem>>, vector<16xi32>,
      %swap3A_192 = vector.shape_cast %swap3A_191 : vector<16xi32> to vector<16xi32>
      %swap3A_193 = vector.shape_cast %broadcast_in_dim3A_153 : vector<16xi32> to vector<16xi32>
      tpu.vector_store %arg9[%swap3A_190], %swap3A_193 {strides = array<i32>} : memref<2048xi32, #tpu.memory_space<vmem>>, vector<16xi32>,
      %swap3A_194 = arith.constant 160 : index
      %swap3A_195 = tpu.vector_load %arg9[%swap3A_194] {strides = array<i32>} : memref<2048xi32, #tpu.memory_space<vmem>>, vector<16xi32>,
      %swap3A_196 = vector.shape_cast %swap3A_195 : vector<16xi32> to vector<16xi32>
      %swap3A_197 = vector.shape_cast %broadcast_in_dim3A_153 : vector<16xi32> to vector<16xi32>
      tpu.vector_store %arg9[%swap3A_194], %swap3A_197 {strides = array<i32>} : memref<2048xi32, #tpu.memory_space<vmem>>, vector<16xi32>,
      %swap3A_198 = arith.constant 176 : index
      %swap3A_199 = tpu.vector_load %arg9[%swap3A_198] {strides = array<i32>} : memref<2048xi32, #tpu.memory_space<vmem>>, vector<16xi32>,
      %swap3A_200 = vector.shape_cast %swap3A_199 : vector<16xi32> to vector<16xi32>
      %swap3A_201 = vector.shape_cast %broadcast_in_dim3A_153 : vector<16xi32> to vector<16xi32>
      tpu.vector_store %arg9[%swap3A_198], %swap3A_201 {strides = array<i32>} : memref<2048xi32, #tpu.memory_space<vmem>>, vector<16xi32>,
      %swap3A_202 = arith.constant 192 : index
      %swap3A_203 = tpu.vector_load %arg9[%swap3A_202] {strides = array<i32>} : memref<2048xi32, #tpu.memory_space<vmem>>, vector<16xi32>,
      %swap3A_204 = vector.shape_cast %swap3A_203 : vector<16xi32> to vector<16xi32>
      %swap3A_205 = vector.shape_cast %broadcast_in_dim3A_153 : vector<16xi32> to vector<16xi32>
      tpu.vector_store %arg9[%swap3A_202], %swap3A_205 {strides = array<i32>} : memref<2048xi32, #tpu.memory_space<vmem>>, vector<16xi32>,
      %swap3A_206 = arith.constant 208 : index
      %swap3A_207 = tpu.vector_load %arg9[%swap3A_206] {strides = array<i32>} : memref<2048xi32, #tpu.memory_space<vmem>>, vector<16xi32>,
      %swap3A_208 = vector.shape_cast %swap3A_207 : vector<16xi32> to vector<16xi32>
      %swap3A_209 = vector.shape_cast %broadcast_in_dim3A_153 : vector<16xi32> to vector<16xi32>
      tpu.vector_store %arg9[%swap3A_206], %swap3A_209 {strides = array<i32>} : memref<2048xi32, #tpu.memory_space<vmem>>, vector<16xi32>,
      %swap3A_210 = arith.constant 224 : index
      %swap3A_211 = tpu.vector_load %arg9[%swap3A_210] {strides = array<i32>} : memref<2048xi32, #tpu.memory_space<vmem>>, vector<16xi32>,
      %swap3A_212 = vector.shape_cast %swap3A_211 : vector<16xi32> to vector<16xi32>
      %swap3A_213 = vector.shape_cast %broadcast_in_dim3A_153 : vector<16xi32> to vector<16xi32>
      tpu.vector_store %arg9[%swap3A_210], %swap3A_213 {strides = array<i32>} : memref<2048xi32, #tpu.memory_space<vmem>>, vector<16xi32>,
      %swap3A_214 = arith.constant 240 : index
      %swap3A_215 = tpu.vector_load %arg9[%swap3A_214] {strides = array<i32>} : memref<2048xi32, #tpu.memory_space<vmem>>, vector<16xi32>,
      %swap3A_216 = vector.shape_cast %swap3A_215 : vector<16xi32> to vector<16xi32>
      %swap3A_217 = vector.shape_cast %broadcast_in_dim3A_153 : vector<16xi32> to vector<16xi32>
      tpu.vector_store %arg9[%swap3A_214], %swap3A_217 {strides = array<i32>} : memref<2048xi32, #tpu.memory_space<vmem>>, vector<16xi32>,
      %swap3A_218 = arith.constant 256 : index
      %swap3A_219 = tpu.vector_load %arg9[%swap3A_218] {strides = array<i32>} : memref<2048xi32, #tpu.memory_space<vmem>>, vector<16xi32>,
      %swap3A_220 = vector.shape_cast %swap3A_219 : vector<16xi32> to vector<16xi32>
      %swap3A_221 = vector.shape_cast %broadcast_in_dim3A_153 : vector<16xi32> to vector<16xi32>
      tpu.vector_store %arg9[%swap3A_218], %swap3A_221 {strides = array<i32>} : memref<2048xi32, #tpu.memory_space<vmem>>, vector<16xi32>,
      %swap3A_222 = arith.constant 272 : index
      %swap3A_223 = tpu.vector_load %arg9[%swap3A_222] {strides = array<i32>} : memref<2048xi32, #tpu.memory_space<vmem>>, vector<16xi32>,
      %swap3A_224 = vector.shape_cast %swap3A_223 : vector<16xi32> to vector<16xi32>
      %swap3A_225 = vector.shape_cast %broadcast_in_dim3A_153 : vector<16xi32> to vector<16xi32>
      tpu.vector_store %arg9[%swap3A_222], %swap3A_225 {strides = array<i32>} : memref<2048xi32, #tpu.memory_space<vmem>>, vector<16xi32>,
      %swap3A_226 = arith.constant 288 : index
      %swap3A_227 = tpu.vector_load %arg9[%swap3A_226] {strides = array<i32>} : memref<2048xi32, #tpu.memory_space<vmem>>, vector<16xi32>,
      %swap3A_228 = vector.shape_cast %swap3A_227 : vector<16xi32> to vector<16xi32>
      %swap3A_229 = vector.shape_cast %broadcast_in_dim3A_153 : vector<16xi32> to vector<16xi32>
      tpu.vector_store %arg9[%swap3A_226], %swap3A_229 {strides = array<i32>} : memref<2048xi32, #tpu.memory_space<vmem>>, vector<16xi32>,
      %swap3A_230 = arith.constant 304 : index
      %swap3A_231 = tpu.vector_load %arg9[%swap3A_230] {strides = array<i32>} : memref<2048xi32, #tpu.memory_space<vmem>>, vector<16xi32>,
      %swap3A_232 = vector.shape_cast %swap3A_231 : vector<16xi32> to vector<16xi32>
      %swap3A_233 = vector.shape_cast %broadcast_in_dim3A_153 : vector<16xi32> to vector<16xi32>
      tpu.vector_store %arg9[%swap3A_230], %swap3A_233 {strides = array<i32>} : memref<2048xi32, #tpu.memory_space<vmem>>, vector<16xi32>,
      %swap3A_234 = arith.constant 320 : index
      %swap3A_235 = tpu.vector_load %arg9[%swap3A_234] {strides = array<i32>} : memref<2048xi32, #tpu.memory_space<vmem>>, vector<16xi32>,
      %swap3A_236 = vector.shape_cast %swap3A_235 : vector<16xi32> to vector<16xi32>
      %swap3A_237 = vector.shape_cast %broadcast_in_dim3A_153 : vector<16xi32> to vector<16xi32>
      tpu.vector_store %arg9[%swap3A_234], %swap3A_237 {strides = array<i32>} : memref<2048xi32, #tpu.memory_space<vmem>>, vector<16xi32>,
      %swap3A_238 = arith.constant 336 : index
      %swap3A_239 = tpu.vector_load %arg9[%swap3A_238] {strides = array<i32>} : memref<2048xi32, #tpu.memory_space<vmem>>, vector<16xi32>,
      %swap3A_240 = vector.shape_cast %swap3A_239 : vector<16xi32> to vector<16xi32>
      %swap3A_241 = vector.shape_cast %broadcast_in_dim3A_153 : vector<16xi32> to vector<16xi32>
      tpu.vector_store %arg9[%swap3A_238], %swap3A_241 {strides = array<i32>} : memref<2048xi32, #tpu.memory_space<vmem>>, vector<16xi32>,
      %swap3A_242 = arith.constant 352 : index
      %swap3A_243 = tpu.vector_load %arg9[%swap3A_242] {strides = array<i32>} : memref<2048xi32, #tpu.memory_space<vmem>>, vector<16xi32>,
      %swap3A_244 = vector.shape_cast %swap3A_243 : vector<16xi32> to vector<16xi32>
      %swap3A_245 = vector.shape_cast %broadcast_in_dim3A_153 : vector<16xi32> to vector<16xi32>
      tpu.vector_store %arg9[%swap3A_242], %swap3A_245 {strides = array<i32>} : memref<2048xi32, #tpu.memory_space<vmem>>, vector<16xi32>,
      %swap3A_246 = arith.constant 368 : index
      %swap3A_247 = tpu.vector_load %arg9[%swap3A_246] {strides = array<i32>} : memref<2048xi32, #tpu.memory_space<vmem>>, vector<16xi32>,
      %swap3A_248 = vector.shape_cast %swap3A_247 : vector<16xi32> to vector<16xi32>
      %swap3A_249 = vector.shape_cast %broadcast_in_dim3A_153 : vector<16xi32> to vector<16xi32>
      tpu.vector_store %arg9[%swap3A_246], %swap3A_249 {strides = array<i32>} : memref<2048xi32, #tpu.memory_space<vmem>>, vector<16xi32>,
      %swap3A_250 = arith.constant 384 : index
      %swap3A_251 = tpu.vector_load %arg9[%swap3A_250] {strides = array<i32>} : memref<2048xi32, #tpu.memory_space<vmem>>, vector<16xi32>,
      %swap3A_252 = vector.shape_cast %swap3A_251 : vector<16xi32> to vector<16xi32>
      %swap3A_253 = vector.shape_cast %broadcast_in_dim3A_153 : vector<16xi32> to vector<16xi32>
      tpu.vector_store %arg9[%swap3A_250], %swap3A_253 {strides = array<i32>} : memref<2048xi32, #tpu.memory_space<vmem>>, vector<16xi32>,
      %swap3A_254 = arith.constant 400 : index
      %swap3A_255 = tpu.vector_load %arg9[%swap3A_254] {strides = array<i32>} : memref<2048xi32, #tpu.memory_space<vmem>>, vector<16xi32>,
      %swap3A_256 = vector.shape_cast %swap3A_255 : vector<16xi32> to vector<16xi32>
      %swap3A_257 = vector.shape_cast %broadcast_in_dim3A_153 : vector<16xi32> to vector<16xi32>
      tpu.vector_store %arg9[%swap3A_254], %swap3A_257 {strides = array<i32>} : memref<2048xi32, #tpu.memory_space<vmem>>, vector<16xi32>,
      %swap3A_258 = arith.constant 416 : index
      %swap3A_259 = tpu.vector_load %arg9[%swap3A_258] {strides = array<i32>} : memref<2048xi32, #tpu.memory_space<vmem>>, vector<16xi32>,
      %swap3A_260 = vector.shape_cast %swap3A_259 : vector<16xi32> to vector<16xi32>
      %swap3A_261 = vector.shape_cast %broadcast_in_dim3A_153 : vector<16xi32> to vector<16xi32>
      tpu.vector_store %arg9[%swap3A_258], %swap3A_261 {strides = array<i32>} : memref<2048xi32, #tpu.memory_space<vmem>>, vector<16xi32>,
      %swap3A_262 = arith.constant 432 : index
      %swap3A_263 = tpu.vector_load %arg9[%swap3A_262] {strides = array<i32>} : memref<2048xi32, #tpu.memory_space<vmem>>, vector<16xi32>,
      %swap3A_264 = vector.shape_cast %swap3A_263 : vector<16xi32> to vector<16xi32>
      %swap3A_265 = vector.shape_cast %broadcast_in_dim3A_153 : vector<16xi32> to vector<16xi32>
      tpu.vector_store %arg9[%swap3A_262], %swap3A_265 {strides = array<i32>} : memref<2048xi32, #tpu.memory_space<vmem>>, vector<16xi32>,
      %swap3A_266 = arith.constant 448 : index
      %swap3A_267 = tpu.vector_load %arg9[%swap3A_266] {strides = array<i32>} : memref<2048xi32, #tpu.memory_space<vmem>>, vector<16xi32>,
      %swap3A_268 = vector.shape_cast %swap3A_267 : vector<16xi32> to vector<16xi32>
      %swap3A_269 = vector.shape_cast %broadcast_in_dim3A_153 : vector<16xi32> to vector<16xi32>
      tpu.vector_store %arg9[%swap3A_266], %swap3A_269 {strides = array<i32>} : memref<2048xi32, #tpu.memory_space<vmem>>, vector<16xi32>,
      %swap3A_270 = arith.constant 464 : index
      %swap3A_271 = tpu.vector_load %arg9[%swap3A_270] {strides = array<i32>} : memref<2048xi32, #tpu.memory_space<vmem>>, vector<16xi32>,
      %swap3A_272 = vector.shape_cast %swap3A_271 : vector<16xi32> to vector<16xi32>
      %swap3A_273 = vector.shape_cast %broadcast_in_dim3A_153 : vector<16xi32> to vector<16xi32>
      tpu.vector_store %arg9[%swap3A_270], %swap3A_273 {strides = array<i32>} : memref<2048xi32, #tpu.memory_space<vmem>>, vector<16xi32>,
      %swap3A_274 = arith.constant 480 : index
      %swap3A_275 = tpu.vector_load %arg9[%swap3A_274] {strides = array<i32>} : memref<2048xi32, #tpu.memory_space<vmem>>, vector<16xi32>,
      %swap3A_276 = vector.shape_cast %swap3A_275 : vector<16xi32> to vector<16xi32>
      %swap3A_277 = vector.shape_cast %broadcast_in_dim3A_153 : vector<16xi32> to vector<16xi32>
      tpu.vector_store %arg9[%swap3A_274], %swap3A_277 {strides = array<i32>} : memref<2048xi32, #tpu.memory_space<vmem>>, vector<16xi32>,
      %swap3A_278 = arith.constant 496 : index
      %swap3A_279 = tpu.vector_load %arg9[%swap3A_278] {strides = array<i32>} : memref<2048xi32, #tpu.memory_space<vmem>>, vector<16xi32>,
      %swap3A_280 = vector.shape_cast %swap3A_279 : vector<16xi32> to vector<16xi32>
      %swap3A_281 = vector.shape_cast %broadcast_in_dim3A_153 : vector<16xi32> to vector<16xi32>
      tpu.vector_store %arg9[%swap3A_278], %swap3A_281 {strides = array<i32>} : memref<2048xi32, #tpu.memory_space<vmem>>, vector<16xi32>,
      %swap3A_282 = arith.constant 512 : index
      %swap3A_283 = tpu.vector_load %arg9[%swap3A_282] {strides = array<i32>} : memref<2048xi32, #tpu.memory_space<vmem>>, vector<16xi32>,
      %swap3A_284 = vector.shape_cast %swap3A_283 : vector<16xi32> to vector<16xi32>
      %swap3A_285 = vector.shape_cast %broadcast_in_dim3A_153 : vector<16xi32> to vector<16xi32>
      tpu.vector_store %arg9[%swap3A_282], %swap3A_285 {strides = array<i32>} : memref<2048xi32, #tpu.memory_space<vmem>>, vector<16xi32>,
      %swap3A_286 = arith.constant 528 : index
      %swap3A_287 = tpu.vector_load %arg9[%swap3A_286] {strides = array<i32>} : memref<2048xi32, #tpu.memory_space<vmem>>, vector<16xi32>,
      %swap3A_288 = vector.shape_cast %swap3A_287 : vector<16xi32> to vector<16xi32>
      %swap3A_289 = vector.shape_cast %broadcast_in_dim3A_153 : vector<16xi32> to vector<16xi32>
      tpu.vector_store %arg9[%swap3A_286], %swap3A_289 {strides = array<i32>} : memref<2048xi32, #tpu.memory_space<vmem>>, vector<16xi32>,
      %swap3A_290 = arith.constant 544 : index
      %swap3A_291 = tpu.vector_load %arg9[%swap3A_290] {strides = array<i32>} : memref<2048xi32, #tpu.memory_space<vmem>>, vector<16xi32>,
      %swap3A_292 = vector.shape_cast %swap3A_291 : vector<16xi32> to vector<16xi32>
      %swap3A_293 = vector.shape_cast %broadcast_in_dim3A_153 : vector<16xi32> to vector<16xi32>
      tpu.vector_store %arg9[%swap3A_290], %swap3A_293 {strides = array<i32>} : memref<2048xi32, #tpu.memory_space<vmem>>, vector<16xi32>,
      %swap3A_294 = arith.constant 560 : index
      %swap3A_295 = tpu.vector_load %arg9[%swap3A_294] {strides = array<i32>} : memref<2048xi32, #tpu.memory_space<vmem>>, vector<16xi32>,
      %swap3A_296 = vector.shape_cast %swap3A_295 : vector<16xi32> to vector<16xi32>
      %swap3A_297 = vector.shape_cast %broadcast_in_dim3A_153 : vector<16xi32> to vector<16xi32>
      tpu.vector_store %arg9[%swap3A_294], %swap3A_297 {strides = array<i32>} : memref<2048xi32, #tpu.memory_space<vmem>>, vector<16xi32>,
      %swap3A_298 = arith.constant 576 : index
      %swap3A_299 = tpu.vector_load %arg9[%swap3A_298] {strides = array<i32>} : memref<2048xi32, #tpu.memory_space<vmem>>, vector<16xi32>,
      %swap3A_300 = vector.shape_cast %swap3A_299 : vector<16xi32> to vector<16xi32>
      %swap3A_301 = vector.shape_cast %broadcast_in_dim3A_153 : vector<16xi32> to vector<16xi32>
      tpu.vector_store %arg9[%swap3A_298], %swap3A_301 {strides = array<i32>} : memref<2048xi32, #tpu.memory_space<vmem>>, vector<16xi32>,
      %swap3A_302 = arith.constant 592 : index
      %swap3A_303 = tpu.vector_load %arg9[%swap3A_302] {strides = array<i32>} : memref<2048xi32, #tpu.memory_space<vmem>>, vector<16xi32>,
      %swap3A_304 = vector.shape_cast %swap3A_303 : vector<16xi32> to vector<16xi32>
      %swap3A_305 = vector.shape_cast %broadcast_in_dim3A_153 : vector<16xi32> to vector<16xi32>
      tpu.vector_store %arg9[%swap3A_302], %swap3A_305 {strides = array<i32>} : memref<2048xi32, #tpu.memory_space<vmem>>, vector<16xi32>,
      %swap3A_306 = arith.constant 608 : index
      %swap3A_307 = tpu.vector_load %arg9[%swap3A_306] {strides = array<i32>} : memref<2048xi32, #tpu.memory_space<vmem>>, vector<16xi32>,
      %swap3A_308 = vector.shape_cast %swap3A_307 : vector<16xi32> to vector<16xi32>
      %swap3A_309 = vector.shape_cast %broadcast_in_dim3A_153 : vector<16xi32> to vector<16xi32>
      tpu.vector_store %arg9[%swap3A_306], %swap3A_309 {strides = array<i32>} : memref<2048xi32, #tpu.memory_space<vmem>>, vector<16xi32>,
      %swap3A_310 = arith.constant 624 : index
      %swap3A_311 = tpu.vector_load %arg9[%swap3A_310] {strides = array<i32>} : memref<2048xi32, #tpu.memory_space<vmem>>, vector<16xi32>,
      %swap3A_312 = vector.shape_cast %swap3A_311 : vector<16xi32> to vector<16xi32>
      %swap3A_313 = vector.shape_cast %broadcast_in_dim3A_153 : vector<16xi32> to vector<16xi32>
      tpu.vector_store %arg9[%swap3A_310], %swap3A_313 {strides = array<i32>} : memref<2048xi32, #tpu.memory_space<vmem>>, vector<16xi32>,
      %swap3A_314 = arith.constant 640 : index
      %swap3A_315 = tpu.vector_load %arg9[%swap3A_314] {strides = array<i32>} : memref<2048xi32, #tpu.memory_space<vmem>>, vector<16xi32>,
      %swap3A_316 = vector.shape_cast %swap3A_315 : vector<16xi32> to vector<16xi32>
      %swap3A_317 = vector.shape_cast %broadcast_in_dim3A_153 : vector<16xi32> to vector<16xi32>
      tpu.vector_store %arg9[%swap3A_314], %swap3A_317 {strides = array<i32>} : memref<2048xi32, #tpu.memory_space<vmem>>, vector<16xi32>,
      %swap3A_318 = arith.constant 656 : index
      %swap3A_319 = tpu.vector_load %arg9[%swap3A_318] {strides = array<i32>} : memref<2048xi32, #tpu.memory_space<vmem>>, vector<16xi32>,
      %swap3A_320 = vector.shape_cast %swap3A_319 : vector<16xi32> to vector<16xi32>
      %swap3A_321 = vector.shape_cast %broadcast_in_dim3A_153 : vector<16xi32> to vector<16xi32>
      tpu.vector_store %arg9[%swap3A_318], %swap3A_321 {strides = array<i32>} : memref<2048xi32, #tpu.memory_space<vmem>>, vector<16xi32>,
      %swap3A_322 = arith.constant 672 : index
      %swap3A_323 = tpu.vector_load %arg9[%swap3A_322] {strides = array<i32>} : memref<2048xi32, #tpu.memory_space<vmem>>, vector<16xi32>,
      %swap3A_324 = vector.shape_cast %swap3A_323 : vector<16xi32> to vector<16xi32>
      %swap3A_325 = vector.shape_cast %broadcast_in_dim3A_153 : vector<16xi32> to vector<16xi32>
      tpu.vector_store %arg9[%swap3A_322], %swap3A_325 {strides = array<i32>} : memref<2048xi32, #tpu.memory_space<vmem>>, vector<16xi32>,
      %swap3A_326 = arith.constant 688 : index
      %swap3A_327 = tpu.vector_load %arg9[%swap3A_326] {strides = array<i32>} : memref<2048xi32, #tpu.memory_space<vmem>>, vector<16xi32>,
      %swap3A_328 = vector.shape_cast %swap3A_327 : vector<16xi32> to vector<16xi32>
      %swap3A_329 = vector.shape_cast %broadcast_in_dim3A_153 : vector<16xi32> to vector<16xi32>
      tpu.vector_store %arg9[%swap3A_326], %swap3A_329 {strides = array<i32>} : memref<2048xi32, #tpu.memory_space<vmem>>, vector<16xi32>,
      %swap3A_330 = arith.constant 704 : index
      %swap3A_331 = tpu.vector_load %arg9[%swap3A_330] {strides = array<i32>} : memref<2048xi32, #tpu.memory_space<vmem>>, vector<16xi32>,
      %swap3A_332 = vector.shape_cast %swap3A_331 : vector<16xi32> to vector<16xi32>
      %swap3A_333 = vector.shape_cast %broadcast_in_dim3A_153 : vector<16xi32> to vector<16xi32>
      tpu.vector_store %arg9[%swap3A_330], %swap3A_333 {strides = array<i32>} : memref<2048xi32, #tpu.memory_space<vmem>>, vector<16xi32>,
      %swap3A_334 = arith.constant 720 : index
      %swap3A_335 = tpu.vector_load %arg9[%swap3A_334] {strides = array<i32>} : memref<2048xi32, #tpu.memory_space<vmem>>, vector<16xi32>,
      %swap3A_336 = vector.shape_cast %swap3A_335 : vector<16xi32> to vector<16xi32>
      %swap3A_337 = vector.shape_cast %broadcast_in_dim3A_153 : vector<16xi32> to vector<16xi32>
      tpu.vector_store %arg9[%swap3A_334], %swap3A_337 {strides = array<i32>} : memref<2048xi32, #tpu.memory_space<vmem>>, vector<16xi32>,
      %swap3A_338 = arith.constant 736 : index
      %swap3A_339 = tpu.vector_load %arg9[%swap3A_338] {strides = array<i32>} : memref<2048xi32, #tpu.memory_space<vmem>>, vector<16xi32>,
      %swap3A_340 = vector.shape_cast %swap3A_339 : vector<16xi32> to vector<16xi32>
      %swap3A_341 = vector.shape_cast %broadcast_in_dim3A_153 : vector<16xi32> to vector<16xi32>
      tpu.vector_store %arg9[%swap3A_338], %swap3A_341 {strides = array<i32>} : memref<2048xi32, #tpu.memory_space<vmem>>, vector<16xi32>,
      %swap3A_342 = arith.constant 752 : index
      %swap3A_343 = tpu.vector_load %arg9[%swap3A_342] {strides = array<i32>} : memref<2048xi32, #tpu.memory_space<vmem>>, vector<16xi32>,
      %swap3A_344 = vector.shape_cast %swap3A_343 : vector<16xi32> to vector<16xi32>
      %swap3A_345 = vector.shape_cast %broadcast_in_dim3A_153 : vector<16xi32> to vector<16xi32>
      tpu.vector_store %arg9[%swap3A_342], %swap3A_345 {strides = array<i32>} : memref<2048xi32, #tpu.memory_space<vmem>>, vector<16xi32>,
      %swap3A_346 = arith.constant 768 : index
      %swap3A_347 = tpu.vector_load %arg9[%swap3A_346] {strides = array<i32>} : memref<2048xi32, #tpu.memory_space<vmem>>, vector<16xi32>,
      %swap3A_348 = vector.shape_cast %swap3A_347 : vector<16xi32> to vector<16xi32>
      %swap3A_349 = vector.shape_cast %broadcast_in_dim3A_153 : vector<16xi32> to vector<16xi32>
      tpu.vector_store %arg9[%swap3A_346], %swap3A_349 {strides = array<i32>} : memref<2048xi32, #tpu.memory_space<vmem>>, vector<16xi32>,
      %swap3A_350 = arith.constant 784 : index
      %swap3A_351 = tpu.vector_load %arg9[%swap3A_350] {strides = array<i32>} : memref<2048xi32, #tpu.memory_space<vmem>>, vector<16xi32>,
      %swap3A_352 = vector.shape_cast %swap3A_351 : vector<16xi32> to vector<16xi32>
      %swap3A_353 = vector.shape_cast %broadcast_in_dim3A_153 : vector<16xi32> to vector<16xi32>
      tpu.vector_store %arg9[%swap3A_350], %swap3A_353 {strides = array<i32>} : memref<2048xi32, #tpu.memory_space<vmem>>, vector<16xi32>,
      %swap3A_354 = arith.constant 800 : index
      %swap3A_355 = tpu.vector_load %arg9[%swap3A_354] {strides = array<i32>} : memref<2048xi32, #tpu.memory_space<vmem>>, vector<16xi32>,
      %swap3A_356 = vector.shape_cast %swap3A_355 : vector<16xi32> to vector<16xi32>
      %swap3A_357 = vector.shape_cast %broadcast_in_dim3A_153 : vector<16xi32> to vector<16xi32>
      tpu.vector_store %arg9[%swap3A_354], %swap3A_357 {strides = array<i32>} : memref<2048xi32, #tpu.memory_space<vmem>>, vector<16xi32>,
      %swap3A_358 = arith.constant 816 : index
      %swap3A_359 = tpu.vector_load %arg9[%swap3A_358] {strides = array<i32>} : memref<2048xi32, #tpu.memory_space<vmem>>, vector<16xi32>,
      %swap3A_360 = vector.shape_cast %swap3A_359 : vector<16xi32> to vector<16xi32>
      %swap3A_361 = vector.shape_cast %broadcast_in_dim3A_153 : vector<16xi32> to vector<16xi32>
      tpu.vector_store %arg9[%swap3A_358], %swap3A_361 {strides = array<i32>} : memref<2048xi32, #tpu.memory_space<vmem>>, vector<16xi32>,
      %swap3A_362 = arith.constant 832 : index
      %swap3A_363 = tpu.vector_load %arg9[%swap3A_362] {strides = array<i32>} : memref<2048xi32, #tpu.memory_space<vmem>>, vector<16xi32>,
      %swap3A_364 = vector.shape_cast %swap3A_363 : vector<16xi32> to vector<16xi32>
      %swap3A_365 = vector.shape_cast %broadcast_in_dim3A_153 : vector<16xi32> to vector<16xi32>
      tpu.vector_store %arg9[%swap3A_362], %swap3A_365 {strides = array<i32>} : memref<2048xi32, #tpu.memory_space<vmem>>, vector<16xi32>,
      %swap3A_366 = arith.constant 848 : index
      %swap3A_367 = tpu.vector_load %arg9[%swap3A_366] {strides = array<i32>} : memref<2048xi32, #tpu.memory_space<vmem>>, vector<16xi32>,
      %swap3A_368 = vector.shape_cast %swap3A_367 : vector<16xi32> to vector<16xi32>
      %swap3A_369 = vector.shape_cast %broadcast_in_dim3A_153 : vector<16xi32> to vector<16xi32>
      tpu.vector_store %arg9[%swap3A_366], %swap3A_369 {strides = array<i32>} : memref<2048xi32, #tpu.memory_space<vmem>>, vector<16xi32>,
      %swap3A_370 = arith.constant 864 : index
      %swap3A_371 = tpu.vector_load %arg9[%swap3A_370] {strides = array<i32>} : memref<2048xi32, #tpu.memory_space<vmem>>, vector<16xi32>,
      %swap3A_372 = vector.shape_cast %swap3A_371 : vector<16xi32> to vector<16xi32>
      %swap3A_373 = vector.shape_cast %broadcast_in_dim3A_153 : vector<16xi32> to vector<16xi32>
      tpu.vector_store %arg9[%swap3A_370], %swap3A_373 {strides = array<i32>} : memref<2048xi32, #tpu.memory_space<vmem>>, vector<16xi32>,
      %swap3A_374 = arith.constant 880 : index
      %swap3A_375 = tpu.vector_load %arg9[%swap3A_374] {strides = array<i32>} : memref<2048xi32, #tpu.memory_space<vmem>>, vector<16xi32>,
      %swap3A_376 = vector.shape_cast %swap3A_375 : vector<16xi32> to vector<16xi32>
      %swap3A_377 = vector.shape_cast %broadcast_in_dim3A_153 : vector<16xi32> to vector<16xi32>
      tpu.vector_store %arg9[%swap3A_374], %swap3A_377 {strides = array<i32>} : memref<2048xi32, #tpu.memory_space<vmem>>, vector<16xi32>,
      %swap3A_378 = arith.constant 896 : index
      %swap3A_379 = tpu.vector_load %arg9[%swap3A_378] {strides = array<i32>} : memref<2048xi32, #tpu.memory_space<vmem>>, vector<16xi32>,
      %swap3A_380 = vector.shape_cast %swap3A_379 : vector<16xi32> to vector<16xi32>
      %swap3A_381 = vector.shape_cast %broadcast_in_dim3A_153 : vector<16xi32> to vector<16xi32>
      tpu.vector_store %arg9[%swap3A_378], %swap3A_381 {strides = array<i32>} : memref<2048xi32, #tpu.memory_space<vmem>>, vector<16xi32>,
      %swap3A_382 = arith.constant 912 : index
      %swap3A_383 = tpu.vector_load %arg9[%swap3A_382] {strides = array<i32>} : memref<2048xi32, #tpu.memory_space<vmem>>, vector<16xi32>,
      %swap3A_384 = vector.shape_cast %swap3A_383 : vector<16xi32> to vector<16xi32>
      %swap3A_385 = vector.shape_cast %broadcast_in_dim3A_153 : vector<16xi32> to vector<16xi32>
      tpu.vector_store %arg9[%swap3A_382], %swap3A_385 {strides = array<i32>} : memref<2048xi32, #tpu.memory_space<vmem>>, vector<16xi32>,
      %swap3A_386 = arith.constant 928 : index
      %swap3A_387 = tpu.vector_load %arg9[%swap3A_386] {strides = array<i32>} : memref<2048xi32, #tpu.memory_space<vmem>>, vector<16xi32>,
      %swap3A_388 = vector.shape_cast %swap3A_387 : vector<16xi32> to vector<16xi32>
      %swap3A_389 = vector.shape_cast %broadcast_in_dim3A_153 : vector<16xi32> to vector<16xi32>
      tpu.vector_store %arg9[%swap3A_386], %swap3A_389 {strides = array<i32>} : memref<2048xi32, #tpu.memory_space<vmem>>, vector<16xi32>,
      %swap3A_390 = arith.constant 944 : index
      %swap3A_391 = tpu.vector_load %arg9[%swap3A_390] {strides = array<i32>} : memref<2048xi32, #tpu.memory_space<vmem>>, vector<16xi32>,
      %swap3A_392 = vector.shape_cast %swap3A_391 : vector<16xi32> to vector<16xi32>
      %swap3A_393 = vector.shape_cast %broadcast_in_dim3A_153 : vector<16xi32> to vector<16xi32>
      tpu.vector_store %arg9[%swap3A_390], %swap3A_393 {strides = array<i32>} : memref<2048xi32, #tpu.memory_space<vmem>>, vector<16xi32>,
      %swap3A_394 = arith.constant 960 : index
      %swap3A_395 = tpu.vector_load %arg9[%swap3A_394] {strides = array<i32>} : memref<2048xi32, #tpu.memory_space<vmem>>, vector<16xi32>,
      %swap3A_396 = vector.shape_cast %swap3A_395 : vector<16xi32> to vector<16xi32>
      %swap3A_397 = vector.shape_cast %broadcast_in_dim3A_153 : vector<16xi32> to vector<16xi32>
      tpu.vector_store %arg9[%swap3A_394], %swap3A_397 {strides = array<i32>} : memref<2048xi32, #tpu.memory_space<vmem>>, vector<16xi32>,
      %swap3A_398 = arith.constant 976 : index
      %swap3A_399 = tpu.vector_load %arg9[%swap3A_398] {strides = array<i32>} : memref<2048xi32, #tpu.memory_space<vmem>>, vector<16xi32>,
      %swap3A_400 = vector.shape_cast %swap3A_399 : vector<16xi32> to vector<16xi32>
      %swap3A_401 = vector.shape_cast %broadcast_in_dim3A_153 : vector<16xi32> to vector<16xi32>
      tpu.vector_store %arg9[%swap3A_398], %swap3A_401 {strides = array<i32>} : memref<2048xi32, #tpu.memory_space<vmem>>, vector<16xi32>,
      %swap3A_402 = arith.constant 992 : index
      %swap3A_403 = tpu.vector_load %arg9[%swap3A_402] {strides = array<i32>} : memref<2048xi32, #tpu.memory_space<vmem>>, vector<16xi32>,
      %swap3A_404 = vector.shape_cast %swap3A_403 : vector<16xi32> to vector<16xi32>
      %swap3A_405 = vector.shape_cast %broadcast_in_dim3A_153 : vector<16xi32> to vector<16xi32>
      tpu.vector_store %arg9[%swap3A_402], %swap3A_405 {strides = array<i32>} : memref<2048xi32, #tpu.memory_space<vmem>>, vector<16xi32>,
      %swap3A_406 = arith.constant 1008 : index
      %swap3A_407 = tpu.vector_load %arg9[%swap3A_406] {strides = array<i32>} : memref<2048xi32, #tpu.memory_space<vmem>>, vector<16xi32>,
      %swap3A_408 = vector.shape_cast %swap3A_407 : vector<16xi32> to vector<16xi32>
      %swap3A_409 = vector.shape_cast %broadcast_in_dim3A_153 : vector<16xi32> to vector<16xi32>
      tpu.vector_store %arg9[%swap3A_406], %swap3A_409 {strides = array<i32>} : memref<2048xi32, #tpu.memory_space<vmem>>, vector<16xi32>,
      %swap3A_410 = arith.constant 1024 : index
      %swap3A_411 = tpu.vector_load %arg9[%swap3A_410] {strides = array<i32>} : memref<2048xi32, #tpu.memory_space<vmem>>, vector<16xi32>,
      %swap3A_412 = vector.shape_cast %swap3A_411 : vector<16xi32> to vector<16xi32>
      %swap3A_413 = vector.shape_cast %broadcast_in_dim3A_153 : vector<16xi32> to vector<16xi32>
      tpu.vector_store %arg9[%swap3A_410], %swap3A_413 {strides = array<i32>} : memref<2048xi32, #tpu.memory_space<vmem>>, vector<16xi32>,
      %swap3A_414 = arith.constant 1040 : index
      %swap3A_415 = tpu.vector_load %arg9[%swap3A_414] {strides = array<i32>} : memref<2048xi32, #tpu.memory_space<vmem>>, vector<16xi32>,
      %swap3A_416 = vector.shape_cast %swap3A_415 : vector<16xi32> to vector<16xi32>
      %swap3A_417 = vector.shape_cast %broadcast_in_dim3A_153 : vector<16xi32> to vector<16xi32>
      tpu.vector_store %arg9[%swap3A_414], %swap3A_417 {strides = array<i32>} : memref<2048xi32, #tpu.memory_space<vmem>>, vector<16xi32>,
      %swap3A_418 = arith.constant 1056 : index
      %swap3A_419 = tpu.vector_load %arg9[%swap3A_418] {strides = array<i32>} : memref<2048xi32, #tpu.memory_space<vmem>>, vector<16xi32>,
      %swap3A_420 = vector.shape_cast %swap3A_419 : vector<16xi32> to vector<16xi32>
      %swap3A_421 = vector.shape_cast %broadcast_in_dim3A_153 : vector<16xi32> to vector<16xi32>
      tpu.vector_store %arg9[%swap3A_418], %swap3A_421 {strides = array<i32>} : memref<2048xi32, #tpu.memory_space<vmem>>, vector<16xi32>,
      %swap3A_422 = arith.constant 1072 : index
      %swap3A_423 = tpu.vector_load %arg9[%swap3A_422] {strides = array<i32>} : memref<2048xi32, #tpu.memory_space<vmem>>, vector<16xi32>,
      %swap3A_424 = vector.shape_cast %swap3A_423 : vector<16xi32> to vector<16xi32>
      %swap3A_425 = vector.shape_cast %broadcast_in_dim3A_153 : vector<16xi32> to vector<16xi32>
      tpu.vector_store %arg9[%swap3A_422], %swap3A_425 {strides = array<i32>} : memref<2048xi32, #tpu.memory_space<vmem>>, vector<16xi32>,
      %swap3A_426 = arith.constant 1088 : index
      %swap3A_427 = tpu.vector_load %arg9[%swap3A_426] {strides = array<i32>} : memref<2048xi32, #tpu.memory_space<vmem>>, vector<16xi32>,
      %swap3A_428 = vector.shape_cast %swap3A_427 : vector<16xi32> to vector<16xi32>
      %swap3A_429 = vector.shape_cast %broadcast_in_dim3A_153 : vector<16xi32> to vector<16xi32>
      tpu.vector_store %arg9[%swap3A_426], %swap3A_429 {strides = array<i32>} : memref<2048xi32, #tpu.memory_space<vmem>>, vector<16xi32>,
      %swap3A_430 = arith.constant 1104 : index
      %swap3A_431 = tpu.vector_load %arg9[%swap3A_430] {strides = array<i32>} : memref<2048xi32, #tpu.memory_space<vmem>>, vector<16xi32>,
      %swap3A_432 = vector.shape_cast %swap3A_431 : vector<16xi32> to vector<16xi32>
      %swap3A_433 = vector.shape_cast %broadcast_in_dim3A_153 : vector<16xi32> to vector<16xi32>
      tpu.vector_store %arg9[%swap3A_430], %swap3A_433 {strides = array<i32>} : memref<2048xi32, #tpu.memory_space<vmem>>, vector<16xi32>,
      %swap3A_434 = arith.constant 1120 : index
      %swap3A_435 = tpu.vector_load %arg9[%swap3A_434] {strides = array<i32>} : memref<2048xi32, #tpu.memory_space<vmem>>, vector<16xi32>,
      %swap3A_436 = vector.shape_cast %swap3A_435 : vector<16xi32> to vector<16xi32>
      %swap3A_437 = vector.shape_cast %broadcast_in_dim3A_153 : vector<16xi32> to vector<16xi32>
      tpu.vector_store %arg9[%swap3A_434], %swap3A_437 {strides = array<i32>} : memref<2048xi32, #tpu.memory_space<vmem>>, vector<16xi32>,
      %swap3A_438 = arith.constant 1136 : index
      %swap3A_439 = tpu.vector_load %arg9[%swap3A_438] {strides = array<i32>} : memref<2048xi32, #tpu.memory_space<vmem>>, vector<16xi32>,
      %swap3A_440 = vector.shape_cast %swap3A_439 : vector<16xi32> to vector<16xi32>
      %swap3A_441 = vector.shape_cast %broadcast_in_dim3A_153 : vector<16xi32> to vector<16xi32>
      tpu.vector_store %arg9[%swap3A_438], %swap3A_441 {strides = array<i32>} : memref<2048xi32, #tpu.memory_space<vmem>>, vector<16xi32>,
      %swap3A_442 = arith.constant 1152 : index
      %swap3A_443 = tpu.vector_load %arg9[%swap3A_442] {strides = array<i32>} : memref<2048xi32, #tpu.memory_space<vmem>>, vector<16xi32>,
      %swap3A_444 = vector.shape_cast %swap3A_443 : vector<16xi32> to vector<16xi32>
      %swap3A_445 = vector.shape_cast %broadcast_in_dim3A_153 : vector<16xi32> to vector<16xi32>
      tpu.vector_store %arg9[%swap3A_442], %swap3A_445 {strides = array<i32>} : memref<2048xi32, #tpu.memory_space<vmem>>, vector<16xi32>,
      %swap3A_446 = arith.constant 1168 : index
      %swap3A_447 = tpu.vector_load %arg9[%swap3A_446] {strides = array<i32>} : memref<2048xi32, #tpu.memory_space<vmem>>, vector<16xi32>,
      %swap3A_448 = vector.shape_cast %swap3A_447 : vector<16xi32> to vector<16xi32>
      %swap3A_449 = vector.shape_cast %broadcast_in_dim3A_153 : vector<16xi32> to vector<16xi32>
      tpu.vector_store %arg9[%swap3A_446], %swap3A_449 {strides = array<i32>} : memref<2048xi32, #tpu.memory_space<vmem>>, vector<16xi32>,
      %swap3A_450 = arith.constant 1184 : index
      %swap3A_451 = tpu.vector_load %arg9[%swap3A_450] {strides = array<i32>} : memref<2048xi32, #tpu.memory_space<vmem>>, vector<16xi32>,
      %swap3A_452 = vector.shape_cast %swap3A_451 : vector<16xi32> to vector<16xi32>
      %swap3A_453 = vector.shape_cast %broadcast_in_dim3A_153 : vector<16xi32> to vector<16xi32>
      tpu.vector_store %arg9[%swap3A_450], %swap3A_453 {strides = array<i32>} : memref<2048xi32, #tpu.memory_space<vmem>>, vector<16xi32>,
      %swap3A_454 = arith.constant 1200 : index
      %swap3A_455 = tpu.vector_load %arg9[%swap3A_454] {strides = array<i32>} : memref<2048xi32, #tpu.memory_space<vmem>>, vector<16xi32>,
      %swap3A_456 = vector.shape_cast %swap3A_455 : vector<16xi32> to vector<16xi32>
      %swap3A_457 = vector.shape_cast %broadcast_in_dim3A_153 : vector<16xi32> to vector<16xi32>
      tpu.vector_store %arg9[%swap3A_454], %swap3A_457 {strides = array<i32>} : memref<2048xi32, #tpu.memory_space<vmem>>, vector<16xi32>,
      %swap3A_458 = arith.constant 1216 : index
      %swap3A_459 = tpu.vector_load %arg9[%swap3A_458] {strides = array<i32>} : memref<2048xi32, #tpu.memory_space<vmem>>, vector<16xi32>,
      %swap3A_460 = vector.shape_cast %swap3A_459 : vector<16xi32> to vector<16xi32>
      %swap3A_461 = vector.shape_cast %broadcast_in_dim3A_153 : vector<16xi32> to vector<16xi32>
      tpu.vector_store %arg9[%swap3A_458], %swap3A_461 {strides = array<i32>} : memref<2048xi32, #tpu.memory_space<vmem>>, vector<16xi32>,
      %swap3A_462 = arith.constant 1232 : index
      %swap3A_463 = tpu.vector_load %arg9[%swap3A_462] {strides = array<i32>} : memref<2048xi32, #tpu.memory_space<vmem>>, vector<16xi32>,
      %swap3A_464 = vector.shape_cast %swap3A_463 : vector<16xi32> to vector<16xi32>
      %swap3A_465 = vector.shape_cast %broadcast_in_dim3A_153 : vector<16xi32> to vector<16xi32>
      tpu.vector_store %arg9[%swap3A_462], %swap3A_465 {strides = array<i32>} : memref<2048xi32, #tpu.memory_space<vmem>>, vector<16xi32>,
      %swap3A_466 = arith.constant 1248 : index
      %swap3A_467 = tpu.vector_load %arg9[%swap3A_466] {strides = array<i32>} : memref<2048xi32, #tpu.memory_space<vmem>>, vector<16xi32>,
      %swap3A_468 = vector.shape_cast %swap3A_467 : vector<16xi32> to vector<16xi32>
      %swap3A_469 = vector.shape_cast %broadcast_in_dim3A_153 : vector<16xi32> to vector<16xi32>
      tpu.vector_store %arg9[%swap3A_466], %swap3A_469 {strides = array<i32>} : memref<2048xi32, #tpu.memory_space<vmem>>, vector<16xi32>,
      %swap3A_470 = arith.constant 1264 : index
      %swap3A_471 = tpu.vector_load %arg9[%swap3A_470] {strides = array<i32>} : memref<2048xi32, #tpu.memory_space<vmem>>, vector<16xi32>,
      %swap3A_472 = vector.shape_cast %swap3A_471 : vector<16xi32> to vector<16xi32>
      %swap3A_473 = vector.shape_cast %broadcast_in_dim3A_153 : vector<16xi32> to vector<16xi32>
      tpu.vector_store %arg9[%swap3A_470], %swap3A_473 {strides = array<i32>} : memref<2048xi32, #tpu.memory_space<vmem>>, vector<16xi32>,
      %swap3A_474 = arith.constant 1280 : index
      %swap3A_475 = tpu.vector_load %arg9[%swap3A_474] {strides = array<i32>} : memref<2048xi32, #tpu.memory_space<vmem>>, vector<16xi32>,
      %swap3A_476 = vector.shape_cast %swap3A_475 : vector<16xi32> to vector<16xi32>
      %swap3A_477 = vector.shape_cast %broadcast_in_dim3A_153 : vector<16xi32> to vector<16xi32>
      tpu.vector_store %arg9[%swap3A_474], %swap3A_477 {strides = array<i32>} : memref<2048xi32, #tpu.memory_space<vmem>>, vector<16xi32>,
      %swap3A_478 = arith.constant 1296 : index
      %swap3A_479 = tpu.vector_load %arg9[%swap3A_478] {strides = array<i32>} : memref<2048xi32, #tpu.memory_space<vmem>>, vector<16xi32>,
      %swap3A_480 = vector.shape_cast %swap3A_479 : vector<16xi32> to vector<16xi32>
      %swap3A_481 = vector.shape_cast %broadcast_in_dim3A_153 : vector<16xi32> to vector<16xi32>
      tpu.vector_store %arg9[%swap3A_478], %swap3A_481 {strides = array<i32>} : memref<2048xi32, #tpu.memory_space<vmem>>, vector<16xi32>,
      %swap3A_482 = arith.constant 1312 : index
      %swap3A_483 = tpu.vector_load %arg9[%swap3A_482] {strides = array<i32>} : memref<2048xi32, #tpu.memory_space<vmem>>, vector<16xi32>,
      %swap3A_484 = vector.shape_cast %swap3A_483 : vector<16xi32> to vector<16xi32>
      %swap3A_485 = vector.shape_cast %broadcast_in_dim3A_153 : vector<16xi32> to vector<16xi32>
      tpu.vector_store %arg9[%swap3A_482], %swap3A_485 {strides = array<i32>} : memref<2048xi32, #tpu.memory_space<vmem>>, vector<16xi32>,
      %swap3A_486 = arith.constant 1328 : index
      %swap3A_487 = tpu.vector_load %arg9[%swap3A_486] {strides = array<i32>} : memref<2048xi32, #tpu.memory_space<vmem>>, vector<16xi32>,
      %swap3A_488 = vector.shape_cast %swap3A_487 : vector<16xi32> to vector<16xi32>
      %swap3A_489 = vector.shape_cast %broadcast_in_dim3A_153 : vector<16xi32> to vector<16xi32>
      tpu.vector_store %arg9[%swap3A_486], %swap3A_489 {strides = array<i32>} : memref<2048xi32, #tpu.memory_space<vmem>>, vector<16xi32>,
      %swap3A_490 = arith.constant 1344 : index
      %swap3A_491 = tpu.vector_load %arg9[%swap3A_490] {strides = array<i32>} : memref<2048xi32, #tpu.memory_space<vmem>>, vector<16xi32>,
      %swap3A_492 = vector.shape_cast %swap3A_491 : vector<16xi32> to vector<16xi32>
      %swap3A_493 = vector.shape_cast %broadcast_in_dim3A_153 : vector<16xi32> to vector<16xi32>
      tpu.vector_store %arg9[%swap3A_490], %swap3A_493 {strides = array<i32>} : memref<2048xi32, #tpu.memory_space<vmem>>, vector<16xi32>,
      %swap3A_494 = arith.constant 1360 : index
      %swap3A_495 = tpu.vector_load %arg9[%swap3A_494] {strides = array<i32>} : memref<2048xi32, #tpu.memory_space<vmem>>, vector<16xi32>,
      %swap3A_496 = vector.shape_cast %swap3A_495 : vector<16xi32> to vector<16xi32>
      %swap3A_497 = vector.shape_cast %broadcast_in_dim3A_153 : vector<16xi32> to vector<16xi32>
      tpu.vector_store %arg9[%swap3A_494], %swap3A_497 {strides = array<i32>} : memref<2048xi32, #tpu.memory_space<vmem>>, vector<16xi32>,
      %swap3A_498 = arith.constant 1376 : index
      %swap3A_499 = tpu.vector_load %arg9[%swap3A_498] {strides = array<i32>} : memref<2048xi32, #tpu.memory_space<vmem>>, vector<16xi32>,
      %swap3A_500 = vector.shape_cast %swap3A_499 : vector<16xi32> to vector<16xi32>
      %swap3A_501 = vector.shape_cast %broadcast_in_dim3A_153 : vector<16xi32> to vector<16xi32>
      tpu.vector_store %arg9[%swap3A_498], %swap3A_501 {strides = array<i32>} : memref<2048xi32, #tpu.memory_space<vmem>>, vector<16xi32>,
      %swap3A_502 = arith.constant 1392 : index
      %swap3A_503 = tpu.vector_load %arg9[%swap3A_502] {strides = array<i32>} : memref<2048xi32, #tpu.memory_space<vmem>>, vector<16xi32>,
      %swap3A_504 = vector.shape_cast %swap3A_503 : vector<16xi32> to vector<16xi32>
      %swap3A_505 = vector.shape_cast %broadcast_in_dim3A_153 : vector<16xi32> to vector<16xi32>
      tpu.vector_store %arg9[%swap3A_502], %swap3A_505 {strides = array<i32>} : memref<2048xi32, #tpu.memory_space<vmem>>, vector<16xi32>,
      %swap3A_506 = arith.constant 1408 : index
      %swap3A_507 = tpu.vector_load %arg9[%swap3A_506] {strides = array<i32>} : memref<2048xi32, #tpu.memory_space<vmem>>, vector<16xi32>,
      %swap3A_508 = vector.shape_cast %swap3A_507 : vector<16xi32> to vector<16xi32>
      %swap3A_509 = vector.shape_cast %broadcast_in_dim3A_153 : vector<16xi32> to vector<16xi32>
      tpu.vector_store %arg9[%swap3A_506], %swap3A_509 {strides = array<i32>} : memref<2048xi32, #tpu.memory_space<vmem>>, vector<16xi32>,
      %swap3A_510 = arith.constant 1424 : index
      %swap3A_511 = tpu.vector_load %arg9[%swap3A_510] {strides = array<i32>} : memref<2048xi32, #tpu.memory_space<vmem>>, vector<16xi32>,
      %swap3A_512 = vector.shape_cast %swap3A_511 : vector<16xi32> to vector<16xi32>
      %swap3A_513 = vector.shape_cast %broadcast_in_dim3A_153 : vector<16xi32> to vector<16xi32>
      tpu.vector_store %arg9[%swap3A_510], %swap3A_513 {strides = array<i32>} : memref<2048xi32, #tpu.memory_space<vmem>>, vector<16xi32>,
      %swap3A_514 = arith.constant 1440 : index
      %swap3A_515 = tpu.vector_load %arg9[%swap3A_514] {strides = array<i32>} : memref<2048xi32, #tpu.memory_space<vmem>>, vector<16xi32>,
      %swap3A_516 = vector.shape_cast %swap3A_515 : vector<16xi32> to vector<16xi32>
      %swap3A_517 = vector.shape_cast %broadcast_in_dim3A_153 : vector<16xi32> to vector<16xi32>
      tpu.vector_store %arg9[%swap3A_514], %swap3A_517 {strides = array<i32>} : memref<2048xi32, #tpu.memory_space<vmem>>, vector<16xi32>,
      %swap3A_518 = arith.constant 1456 : index
      %swap3A_519 = tpu.vector_load %arg9[%swap3A_518] {strides = array<i32>} : memref<2048xi32, #tpu.memory_space<vmem>>, vector<16xi32>,
      %swap3A_520 = vector.shape_cast %swap3A_519 : vector<16xi32> to vector<16xi32>
      %swap3A_521 = vector.shape_cast %broadcast_in_dim3A_153 : vector<16xi32> to vector<16xi32>
      tpu.vector_store %arg9[%swap3A_518], %swap3A_521 {strides = array<i32>} : memref<2048xi32, #tpu.memory_space<vmem>>, vector<16xi32>,
      %swap3A_522 = arith.constant 1472 : index
      %swap3A_523 = tpu.vector_load %arg9[%swap3A_522] {strides = array<i32>} : memref<2048xi32, #tpu.memory_space<vmem>>, vector<16xi32>,
      %swap3A_524 = vector.shape_cast %swap3A_523 : vector<16xi32> to vector<16xi32>
      %swap3A_525 = vector.shape_cast %broadcast_in_dim3A_153 : vector<16xi32> to vector<16xi32>
      tpu.vector_store %arg9[%swap3A_522], %swap3A_525 {strides = array<i32>} : memref<2048xi32, #tpu.memory_space<vmem>>, vector<16xi32>,
      %swap3A_526 = arith.constant 1488 : index
      %swap3A_527 = tpu.vector_load %arg9[%swap3A_526] {strides = array<i32>} : memref<2048xi32, #tpu.memory_space<vmem>>, vector<16xi32>,
      %swap3A_528 = vector.shape_cast %swap3A_527 : vector<16xi32> to vector<16xi32>
      %swap3A_529 = vector.shape_cast %broadcast_in_dim3A_153 : vector<16xi32> to vector<16xi32>
      tpu.vector_store %arg9[%swap3A_526], %swap3A_529 {strides = array<i32>} : memref<2048xi32, #tpu.memory_space<vmem>>, vector<16xi32>,
      %swap3A_530 = arith.constant 1504 : index
      %swap3A_531 = tpu.vector_load %arg9[%swap3A_530] {strides = array<i32>} : memref<2048xi32, #tpu.memory_space<vmem>>, vector<16xi32>,
      %swap3A_532 = vector.shape_cast %swap3A_531 : vector<16xi32> to vector<16xi32>
      %swap3A_533 = vector.shape_cast %broadcast_in_dim3A_153 : vector<16xi32> to vector<16xi32>
      tpu.vector_store %arg9[%swap3A_530], %swap3A_533 {strides = array<i32>} : memref<2048xi32, #tpu.memory_space<vmem>>, vector<16xi32>,
      %swap3A_534 = arith.constant 1520 : index
      %swap3A_535 = tpu.vector_load %arg9[%swap3A_534] {strides = array<i32>} : memref<2048xi32, #tpu.memory_space<vmem>>, vector<16xi32>,
      %swap3A_536 = vector.shape_cast %swap3A_535 : vector<16xi32> to vector<16xi32>
      %swap3A_537 = vector.shape_cast %broadcast_in_dim3A_153 : vector<16xi32> to vector<16xi32>
      tpu.vector_store %arg9[%swap3A_534], %swap3A_537 {strides = array<i32>} : memref<2048xi32, #tpu.memory_space<vmem>>, vector<16xi32>,
      %swap3A_538 = arith.constant 1536 : index
      %swap3A_539 = tpu.vector_load %arg9[%swap3A_538] {strides = array<i32>} : memref<2048xi32, #tpu.memory_space<vmem>>, vector<16xi32>,
      %swap3A_540 = vector.shape_cast %swap3A_539 : vector<16xi32> to vector<16xi32>
      %swap3A_541 = vector.shape_cast %broadcast_in_dim3A_153 : vector<16xi32> to vector<16xi32>
      tpu.vector_store %arg9[%swap3A_538], %swap3A_541 {strides = array<i32>} : memref<2048xi32, #tpu.memory_space<vmem>>, vector<16xi32>,
      %swap3A_542 = arith.constant 1552 : index
      %swap3A_543 = tpu.vector_load %arg9[%swap3A_542] {strides = array<i32>} : memref<2048xi32, #tpu.memory_space<vmem>>, vector<16xi32>,
      %swap3A_544 = vector.shape_cast %swap3A_543 : vector<16xi32> to vector<16xi32>
      %swap3A_545 = vector.shape_cast %broadcast_in_dim3A_153 : vector<16xi32> to vector<16xi32>
      tpu.vector_store %arg9[%swap3A_542], %swap3A_545 {strides = array<i32>} : memref<2048xi32, #tpu.memory_space<vmem>>, vector<16xi32>,
      %swap3A_546 = arith.constant 1568 : index
      %swap3A_547 = tpu.vector_load %arg9[%swap3A_546] {strides = array<i32>} : memref<2048xi32, #tpu.memory_space<vmem>>, vector<16xi32>,
      %swap3A_548 = vector.shape_cast %swap3A_547 : vector<16xi32> to vector<16xi32>
      %swap3A_549 = vector.shape_cast %broadcast_in_dim3A_153 : vector<16xi32> to vector<16xi32>
      tpu.vector_store %arg9[%swap3A_546], %swap3A_549 {strides = array<i32>} : memref<2048xi32, #tpu.memory_space<vmem>>, vector<16xi32>,
      %swap3A_550 = arith.constant 1584 : index
      %swap3A_551 = tpu.vector_load %arg9[%swap3A_550] {strides = array<i32>} : memref<2048xi32, #tpu.memory_space<vmem>>, vector<16xi32>,
      %swap3A_552 = vector.shape_cast %swap3A_551 : vector<16xi32> to vector<16xi32>
      %swap3A_553 = vector.shape_cast %broadcast_in_dim3A_153 : vector<16xi32> to vector<16xi32>
      tpu.vector_store %arg9[%swap3A_550], %swap3A_553 {strides = array<i32>} : memref<2048xi32, #tpu.memory_space<vmem>>, vector<16xi32>,
      %swap3A_554 = arith.constant 1600 : index
      %swap3A_555 = tpu.vector_load %arg9[%swap3A_554] {strides = array<i32>} : memref<2048xi32, #tpu.memory_space<vmem>>, vector<16xi32>,
      %swap3A_556 = vector.shape_cast %swap3A_555 : vector<16xi32> to vector<16xi32>
      %swap3A_557 = vector.shape_cast %broadcast_in_dim3A_153 : vector<16xi32> to vector<16xi32>
      tpu.vector_store %arg9[%swap3A_554], %swap3A_557 {strides = array<i32>} : memref<2048xi32, #tpu.memory_space<vmem>>, vector<16xi32>,
      %swap3A_558 = arith.constant 1616 : index
      %swap3A_559 = tpu.vector_load %arg9[%swap3A_558] {strides = array<i32>} : memref<2048xi32, #tpu.memory_space<vmem>>, vector<16xi32>,
      %swap3A_560 = vector.shape_cast %swap3A_559 : vector<16xi32> to vector<16xi32>
      %swap3A_561 = vector.shape_cast %broadcast_in_dim3A_153 : vector<16xi32> to vector<16xi32>
      tpu.vector_store %arg9[%swap3A_558], %swap3A_561 {strides = array<i32>} : memref<2048xi32, #tpu.memory_space<vmem>>, vector<16xi32>,
      %swap3A_562 = arith.constant 1632 : index
      %swap3A_563 = tpu.vector_load %arg9[%swap3A_562] {strides = array<i32>} : memref<2048xi32, #tpu.memory_space<vmem>>, vector<16xi32>,
      %swap3A_564 = vector.shape_cast %swap3A_563 : vector<16xi32> to vector<16xi32>
      %swap3A_565 = vector.shape_cast %broadcast_in_dim3A_153 : vector<16xi32> to vector<16xi32>
      tpu.vector_store %arg9[%swap3A_562], %swap3A_565 {strides = array<i32>} : memref<2048xi32, #tpu.memory_space<vmem>>, vector<16xi32>,
      %swap3A_566 = arith.constant 1648 : index
      %swap3A_567 = tpu.vector_load %arg9[%swap3A_566] {strides = array<i32>} : memref<2048xi32, #tpu.memory_space<vmem>>, vector<16xi32>,
      %swap3A_568 = vector.shape_cast %swap3A_567 : vector<16xi32> to vector<16xi32>
      %swap3A_569 = vector.shape_cast %broadcast_in_dim3A_153 : vector<16xi32> to vector<16xi32>
      tpu.vector_store %arg9[%swap3A_566], %swap3A_569 {strides = array<i32>} : memref<2048xi32, #tpu.memory_space<vmem>>, vector<16xi32>,
      %swap3A_570 = arith.constant 1664 : index
      %swap3A_571 = tpu.vector_load %arg9[%swap3A_570] {strides = array<i32>} : memref<2048xi32, #tpu.memory_space<vmem>>, vector<16xi32>,
      %swap3A_572 = vector.shape_cast %swap3A_571 : vector<16xi32> to vector<16xi32>
      %swap3A_573 = vector.shape_cast %broadcast_in_dim3A_153 : vector<16xi32> to vector<16xi32>
      tpu.vector_store %arg9[%swap3A_570], %swap3A_573 {strides = array<i32>} : memref<2048xi32, #tpu.memory_space<vmem>>, vector<16xi32>,
      %swap3A_574 = arith.constant 1680 : index
      %swap3A_575 = tpu.vector_load %arg9[%swap3A_574] {strides = array<i32>} : memref<2048xi32, #tpu.memory_space<vmem>>, vector<16xi32>,
      %swap3A_576 = vector.shape_cast %swap3A_575 : vector<16xi32> to vector<16xi32>
      %swap3A_577 = vector.shape_cast %broadcast_in_dim3A_153 : vector<16xi32> to vector<16xi32>
      tpu.vector_store %arg9[%swap3A_574], %swap3A_577 {strides = array<i32>} : memref<2048xi32, #tpu.memory_space<vmem>>, vector<16xi32>,
      %swap3A_578 = arith.constant 1696 : index
      %swap3A_579 = tpu.vector_load %arg9[%swap3A_578] {strides = array<i32>} : memref<2048xi32, #tpu.memory_space<vmem>>, vector<16xi32>,
      %swap3A_580 = vector.shape_cast %swap3A_579 : vector<16xi32> to vector<16xi32>
      %swap3A_581 = vector.shape_cast %broadcast_in_dim3A_153 : vector<16xi32> to vector<16xi32>
      tpu.vector_store %arg9[%swap3A_578], %swap3A_581 {strides = array<i32>} : memref<2048xi32, #tpu.memory_space<vmem>>, vector<16xi32>,
      %swap3A_582 = arith.constant 1712 : index
      %swap3A_583 = tpu.vector_load %arg9[%swap3A_582] {strides = array<i32>} : memref<2048xi32, #tpu.memory_space<vmem>>, vector<16xi32>,
      %swap3A_584 = vector.shape_cast %swap3A_583 : vector<16xi32> to vector<16xi32>
      %swap3A_585 = vector.shape_cast %broadcast_in_dim3A_153 : vector<16xi32> to vector<16xi32>
      tpu.vector_store %arg9[%swap3A_582], %swap3A_585 {strides = array<i32>} : memref<2048xi32, #tpu.memory_space<vmem>>, vector<16xi32>,
      %swap3A_586 = arith.constant 1728 : index
      %swap3A_587 = tpu.vector_load %arg9[%swap3A_586] {strides = array<i32>} : memref<2048xi32, #tpu.memory_space<vmem>>, vector<16xi32>,
      %swap3A_588 = vector.shape_cast %swap3A_587 : vector<16xi32> to vector<16xi32>
      %swap3A_589 = vector.shape_cast %broadcast_in_dim3A_153 : vector<16xi32> to vector<16xi32>
      tpu.vector_store %arg9[%swap3A_586], %swap3A_589 {strides = array<i32>} : memref<2048xi32, #tpu.memory_space<vmem>>, vector<16xi32>,
      %swap3A_590 = arith.constant 1744 : index
      %swap3A_591 = tpu.vector_load %arg9[%swap3A_590] {strides = array<i32>} : memref<2048xi32, #tpu.memory_space<vmem>>, vector<16xi32>,
      %swap3A_592 = vector.shape_cast %swap3A_591 : vector<16xi32> to vector<16xi32>
      %swap3A_593 = vector.shape_cast %broadcast_in_dim3A_153 : vector<16xi32> to vector<16xi32>
      tpu.vector_store %arg9[%swap3A_590], %swap3A_593 {strides = array<i32>} : memref<2048xi32, #tpu.memory_space<vmem>>, vector<16xi32>,
      %swap3A_594 = arith.constant 1760 : index
      %swap3A_595 = tpu.vector_load %arg9[%swap3A_594] {strides = array<i32>} : memref<2048xi32, #tpu.memory_space<vmem>>, vector<16xi32>,
      %swap3A_596 = vector.shape_cast %swap3A_595 : vector<16xi32> to vector<16xi32>
      %swap3A_597 = vector.shape_cast %broadcast_in_dim3A_153 : vector<16xi32> to vector<16xi32>
      tpu.vector_store %arg9[%swap3A_594], %swap3A_597 {strides = array<i32>} : memref<2048xi32, #tpu.memory_space<vmem>>, vector<16xi32>,
      %swap3A_598 = arith.constant 1776 : index
      %swap3A_599 = tpu.vector_load %arg9[%swap3A_598] {strides = array<i32>} : memref<2048xi32, #tpu.memory_space<vmem>>, vector<16xi32>,
      %swap3A_600 = vector.shape_cast %swap3A_599 : vector<16xi32> to vector<16xi32>
      %swap3A_601 = vector.shape_cast %broadcast_in_dim3A_153 : vector<16xi32> to vector<16xi32>
      tpu.vector_store %arg9[%swap3A_598], %swap3A_601 {strides = array<i32>} : memref<2048xi32, #tpu.memory_space<vmem>>, vector<16xi32>,
      %swap3A_602 = arith.constant 1792 : index
      %swap3A_603 = tpu.vector_load %arg9[%swap3A_602] {strides = array<i32>} : memref<2048xi32, #tpu.memory_space<vmem>>, vector<16xi32>,
      %swap3A_604 = vector.shape_cast %swap3A_603 : vector<16xi32> to vector<16xi32>
      %swap3A_605 = vector.shape_cast %broadcast_in_dim3A_153 : vector<16xi32> to vector<16xi32>
      tpu.vector_store %arg9[%swap3A_602], %swap3A_605 {strides = array<i32>} : memref<2048xi32, #tpu.memory_space<vmem>>, vector<16xi32>,
      %swap3A_606 = arith.constant 1808 : index
      %swap3A_607 = tpu.vector_load %arg9[%swap3A_606] {strides = array<i32>} : memref<2048xi32, #tpu.memory_space<vmem>>, vector<16xi32>,
      %swap3A_608 = vector.shape_cast %swap3A_607 : vector<16xi32> to vector<16xi32>
      %swap3A_609 = vector.shape_cast %broadcast_in_dim3A_153 : vector<16xi32> to vector<16xi32>
      tpu.vector_store %arg9[%swap3A_606], %swap3A_609 {strides = array<i32>} : memref<2048xi32, #tpu.memory_space<vmem>>, vector<16xi32>,
      %swap3A_610 = arith.constant 1824 : index
      %swap3A_611 = tpu.vector_load %arg9[%swap3A_610] {strides = array<i32>} : memref<2048xi32, #tpu.memory_space<vmem>>, vector<16xi32>,
      %swap3A_612 = vector.shape_cast %swap3A_611 : vector<16xi32> to vector<16xi32>
      %swap3A_613 = vector.shape_cast %broadcast_in_dim3A_153 : vector<16xi32> to vector<16xi32>
      tpu.vector_store %arg9[%swap3A_610], %swap3A_613 {strides = array<i32>} : memref<2048xi32, #tpu.memory_space<vmem>>, vector<16xi32>,
      %swap3A_614 = arith.constant 1840 : index
      %swap3A_615 = tpu.vector_load %arg9[%swap3A_614] {strides = array<i32>} : memref<2048xi32, #tpu.memory_space<vmem>>, vector<16xi32>,
      %swap3A_616 = vector.shape_cast %swap3A_615 : vector<16xi32> to vector<16xi32>
      %swap3A_617 = vector.shape_cast %broadcast_in_dim3A_153 : vector<16xi32> to vector<16xi32>
      tpu.vector_store %arg9[%swap3A_614], %swap3A_617 {strides = array<i32>} : memref<2048xi32, #tpu.memory_space<vmem>>, vector<16xi32>,
      %swap3A_618 = arith.constant 1856 : index
      %swap3A_619 = tpu.vector_load %arg9[%swap3A_618] {strides = array<i32>} : memref<2048xi32, #tpu.memory_space<vmem>>, vector<16xi32>,
      %swap3A_620 = vector.shape_cast %swap3A_619 : vector<16xi32> to vector<16xi32>
      %swap3A_621 = vector.shape_cast %broadcast_in_dim3A_153 : vector<16xi32> to vector<16xi32>
      tpu.vector_store %arg9[%swap3A_618], %swap3A_621 {strides = array<i32>} : memref<2048xi32, #tpu.memory_space<vmem>>, vector<16xi32>,
      %swap3A_622 = arith.constant 1872 : index
      %swap3A_623 = tpu.vector_load %arg9[%swap3A_622] {strides = array<i32>} : memref<2048xi32, #tpu.memory_space<vmem>>, vector<16xi32>,
      %swap3A_624 = vector.shape_cast %swap3A_623 : vector<16xi32> to vector<16xi32>
      %swap3A_625 = vector.shape_cast %broadcast_in_dim3A_153 : vector<16xi32> to vector<16xi32>
      tpu.vector_store %arg9[%swap3A_622], %swap3A_625 {strides = array<i32>} : memref<2048xi32, #tpu.memory_space<vmem>>, vector<16xi32>,
      %swap3A_626 = arith.constant 1888 : index
      %swap3A_627 = tpu.vector_load %arg9[%swap3A_626] {strides = array<i32>} : memref<2048xi32, #tpu.memory_space<vmem>>, vector<16xi32>,
      %swap3A_628 = vector.shape_cast %swap3A_627 : vector<16xi32> to vector<16xi32>
      %swap3A_629 = vector.shape_cast %broadcast_in_dim3A_153 : vector<16xi32> to vector<16xi32>
      tpu.vector_store %arg9[%swap3A_626], %swap3A_629 {strides = array<i32>} : memref<2048xi32, #tpu.memory_space<vmem>>, vector<16xi32>,
      %swap3A_630 = arith.constant 1904 : index
      %swap3A_631 = tpu.vector_load %arg9[%swap3A_630] {strides = array<i32>} : memref<2048xi32, #tpu.memory_space<vmem>>, vector<16xi32>,
      %swap3A_632 = vector.shape_cast %swap3A_631 : vector<16xi32> to vector<16xi32>
      %swap3A_633 = vector.shape_cast %broadcast_in_dim3A_153 : vector<16xi32> to vector<16xi32>
      tpu.vector_store %arg9[%swap3A_630], %swap3A_633 {strides = array<i32>} : memref<2048xi32, #tpu.memory_space<vmem>>, vector<16xi32>,
      %swap3A_634 = arith.constant 1920 : index
      %swap3A_635 = tpu.vector_load %arg9[%swap3A_634] {strides = array<i32>} : memref<2048xi32, #tpu.memory_space<vmem>>, vector<16xi32>,
      %swap3A_636 = vector.shape_cast %swap3A_635 : vector<16xi32> to vector<16xi32>
      %swap3A_637 = vector.shape_cast %broadcast_in_dim3A_153 : vector<16xi32> to vector<16xi32>
      tpu.vector_store %arg9[%swap3A_634], %swap3A_637 {strides = array<i32>} : memref<2048xi32, #tpu.memory_space<vmem>>, vector<16xi32>,
      %swap3A_638 = arith.constant 1936 : index
      %swap3A_639 = tpu.vector_load %arg9[%swap3A_638] {strides = array<i32>} : memref<2048xi32, #tpu.memory_space<vmem>>, vector<16xi32>,
      %swap3A_640 = vector.shape_cast %swap3A_639 : vector<16xi32> to vector<16xi32>
      %swap3A_641 = vector.shape_cast %broadcast_in_dim3A_153 : vector<16xi32> to vector<16xi32>
      tpu.vector_store %arg9[%swap3A_638], %swap3A_641 {strides = array<i32>} : memref<2048xi32, #tpu.memory_space<vmem>>, vector<16xi32>,
      %swap3A_642 = arith.constant 1952 : index
      %swap3A_643 = tpu.vector_load %arg9[%swap3A_642] {strides = array<i32>} : memref<2048xi32, #tpu.memory_space<vmem>>, vector<16xi32>,
      %swap3A_644 = vector.shape_cast %swap3A_643 : vector<16xi32> to vector<16xi32>
      %swap3A_645 = vector.shape_cast %broadcast_in_dim3A_153 : vector<16xi32> to vector<16xi32>
      tpu.vector_store %arg9[%swap3A_642], %swap3A_645 {strides = array<i32>} : memref<2048xi32, #tpu.memory_space<vmem>>, vector<16xi32>,
      %swap3A_646 = arith.constant 1968 : index
      %swap3A_647 = tpu.vector_load %arg9[%swap3A_646] {strides = array<i32>} : memref<2048xi32, #tpu.memory_space<vmem>>, vector<16xi32>,
      %swap3A_648 = vector.shape_cast %swap3A_647 : vector<16xi32> to vector<16xi32>
      %swap3A_649 = vector.shape_cast %broadcast_in_dim3A_153 : vector<16xi32> to vector<16xi32>
      tpu.vector_store %arg9[%swap3A_646], %swap3A_649 {strides = array<i32>} : memref<2048xi32, #tpu.memory_space<vmem>>, vector<16xi32>,
      %swap3A_650 = arith.constant 1984 : index
      %swap3A_651 = tpu.vector_load %arg9[%swap3A_650] {strides = array<i32>} : memref<2048xi32, #tpu.memory_space<vmem>>, vector<16xi32>,
      %swap3A_652 = vector.shape_cast %swap3A_651 : vector<16xi32> to vector<16xi32>
      %swap3A_653 = vector.shape_cast %broadcast_in_dim3A_153 : vector<16xi32> to vector<16xi32>
      tpu.vector_store %arg9[%swap3A_650], %swap3A_653 {strides = array<i32>} : memref<2048xi32, #tpu.memory_space<vmem>>, vector<16xi32>,
      %swap3A_654 = arith.constant 2000 : index
      %swap3A_655 = tpu.vector_load %arg9[%swap3A_654] {strides = array<i32>} : memref<2048xi32, #tpu.memory_space<vmem>>, vector<16xi32>,
      %swap3A_656 = vector.shape_cast %swap3A_655 : vector<16xi32> to vector<16xi32>
      %swap3A_657 = vector.shape_cast %broadcast_in_dim3A_153 : vector<16xi32> to vector<16xi32>
      tpu.vector_store %arg9[%swap3A_654], %swap3A_657 {strides = array<i32>} : memref<2048xi32, #tpu.memory_space<vmem>>, vector<16xi32>,
      %swap3A_658 = arith.constant 2016 : index
      %swap3A_659 = tpu.vector_load %arg9[%swap3A_658] {strides = array<i32>} : memref<2048xi32, #tpu.memory_space<vmem>>, vector<16xi32>,
      %swap3A_660 = vector.shape_cast %swap3A_659 : vector<16xi32> to vector<16xi32>
      %swap3A_661 = vector.shape_cast %broadcast_in_dim3A_153 : vector<16xi32> to vector<16xi32>
      tpu.vector_store %arg9[%swap3A_658], %swap3A_661 {strides = array<i32>} : memref<2048xi32, #tpu.memory_space<vmem>>, vector<16xi32>,
      %swap3A_662 = arith.constant 2032 : index
      %swap3A_663 = tpu.vector_load %arg9[%swap3A_662] {strides = array<i32>} : memref<2048xi32, #tpu.memory_space<vmem>>, vector<16xi32>,
      %swap3A_664 = vector.shape_cast %swap3A_663 : vector<16xi32> to vector<16xi32>
      %swap3A_665 = vector.shape_cast %broadcast_in_dim3A_153 : vector<16xi32> to vector<16xi32>
      tpu.vector_store %arg9[%swap3A_662], %swap3A_665 {strides = array<i32>} : memref<2048xi32, #tpu.memory_space<vmem>>, vector<16xi32>,
      %swap3A_666 = arith.constant 0 : i32
      %swap3A_667 = arith.constant 0 : i32
      %swap3A_668 = arith.index_cast %swap3A_667 : i32 to index
      %swap3A_669 = memref.load %arg11[%swap3A_668] : memref<1xi32, #tpu.memory_space<smem>>
      memref.store %swap3A_666, %arg11[%swap3A_668] : memref<1xi32, #tpu.memory_space<smem>>
      %dma_start3A = arith.constant 704 : i32
      %dma_start3A_670 = arith.constant 0 : i32
      %dma_start3A_671 = tpu.memref_slice %arg2[%add3A, %dma_start3A, %dma_start3A_670] : memref<16x2048x1024xf32, #tpu.memory_space<hbm>> -> memref<1x48x1024xf32, #tpu.memory_space<hbm>>
      %dma_start3A_672 = tpu.memref_squeeze %dma_start3A_671 : memref<1x48x1024xf32, #tpu.memory_space<hbm>> -> memref<48x1024xf32, #tpu.memory_space<hbm>>
      %dma_start3A_673 = arith.constant 704 : i32
      %dma_start3A_674 = arith.constant 0 : i32
      %dma_start3A_675 = tpu.memref_slice %arg2[%add3A, %dma_start3A_673, %dma_start3A_674] : memref<16x2048x1024xf32, #tpu.memory_space<hbm>> -> memref<1x48x1024xf32, #tpu.memory_space<hbm>>
      %dma_start3A_676 = tpu.memref_squeeze %dma_start3A_675 : memref<1x48x1024xf32, #tpu.memory_space<hbm>> -> memref<48x1024xf32, #tpu.memory_space<hbm>>
      tpu.enqueue_dma source(%dma_start3A_676 : memref<48x1024xf32, #tpu.memory_space<hbm>>) target(%arg5 : memref<48x1024xf32, #tpu.memory_space<vmem>>) target_semaphore(%arg12 : memref<!tpu.dma_semaphore, #tpu.memory_space<semaphore_mem>>)
      %scan3A = arith.constant 1 : i32
      %scan3A_677 = arith.constant 1073741824 : i32
      %scan3A_678 = arith.constant 1 : i32
      %scan3A_679 = arith.constant 0.000000e+00 : f32
      %scan3A_680 = arith.constant 0 : i32
      %scan3A_681 = arith.constant 14 : i32
      %scan3A_682 = arith.addi %scan3A_680, %scan3A_681 : i32
      %scan3A_683 = arith.constant 1 : i32
      %scan3A_684 = scf.for %scan3A_693 = %scan3A_680 to %scan3A_682 step %scan3A_683 iter_args(%scan3A_694 = %scan3A_679) -> (f32)  : i32 {
        %mul3A_695 = arith.constant 2 : i32
        %mul3A_696 = arith.muli %mul3A_695, %scan3A_693 : i32
        %add3A_697 = arith.constant 0 : i32
        %add3A_698 = arith.addi %mul3A_696, %add3A_697 : i32
        %add3A_699 = arith.constant 1 : i32
        %add3A_700 = arith.addi %add3A_698, %add3A_699 : i32
        %lt3A_701 = arith.constant 28 : i32
        %lt3A_702 = arith.cmpi slt, %add3A_700, %lt3A_701 : i32
        %convert_element_type3A_703 = arith.extui %lt3A_702 : i1 to i32
        %cond3A_704 = arith.constant 0 : i32
        %cond3A_705 = arith.cmpi ne, %convert_element_type3A_703, %cond3A_704 : i32
        scf.if %cond3A_705 {
          %add3A_757 = arith.constant 1 : i32
          %add3A_758 = arith.addi %add3A_698, %add3A_757 : i32
          %mul3A_759 = arith.constant 48 : i32
          %mul3A_760 = arith.muli %add3A_758, %mul3A_759 : i32
          %add3A_761 = arith.constant 704 : i32
          %add3A_762 = arith.addi %add3A_761, %mul3A_760 : i32
          %dma_start3A_763 = arith.constant 0 : i32
          %dma_start3A_764 = tpu.memref_slice %arg2[%add3A, %add3A_762, %dma_start3A_763] : memref<16x2048x1024xf32, #tpu.memory_space<hbm>> -> memref<1x48x1024xf32, #tpu.memory_space<hbm>>
          %dma_start3A_765 = tpu.memref_squeeze %dma_start3A_764 : memref<1x48x1024xf32, #tpu.memory_space<hbm>> -> memref<48x1024xf32, #tpu.memory_space<hbm>>
          %dma_start3A_766 = arith.constant 0 : i32
          %dma_start3A_767 = tpu.memref_slice %arg2[%add3A, %add3A_762, %dma_start3A_766] : memref<16x2048x1024xf32, #tpu.memory_space<hbm>> -> memref<1x48x1024xf32, #tpu.memory_space<hbm>>
          %dma_start3A_768 = tpu.memref_squeeze %dma_start3A_767 : memref<1x48x1024xf32, #tpu.memory_space<hbm>> -> memref<48x1024xf32, #tpu.memory_space<hbm>>
          tpu.enqueue_dma source(%dma_start3A_768 : memref<48x1024xf32, #tpu.memory_space<hbm>>) target(%arg6 : memref<48x1024xf32, #tpu.memory_space<vmem>>) target_semaphore(%arg13 : memref<!tpu.dma_semaphore, #tpu.memory_space<semaphore_mem>>)
        } else {
        }
        %mul3A_706 = arith.constant 48 : i32
        %mul3A_707 = arith.muli %add3A_698, %mul3A_706 : i32
        %add3A_708 = arith.constant 704 : i32
        %add3A_709 = arith.addi %add3A_708, %mul3A_707 : i32
        %dma_wait3A = arith.constant 0 : i32
        %dma_wait3A_710 = tpu.memref_slice %arg2[%add3A, %add3A_709, %dma_wait3A] : memref<16x2048x1024xf32, #tpu.memory_space<hbm>> -> memref<1x48x1024xf32, #tpu.memory_space<hbm>>
        %dma_wait3A_711 = tpu.memref_squeeze %dma_wait3A_710 : memref<1x48x1024xf32, #tpu.memory_space<hbm>> -> memref<48x1024xf32, #tpu.memory_space<hbm>>
        %dma_wait3A_712 = arith.constant 0 : i32
        %dma_wait3A_713 = tpu.memref_slice %arg2[%add3A, %add3A_709, %dma_wait3A_712] : memref<16x2048x1024xf32, #tpu.memory_space<hbm>> -> memref<1x48x1024xf32, #tpu.memory_space<hbm>>
        %dma_wait3A_714 = tpu.memref_squeeze %dma_wait3A_713 : memref<1x48x1024xf32, #tpu.memory_space<hbm>> -> memref<48x1024xf32, #tpu.memory_space<hbm>>
        tpu.wait_dma2 semaphore(%arg12 : memref<!tpu.dma_semaphore, #tpu.memory_space<semaphore_mem>>) src(%dma_wait3A_714 : memref<48x1024xf32, #tpu.memory_space<hbm>>) dst(%arg5 : memref<48x1024xf32, #tpu.memory_space<vmem>>)
        %ge3A = arith.constant 1 : i32
        %ge3A_715 = arith.cmpi sge, %add3A_698, %ge3A : i32
        %get3A = arith.constant 0 : i32
        %get3A_716 = arith.index_cast %get3A : i32 to index
        %get3A_717 = memref.load %arg11[%get3A_716] : memref<1xi32, #tpu.memory_space<smem>>
        %lt3A_718 = arith.constant 1023 : i32
        %lt3A_719 = arith.cmpi slt, %get3A_717, %lt3A_718 : i32
        %and3A = arith.andi %ge3A_715, %lt3A_719 : i1
        %convert_element_type3A_720 = arith.extui %and3A : i1 to i32
        %cond3A_721 = arith.constant 0 : i32
        %cond3A_722 = arith.cmpi ne, %convert_element_type3A_720, %cond3A_721 : i32
        %cond3A_723 = scf.if %cond3A_722 -> (f32) {
          %get3A_757 = arith.constant 0 : index
          %get3A_758 = tpu.vector_load %arg8[%get3A_757] {strides = array<i32>} : memref<32xi32, #tpu.memory_space<vmem>>, vector<16xi32>,
          %get3A_759 = vector.shape_cast %get3A_758 : vector<16xi32> to vector<16xi32>
          %get3A_760 = arith.constant 16 : index
          %get3A_761 = tpu.vector_load %arg8[%get3A_760] {strides = array<i32>} : memref<32xi32, #tpu.memory_space<vmem>>, vector<16xi32>,
          %get3A_762 = vector.shape_cast %get3A_761 : vector<16xi32> to vector<16xi32>
          %scan3A_763 = arith.constant 0 : i32
          %scan3A_764 = arith.constant 48 : i32
          %scan3A_765 = arith.addi %scan3A_763, %scan3A_764 : i32
          %scan3A_766 = arith.constant 1 : i32
          %scan3A_767:3 = scf.for %scan3A_777 = %scan3A_763 to %scan3A_765 step %scan3A_766 iter_args(%scan3A_778 = %get3A_759, %scan3A_779 = %get3A_762, %scan3A_780 = %scan3A_694) -> (vector<16xi32>, vector<16xi32>, f32)  : i32 {
            %mul3A_781 = arith.constant 48 : i32
            %mul3A_782 = arith.muli %add3A_698, %mul3A_781 : i32
            %add3A_783 = arith.constant 704 : i32
            %add3A_784 = arith.addi %add3A_783, %mul3A_782 : i32
            %add3A_785 = arith.addi %add3A_784, %scan3A_777 : i32
            %broadcast_in_dim3A_786 = arith.constant 0 : i32
            %broadcast_in_dim3A_787 = vector.broadcast %broadcast_in_dim3A_786 : i32 to vector<16xi32>
            %get3A_788 = arith.index_cast %scan3A_777 : i32 to index
            %get3A_789 = arith.constant 0 : index
            %get3A_790 = tpu.vector_load %arg5[%get3A_788, %get3A_789] {strides = array<i32>} : memref<48x1024xf32, #tpu.memory_space<vmem>>, vector<1x16xf32>,
            %get3A_791 = vector.shape_cast %get3A_790 : vector<1x16xf32> to vector<16xf32>
            %bitcast_convert_type3A = tpu.bitcast %get3A_791 : vector<16xf32> -> vector<16xi32>
            %and3A_792 = arith.andi %bitcast_convert_type3A, %sub3A_6 : vector<16xi32>
            %get3A_793 = arith.constant 0 : index
            %get3A_794 = tpu.vector_load %arg7[%get3A_793] {strides = array<i32>} : memref<512xi32, #tpu.memory_space<vmem>>, vector<16xi32>,
            %get3A_795 = vector.shape_cast %get3A_794 : vector<16xi32> to vector<16xi32>
            %min3A_796 = arith.minui %and3A_792, %get3A_795 : vector<16xi32>
            %get3A_797 = arith.index_cast %scan3A_777 : i32 to index
            %get3A_798 = arith.constant 16 : index
            %get3A_799 = tpu.vector_load %arg5[%get3A_797, %get3A_798] {strides = array<i32>} : memref<48x1024xf32, #tpu.memory_space<vmem>>, vector<1x16xf32>,
            %get3A_800 = vector.shape_cast %get3A_799 : vector<1x16xf32> to vector<16xf32>
            %bitcast_convert_type3A_801 = tpu.bitcast %get3A_800 : vector<16xf32> -> vector<16xi32>
            %get3A_802 = arith.constant 16 : index
            %get3A_803 = tpu.vector_load %arg7[%get3A_802] {strides = array<i32>} : memref<512xi32, #tpu.memory_space<vmem>>, vector<16xi32>,
            %get3A_804 = vector.shape_cast %get3A_803 : vector<16xi32> to vector<16xi32>
            %min3A_805 = arith.minui %bitcast_convert_type3A_801, %get3A_804 : vector<16xi32>
            %max3A = arith.maxui %min3A_796, %min3A_805 : vector<16xi32>
            %sub3A_806 = arith.subi %max3A, %min3A_796 : vector<16xi32>
            %min3A_807 = vector.broadcast %scan3A : i32 to vector<16xi32>
            %min3A_808 = arith.minui %sub3A_806, %min3A_807 : vector<16xi32>
            %mul3A_809 = arith.constant 16 : i32
            %mul3A_810 = vector.broadcast %mul3A_809 : i32 to vector<16xi32>
            %mul3A_811 = arith.muli %min3A_808, %mul3A_810 : vector<16xi32>
            %max3A_812 = arith.maxui %broadcast_in_dim3A_787, %mul3A_811 : vector<16xi32>
            %get3A_813 = arith.index_cast %scan3A_777 : i32 to index
            %get3A_814 = arith.constant 32 : index
            %get3A_815 = tpu.vector_load %arg5[%get3A_813, %get3A_814] {strides = array<i32>} : memref<48x1024xf32, #tpu.memory_space<vmem>>, vector<1x16xf32>,
            %get3A_816 = vector.shape_cast %get3A_815 : vector<1x16xf32> to vector<16xf32>
            %bitcast_convert_type3A_817 = tpu.bitcast %get3A_816 : vector<16xf32> -> vector<16xi32>
            %get3A_818 = arith.constant 32 : index
            %get3A_819 = tpu.vector_load %arg7[%get3A_818] {strides = array<i32>} : memref<512xi32, #tpu.memory_space<vmem>>, vector<16xi32>,
            %get3A_820 = vector.shape_cast %get3A_819 : vector<16xi32> to vector<16xi32>
            %min3A_821 = arith.minui %bitcast_convert_type3A_817, %get3A_820 : vector<16xi32>
            %max3A_822 = arith.maxui %max3A, %min3A_821 : vector<16xi32>
            %sub3A_823 = arith.subi %max3A_822, %max3A : vector<16xi32>
            %min3A_824 = vector.broadcast %scan3A : i32 to vector<16xi32>
            %min3A_825 = arith.minui %sub3A_823, %min3A_824 : vector<16xi32>
            %mul3A_826 = arith.constant 32 : i32
            %mul3A_827 = vector.broadcast %mul3A_826 : i32 to vector<16xi32>
            %mul3A_828 = arith.muli %min3A_825, %mul3A_827 : vector<16xi32>
            %max3A_829 = arith.maxui %max3A_812, %mul3A_828 : vector<16xi32>
            %get3A_830 = arith.index_cast %scan3A_777 : i32 to index
            %get3A_831 = arith.constant 48 : index
            %get3A_832 = tpu.vector_load %arg5[%get3A_830, %get3A_831] {strides = array<i32>} : memref<48x1024xf32, #tpu.memory_space<vmem>>, vector<1x16xf32>,
            %get3A_833 = vector.shape_cast %get3A_832 : vector<1x16xf32> to vector<16xf32>
            %bitcast_convert_type3A_834 = tpu.bitcast %get3A_833 : vector<16xf32> -> vector<16xi32>
            %get3A_835 = arith.constant 48 : index
            %get3A_836 = tpu.vector_load %arg7[%get3A_835] {strides = array<i32>} : memref<512xi32, #tpu.memory_space<vmem>>, vector<16xi32>,
            %get3A_837 = vector.shape_cast %get3A_836 : vector<16xi32> to vector<16xi32>
            %min3A_838 = arith.minui %bitcast_convert_type3A_834, %get3A_837 : vector<16xi32>
            %max3A_839 = arith.maxui %max3A_822, %min3A_838 : vector<16xi32>
            %sub3A_840 = arith.subi %max3A_839, %max3A_822 : vector<16xi32>
            %min3A_841 = vector.broadcast %scan3A : i32 to vector<16xi32>
            %min3A_842 = arith.minui %sub3A_840, %min3A_841 : vector<16xi32>
            %mul3A_843 = arith.constant 48 : i32
            %mul3A_844 = vector.broadcast %mul3A_843 : i32 to vector<16xi32>
            %mul3A_845 = arith.muli %min3A_842, %mul3A_844 : vector<16xi32>
            %max3A_846 = arith.maxui %max3A_829, %mul3A_845 : vector<16xi32>
            %get3A_847 = arith.index_cast %scan3A_777 : i32 to index
            %get3A_848 = arith.constant 64 : index
            %get3A_849 = tpu.vector_load %arg5[%get3A_847, %get3A_848] {strides = array<i32>} : memref<48x1024xf32, #tpu.memory_space<vmem>>, vector<1x16xf32>,
            %get3A_850 = vector.shape_cast %get3A_849 : vector<1x16xf32> to vector<16xf32>
            %bitcast_convert_type3A_851 = tpu.bitcast %get3A_850 : vector<16xf32> -> vector<16xi32>
            %get3A_852 = arith.constant 64 : index
            %get3A_853 = tpu.vector_load %arg7[%get3A_852] {strides = array<i32>} : memref<512xi32, #tpu.memory_space<vmem>>, vector<16xi32>,
            %get3A_854 = vector.shape_cast %get3A_853 : vector<16xi32> to vector<16xi32>
            %min3A_855 = arith.minui %bitcast_convert_type3A_851, %get3A_854 : vector<16xi32>
            %max3A_856 = arith.maxui %max3A_839, %min3A_855 : vector<16xi32>
            %sub3A_857 = arith.subi %max3A_856, %max3A_839 : vector<16xi32>
            %min3A_858 = vector.broadcast %scan3A : i32 to vector<16xi32>
            %min3A_859 = arith.minui %sub3A_857, %min3A_858 : vector<16xi32>
            %mul3A_860 = arith.constant 64 : i32
            %mul3A_861 = vector.broadcast %mul3A_860 : i32 to vector<16xi32>
            %mul3A_862 = arith.muli %min3A_859, %mul3A_861 : vector<16xi32>
            %max3A_863 = arith.maxui %max3A_846, %mul3A_862 : vector<16xi32>
            %get3A_864 = arith.index_cast %scan3A_777 : i32 to index
            %get3A_865 = arith.constant 80 : index
            %get3A_866 = tpu.vector_load %arg5[%get3A_864, %get3A_865] {strides = array<i32>} : memref<48x1024xf32, #tpu.memory_space<vmem>>, vector<1x16xf32>,
            %get3A_867 = vector.shape_cast %get3A_866 : vector<1x16xf32> to vector<16xf32>
            %bitcast_convert_type3A_868 = tpu.bitcast %get3A_867 : vector<16xf32> -> vector<16xi32>
            %get3A_869 = arith.constant 80 : index
            %get3A_870 = tpu.vector_load %arg7[%get3A_869] {strides = array<i32>} : memref<512xi32, #tpu.memory_space<vmem>>, vector<16xi32>,
            %get3A_871 = vector.shape_cast %get3A_870 : vector<16xi32> to vector<16xi32>
            %min3A_872 = arith.minui %bitcast_convert_type3A_868, %get3A_871 : vector<16xi32>
            %max3A_873 = arith.maxui %max3A_856, %min3A_872 : vector<16xi32>
            %sub3A_874 = arith.subi %max3A_873, %max3A_856 : vector<16xi32>
            %min3A_875 = vector.broadcast %scan3A : i32 to vector<16xi32>
            %min3A_876 = arith.minui %sub3A_874, %min3A_875 : vector<16xi32>
            %mul3A_877 = arith.constant 80 : i32
            %mul3A_878 = vector.broadcast %mul3A_877 : i32 to vector<16xi32>
            %mul3A_879 = arith.muli %min3A_876, %mul3A_878 : vector<16xi32>
            %max3A_880 = arith.maxui %max3A_863, %mul3A_879 : vector<16xi32>
            %get3A_881 = arith.index_cast %scan3A_777 : i32 to index
            %get3A_882 = arith.constant 96 : index
            %get3A_883 = tpu.vector_load %arg5[%get3A_881, %get3A_882] {strides = array<i32>} : memref<48x1024xf32, #tpu.memory_space<vmem>>, vector<1x16xf32>,
            %get3A_884 = vector.shape_cast %get3A_883 : vector<1x16xf32> to vector<16xf32>
            %bitcast_convert_type3A_885 = tpu.bitcast %get3A_884 : vector<16xf32> -> vector<16xi32>
            %get3A_886 = arith.constant 96 : index
            %get3A_887 = tpu.vector_load %arg7[%get3A_886] {strides = array<i32>} : memref<512xi32, #tpu.memory_space<vmem>>, vector<16xi32>,
            %get3A_888 = vector.shape_cast %get3A_887 : vector<16xi32> to vector<16xi32>
            %min3A_889 = arith.minui %bitcast_convert_type3A_885, %get3A_888 : vector<16xi32>
            %max3A_890 = arith.maxui %max3A_873, %min3A_889 : vector<16xi32>
            %sub3A_891 = arith.subi %max3A_890, %max3A_873 : vector<16xi32>
            %min3A_892 = vector.broadcast %scan3A : i32 to vector<16xi32>
            %min3A_893 = arith.minui %sub3A_891, %min3A_892 : vector<16xi32>
            %mul3A_894 = arith.constant 96 : i32
            %mul3A_895 = vector.broadcast %mul3A_894 : i32 to vector<16xi32>
            %mul3A_896 = arith.muli %min3A_893, %mul3A_895 : vector<16xi32>
            %max3A_897 = arith.maxui %max3A_880, %mul3A_896 : vector<16xi32>
            %get3A_898 = arith.index_cast %scan3A_777 : i32 to index
            %get3A_899 = arith.constant 112 : index
            %get3A_900 = tpu.vector_load %arg5[%get3A_898, %get3A_899] {strides = array<i32>} : memref<48x1024xf32, #tpu.memory_space<vmem>>, vector<1x16xf32>,
            %get3A_901 = vector.shape_cast %get3A_900 : vector<1x16xf32> to vector<16xf32>
            %bitcast_convert_type3A_902 = tpu.bitcast %get3A_901 : vector<16xf32> -> vector<16xi32>
            %get3A_903 = arith.constant 112 : index
            %get3A_904 = tpu.vector_load %arg7[%get3A_903] {strides = array<i32>} : memref<512xi32, #tpu.memory_space<vmem>>, vector<16xi32>,
            %get3A_905 = vector.shape_cast %get3A_904 : vector<16xi32> to vector<16xi32>
            %min3A_906 = arith.minui %bitcast_convert_type3A_902, %get3A_905 : vector<16xi32>
            %max3A_907 = arith.maxui %max3A_890, %min3A_906 : vector<16xi32>
            %sub3A_908 = arith.subi %max3A_907, %max3A_890 : vector<16xi32>
            %min3A_909 = vector.broadcast %scan3A : i32 to vector<16xi32>
            %min3A_910 = arith.minui %sub3A_908, %min3A_909 : vector<16xi32>
            %mul3A_911 = arith.constant 112 : i32
            %mul3A_912 = vector.broadcast %mul3A_911 : i32 to vector<16xi32>
            %mul3A_913 = arith.muli %min3A_910, %mul3A_912 : vector<16xi32>
            %max3A_914 = arith.maxui %max3A_897, %mul3A_913 : vector<16xi32>
            %get3A_915 = arith.index_cast %scan3A_777 : i32 to index
            %get3A_916 = arith.constant 128 : index
            %get3A_917 = tpu.vector_load %arg5[%get3A_915, %get3A_916] {strides = array<i32>} : memref<48x1024xf32, #tpu.memory_space<vmem>>, vector<1x16xf32>,
            %get3A_918 = vector.shape_cast %get3A_917 : vector<1x16xf32> to vector<16xf32>
            %bitcast_convert_type3A_919 = tpu.bitcast %get3A_918 : vector<16xf32> -> vector<16xi32>
            %get3A_920 = arith.constant 128 : index
            %get3A_921 = tpu.vector_load %arg7[%get3A_920] {strides = array<i32>} : memref<512xi32, #tpu.memory_space<vmem>>, vector<16xi32>,
            %get3A_922 = vector.shape_cast %get3A_921 : vector<16xi32> to vector<16xi32>
            %min3A_923 = arith.minui %bitcast_convert_type3A_919, %get3A_922 : vector<16xi32>
            %max3A_924 = arith.maxui %max3A_907, %min3A_923 : vector<16xi32>
            %sub3A_925 = arith.subi %max3A_924, %max3A_907 : vector<16xi32>
            %min3A_926 = vector.broadcast %scan3A : i32 to vector<16xi32>
            %min3A_927 = arith.minui %sub3A_925, %min3A_926 : vector<16xi32>
            %mul3A_928 = arith.constant 128 : i32
            %mul3A_929 = vector.broadcast %mul3A_928 : i32 to vector<16xi32>
            %mul3A_930 = arith.muli %min3A_927, %mul3A_929 : vector<16xi32>
            %max3A_931 = arith.maxui %max3A_914, %mul3A_930 : vector<16xi32>
            %get3A_932 = arith.index_cast %scan3A_777 : i32 to index
            %get3A_933 = arith.constant 144 : index
            %get3A_934 = tpu.vector_load %arg5[%get3A_932, %get3A_933] {strides = array<i32>} : memref<48x1024xf32, #tpu.memory_space<vmem>>, vector<1x16xf32>,
            %get3A_935 = vector.shape_cast %get3A_934 : vector<1x16xf32> to vector<16xf32>
            %bitcast_convert_type3A_936 = tpu.bitcast %get3A_935 : vector<16xf32> -> vector<16xi32>
            %get3A_937 = arith.constant 144 : index
            %get3A_938 = tpu.vector_load %arg7[%get3A_937] {strides = array<i32>} : memref<512xi32, #tpu.memory_space<vmem>>, vector<16xi32>,
            %get3A_939 = vector.shape_cast %get3A_938 : vector<16xi32> to vector<16xi32>
            %min3A_940 = arith.minui %bitcast_convert_type3A_936, %get3A_939 : vector<16xi32>
            %max3A_941 = arith.maxui %max3A_924, %min3A_940 : vector<16xi32>
            %sub3A_942 = arith.subi %max3A_941, %max3A_924 : vector<16xi32>
            %min3A_943 = vector.broadcast %scan3A : i32 to vector<16xi32>
            %min3A_944 = arith.minui %sub3A_942, %min3A_943 : vector<16xi32>
            %mul3A_945 = arith.constant 144 : i32
            %mul3A_946 = vector.broadcast %mul3A_945 : i32 to vector<16xi32>
            %mul3A_947 = arith.muli %min3A_944, %mul3A_946 : vector<16xi32>
            %max3A_948 = arith.maxui %max3A_931, %mul3A_947 : vector<16xi32>
            %get3A_949 = arith.index_cast %scan3A_777 : i32 to index
            %get3A_950 = arith.constant 160 : index
            %get3A_951 = tpu.vector_load %arg5[%get3A_949, %get3A_950] {strides = array<i32>} : memref<48x1024xf32, #tpu.memory_space<vmem>>, vector<1x16xf32>,
            %get3A_952 = vector.shape_cast %get3A_951 : vector<1x16xf32> to vector<16xf32>
            %bitcast_convert_type3A_953 = tpu.bitcast %get3A_952 : vector<16xf32> -> vector<16xi32>
            %get3A_954 = arith.constant 160 : index
            %get3A_955 = tpu.vector_load %arg7[%get3A_954] {strides = array<i32>} : memref<512xi32, #tpu.memory_space<vmem>>, vector<16xi32>,
            %get3A_956 = vector.shape_cast %get3A_955 : vector<16xi32> to vector<16xi32>
            %min3A_957 = arith.minui %bitcast_convert_type3A_953, %get3A_956 : vector<16xi32>
            %max3A_958 = arith.maxui %max3A_941, %min3A_957 : vector<16xi32>
            %sub3A_959 = arith.subi %max3A_958, %max3A_941 : vector<16xi32>
            %min3A_960 = vector.broadcast %scan3A : i32 to vector<16xi32>
            %min3A_961 = arith.minui %sub3A_959, %min3A_960 : vector<16xi32>
            %mul3A_962 = arith.constant 160 : i32
            %mul3A_963 = vector.broadcast %mul3A_962 : i32 to vector<16xi32>
            %mul3A_964 = arith.muli %min3A_961, %mul3A_963 : vector<16xi32>
            %max3A_965 = arith.maxui %max3A_948, %mul3A_964 : vector<16xi32>
            %get3A_966 = arith.index_cast %scan3A_777 : i32 to index
            %get3A_967 = arith.constant 176 : index
            %get3A_968 = tpu.vector_load %arg5[%get3A_966, %get3A_967] {strides = array<i32>} : memref<48x1024xf32, #tpu.memory_space<vmem>>, vector<1x16xf32>,
            %get3A_969 = vector.shape_cast %get3A_968 : vector<1x16xf32> to vector<16xf32>
            %bitcast_convert_type3A_970 = tpu.bitcast %get3A_969 : vector<16xf32> -> vector<16xi32>
            %get3A_971 = arith.constant 176 : index
            %get3A_972 = tpu.vector_load %arg7[%get3A_971] {strides = array<i32>} : memref<512xi32, #tpu.memory_space<vmem>>, vector<16xi32>,
            %get3A_973 = vector.shape_cast %get3A_972 : vector<16xi32> to vector<16xi32>
            %min3A_974 = arith.minui %bitcast_convert_type3A_970, %get3A_973 : vector<16xi32>
            %max3A_975 = arith.maxui %max3A_958, %min3A_974 : vector<16xi32>
            %sub3A_976 = arith.subi %max3A_975, %max3A_958 : vector<16xi32>
            %min3A_977 = vector.broadcast %scan3A : i32 to vector<16xi32>
            %min3A_978 = arith.minui %sub3A_976, %min3A_977 : vector<16xi32>
            %mul3A_979 = arith.constant 176 : i32
            %mul3A_980 = vector.broadcast %mul3A_979 : i32 to vector<16xi32>
            %mul3A_981 = arith.muli %min3A_978, %mul3A_980 : vector<16xi32>
            %max3A_982 = arith.maxui %max3A_965, %mul3A_981 : vector<16xi32>
            %get3A_983 = arith.index_cast %scan3A_777 : i32 to index
            %get3A_984 = arith.constant 192 : index
            %get3A_985 = tpu.vector_load %arg5[%get3A_983, %get3A_984] {strides = array<i32>} : memref<48x1024xf32, #tpu.memory_space<vmem>>, vector<1x16xf32>,
            %get3A_986 = vector.shape_cast %get3A_985 : vector<1x16xf32> to vector<16xf32>
            %bitcast_convert_type3A_987 = tpu.bitcast %get3A_986 : vector<16xf32> -> vector<16xi32>
            %get3A_988 = arith.constant 192 : index
            %get3A_989 = tpu.vector_load %arg7[%get3A_988] {strides = array<i32>} : memref<512xi32, #tpu.memory_space<vmem>>, vector<16xi32>,
            %get3A_990 = vector.shape_cast %get3A_989 : vector<16xi32> to vector<16xi32>
            %min3A_991 = arith.minui %bitcast_convert_type3A_987, %get3A_990 : vector<16xi32>
            %max3A_992 = arith.maxui %max3A_975, %min3A_991 : vector<16xi32>
            %sub3A_993 = arith.subi %max3A_992, %max3A_975 : vector<16xi32>
            %min3A_994 = vector.broadcast %scan3A : i32 to vector<16xi32>
            %min3A_995 = arith.minui %sub3A_993, %min3A_994 : vector<16xi32>
            %mul3A_996 = arith.constant 192 : i32
            %mul3A_997 = vector.broadcast %mul3A_996 : i32 to vector<16xi32>
            %mul3A_998 = arith.muli %min3A_995, %mul3A_997 : vector<16xi32>
            %max3A_999 = arith.maxui %max3A_982, %mul3A_998 : vector<16xi32>
            %get3A_1000 = arith.index_cast %scan3A_777 : i32 to index
            %get3A_1001 = arith.constant 208 : index
            %get3A_1002 = tpu.vector_load %arg5[%get3A_1000, %get3A_1001] {strides = array<i32>} : memref<48x1024xf32, #tpu.memory_space<vmem>>, vector<1x16xf32>,
            %get3A_1003 = vector.shape_cast %get3A_1002 : vector<1x16xf32> to vector<16xf32>
            %bitcast_convert_type3A_1004 = tpu.bitcast %get3A_1003 : vector<16xf32> -> vector<16xi32>
            %get3A_1005 = arith.constant 208 : index
            %get3A_1006 = tpu.vector_load %arg7[%get3A_1005] {strides = array<i32>} : memref<512xi32, #tpu.memory_space<vmem>>, vector<16xi32>,
            %get3A_1007 = vector.shape_cast %get3A_1006 : vector<16xi32> to vector<16xi32>
            %min3A_1008 = arith.minui %bitcast_convert_type3A_1004, %get3A_1007 : vector<16xi32>
            %max3A_1009 = arith.maxui %max3A_992, %min3A_1008 : vector<16xi32>
            %sub3A_1010 = arith.subi %max3A_1009, %max3A_992 : vector<16xi32>
            %min3A_1011 = vector.broadcast %scan3A : i32 to vector<16xi32>
            %min3A_1012 = arith.minui %sub3A_1010, %min3A_1011 : vector<16xi32>
            %mul3A_1013 = arith.constant 208 : i32
            %mul3A_1014 = vector.broadcast %mul3A_1013 : i32 to vector<16xi32>
            %mul3A_1015 = arith.muli %min3A_1012, %mul3A_1014 : vector<16xi32>
            %max3A_1016 = arith.maxui %max3A_999, %mul3A_1015 : vector<16xi32>
            %get3A_1017 = arith.index_cast %scan3A_777 : i32 to index
            %get3A_1018 = arith.constant 224 : index
            %get3A_1019 = tpu.vector_load %arg5[%get3A_1017, %get3A_1018] {strides = array<i32>} : memref<48x1024xf32, #tpu.memory_space<vmem>>, vector<1x16xf32>,
            %get3A_1020 = vector.shape_cast %get3A_1019 : vector<1x16xf32> to vector<16xf32>
            %bitcast_convert_type3A_1021 = tpu.bitcast %get3A_1020 : vector<16xf32> -> vector<16xi32>
            %get3A_1022 = arith.constant 224 : index
            %get3A_1023 = tpu.vector_load %arg7[%get3A_1022] {strides = array<i32>} : memref<512xi32, #tpu.memory_space<vmem>>, vector<16xi32>,
            %get3A_1024 = vector.shape_cast %get3A_1023 : vector<16xi32> to vector<16xi32>
            %min3A_1025 = arith.minui %bitcast_convert_type3A_1021, %get3A_1024 : vector<16xi32>
            %max3A_1026 = arith.maxui %max3A_1009, %min3A_1025 : vector<16xi32>
            %sub3A_1027 = arith.subi %max3A_1026, %max3A_1009 : vector<16xi32>
            %min3A_1028 = vector.broadcast %scan3A : i32 to vector<16xi32>
            %min3A_1029 = arith.minui %sub3A_1027, %min3A_1028 : vector<16xi32>
            %mul3A_1030 = arith.constant 224 : i32
            %mul3A_1031 = vector.broadcast %mul3A_1030 : i32 to vector<16xi32>
            %mul3A_1032 = arith.muli %min3A_1029, %mul3A_1031 : vector<16xi32>
            %max3A_1033 = arith.maxui %max3A_1016, %mul3A_1032 : vector<16xi32>
            %get3A_1034 = arith.index_cast %scan3A_777 : i32 to index
            %get3A_1035 = arith.constant 240 : index
            %get3A_1036 = tpu.vector_load %arg5[%get3A_1034, %get3A_1035] {strides = array<i32>} : memref<48x1024xf32, #tpu.memory_space<vmem>>, vector<1x16xf32>,
            %get3A_1037 = vector.shape_cast %get3A_1036 : vector<1x16xf32> to vector<16xf32>
            %bitcast_convert_type3A_1038 = tpu.bitcast %get3A_1037 : vector<16xf32> -> vector<16xi32>
            %get3A_1039 = arith.constant 240 : index
            %get3A_1040 = tpu.vector_load %arg7[%get3A_1039] {strides = array<i32>} : memref<512xi32, #tpu.memory_space<vmem>>, vector<16xi32>,
            %get3A_1041 = vector.shape_cast %get3A_1040 : vector<16xi32> to vector<16xi32>
            %min3A_1042 = arith.minui %bitcast_convert_type3A_1038, %get3A_1041 : vector<16xi32>
            %max3A_1043 = arith.maxui %max3A_1026, %min3A_1042 : vector<16xi32>
            %sub3A_1044 = arith.subi %max3A_1043, %max3A_1026 : vector<16xi32>
            %min3A_1045 = vector.broadcast %scan3A : i32 to vector<16xi32>
            %min3A_1046 = arith.minui %sub3A_1044, %min3A_1045 : vector<16xi32>
            %mul3A_1047 = arith.constant 240 : i32
            %mul3A_1048 = vector.broadcast %mul3A_1047 : i32 to vector<16xi32>
            %mul3A_1049 = arith.muli %min3A_1046, %mul3A_1048 : vector<16xi32>
            %max3A_1050 = arith.maxui %max3A_1033, %mul3A_1049 : vector<16xi32>
            %broadcast_in_dim3A_1051 = arith.constant 256 : i32
            %broadcast_in_dim3A_1052 = vector.broadcast %broadcast_in_dim3A_1051 : i32 to vector<16xi32>
            %get3A_1053 = arith.index_cast %scan3A_777 : i32 to index
            %get3A_1054 = arith.constant 256 : index
            %get3A_1055 = tpu.vector_load %arg5[%get3A_1053, %get3A_1054] {strides = array<i32>} : memref<48x1024xf32, #tpu.memory_space<vmem>>, vector<1x16xf32>,
            %get3A_1056 = vector.shape_cast %get3A_1055 : vector<1x16xf32> to vector<16xf32>
            %bitcast_convert_type3A_1057 = tpu.bitcast %get3A_1056 : vector<16xf32> -> vector<16xi32>
            %get3A_1058 = arith.constant 256 : index
            %get3A_1059 = tpu.vector_load %arg7[%get3A_1058] {strides = array<i32>} : memref<512xi32, #tpu.memory_space<vmem>>, vector<16xi32>,
            %get3A_1060 = vector.shape_cast %get3A_1059 : vector<16xi32> to vector<16xi32>
            %min3A_1061 = arith.minui %bitcast_convert_type3A_1057, %get3A_1060 : vector<16xi32>
            %get3A_1062 = arith.index_cast %scan3A_777 : i32 to index
            %get3A_1063 = arith.constant 272 : index
            %get3A_1064 = tpu.vector_load %arg5[%get3A_1062, %get3A_1063] {strides = array<i32>} : memref<48x1024xf32, #tpu.memory_space<vmem>>, vector<1x16xf32>,
            %get3A_1065 = vector.shape_cast %get3A_1064 : vector<1x16xf32> to vector<16xf32>
            %bitcast_convert_type3A_1066 = tpu.bitcast %get3A_1065 : vector<16xf32> -> vector<16xi32>
            %get3A_1067 = arith.constant 272 : index
            %get3A_1068 = tpu.vector_load %arg7[%get3A_1067] {strides = array<i32>} : memref<512xi32, #tpu.memory_space<vmem>>, vector<16xi32>,
            %get3A_1069 = vector.shape_cast %get3A_1068 : vector<16xi32> to vector<16xi32>
            %min3A_1070 = arith.minui %bitcast_convert_type3A_1066, %get3A_1069 : vector<16xi32>
            %max3A_1071 = arith.maxui %min3A_1061, %min3A_1070 : vector<16xi32>
            %sub3A_1072 = arith.subi %max3A_1071, %min3A_1061 : vector<16xi32>
            %min3A_1073 = vector.broadcast %scan3A : i32 to vector<16xi32>
            %min3A_1074 = arith.minui %sub3A_1072, %min3A_1073 : vector<16xi32>
            %mul3A_1075 = arith.constant 272 : i32
            %mul3A_1076 = vector.broadcast %mul3A_1075 : i32 to vector<16xi32>
            %mul3A_1077 = arith.muli %min3A_1074, %mul3A_1076 : vector<16xi32>
            %max3A_1078 = arith.maxui %broadcast_in_dim3A_1052, %mul3A_1077 : vector<16xi32>
            %get3A_1079 = arith.index_cast %scan3A_777 : i32 to index
            %get3A_1080 = arith.constant 288 : index
            %get3A_1081 = tpu.vector_load %arg5[%get3A_1079, %get3A_1080] {strides = array<i32>} : memref<48x1024xf32, #tpu.memory_space<vmem>>, vector<1x16xf32>,
            %get3A_1082 = vector.shape_cast %get3A_1081 : vector<1x16xf32> to vector<16xf32>
            %bitcast_convert_type3A_1083 = tpu.bitcast %get3A_1082 : vector<16xf32> -> vector<16xi32>
            %get3A_1084 = arith.constant 288 : index
            %get3A_1085 = tpu.vector_load %arg7[%get3A_1084] {strides = array<i32>} : memref<512xi32, #tpu.memory_space<vmem>>, vector<16xi32>,
            %get3A_1086 = vector.shape_cast %get3A_1085 : vector<16xi32> to vector<16xi32>
            %min3A_1087 = arith.minui %bitcast_convert_type3A_1083, %get3A_1086 : vector<16xi32>
            %max3A_1088 = arith.maxui %max3A_1071, %min3A_1087 : vector<16xi32>
            %sub3A_1089 = arith.subi %max3A_1088, %max3A_1071 : vector<16xi32>
            %min3A_1090 = vector.broadcast %scan3A : i32 to vector<16xi32>
            %min3A_1091 = arith.minui %sub3A_1089, %min3A_1090 : vector<16xi32>
            %mul3A_1092 = arith.constant 288 : i32
            %mul3A_1093 = vector.broadcast %mul3A_1092 : i32 to vector<16xi32>
            %mul3A_1094 = arith.muli %min3A_1091, %mul3A_1093 : vector<16xi32>
            %max3A_1095 = arith.maxui %max3A_1078, %mul3A_1094 : vector<16xi32>
            %get3A_1096 = arith.index_cast %scan3A_777 : i32 to index
            %get3A_1097 = arith.constant 304 : index
            %get3A_1098 = tpu.vector_load %arg5[%get3A_1096, %get3A_1097] {strides = array<i32>} : memref<48x1024xf32, #tpu.memory_space<vmem>>, vector<1x16xf32>,
            %get3A_1099 = vector.shape_cast %get3A_1098 : vector<1x16xf32> to vector<16xf32>
            %bitcast_convert_type3A_1100 = tpu.bitcast %get3A_1099 : vector<16xf32> -> vector<16xi32>
            %get3A_1101 = arith.constant 304 : index
            %get3A_1102 = tpu.vector_load %arg7[%get3A_1101] {strides = array<i32>} : memref<512xi32, #tpu.memory_space<vmem>>, vector<16xi32>,
            %get3A_1103 = vector.shape_cast %get3A_1102 : vector<16xi32> to vector<16xi32>
            %min3A_1104 = arith.minui %bitcast_convert_type3A_1100, %get3A_1103 : vector<16xi32>
            %max3A_1105 = arith.maxui %max3A_1088, %min3A_1104 : vector<16xi32>
            %sub3A_1106 = arith.subi %max3A_1105, %max3A_1088 : vector<16xi32>
            %min3A_1107 = vector.broadcast %scan3A : i32 to vector<16xi32>
            %min3A_1108 = arith.minui %sub3A_1106, %min3A_1107 : vector<16xi32>
            %mul3A_1109 = arith.constant 304 : i32
            %mul3A_1110 = vector.broadcast %mul3A_1109 : i32 to vector<16xi32>
            %mul3A_1111 = arith.muli %min3A_1108, %mul3A_1110 : vector<16xi32>
            %max3A_1112 = arith.maxui %max3A_1095, %mul3A_1111 : vector<16xi32>
            %get3A_1113 = arith.index_cast %scan3A_777 : i32 to index
            %get3A_1114 = arith.constant 320 : index
            %get3A_1115 = tpu.vector_load %arg5[%get3A_1113, %get3A_1114] {strides = array<i32>} : memref<48x1024xf32, #tpu.memory_space<vmem>>, vector<1x16xf32>,
            %get3A_1116 = vector.shape_cast %get3A_1115 : vector<1x16xf32> to vector<16xf32>
            %bitcast_convert_type3A_1117 = tpu.bitcast %get3A_1116 : vector<16xf32> -> vector<16xi32>
            %get3A_1118 = arith.constant 320 : index
            %get3A_1119 = tpu.vector_load %arg7[%get3A_1118] {strides = array<i32>} : memref<512xi32, #tpu.memory_space<vmem>>, vector<16xi32>,
            %get3A_1120 = vector.shape_cast %get3A_1119 : vector<16xi32> to vector<16xi32>
            %min3A_1121 = arith.minui %bitcast_convert_type3A_1117, %get3A_1120 : vector<16xi32>
            %max3A_1122 = arith.maxui %max3A_1105, %min3A_1121 : vector<16xi32>
            %sub3A_1123 = arith.subi %max3A_1122, %max3A_1105 : vector<16xi32>
            %min3A_1124 = vector.broadcast %scan3A : i32 to vector<16xi32>
            %min3A_1125 = arith.minui %sub3A_1123, %min3A_1124 : vector<16xi32>
            %mul3A_1126 = arith.constant 320 : i32
            %mul3A_1127 = vector.broadcast %mul3A_1126 : i32 to vector<16xi32>
            %mul3A_1128 = arith.muli %min3A_1125, %mul3A_1127 : vector<16xi32>
            %max3A_1129 = arith.maxui %max3A_1112, %mul3A_1128 : vector<16xi32>
            %get3A_1130 = arith.index_cast %scan3A_777 : i32 to index
            %get3A_1131 = arith.constant 336 : index
            %get3A_1132 = tpu.vector_load %arg5[%get3A_1130, %get3A_1131] {strides = array<i32>} : memref<48x1024xf32, #tpu.memory_space<vmem>>, vector<1x16xf32>,
            %get3A_1133 = vector.shape_cast %get3A_1132 : vector<1x16xf32> to vector<16xf32>
            %bitcast_convert_type3A_1134 = tpu.bitcast %get3A_1133 : vector<16xf32> -> vector<16xi32>
            %get3A_1135 = arith.constant 336 : index
            %get3A_1136 = tpu.vector_load %arg7[%get3A_1135] {strides = array<i32>} : memref<512xi32, #tpu.memory_space<vmem>>, vector<16xi32>,
            %get3A_1137 = vector.shape_cast %get3A_1136 : vector<16xi32> to vector<16xi32>
            %min3A_1138 = arith.minui %bitcast_convert_type3A_1134, %get3A_1137 : vector<16xi32>
            %max3A_1139 = arith.maxui %max3A_1122, %min3A_1138 : vector<16xi32>
            %sub3A_1140 = arith.subi %max3A_1139, %max3A_1122 : vector<16xi32>
            %min3A_1141 = vector.broadcast %scan3A : i32 to vector<16xi32>
            %min3A_1142 = arith.minui %sub3A_1140, %min3A_1141 : vector<16xi32>
            %mul3A_1143 = arith.constant 336 : i32
            %mul3A_1144 = vector.broadcast %mul3A_1143 : i32 to vector<16xi32>
            %mul3A_1145 = arith.muli %min3A_1142, %mul3A_1144 : vector<16xi32>
            %max3A_1146 = arith.maxui %max3A_1129, %mul3A_1145 : vector<16xi32>
            %get3A_1147 = arith.index_cast %scan3A_777 : i32 to index
            %get3A_1148 = arith.constant 352 : index
            %get3A_1149 = tpu.vector_load %arg5[%get3A_1147, %get3A_1148] {strides = array<i32>} : memref<48x1024xf32, #tpu.memory_space<vmem>>, vector<1x16xf32>,
            %get3A_1150 = vector.shape_cast %get3A_1149 : vector<1x16xf32> to vector<16xf32>
            %bitcast_convert_type3A_1151 = tpu.bitcast %get3A_1150 : vector<16xf32> -> vector<16xi32>
            %get3A_1152 = arith.constant 352 : index
            %get3A_1153 = tpu.vector_load %arg7[%get3A_1152] {strides = array<i32>} : memref<512xi32, #tpu.memory_space<vmem>>, vector<16xi32>,
            %get3A_1154 = vector.shape_cast %get3A_1153 : vector<16xi32> to vector<16xi32>
            %min3A_1155 = arith.minui %bitcast_convert_type3A_1151, %get3A_1154 : vector<16xi32>
            %max3A_1156 = arith.maxui %max3A_1139, %min3A_1155 : vector<16xi32>
            %sub3A_1157 = arith.subi %max3A_1156, %max3A_1139 : vector<16xi32>
            %min3A_1158 = vector.broadcast %scan3A : i32 to vector<16xi32>
            %min3A_1159 = arith.minui %sub3A_1157, %min3A_1158 : vector<16xi32>
            %mul3A_1160 = arith.constant 352 : i32
            %mul3A_1161 = vector.broadcast %mul3A_1160 : i32 to vector<16xi32>
            %mul3A_1162 = arith.muli %min3A_1159, %mul3A_1161 : vector<16xi32>
            %max3A_1163 = arith.maxui %max3A_1146, %mul3A_1162 : vector<16xi32>
            %get3A_1164 = arith.index_cast %scan3A_777 : i32 to index
            %get3A_1165 = arith.constant 368 : index
            %get3A_1166 = tpu.vector_load %arg5[%get3A_1164, %get3A_1165] {strides = array<i32>} : memref<48x1024xf32, #tpu.memory_space<vmem>>, vector<1x16xf32>,
            %get3A_1167 = vector.shape_cast %get3A_1166 : vector<1x16xf32> to vector<16xf32>
            %bitcast_convert_type3A_1168 = tpu.bitcast %get3A_1167 : vector<16xf32> -> vector<16xi32>
            %get3A_1169 = arith.constant 368 : index
            %get3A_1170 = tpu.vector_load %arg7[%get3A_1169] {strides = array<i32>} : memref<512xi32, #tpu.memory_space<vmem>>, vector<16xi32>,
            %get3A_1171 = vector.shape_cast %get3A_1170 : vector<16xi32> to vector<16xi32>
            %min3A_1172 = arith.minui %bitcast_convert_type3A_1168, %get3A_1171 : vector<16xi32>
            %max3A_1173 = arith.maxui %max3A_1156, %min3A_1172 : vector<16xi32>
            %sub3A_1174 = arith.subi %max3A_1173, %max3A_1156 : vector<16xi32>
            %min3A_1175 = vector.broadcast %scan3A : i32 to vector<16xi32>
            %min3A_1176 = arith.minui %sub3A_1174, %min3A_1175 : vector<16xi32>
            %mul3A_1177 = arith.constant 368 : i32
            %mul3A_1178 = vector.broadcast %mul3A_1177 : i32 to vector<16xi32>
            %mul3A_1179 = arith.muli %min3A_1176, %mul3A_1178 : vector<16xi32>
            %max3A_1180 = arith.maxui %max3A_1163, %mul3A_1179 : vector<16xi32>
            %get3A_1181 = arith.index_cast %scan3A_777 : i32 to index
            %get3A_1182 = arith.constant 384 : index
            %get3A_1183 = tpu.vector_load %arg5[%get3A_1181, %get3A_1182] {strides = array<i32>} : memref<48x1024xf32, #tpu.memory_space<vmem>>, vector<1x16xf32>,
            %get3A_1184 = vector.shape_cast %get3A_1183 : vector<1x16xf32> to vector<16xf32>
            %bitcast_convert_type3A_1185 = tpu.bitcast %get3A_1184 : vector<16xf32> -> vector<16xi32>
            %get3A_1186 = arith.constant 384 : index
            %get3A_1187 = tpu.vector_load %arg7[%get3A_1186] {strides = array<i32>} : memref<512xi32, #tpu.memory_space<vmem>>, vector<16xi32>,
            %get3A_1188 = vector.shape_cast %get3A_1187 : vector<16xi32> to vector<16xi32>
            %min3A_1189 = arith.minui %bitcast_convert_type3A_1185, %get3A_1188 : vector<16xi32>
            %max3A_1190 = arith.maxui %max3A_1173, %min3A_1189 : vector<16xi32>
            %sub3A_1191 = arith.subi %max3A_1190, %max3A_1173 : vector<16xi32>
            %min3A_1192 = vector.broadcast %scan3A : i32 to vector<16xi32>
            %min3A_1193 = arith.minui %sub3A_1191, %min3A_1192 : vector<16xi32>
            %mul3A_1194 = arith.constant 384 : i32
            %mul3A_1195 = vector.broadcast %mul3A_1194 : i32 to vector<16xi32>
            %mul3A_1196 = arith.muli %min3A_1193, %mul3A_1195 : vector<16xi32>
            %max3A_1197 = arith.maxui %max3A_1180, %mul3A_1196 : vector<16xi32>
            %get3A_1198 = arith.index_cast %scan3A_777 : i32 to index
            %get3A_1199 = arith.constant 400 : index
            %get3A_1200 = tpu.vector_load %arg5[%get3A_1198, %get3A_1199] {strides = array<i32>} : memref<48x1024xf32, #tpu.memory_space<vmem>>, vector<1x16xf32>,
            %get3A_1201 = vector.shape_cast %get3A_1200 : vector<1x16xf32> to vector<16xf32>
            %bitcast_convert_type3A_1202 = tpu.bitcast %get3A_1201 : vector<16xf32> -> vector<16xi32>
            %get3A_1203 = arith.constant 400 : index
            %get3A_1204 = tpu.vector_load %arg7[%get3A_1203] {strides = array<i32>} : memref<512xi32, #tpu.memory_space<vmem>>, vector<16xi32>,
            %get3A_1205 = vector.shape_cast %get3A_1204 : vector<16xi32> to vector<16xi32>
            %min3A_1206 = arith.minui %bitcast_convert_type3A_1202, %get3A_1205 : vector<16xi32>
            %max3A_1207 = arith.maxui %max3A_1190, %min3A_1206 : vector<16xi32>
            %sub3A_1208 = arith.subi %max3A_1207, %max3A_1190 : vector<16xi32>
            %min3A_1209 = vector.broadcast %scan3A : i32 to vector<16xi32>
            %min3A_1210 = arith.minui %sub3A_1208, %min3A_1209 : vector<16xi32>
            %mul3A_1211 = arith.constant 400 : i32
            %mul3A_1212 = vector.broadcast %mul3A_1211 : i32 to vector<16xi32>
            %mul3A_1213 = arith.muli %min3A_1210, %mul3A_1212 : vector<16xi32>
            %max3A_1214 = arith.maxui %max3A_1197, %mul3A_1213 : vector<16xi32>
            %get3A_1215 = arith.index_cast %scan3A_777 : i32 to index
            %get3A_1216 = arith.constant 416 : index
            %get3A_1217 = tpu.vector_load %arg5[%get3A_1215, %get3A_1216] {strides = array<i32>} : memref<48x1024xf32, #tpu.memory_space<vmem>>, vector<1x16xf32>,
            %get3A_1218 = vector.shape_cast %get3A_1217 : vector<1x16xf32> to vector<16xf32>
            %bitcast_convert_type3A_1219 = tpu.bitcast %get3A_1218 : vector<16xf32> -> vector<16xi32>
            %get3A_1220 = arith.constant 416 : index
            %get3A_1221 = tpu.vector_load %arg7[%get3A_1220] {strides = array<i32>} : memref<512xi32, #tpu.memory_space<vmem>>, vector<16xi32>,
            %get3A_1222 = vector.shape_cast %get3A_1221 : vector<16xi32> to vector<16xi32>
            %min3A_1223 = arith.minui %bitcast_convert_type3A_1219, %get3A_1222 : vector<16xi32>
            %max3A_1224 = arith.maxui %max3A_1207, %min3A_1223 : vector<16xi32>
            %sub3A_1225 = arith.subi %max3A_1224, %max3A_1207 : vector<16xi32>
            %min3A_1226 = vector.broadcast %scan3A : i32 to vector<16xi32>
            %min3A_1227 = arith.minui %sub3A_1225, %min3A_1226 : vector<16xi32>
            %mul3A_1228 = arith.constant 416 : i32
            %mul3A_1229 = vector.broadcast %mul3A_1228 : i32 to vector<16xi32>
            %mul3A_1230 = arith.muli %min3A_1227, %mul3A_1229 : vector<16xi32>
            %max3A_1231 = arith.maxui %max3A_1214, %mul3A_1230 : vector<16xi32>
            %get3A_1232 = arith.index_cast %scan3A_777 : i32 to index
            %get3A_1233 = arith.constant 432 : index
            %get3A_1234 = tpu.vector_load %arg5[%get3A_1232, %get3A_1233] {strides = array<i32>} : memref<48x1024xf32, #tpu.memory_space<vmem>>, vector<1x16xf32>,
            %get3A_1235 = vector.shape_cast %get3A_1234 : vector<1x16xf32> to vector<16xf32>
            %bitcast_convert_type3A_1236 = tpu.bitcast %get3A_1235 : vector<16xf32> -> vector<16xi32>
            %get3A_1237 = arith.constant 432 : index
            %get3A_1238 = tpu.vector_load %arg7[%get3A_1237] {strides = array<i32>} : memref<512xi32, #tpu.memory_space<vmem>>, vector<16xi32>,
            %get3A_1239 = vector.shape_cast %get3A_1238 : vector<16xi32> to vector<16xi32>
            %min3A_1240 = arith.minui %bitcast_convert_type3A_1236, %get3A_1239 : vector<16xi32>
            %max3A_1241 = arith.maxui %max3A_1224, %min3A_1240 : vector<16xi32>
            %sub3A_1242 = arith.subi %max3A_1241, %max3A_1224 : vector<16xi32>
            %min3A_1243 = vector.broadcast %scan3A : i32 to vector<16xi32>
            %min3A_1244 = arith.minui %sub3A_1242, %min3A_1243 : vector<16xi32>
            %mul3A_1245 = arith.constant 432 : i32
            %mul3A_1246 = vector.broadcast %mul3A_1245 : i32 to vector<16xi32>
            %mul3A_1247 = arith.muli %min3A_1244, %mul3A_1246 : vector<16xi32>
            %max3A_1248 = arith.maxui %max3A_1231, %mul3A_1247 : vector<16xi32>
            %get3A_1249 = arith.index_cast %scan3A_777 : i32 to index
            %get3A_1250 = arith.constant 448 : index
            %get3A_1251 = tpu.vector_load %arg5[%get3A_1249, %get3A_1250] {strides = array<i32>} : memref<48x1024xf32, #tpu.memory_space<vmem>>, vector<1x16xf32>,
            %get3A_1252 = vector.shape_cast %get3A_1251 : vector<1x16xf32> to vector<16xf32>
            %bitcast_convert_type3A_1253 = tpu.bitcast %get3A_1252 : vector<16xf32> -> vector<16xi32>
            %get3A_1254 = arith.constant 448 : index
            %get3A_1255 = tpu.vector_load %arg7[%get3A_1254] {strides = array<i32>} : memref<512xi32, #tpu.memory_space<vmem>>, vector<16xi32>,
            %get3A_1256 = vector.shape_cast %get3A_1255 : vector<16xi32> to vector<16xi32>
            %min3A_1257 = arith.minui %bitcast_convert_type3A_1253, %get3A_1256 : vector<16xi32>
            %max3A_1258 = arith.maxui %max3A_1241, %min3A_1257 : vector<16xi32>
            %sub3A_1259 = arith.subi %max3A_1258, %max3A_1241 : vector<16xi32>
            %min3A_1260 = vector.broadcast %scan3A : i32 to vector<16xi32>
            %min3A_1261 = arith.minui %sub3A_1259, %min3A_1260 : vector<16xi32>
            %mul3A_1262 = arith.constant 448 : i32
            %mul3A_1263 = vector.broadcast %mul3A_1262 : i32 to vector<16xi32>
            %mul3A_1264 = arith.muli %min3A_1261, %mul3A_1263 : vector<16xi32>
            %max3A_1265 = arith.maxui %max3A_1248, %mul3A_1264 : vector<16xi32>
            %get3A_1266 = arith.index_cast %scan3A_777 : i32 to index
            %get3A_1267 = arith.constant 464 : index
            %get3A_1268 = tpu.vector_load %arg5[%get3A_1266, %get3A_1267] {strides = array<i32>} : memref<48x1024xf32, #tpu.memory_space<vmem>>, vector<1x16xf32>,
            %get3A_1269 = vector.shape_cast %get3A_1268 : vector<1x16xf32> to vector<16xf32>
            %bitcast_convert_type3A_1270 = tpu.bitcast %get3A_1269 : vector<16xf32> -> vector<16xi32>
            %get3A_1271 = arith.constant 464 : index
            %get3A_1272 = tpu.vector_load %arg7[%get3A_1271] {strides = array<i32>} : memref<512xi32, #tpu.memory_space<vmem>>, vector<16xi32>,
            %get3A_1273 = vector.shape_cast %get3A_1272 : vector<16xi32> to vector<16xi32>
            %min3A_1274 = arith.minui %bitcast_convert_type3A_1270, %get3A_1273 : vector<16xi32>
            %max3A_1275 = arith.maxui %max3A_1258, %min3A_1274 : vector<16xi32>
            %sub3A_1276 = arith.subi %max3A_1275, %max3A_1258 : vector<16xi32>
            %min3A_1277 = vector.broadcast %scan3A : i32 to vector<16xi32>
            %min3A_1278 = arith.minui %sub3A_1276, %min3A_1277 : vector<16xi32>
            %mul3A_1279 = arith.constant 464 : i32
            %mul3A_1280 = vector.broadcast %mul3A_1279 : i32 to vector<16xi32>
            %mul3A_1281 = arith.muli %min3A_1278, %mul3A_1280 : vector<16xi32>
            %max3A_1282 = arith.maxui %max3A_1265, %mul3A_1281 : vector<16xi32>
            %get3A_1283 = arith.index_cast %scan3A_777 : i32 to index
            %get3A_1284 = arith.constant 480 : index
            %get3A_1285 = tpu.vector_load %arg5[%get3A_1283, %get3A_1284] {strides = array<i32>} : memref<48x1024xf32, #tpu.memory_space<vmem>>, vector<1x16xf32>,
            %get3A_1286 = vector.shape_cast %get3A_1285 : vector<1x16xf32> to vector<16xf32>
            %bitcast_convert_type3A_1287 = tpu.bitcast %get3A_1286 : vector<16xf32> -> vector<16xi32>
            %get3A_1288 = arith.constant 480 : index
            %get3A_1289 = tpu.vector_load %arg7[%get3A_1288] {strides = array<i32>} : memref<512xi32, #tpu.memory_space<vmem>>, vector<16xi32>,
            %get3A_1290 = vector.shape_cast %get3A_1289 : vector<16xi32> to vector<16xi32>
            %min3A_1291 = arith.minui %bitcast_convert_type3A_1287, %get3A_1290 : vector<16xi32>
            %max3A_1292 = arith.maxui %max3A_1275, %min3A_1291 : vector<16xi32>
            %sub3A_1293 = arith.subi %max3A_1292, %max3A_1275 : vector<16xi32>
            %min3A_1294 = vector.broadcast %scan3A : i32 to vector<16xi32>
            %min3A_1295 = arith.minui %sub3A_1293, %min3A_1294 : vector<16xi32>
            %mul3A_1296 = arith.constant 480 : i32
            %mul3A_1297 = vector.broadcast %mul3A_1296 : i32 to vector<16xi32>
            %mul3A_1298 = arith.muli %min3A_1295, %mul3A_1297 : vector<16xi32>
            %max3A_1299 = arith.maxui %max3A_1282, %mul3A_1298 : vector<16xi32>
            %get3A_1300 = arith.index_cast %scan3A_777 : i32 to index
            %get3A_1301 = arith.constant 496 : index
            %get3A_1302 = tpu.vector_load %arg5[%get3A_1300, %get3A_1301] {strides = array<i32>} : memref<48x1024xf32, #tpu.memory_space<vmem>>, vector<1x16xf32>,
            %get3A_1303 = vector.shape_cast %get3A_1302 : vector<1x16xf32> to vector<16xf32>
            %bitcast_convert_type3A_1304 = tpu.bitcast %get3A_1303 : vector<16xf32> -> vector<16xi32>
            %get3A_1305 = arith.constant 496 : index
            %get3A_1306 = tpu.vector_load %arg7[%get3A_1305] {strides = array<i32>} : memref<512xi32, #tpu.memory_space<vmem>>, vector<16xi32>,
            %get3A_1307 = vector.shape_cast %get3A_1306 : vector<16xi32> to vector<16xi32>
            %min3A_1308 = arith.minui %bitcast_convert_type3A_1304, %get3A_1307 : vector<16xi32>
            %max3A_1309 = arith.maxui %max3A_1292, %min3A_1308 : vector<16xi32>
            %sub3A_1310 = arith.subi %max3A_1309, %max3A_1292 : vector<16xi32>
            %min3A_1311 = vector.broadcast %scan3A : i32 to vector<16xi32>
            %min3A_1312 = arith.minui %sub3A_1310, %min3A_1311 : vector<16xi32>
            %mul3A_1313 = arith.constant 496 : i32
            %mul3A_1314 = vector.broadcast %mul3A_1313 : i32 to vector<16xi32>
            %mul3A_1315 = arith.muli %min3A_1312, %mul3A_1314 : vector<16xi32>
            %max3A_1316 = arith.maxui %max3A_1299, %mul3A_1315 : vector<16xi32>
            %broadcast_in_dim3A_1317 = arith.constant 512 : i32
            %broadcast_in_dim3A_1318 = vector.broadcast %broadcast_in_dim3A_1317 : i32 to vector<16xi32>
            %get3A_1319 = arith.index_cast %scan3A_777 : i32 to index
            %get3A_1320 = arith.constant 512 : index
            %get3A_1321 = tpu.vector_load %arg5[%get3A_1319, %get3A_1320] {strides = array<i32>} : memref<48x1024xf32, #tpu.memory_space<vmem>>, vector<1x16xf32>,
            %get3A_1322 = vector.shape_cast %get3A_1321 : vector<1x16xf32> to vector<16xf32>
            %bitcast_convert_type3A_1323 = tpu.bitcast %get3A_1322 : vector<16xf32> -> vector<16xi32>
            %shift_left3A = arith.constant 31 : i32
            %shift_left3A_1324 = vector.broadcast %shift_left3A : i32 to vector<16xi32>
            %shift_left3A_1325 = arith.shli %scan3A_778, %shift_left3A_1324 : vector<16xi32>
            %shift_right_arithmetic3A = arith.constant 31 : i32
            %shift_right_arithmetic3A_1326 = vector.broadcast %shift_right_arithmetic3A : i32 to vector<16xi32>
            %shift_right_arithmetic3A_1327 = arith.shrsi %shift_left3A_1325, %shift_right_arithmetic3A_1326 : vector<16xi32>
            %bitcast_convert_type3A_1328 = tpu.bitcast %shift_right_arithmetic3A_1327 : vector<16xi32> -> vector<16xi32>
            %and3A_1329 = arith.andi %bitcast_convert_type3A_1323, %bitcast_convert_type3A_1328 : vector<16xi32>
            %get3A_1330 = arith.index_cast %scan3A_777 : i32 to index
            %get3A_1331 = arith.constant 528 : index
            %get3A_1332 = tpu.vector_load %arg5[%get3A_1330, %get3A_1331] {strides = array<i32>} : memref<48x1024xf32, #tpu.memory_space<vmem>>, vector<1x16xf32>,
            %get3A_1333 = vector.shape_cast %get3A_1332 : vector<1x16xf32> to vector<16xf32>
            %bitcast_convert_type3A_1334 = tpu.bitcast %get3A_1333 : vector<16xf32> -> vector<16xi32>
            %shift_left3A_1335 = arith.constant 30 : i32
            %shift_left3A_1336 = vector.broadcast %shift_left3A_1335 : i32 to vector<16xi32>
            %shift_left3A_1337 = arith.shli %scan3A_778, %shift_left3A_1336 : vector<16xi32>
            %shift_right_arithmetic3A_1338 = arith.constant 31 : i32
            %shift_right_arithmetic3A_1339 = vector.broadcast %shift_right_arithmetic3A_1338 : i32 to vector<16xi32>
            %shift_right_arithmetic3A_1340 = arith.shrsi %shift_left3A_1337, %shift_right_arithmetic3A_1339 : vector<16xi32>
            %bitcast_convert_type3A_1341 = tpu.bitcast %shift_right_arithmetic3A_1340 : vector<16xi32> -> vector<16xi32>
            %and3A_1342 = arith.andi %bitcast_convert_type3A_1334, %bitcast_convert_type3A_1341 : vector<16xi32>
            %max3A_1343 = arith.maxui %and3A_1329, %and3A_1342 : vector<16xi32>
            %sub3A_1344 = arith.subi %max3A_1343, %and3A_1329 : vector<16xi32>
            %min3A_1345 = vector.broadcast %scan3A : i32 to vector<16xi32>
            %min3A_1346 = arith.minui %sub3A_1344, %min3A_1345 : vector<16xi32>
            %mul3A_1347 = arith.constant 528 : i32
            %mul3A_1348 = vector.broadcast %mul3A_1347 : i32 to vector<16xi32>
            %mul3A_1349 = arith.muli %min3A_1346, %mul3A_1348 : vector<16xi32>
            %max3A_1350 = arith.maxui %broadcast_in_dim3A_1318, %mul3A_1349 : vector<16xi32>
            %get3A_1351 = arith.index_cast %scan3A_777 : i32 to index
            %get3A_1352 = arith.constant 544 : index
            %get3A_1353 = tpu.vector_load %arg5[%get3A_1351, %get3A_1352] {strides = array<i32>} : memref<48x1024xf32, #tpu.memory_space<vmem>>, vector<1x16xf32>,
            %get3A_1354 = vector.shape_cast %get3A_1353 : vector<1x16xf32> to vector<16xf32>
            %bitcast_convert_type3A_1355 = tpu.bitcast %get3A_1354 : vector<16xf32> -> vector<16xi32>
            %shift_left3A_1356 = arith.constant 29 : i32
            %shift_left3A_1357 = vector.broadcast %shift_left3A_1356 : i32 to vector<16xi32>
            %shift_left3A_1358 = arith.shli %scan3A_778, %shift_left3A_1357 : vector<16xi32>
            %shift_right_arithmetic3A_1359 = arith.constant 31 : i32
            %shift_right_arithmetic3A_1360 = vector.broadcast %shift_right_arithmetic3A_1359 : i32 to vector<16xi32>
            %shift_right_arithmetic3A_1361 = arith.shrsi %shift_left3A_1358, %shift_right_arithmetic3A_1360 : vector<16xi32>
            %bitcast_convert_type3A_1362 = tpu.bitcast %shift_right_arithmetic3A_1361 : vector<16xi32> -> vector<16xi32>
            %and3A_1363 = arith.andi %bitcast_convert_type3A_1355, %bitcast_convert_type3A_1362 : vector<16xi32>
            %max3A_1364 = arith.maxui %max3A_1343, %and3A_1363 : vector<16xi32>
            %sub3A_1365 = arith.subi %max3A_1364, %max3A_1343 : vector<16xi32>
            %min3A_1366 = vector.broadcast %scan3A : i32 to vector<16xi32>
            %min3A_1367 = arith.minui %sub3A_1365, %min3A_1366 : vector<16xi32>
            %mul3A_1368 = arith.constant 544 : i32
            %mul3A_1369 = vector.broadcast %mul3A_1368 : i32 to vector<16xi32>
            %mul3A_1370 = arith.muli %min3A_1367, %mul3A_1369 : vector<16xi32>
            %max3A_1371 = arith.maxui %max3A_1350, %mul3A_1370 : vector<16xi32>
            %get3A_1372 = arith.index_cast %scan3A_777 : i32 to index
            %get3A_1373 = arith.constant 560 : index
            %get3A_1374 = tpu.vector_load %arg5[%get3A_1372, %get3A_1373] {strides = array<i32>} : memref<48x1024xf32, #tpu.memory_space<vmem>>, vector<1x16xf32>,
            %get3A_1375 = vector.shape_cast %get3A_1374 : vector<1x16xf32> to vector<16xf32>
            %bitcast_convert_type3A_1376 = tpu.bitcast %get3A_1375 : vector<16xf32> -> vector<16xi32>
            %shift_left3A_1377 = arith.constant 28 : i32
            %shift_left3A_1378 = vector.broadcast %shift_left3A_1377 : i32 to vector<16xi32>
            %shift_left3A_1379 = arith.shli %scan3A_778, %shift_left3A_1378 : vector<16xi32>
            %shift_right_arithmetic3A_1380 = arith.constant 31 : i32
            %shift_right_arithmetic3A_1381 = vector.broadcast %shift_right_arithmetic3A_1380 : i32 to vector<16xi32>
            %shift_right_arithmetic3A_1382 = arith.shrsi %shift_left3A_1379, %shift_right_arithmetic3A_1381 : vector<16xi32>
            %bitcast_convert_type3A_1383 = tpu.bitcast %shift_right_arithmetic3A_1382 : vector<16xi32> -> vector<16xi32>
            %and3A_1384 = arith.andi %bitcast_convert_type3A_1376, %bitcast_convert_type3A_1383 : vector<16xi32>
            %max3A_1385 = arith.maxui %max3A_1364, %and3A_1384 : vector<16xi32>
            %sub3A_1386 = arith.subi %max3A_1385, %max3A_1364 : vector<16xi32>
            %min3A_1387 = vector.broadcast %scan3A : i32 to vector<16xi32>
            %min3A_1388 = arith.minui %sub3A_1386, %min3A_1387 : vector<16xi32>
            %mul3A_1389 = arith.constant 560 : i32
            %mul3A_1390 = vector.broadcast %mul3A_1389 : i32 to vector<16xi32>
            %mul3A_1391 = arith.muli %min3A_1388, %mul3A_1390 : vector<16xi32>
            %max3A_1392 = arith.maxui %max3A_1371, %mul3A_1391 : vector<16xi32>
            %get3A_1393 = arith.index_cast %scan3A_777 : i32 to index
            %get3A_1394 = arith.constant 576 : index
            %get3A_1395 = tpu.vector_load %arg5[%get3A_1393, %get3A_1394] {strides = array<i32>} : memref<48x1024xf32, #tpu.memory_space<vmem>>, vector<1x16xf32>,
            %get3A_1396 = vector.shape_cast %get3A_1395 : vector<1x16xf32> to vector<16xf32>
            %bitcast_convert_type3A_1397 = tpu.bitcast %get3A_1396 : vector<16xf32> -> vector<16xi32>
            %shift_left3A_1398 = arith.constant 27 : i32
            %shift_left3A_1399 = vector.broadcast %shift_left3A_1398 : i32 to vector<16xi32>
            %shift_left3A_1400 = arith.shli %scan3A_778, %shift_left3A_1399 : vector<16xi32>
            %shift_right_arithmetic3A_1401 = arith.constant 31 : i32
            %shift_right_arithmetic3A_1402 = vector.broadcast %shift_right_arithmetic3A_1401 : i32 to vector<16xi32>
            %shift_right_arithmetic3A_1403 = arith.shrsi %shift_left3A_1400, %shift_right_arithmetic3A_1402 : vector<16xi32>
            %bitcast_convert_type3A_1404 = tpu.bitcast %shift_right_arithmetic3A_1403 : vector<16xi32> -> vector<16xi32>
            %and3A_1405 = arith.andi %bitcast_convert_type3A_1397, %bitcast_convert_type3A_1404 : vector<16xi32>
            %max3A_1406 = arith.maxui %max3A_1385, %and3A_1405 : vector<16xi32>
            %sub3A_1407 = arith.subi %max3A_1406, %max3A_1385 : vector<16xi32>
            %min3A_1408 = vector.broadcast %scan3A : i32 to vector<16xi32>
            %min3A_1409 = arith.minui %sub3A_1407, %min3A_1408 : vector<16xi32>
            %mul3A_1410 = arith.constant 576 : i32
            %mul3A_1411 = vector.broadcast %mul3A_1410 : i32 to vector<16xi32>
            %mul3A_1412 = arith.muli %min3A_1409, %mul3A_1411 : vector<16xi32>
            %max3A_1413 = arith.maxui %max3A_1392, %mul3A_1412 : vector<16xi32>
            %get3A_1414 = arith.index_cast %scan3A_777 : i32 to index
            %get3A_1415 = arith.constant 592 : index
            %get3A_1416 = tpu.vector_load %arg5[%get3A_1414, %get3A_1415] {strides = array<i32>} : memref<48x1024xf32, #tpu.memory_space<vmem>>, vector<1x16xf32>,
            %get3A_1417 = vector.shape_cast %get3A_1416 : vector<1x16xf32> to vector<16xf32>
            %bitcast_convert_type3A_1418 = tpu.bitcast %get3A_1417 : vector<16xf32> -> vector<16xi32>
            %shift_left3A_1419 = arith.constant 26 : i32
            %shift_left3A_1420 = vector.broadcast %shift_left3A_1419 : i32 to vector<16xi32>
            %shift_left3A_1421 = arith.shli %scan3A_778, %shift_left3A_1420 : vector<16xi32>
            %shift_right_arithmetic3A_1422 = arith.constant 31 : i32
            %shift_right_arithmetic3A_1423 = vector.broadcast %shift_right_arithmetic3A_1422 : i32 to vector<16xi32>
            %shift_right_arithmetic3A_1424 = arith.shrsi %shift_left3A_1421, %shift_right_arithmetic3A_1423 : vector<16xi32>
            %bitcast_convert_type3A_1425 = tpu.bitcast %shift_right_arithmetic3A_1424 : vector<16xi32> -> vector<16xi32>
            %and3A_1426 = arith.andi %bitcast_convert_type3A_1418, %bitcast_convert_type3A_1425 : vector<16xi32>
            %max3A_1427 = arith.maxui %max3A_1406, %and3A_1426 : vector<16xi32>
            %sub3A_1428 = arith.subi %max3A_1427, %max3A_1406 : vector<16xi32>
            %min3A_1429 = vector.broadcast %scan3A : i32 to vector<16xi32>
            %min3A_1430 = arith.minui %sub3A_1428, %min3A_1429 : vector<16xi32>
            %mul3A_1431 = arith.constant 592 : i32
            %mul3A_1432 = vector.broadcast %mul3A_1431 : i32 to vector<16xi32>
            %mul3A_1433 = arith.muli %min3A_1430, %mul3A_1432 : vector<16xi32>
            %max3A_1434 = arith.maxui %max3A_1413, %mul3A_1433 : vector<16xi32>
            %get3A_1435 = arith.index_cast %scan3A_777 : i32 to index
            %get3A_1436 = arith.constant 608 : index
            %get3A_1437 = tpu.vector_load %arg5[%get3A_1435, %get3A_1436] {strides = array<i32>} : memref<48x1024xf32, #tpu.memory_space<vmem>>, vector<1x16xf32>,
            %get3A_1438 = vector.shape_cast %get3A_1437 : vector<1x16xf32> to vector<16xf32>
            %bitcast_convert_type3A_1439 = tpu.bitcast %get3A_1438 : vector<16xf32> -> vector<16xi32>
            %shift_left3A_1440 = arith.constant 25 : i32
            %shift_left3A_1441 = vector.broadcast %shift_left3A_1440 : i32 to vector<16xi32>
            %shift_left3A_1442 = arith.shli %scan3A_778, %shift_left3A_1441 : vector<16xi32>
            %shift_right_arithmetic3A_1443 = arith.constant 31 : i32
            %shift_right_arithmetic3A_1444 = vector.broadcast %shift_right_arithmetic3A_1443 : i32 to vector<16xi32>
            %shift_right_arithmetic3A_1445 = arith.shrsi %shift_left3A_1442, %shift_right_arithmetic3A_1444 : vector<16xi32>
            %bitcast_convert_type3A_1446 = tpu.bitcast %shift_right_arithmetic3A_1445 : vector<16xi32> -> vector<16xi32>
            %and3A_1447 = arith.andi %bitcast_convert_type3A_1439, %bitcast_convert_type3A_1446 : vector<16xi32>
            %max3A_1448 = arith.maxui %max3A_1427, %and3A_1447 : vector<16xi32>
            %sub3A_1449 = arith.subi %max3A_1448, %max3A_1427 : vector<16xi32>
            %min3A_1450 = vector.broadcast %scan3A : i32 to vector<16xi32>
            %min3A_1451 = arith.minui %sub3A_1449, %min3A_1450 : vector<16xi32>
            %mul3A_1452 = arith.constant 608 : i32
            %mul3A_1453 = vector.broadcast %mul3A_1452 : i32 to vector<16xi32>
            %mul3A_1454 = arith.muli %min3A_1451, %mul3A_1453 : vector<16xi32>
            %max3A_1455 = arith.maxui %max3A_1434, %mul3A_1454 : vector<16xi32>
            %get3A_1456 = arith.index_cast %scan3A_777 : i32 to index
            %get3A_1457 = arith.constant 624 : index
            %get3A_1458 = tpu.vector_load %arg5[%get3A_1456, %get3A_1457] {strides = array<i32>} : memref<48x1024xf32, #tpu.memory_space<vmem>>, vector<1x16xf32>,
            %get3A_1459 = vector.shape_cast %get3A_1458 : vector<1x16xf32> to vector<16xf32>
            %bitcast_convert_type3A_1460 = tpu.bitcast %get3A_1459 : vector<16xf32> -> vector<16xi32>
            %shift_left3A_1461 = arith.constant 24 : i32
            %shift_left3A_1462 = vector.broadcast %shift_left3A_1461 : i32 to vector<16xi32>
            %shift_left3A_1463 = arith.shli %scan3A_778, %shift_left3A_1462 : vector<16xi32>
            %shift_right_arithmetic3A_1464 = arith.constant 31 : i32
            %shift_right_arithmetic3A_1465 = vector.broadcast %shift_right_arithmetic3A_1464 : i32 to vector<16xi32>
            %shift_right_arithmetic3A_1466 = arith.shrsi %shift_left3A_1463, %shift_right_arithmetic3A_1465 : vector<16xi32>
            %bitcast_convert_type3A_1467 = tpu.bitcast %shift_right_arithmetic3A_1466 : vector<16xi32> -> vector<16xi32>
            %and3A_1468 = arith.andi %bitcast_convert_type3A_1460, %bitcast_convert_type3A_1467 : vector<16xi32>
            %max3A_1469 = arith.maxui %max3A_1448, %and3A_1468 : vector<16xi32>
            %sub3A_1470 = arith.subi %max3A_1469, %max3A_1448 : vector<16xi32>
            %min3A_1471 = vector.broadcast %scan3A : i32 to vector<16xi32>
            %min3A_1472 = arith.minui %sub3A_1470, %min3A_1471 : vector<16xi32>
            %mul3A_1473 = arith.constant 624 : i32
            %mul3A_1474 = vector.broadcast %mul3A_1473 : i32 to vector<16xi32>
            %mul3A_1475 = arith.muli %min3A_1472, %mul3A_1474 : vector<16xi32>
            %max3A_1476 = arith.maxui %max3A_1455, %mul3A_1475 : vector<16xi32>
            %get3A_1477 = arith.index_cast %scan3A_777 : i32 to index
            %get3A_1478 = arith.constant 640 : index
            %get3A_1479 = tpu.vector_load %arg5[%get3A_1477, %get3A_1478] {strides = array<i32>} : memref<48x1024xf32, #tpu.memory_space<vmem>>, vector<1x16xf32>,
            %get3A_1480 = vector.shape_cast %get3A_1479 : vector<1x16xf32> to vector<16xf32>
            %bitcast_convert_type3A_1481 = tpu.bitcast %get3A_1480 : vector<16xf32> -> vector<16xi32>
            %shift_left3A_1482 = arith.constant 23 : i32
            %shift_left3A_1483 = vector.broadcast %shift_left3A_1482 : i32 to vector<16xi32>
            %shift_left3A_1484 = arith.shli %scan3A_778, %shift_left3A_1483 : vector<16xi32>
            %shift_right_arithmetic3A_1485 = arith.constant 31 : i32
            %shift_right_arithmetic3A_1486 = vector.broadcast %shift_right_arithmetic3A_1485 : i32 to vector<16xi32>
            %shift_right_arithmetic3A_1487 = arith.shrsi %shift_left3A_1484, %shift_right_arithmetic3A_1486 : vector<16xi32>
            %bitcast_convert_type3A_1488 = tpu.bitcast %shift_right_arithmetic3A_1487 : vector<16xi32> -> vector<16xi32>
            %and3A_1489 = arith.andi %bitcast_convert_type3A_1481, %bitcast_convert_type3A_1488 : vector<16xi32>
            %max3A_1490 = arith.maxui %max3A_1469, %and3A_1489 : vector<16xi32>
            %sub3A_1491 = arith.subi %max3A_1490, %max3A_1469 : vector<16xi32>
            %min3A_1492 = vector.broadcast %scan3A : i32 to vector<16xi32>
            %min3A_1493 = arith.minui %sub3A_1491, %min3A_1492 : vector<16xi32>
            %mul3A_1494 = arith.constant 640 : i32
            %mul3A_1495 = vector.broadcast %mul3A_1494 : i32 to vector<16xi32>
            %mul3A_1496 = arith.muli %min3A_1493, %mul3A_1495 : vector<16xi32>
            %max3A_1497 = arith.maxui %max3A_1476, %mul3A_1496 : vector<16xi32>
            %get3A_1498 = arith.index_cast %scan3A_777 : i32 to index
            %get3A_1499 = arith.constant 656 : index
            %get3A_1500 = tpu.vector_load %arg5[%get3A_1498, %get3A_1499] {strides = array<i32>} : memref<48x1024xf32, #tpu.memory_space<vmem>>, vector<1x16xf32>,
            %get3A_1501 = vector.shape_cast %get3A_1500 : vector<1x16xf32> to vector<16xf32>
            %bitcast_convert_type3A_1502 = tpu.bitcast %get3A_1501 : vector<16xf32> -> vector<16xi32>
            %shift_left3A_1503 = arith.constant 22 : i32
            %shift_left3A_1504 = vector.broadcast %shift_left3A_1503 : i32 to vector<16xi32>
            %shift_left3A_1505 = arith.shli %scan3A_778, %shift_left3A_1504 : vector<16xi32>
            %shift_right_arithmetic3A_1506 = arith.constant 31 : i32
            %shift_right_arithmetic3A_1507 = vector.broadcast %shift_right_arithmetic3A_1506 : i32 to vector<16xi32>
            %shift_right_arithmetic3A_1508 = arith.shrsi %shift_left3A_1505, %shift_right_arithmetic3A_1507 : vector<16xi32>
            %bitcast_convert_type3A_1509 = tpu.bitcast %shift_right_arithmetic3A_1508 : vector<16xi32> -> vector<16xi32>
            %and3A_1510 = arith.andi %bitcast_convert_type3A_1502, %bitcast_convert_type3A_1509 : vector<16xi32>
            %max3A_1511 = arith.maxui %max3A_1490, %and3A_1510 : vector<16xi32>
            %sub3A_1512 = arith.subi %max3A_1511, %max3A_1490 : vector<16xi32>
            %min3A_1513 = vector.broadcast %scan3A : i32 to vector<16xi32>
            %min3A_1514 = arith.minui %sub3A_1512, %min3A_1513 : vector<16xi32>
            %mul3A_1515 = arith.constant 656 : i32
            %mul3A_1516 = vector.broadcast %mul3A_1515 : i32 to vector<16xi32>
            %mul3A_1517 = arith.muli %min3A_1514, %mul3A_1516 : vector<16xi32>
            %max3A_1518 = arith.maxui %max3A_1497, %mul3A_1517 : vector<16xi32>
            %get3A_1519 = arith.index_cast %scan3A_777 : i32 to index
            %get3A_1520 = arith.constant 672 : index
            %get3A_1521 = tpu.vector_load %arg5[%get3A_1519, %get3A_1520] {strides = array<i32>} : memref<48x1024xf32, #tpu.memory_space<vmem>>, vector<1x16xf32>,
            %get3A_1522 = vector.shape_cast %get3A_1521 : vector<1x16xf32> to vector<16xf32>
            %bitcast_convert_type3A_1523 = tpu.bitcast %get3A_1522 : vector<16xf32> -> vector<16xi32>
            %shift_left3A_1524 = arith.constant 21 : i32
            %shift_left3A_1525 = vector.broadcast %shift_left3A_1524 : i32 to vector<16xi32>
            %shift_left3A_1526 = arith.shli %scan3A_778, %shift_left3A_1525 : vector<16xi32>
            %shift_right_arithmetic3A_1527 = arith.constant 31 : i32
            %shift_right_arithmetic3A_1528 = vector.broadcast %shift_right_arithmetic3A_1527 : i32 to vector<16xi32>
            %shift_right_arithmetic3A_1529 = arith.shrsi %shift_left3A_1526, %shift_right_arithmetic3A_1528 : vector<16xi32>
            %bitcast_convert_type3A_1530 = tpu.bitcast %shift_right_arithmetic3A_1529 : vector<16xi32> -> vector<16xi32>
            %and3A_1531 = arith.andi %bitcast_convert_type3A_1523, %bitcast_convert_type3A_1530 : vector<16xi32>
            %max3A_1532 = arith.maxui %max3A_1511, %and3A_1531 : vector<16xi32>
            %sub3A_1533 = arith.subi %max3A_1532, %max3A_1511 : vector<16xi32>
            %min3A_1534 = vector.broadcast %scan3A : i32 to vector<16xi32>
            %min3A_1535 = arith.minui %sub3A_1533, %min3A_1534 : vector<16xi32>
            %mul3A_1536 = arith.constant 672 : i32
            %mul3A_1537 = vector.broadcast %mul3A_1536 : i32 to vector<16xi32>
            %mul3A_1538 = arith.muli %min3A_1535, %mul3A_1537 : vector<16xi32>
            %max3A_1539 = arith.maxui %max3A_1518, %mul3A_1538 : vector<16xi32>
            %get3A_1540 = arith.index_cast %scan3A_777 : i32 to index
            %get3A_1541 = arith.constant 688 : index
            %get3A_1542 = tpu.vector_load %arg5[%get3A_1540, %get3A_1541] {strides = array<i32>} : memref<48x1024xf32, #tpu.memory_space<vmem>>, vector<1x16xf32>,
            %get3A_1543 = vector.shape_cast %get3A_1542 : vector<1x16xf32> to vector<16xf32>
            %bitcast_convert_type3A_1544 = tpu.bitcast %get3A_1543 : vector<16xf32> -> vector<16xi32>
            %shift_left3A_1545 = arith.constant 20 : i32
            %shift_left3A_1546 = vector.broadcast %shift_left3A_1545 : i32 to vector<16xi32>
            %shift_left3A_1547 = arith.shli %scan3A_778, %shift_left3A_1546 : vector<16xi32>
            %shift_right_arithmetic3A_1548 = arith.constant 31 : i32
            %shift_right_arithmetic3A_1549 = vector.broadcast %shift_right_arithmetic3A_1548 : i32 to vector<16xi32>
            %shift_right_arithmetic3A_1550 = arith.shrsi %shift_left3A_1547, %shift_right_arithmetic3A_1549 : vector<16xi32>
            %bitcast_convert_type3A_1551 = tpu.bitcast %shift_right_arithmetic3A_1550 : vector<16xi32> -> vector<16xi32>
            %and3A_1552 = arith.andi %bitcast_convert_type3A_1544, %bitcast_convert_type3A_1551 : vector<16xi32>
            %max3A_1553 = arith.maxui %max3A_1532, %and3A_1552 : vector<16xi32>
            %sub3A_1554 = arith.subi %max3A_1553, %max3A_1532 : vector<16xi32>
            %min3A_1555 = vector.broadcast %scan3A : i32 to vector<16xi32>
            %min3A_1556 = arith.minui %sub3A_1554, %min3A_1555 : vector<16xi32>
            %mul3A_1557 = arith.constant 688 : i32
            %mul3A_1558 = vector.broadcast %mul3A_1557 : i32 to vector<16xi32>
            %mul3A_1559 = arith.muli %min3A_1556, %mul3A_1558 : vector<16xi32>
            %max3A_1560 = arith.maxui %max3A_1539, %mul3A_1559 : vector<16xi32>
            %get3A_1561 = arith.index_cast %scan3A_777 : i32 to index
            %get3A_1562 = arith.constant 704 : index
            %get3A_1563 = tpu.vector_load %arg5[%get3A_1561, %get3A_1562] {strides = array<i32>} : memref<48x1024xf32, #tpu.memory_space<vmem>>, vector<1x16xf32>,
            %get3A_1564 = vector.shape_cast %get3A_1563 : vector<1x16xf32> to vector<16xf32>
            %bitcast_convert_type3A_1565 = tpu.bitcast %get3A_1564 : vector<16xf32> -> vector<16xi32>
            %shift_left3A_1566 = arith.constant 19 : i32
            %shift_left3A_1567 = vector.broadcast %shift_left3A_1566 : i32 to vector<16xi32>
            %shift_left3A_1568 = arith.shli %scan3A_778, %shift_left3A_1567 : vector<16xi32>
            %shift_right_arithmetic3A_1569 = arith.constant 31 : i32
            %shift_right_arithmetic3A_1570 = vector.broadcast %shift_right_arithmetic3A_1569 : i32 to vector<16xi32>
            %shift_right_arithmetic3A_1571 = arith.shrsi %shift_left3A_1568, %shift_right_arithmetic3A_1570 : vector<16xi32>
            %bitcast_convert_type3A_1572 = tpu.bitcast %shift_right_arithmetic3A_1571 : vector<16xi32> -> vector<16xi32>
            %and3A_1573 = arith.andi %bitcast_convert_type3A_1565, %bitcast_convert_type3A_1572 : vector<16xi32>
            %max3A_1574 = arith.maxui %max3A_1553, %and3A_1573 : vector<16xi32>
            %sub3A_1575 = arith.subi %max3A_1574, %max3A_1553 : vector<16xi32>
            %min3A_1576 = vector.broadcast %scan3A : i32 to vector<16xi32>
            %min3A_1577 = arith.minui %sub3A_1575, %min3A_1576 : vector<16xi32>
            %mul3A_1578 = arith.constant 704 : i32
            %mul3A_1579 = vector.broadcast %mul3A_1578 : i32 to vector<16xi32>
            %mul3A_1580 = arith.muli %min3A_1577, %mul3A_1579 : vector<16xi32>
            %max3A_1581 = arith.maxui %max3A_1560, %mul3A_1580 : vector<16xi32>
            %get3A_1582 = arith.index_cast %scan3A_777 : i32 to index
            %get3A_1583 = arith.constant 720 : index
            %get3A_1584 = tpu.vector_load %arg5[%get3A_1582, %get3A_1583] {strides = array<i32>} : memref<48x1024xf32, #tpu.memory_space<vmem>>, vector<1x16xf32>,
            %get3A_1585 = vector.shape_cast %get3A_1584 : vector<1x16xf32> to vector<16xf32>
            %bitcast_convert_type3A_1586 = tpu.bitcast %get3A_1585 : vector<16xf32> -> vector<16xi32>
            %shift_left3A_1587 = arith.constant 18 : i32
            %shift_left3A_1588 = vector.broadcast %shift_left3A_1587 : i32 to vector<16xi32>
            %shift_left3A_1589 = arith.shli %scan3A_778, %shift_left3A_1588 : vector<16xi32>
            %shift_right_arithmetic3A_1590 = arith.constant 31 : i32
            %shift_right_arithmetic3A_1591 = vector.broadcast %shift_right_arithmetic3A_1590 : i32 to vector<16xi32>
            %shift_right_arithmetic3A_1592 = arith.shrsi %shift_left3A_1589, %shift_right_arithmetic3A_1591 : vector<16xi32>
            %bitcast_convert_type3A_1593 = tpu.bitcast %shift_right_arithmetic3A_1592 : vector<16xi32> -> vector<16xi32>
            %and3A_1594 = arith.andi %bitcast_convert_type3A_1586, %bitcast_convert_type3A_1593 : vector<16xi32>
            %max3A_1595 = arith.maxui %max3A_1574, %and3A_1594 : vector<16xi32>
            %sub3A_1596 = arith.subi %max3A_1595, %max3A_1574 : vector<16xi32>
            %min3A_1597 = vector.broadcast %scan3A : i32 to vector<16xi32>
            %min3A_1598 = arith.minui %sub3A_1596, %min3A_1597 : vector<16xi32>
            %mul3A_1599 = arith.constant 720 : i32
            %mul3A_1600 = vector.broadcast %mul3A_1599 : i32 to vector<16xi32>
            %mul3A_1601 = arith.muli %min3A_1598, %mul3A_1600 : vector<16xi32>
            %max3A_1602 = arith.maxui %max3A_1581, %mul3A_1601 : vector<16xi32>
            %get3A_1603 = arith.index_cast %scan3A_777 : i32 to index
            %get3A_1604 = arith.constant 736 : index
            %get3A_1605 = tpu.vector_load %arg5[%get3A_1603, %get3A_1604] {strides = array<i32>} : memref<48x1024xf32, #tpu.memory_space<vmem>>, vector<1x16xf32>,
            %get3A_1606 = vector.shape_cast %get3A_1605 : vector<1x16xf32> to vector<16xf32>
            %bitcast_convert_type3A_1607 = tpu.bitcast %get3A_1606 : vector<16xf32> -> vector<16xi32>
            %shift_left3A_1608 = arith.constant 17 : i32
            %shift_left3A_1609 = vector.broadcast %shift_left3A_1608 : i32 to vector<16xi32>
            %shift_left3A_1610 = arith.shli %scan3A_778, %shift_left3A_1609 : vector<16xi32>
            %shift_right_arithmetic3A_1611 = arith.constant 31 : i32
            %shift_right_arithmetic3A_1612 = vector.broadcast %shift_right_arithmetic3A_1611 : i32 to vector<16xi32>
            %shift_right_arithmetic3A_1613 = arith.shrsi %shift_left3A_1610, %shift_right_arithmetic3A_1612 : vector<16xi32>
            %bitcast_convert_type3A_1614 = tpu.bitcast %shift_right_arithmetic3A_1613 : vector<16xi32> -> vector<16xi32>
            %and3A_1615 = arith.andi %bitcast_convert_type3A_1607, %bitcast_convert_type3A_1614 : vector<16xi32>
            %max3A_1616 = arith.maxui %max3A_1595, %and3A_1615 : vector<16xi32>
            %sub3A_1617 = arith.subi %max3A_1616, %max3A_1595 : vector<16xi32>
            %min3A_1618 = vector.broadcast %scan3A : i32 to vector<16xi32>
            %min3A_1619 = arith.minui %sub3A_1617, %min3A_1618 : vector<16xi32>
            %mul3A_1620 = arith.constant 736 : i32
            %mul3A_1621 = vector.broadcast %mul3A_1620 : i32 to vector<16xi32>
            %mul3A_1622 = arith.muli %min3A_1619, %mul3A_1621 : vector<16xi32>
            %max3A_1623 = arith.maxui %max3A_1602, %mul3A_1622 : vector<16xi32>
            %get3A_1624 = arith.index_cast %scan3A_777 : i32 to index
            %get3A_1625 = arith.constant 752 : index
            %get3A_1626 = tpu.vector_load %arg5[%get3A_1624, %get3A_1625] {strides = array<i32>} : memref<48x1024xf32, #tpu.memory_space<vmem>>, vector<1x16xf32>,
            %get3A_1627 = vector.shape_cast %get3A_1626 : vector<1x16xf32> to vector<16xf32>
            %bitcast_convert_type3A_1628 = tpu.bitcast %get3A_1627 : vector<16xf32> -> vector<16xi32>
            %shift_left3A_1629 = arith.constant 16 : i32
            %shift_left3A_1630 = vector.broadcast %shift_left3A_1629 : i32 to vector<16xi32>
            %shift_left3A_1631 = arith.shli %scan3A_778, %shift_left3A_1630 : vector<16xi32>
            %shift_right_arithmetic3A_1632 = arith.constant 31 : i32
            %shift_right_arithmetic3A_1633 = vector.broadcast %shift_right_arithmetic3A_1632 : i32 to vector<16xi32>
            %shift_right_arithmetic3A_1634 = arith.shrsi %shift_left3A_1631, %shift_right_arithmetic3A_1633 : vector<16xi32>
            %bitcast_convert_type3A_1635 = tpu.bitcast %shift_right_arithmetic3A_1634 : vector<16xi32> -> vector<16xi32>
            %and3A_1636 = arith.andi %bitcast_convert_type3A_1628, %bitcast_convert_type3A_1635 : vector<16xi32>
            %max3A_1637 = arith.maxui %max3A_1616, %and3A_1636 : vector<16xi32>
            %sub3A_1638 = arith.subi %max3A_1637, %max3A_1616 : vector<16xi32>
            %min3A_1639 = vector.broadcast %scan3A : i32 to vector<16xi32>
            %min3A_1640 = arith.minui %sub3A_1638, %min3A_1639 : vector<16xi32>
            %mul3A_1641 = arith.constant 752 : i32
            %mul3A_1642 = vector.broadcast %mul3A_1641 : i32 to vector<16xi32>
            %mul3A_1643 = arith.muli %min3A_1640, %mul3A_1642 : vector<16xi32>
            %max3A_1644 = arith.maxui %max3A_1623, %mul3A_1643 : vector<16xi32>
            %broadcast_in_dim3A_1645 = arith.constant 768 : i32
            %broadcast_in_dim3A_1646 = vector.broadcast %broadcast_in_dim3A_1645 : i32 to vector<16xi32>
            %get3A_1647 = arith.index_cast %scan3A_777 : i32 to index
            %get3A_1648 = arith.constant 768 : index
            %get3A_1649 = tpu.vector_load %arg5[%get3A_1647, %get3A_1648] {strides = array<i32>} : memref<48x1024xf32, #tpu.memory_space<vmem>>, vector<1x16xf32>,
            %get3A_1650 = vector.shape_cast %get3A_1649 : vector<1x16xf32> to vector<16xf32>
            %bitcast_convert_type3A_1651 = tpu.bitcast %get3A_1650 : vector<16xf32> -> vector<16xi32>
            %shift_left3A_1652 = arith.constant 31 : i32
            %shift_left3A_1653 = vector.broadcast %shift_left3A_1652 : i32 to vector<16xi32>
            %shift_left3A_1654 = arith.shli %scan3A_779, %shift_left3A_1653 : vector<16xi32>
            %shift_right_arithmetic3A_1655 = arith.constant 31 : i32
            %shift_right_arithmetic3A_1656 = vector.broadcast %shift_right_arithmetic3A_1655 : i32 to vector<16xi32>
            %shift_right_arithmetic3A_1657 = arith.shrsi %shift_left3A_1654, %shift_right_arithmetic3A_1656 : vector<16xi32>
            %bitcast_convert_type3A_1658 = tpu.bitcast %shift_right_arithmetic3A_1657 : vector<16xi32> -> vector<16xi32>
            %and3A_1659 = arith.andi %bitcast_convert_type3A_1651, %bitcast_convert_type3A_1658 : vector<16xi32>
            %get3A_1660 = arith.index_cast %scan3A_777 : i32 to index
            %get3A_1661 = arith.constant 784 : index
            %get3A_1662 = tpu.vector_load %arg5[%get3A_1660, %get3A_1661] {strides = array<i32>} : memref<48x1024xf32, #tpu.memory_space<vmem>>, vector<1x16xf32>,
            %get3A_1663 = vector.shape_cast %get3A_1662 : vector<1x16xf32> to vector<16xf32>
            %bitcast_convert_type3A_1664 = tpu.bitcast %get3A_1663 : vector<16xf32> -> vector<16xi32>
            %shift_left3A_1665 = arith.constant 30 : i32
            %shift_left3A_1666 = vector.broadcast %shift_left3A_1665 : i32 to vector<16xi32>
            %shift_left3A_1667 = arith.shli %scan3A_779, %shift_left3A_1666 : vector<16xi32>
            %shift_right_arithmetic3A_1668 = arith.constant 31 : i32
            %shift_right_arithmetic3A_1669 = vector.broadcast %shift_right_arithmetic3A_1668 : i32 to vector<16xi32>
            %shift_right_arithmetic3A_1670 = arith.shrsi %shift_left3A_1667, %shift_right_arithmetic3A_1669 : vector<16xi32>
            %bitcast_convert_type3A_1671 = tpu.bitcast %shift_right_arithmetic3A_1670 : vector<16xi32> -> vector<16xi32>
            %and3A_1672 = arith.andi %bitcast_convert_type3A_1664, %bitcast_convert_type3A_1671 : vector<16xi32>
            %max3A_1673 = arith.maxui %and3A_1659, %and3A_1672 : vector<16xi32>
            %sub3A_1674 = arith.subi %max3A_1673, %and3A_1659 : vector<16xi32>
            %min3A_1675 = vector.broadcast %scan3A : i32 to vector<16xi32>
            %min3A_1676 = arith.minui %sub3A_1674, %min3A_1675 : vector<16xi32>
            %mul3A_1677 = arith.constant 784 : i32
            %mul3A_1678 = vector.broadcast %mul3A_1677 : i32 to vector<16xi32>
            %mul3A_1679 = arith.muli %min3A_1676, %mul3A_1678 : vector<16xi32>
            %max3A_1680 = arith.maxui %broadcast_in_dim3A_1646, %mul3A_1679 : vector<16xi32>
            %get3A_1681 = arith.index_cast %scan3A_777 : i32 to index
            %get3A_1682 = arith.constant 800 : index
            %get3A_1683 = tpu.vector_load %arg5[%get3A_1681, %get3A_1682] {strides = array<i32>} : memref<48x1024xf32, #tpu.memory_space<vmem>>, vector<1x16xf32>,
            %get3A_1684 = vector.shape_cast %get3A_1683 : vector<1x16xf32> to vector<16xf32>
            %bitcast_convert_type3A_1685 = tpu.bitcast %get3A_1684 : vector<16xf32> -> vector<16xi32>
            %shift_left3A_1686 = arith.constant 29 : i32
            %shift_left3A_1687 = vector.broadcast %shift_left3A_1686 : i32 to vector<16xi32>
            %shift_left3A_1688 = arith.shli %scan3A_779, %shift_left3A_1687 : vector<16xi32>
            %shift_right_arithmetic3A_1689 = arith.constant 31 : i32
            %shift_right_arithmetic3A_1690 = vector.broadcast %shift_right_arithmetic3A_1689 : i32 to vector<16xi32>
            %shift_right_arithmetic3A_1691 = arith.shrsi %shift_left3A_1688, %shift_right_arithmetic3A_1690 : vector<16xi32>
            %bitcast_convert_type3A_1692 = tpu.bitcast %shift_right_arithmetic3A_1691 : vector<16xi32> -> vector<16xi32>
            %and3A_1693 = arith.andi %bitcast_convert_type3A_1685, %bitcast_convert_type3A_1692 : vector<16xi32>
            %max3A_1694 = arith.maxui %max3A_1673, %and3A_1693 : vector<16xi32>
            %sub3A_1695 = arith.subi %max3A_1694, %max3A_1673 : vector<16xi32>
            %min3A_1696 = vector.broadcast %scan3A : i32 to vector<16xi32>
            %min3A_1697 = arith.minui %sub3A_1695, %min3A_1696 : vector<16xi32>
            %mul3A_1698 = arith.constant 800 : i32
            %mul3A_1699 = vector.broadcast %mul3A_1698 : i32 to vector<16xi32>
            %mul3A_1700 = arith.muli %min3A_1697, %mul3A_1699 : vector<16xi32>
            %max3A_1701 = arith.maxui %max3A_1680, %mul3A_1700 : vector<16xi32>
            %get3A_1702 = arith.index_cast %scan3A_777 : i32 to index
            %get3A_1703 = arith.constant 816 : index
            %get3A_1704 = tpu.vector_load %arg5[%get3A_1702, %get3A_1703] {strides = array<i32>} : memref<48x1024xf32, #tpu.memory_space<vmem>>, vector<1x16xf32>,
            %get3A_1705 = vector.shape_cast %get3A_1704 : vector<1x16xf32> to vector<16xf32>
            %bitcast_convert_type3A_1706 = tpu.bitcast %get3A_1705 : vector<16xf32> -> vector<16xi32>
            %shift_left3A_1707 = arith.constant 28 : i32
            %shift_left3A_1708 = vector.broadcast %shift_left3A_1707 : i32 to vector<16xi32>
            %shift_left3A_1709 = arith.shli %scan3A_779, %shift_left3A_1708 : vector<16xi32>
            %shift_right_arithmetic3A_1710 = arith.constant 31 : i32
            %shift_right_arithmetic3A_1711 = vector.broadcast %shift_right_arithmetic3A_1710 : i32 to vector<16xi32>
            %shift_right_arithmetic3A_1712 = arith.shrsi %shift_left3A_1709, %shift_right_arithmetic3A_1711 : vector<16xi32>
            %bitcast_convert_type3A_1713 = tpu.bitcast %shift_right_arithmetic3A_1712 : vector<16xi32> -> vector<16xi32>
            %and3A_1714 = arith.andi %bitcast_convert_type3A_1706, %bitcast_convert_type3A_1713 : vector<16xi32>
            %max3A_1715 = arith.maxui %max3A_1694, %and3A_1714 : vector<16xi32>
            %sub3A_1716 = arith.subi %max3A_1715, %max3A_1694 : vector<16xi32>
            %min3A_1717 = vector.broadcast %scan3A : i32 to vector<16xi32>
            %min3A_1718 = arith.minui %sub3A_1716, %min3A_1717 : vector<16xi32>
            %mul3A_1719 = arith.constant 816 : i32
            %mul3A_1720 = vector.broadcast %mul3A_1719 : i32 to vector<16xi32>
            %mul3A_1721 = arith.muli %min3A_1718, %mul3A_1720 : vector<16xi32>
            %max3A_1722 = arith.maxui %max3A_1701, %mul3A_1721 : vector<16xi32>
            %get3A_1723 = arith.index_cast %scan3A_777 : i32 to index
            %get3A_1724 = arith.constant 832 : index
            %get3A_1725 = tpu.vector_load %arg5[%get3A_1723, %get3A_1724] {strides = array<i32>} : memref<48x1024xf32, #tpu.memory_space<vmem>>, vector<1x16xf32>,
            %get3A_1726 = vector.shape_cast %get3A_1725 : vector<1x16xf32> to vector<16xf32>
            %bitcast_convert_type3A_1727 = tpu.bitcast %get3A_1726 : vector<16xf32> -> vector<16xi32>
            %shift_left3A_1728 = arith.constant 27 : i32
            %shift_left3A_1729 = vector.broadcast %shift_left3A_1728 : i32 to vector<16xi32>
            %shift_left3A_1730 = arith.shli %scan3A_779, %shift_left3A_1729 : vector<16xi32>
            %shift_right_arithmetic3A_1731 = arith.constant 31 : i32
            %shift_right_arithmetic3A_1732 = vector.broadcast %shift_right_arithmetic3A_1731 : i32 to vector<16xi32>
            %shift_right_arithmetic3A_1733 = arith.shrsi %shift_left3A_1730, %shift_right_arithmetic3A_1732 : vector<16xi32>
            %bitcast_convert_type3A_1734 = tpu.bitcast %shift_right_arithmetic3A_1733 : vector<16xi32> -> vector<16xi32>
            %and3A_1735 = arith.andi %bitcast_convert_type3A_1727, %bitcast_convert_type3A_1734 : vector<16xi32>
            %max3A_1736 = arith.maxui %max3A_1715, %and3A_1735 : vector<16xi32>
            %sub3A_1737 = arith.subi %max3A_1736, %max3A_1715 : vector<16xi32>
            %min3A_1738 = vector.broadcast %scan3A : i32 to vector<16xi32>
            %min3A_1739 = arith.minui %sub3A_1737, %min3A_1738 : vector<16xi32>
            %mul3A_1740 = arith.constant 832 : i32
            %mul3A_1741 = vector.broadcast %mul3A_1740 : i32 to vector<16xi32>
            %mul3A_1742 = arith.muli %min3A_1739, %mul3A_1741 : vector<16xi32>
            %max3A_1743 = arith.maxui %max3A_1722, %mul3A_1742 : vector<16xi32>
            %get3A_1744 = arith.index_cast %scan3A_777 : i32 to index
            %get3A_1745 = arith.constant 848 : index
            %get3A_1746 = tpu.vector_load %arg5[%get3A_1744, %get3A_1745] {strides = array<i32>} : memref<48x1024xf32, #tpu.memory_space<vmem>>, vector<1x16xf32>,
            %get3A_1747 = vector.shape_cast %get3A_1746 : vector<1x16xf32> to vector<16xf32>
            %bitcast_convert_type3A_1748 = tpu.bitcast %get3A_1747 : vector<16xf32> -> vector<16xi32>
            %shift_left3A_1749 = arith.constant 26 : i32
            %shift_left3A_1750 = vector.broadcast %shift_left3A_1749 : i32 to vector<16xi32>
            %shift_left3A_1751 = arith.shli %scan3A_779, %shift_left3A_1750 : vector<16xi32>
            %shift_right_arithmetic3A_1752 = arith.constant 31 : i32
            %shift_right_arithmetic3A_1753 = vector.broadcast %shift_right_arithmetic3A_1752 : i32 to vector<16xi32>
            %shift_right_arithmetic3A_1754 = arith.shrsi %shift_left3A_1751, %shift_right_arithmetic3A_1753 : vector<16xi32>
            %bitcast_convert_type3A_1755 = tpu.bitcast %shift_right_arithmetic3A_1754 : vector<16xi32> -> vector<16xi32>
            %and3A_1756 = arith.andi %bitcast_convert_type3A_1748, %bitcast_convert_type3A_1755 : vector<16xi32>
            %max3A_1757 = arith.maxui %max3A_1736, %and3A_1756 : vector<16xi32>
            %sub3A_1758 = arith.subi %max3A_1757, %max3A_1736 : vector<16xi32>
            %min3A_1759 = vector.broadcast %scan3A : i32 to vector<16xi32>
            %min3A_1760 = arith.minui %sub3A_1758, %min3A_1759 : vector<16xi32>
            %mul3A_1761 = arith.constant 848 : i32
            %mul3A_1762 = vector.broadcast %mul3A_1761 : i32 to vector<16xi32>
            %mul3A_1763 = arith.muli %min3A_1760, %mul3A_1762 : vector<16xi32>
            %max3A_1764 = arith.maxui %max3A_1743, %mul3A_1763 : vector<16xi32>
            %get3A_1765 = arith.index_cast %scan3A_777 : i32 to index
            %get3A_1766 = arith.constant 864 : index
            %get3A_1767 = tpu.vector_load %arg5[%get3A_1765, %get3A_1766] {strides = array<i32>} : memref<48x1024xf32, #tpu.memory_space<vmem>>, vector<1x16xf32>,
            %get3A_1768 = vector.shape_cast %get3A_1767 : vector<1x16xf32> to vector<16xf32>
            %bitcast_convert_type3A_1769 = tpu.bitcast %get3A_1768 : vector<16xf32> -> vector<16xi32>
            %shift_left3A_1770 = arith.constant 25 : i32
            %shift_left3A_1771 = vector.broadcast %shift_left3A_1770 : i32 to vector<16xi32>
            %shift_left3A_1772 = arith.shli %scan3A_779, %shift_left3A_1771 : vector<16xi32>
            %shift_right_arithmetic3A_1773 = arith.constant 31 : i32
            %shift_right_arithmetic3A_1774 = vector.broadcast %shift_right_arithmetic3A_1773 : i32 to vector<16xi32>
            %shift_right_arithmetic3A_1775 = arith.shrsi %shift_left3A_1772, %shift_right_arithmetic3A_1774 : vector<16xi32>
            %bitcast_convert_type3A_1776 = tpu.bitcast %shift_right_arithmetic3A_1775 : vector<16xi32> -> vector<16xi32>
            %and3A_1777 = arith.andi %bitcast_convert_type3A_1769, %bitcast_convert_type3A_1776 : vector<16xi32>
            %max3A_1778 = arith.maxui %max3A_1757, %and3A_1777 : vector<16xi32>
            %sub3A_1779 = arith.subi %max3A_1778, %max3A_1757 : vector<16xi32>
            %min3A_1780 = vector.broadcast %scan3A : i32 to vector<16xi32>
            %min3A_1781 = arith.minui %sub3A_1779, %min3A_1780 : vector<16xi32>
            %mul3A_1782 = arith.constant 864 : i32
            %mul3A_1783 = vector.broadcast %mul3A_1782 : i32 to vector<16xi32>
            %mul3A_1784 = arith.muli %min3A_1781, %mul3A_1783 : vector<16xi32>
            %max3A_1785 = arith.maxui %max3A_1764, %mul3A_1784 : vector<16xi32>
            %get3A_1786 = arith.index_cast %scan3A_777 : i32 to index
            %get3A_1787 = arith.constant 880 : index
            %get3A_1788 = tpu.vector_load %arg5[%get3A_1786, %get3A_1787] {strides = array<i32>} : memref<48x1024xf32, #tpu.memory_space<vmem>>, vector<1x16xf32>,
            %get3A_1789 = vector.shape_cast %get3A_1788 : vector<1x16xf32> to vector<16xf32>
            %bitcast_convert_type3A_1790 = tpu.bitcast %get3A_1789 : vector<16xf32> -> vector<16xi32>
            %shift_left3A_1791 = arith.constant 24 : i32
            %shift_left3A_1792 = vector.broadcast %shift_left3A_1791 : i32 to vector<16xi32>
            %shift_left3A_1793 = arith.shli %scan3A_779, %shift_left3A_1792 : vector<16xi32>
            %shift_right_arithmetic3A_1794 = arith.constant 31 : i32
            %shift_right_arithmetic3A_1795 = vector.broadcast %shift_right_arithmetic3A_1794 : i32 to vector<16xi32>
            %shift_right_arithmetic3A_1796 = arith.shrsi %shift_left3A_1793, %shift_right_arithmetic3A_1795 : vector<16xi32>
            %bitcast_convert_type3A_1797 = tpu.bitcast %shift_right_arithmetic3A_1796 : vector<16xi32> -> vector<16xi32>
            %and3A_1798 = arith.andi %bitcast_convert_type3A_1790, %bitcast_convert_type3A_1797 : vector<16xi32>
            %max3A_1799 = arith.maxui %max3A_1778, %and3A_1798 : vector<16xi32>
            %sub3A_1800 = arith.subi %max3A_1799, %max3A_1778 : vector<16xi32>
            %min3A_1801 = vector.broadcast %scan3A : i32 to vector<16xi32>
            %min3A_1802 = arith.minui %sub3A_1800, %min3A_1801 : vector<16xi32>
            %mul3A_1803 = arith.constant 880 : i32
            %mul3A_1804 = vector.broadcast %mul3A_1803 : i32 to vector<16xi32>
            %mul3A_1805 = arith.muli %min3A_1802, %mul3A_1804 : vector<16xi32>
            %max3A_1806 = arith.maxui %max3A_1785, %mul3A_1805 : vector<16xi32>
            %get3A_1807 = arith.index_cast %scan3A_777 : i32 to index
            %get3A_1808 = arith.constant 896 : index
            %get3A_1809 = tpu.vector_load %arg5[%get3A_1807, %get3A_1808] {strides = array<i32>} : memref<48x1024xf32, #tpu.memory_space<vmem>>, vector<1x16xf32>,
            %get3A_1810 = vector.shape_cast %get3A_1809 : vector<1x16xf32> to vector<16xf32>
            %bitcast_convert_type3A_1811 = tpu.bitcast %get3A_1810 : vector<16xf32> -> vector<16xi32>
            %shift_left3A_1812 = arith.constant 23 : i32
            %shift_left3A_1813 = vector.broadcast %shift_left3A_1812 : i32 to vector<16xi32>
            %shift_left3A_1814 = arith.shli %scan3A_779, %shift_left3A_1813 : vector<16xi32>
            %shift_right_arithmetic3A_1815 = arith.constant 31 : i32
            %shift_right_arithmetic3A_1816 = vector.broadcast %shift_right_arithmetic3A_1815 : i32 to vector<16xi32>
            %shift_right_arithmetic3A_1817 = arith.shrsi %shift_left3A_1814, %shift_right_arithmetic3A_1816 : vector<16xi32>
            %bitcast_convert_type3A_1818 = tpu.bitcast %shift_right_arithmetic3A_1817 : vector<16xi32> -> vector<16xi32>
            %and3A_1819 = arith.andi %bitcast_convert_type3A_1811, %bitcast_convert_type3A_1818 : vector<16xi32>
            %max3A_1820 = arith.maxui %max3A_1799, %and3A_1819 : vector<16xi32>
            %sub3A_1821 = arith.subi %max3A_1820, %max3A_1799 : vector<16xi32>
            %min3A_1822 = vector.broadcast %scan3A : i32 to vector<16xi32>
            %min3A_1823 = arith.minui %sub3A_1821, %min3A_1822 : vector<16xi32>
            %mul3A_1824 = arith.constant 896 : i32
            %mul3A_1825 = vector.broadcast %mul3A_1824 : i32 to vector<16xi32>
            %mul3A_1826 = arith.muli %min3A_1823, %mul3A_1825 : vector<16xi32>
            %max3A_1827 = arith.maxui %max3A_1806, %mul3A_1826 : vector<16xi32>
            %get3A_1828 = arith.index_cast %scan3A_777 : i32 to index
            %get3A_1829 = arith.constant 912 : index
            %get3A_1830 = tpu.vector_load %arg5[%get3A_1828, %get3A_1829] {strides = array<i32>} : memref<48x1024xf32, #tpu.memory_space<vmem>>, vector<1x16xf32>,
            %get3A_1831 = vector.shape_cast %get3A_1830 : vector<1x16xf32> to vector<16xf32>
            %bitcast_convert_type3A_1832 = tpu.bitcast %get3A_1831 : vector<16xf32> -> vector<16xi32>
            %shift_left3A_1833 = arith.constant 22 : i32
            %shift_left3A_1834 = vector.broadcast %shift_left3A_1833 : i32 to vector<16xi32>
            %shift_left3A_1835 = arith.shli %scan3A_779, %shift_left3A_1834 : vector<16xi32>
            %shift_right_arithmetic3A_1836 = arith.constant 31 : i32
            %shift_right_arithmetic3A_1837 = vector.broadcast %shift_right_arithmetic3A_1836 : i32 to vector<16xi32>
            %shift_right_arithmetic3A_1838 = arith.shrsi %shift_left3A_1835, %shift_right_arithmetic3A_1837 : vector<16xi32>
            %bitcast_convert_type3A_1839 = tpu.bitcast %shift_right_arithmetic3A_1838 : vector<16xi32> -> vector<16xi32>
            %and3A_1840 = arith.andi %bitcast_convert_type3A_1832, %bitcast_convert_type3A_1839 : vector<16xi32>
            %max3A_1841 = arith.maxui %max3A_1820, %and3A_1840 : vector<16xi32>
            %sub3A_1842 = arith.subi %max3A_1841, %max3A_1820 : vector<16xi32>
            %min3A_1843 = vector.broadcast %scan3A : i32 to vector<16xi32>
            %min3A_1844 = arith.minui %sub3A_1842, %min3A_1843 : vector<16xi32>
            %mul3A_1845 = arith.constant 912 : i32
            %mul3A_1846 = vector.broadcast %mul3A_1845 : i32 to vector<16xi32>
            %mul3A_1847 = arith.muli %min3A_1844, %mul3A_1846 : vector<16xi32>
            %max3A_1848 = arith.maxui %max3A_1827, %mul3A_1847 : vector<16xi32>
            %get3A_1849 = arith.index_cast %scan3A_777 : i32 to index
            %get3A_1850 = arith.constant 928 : index
            %get3A_1851 = tpu.vector_load %arg5[%get3A_1849, %get3A_1850] {strides = array<i32>} : memref<48x1024xf32, #tpu.memory_space<vmem>>, vector<1x16xf32>,
            %get3A_1852 = vector.shape_cast %get3A_1851 : vector<1x16xf32> to vector<16xf32>
            %bitcast_convert_type3A_1853 = tpu.bitcast %get3A_1852 : vector<16xf32> -> vector<16xi32>
            %shift_left3A_1854 = arith.constant 21 : i32
            %shift_left3A_1855 = vector.broadcast %shift_left3A_1854 : i32 to vector<16xi32>
            %shift_left3A_1856 = arith.shli %scan3A_779, %shift_left3A_1855 : vector<16xi32>
            %shift_right_arithmetic3A_1857 = arith.constant 31 : i32
            %shift_right_arithmetic3A_1858 = vector.broadcast %shift_right_arithmetic3A_1857 : i32 to vector<16xi32>
            %shift_right_arithmetic3A_1859 = arith.shrsi %shift_left3A_1856, %shift_right_arithmetic3A_1858 : vector<16xi32>
            %bitcast_convert_type3A_1860 = tpu.bitcast %shift_right_arithmetic3A_1859 : vector<16xi32> -> vector<16xi32>
            %and3A_1861 = arith.andi %bitcast_convert_type3A_1853, %bitcast_convert_type3A_1860 : vector<16xi32>
            %max3A_1862 = arith.maxui %max3A_1841, %and3A_1861 : vector<16xi32>
            %sub3A_1863 = arith.subi %max3A_1862, %max3A_1841 : vector<16xi32>
            %min3A_1864 = vector.broadcast %scan3A : i32 to vector<16xi32>
            %min3A_1865 = arith.minui %sub3A_1863, %min3A_1864 : vector<16xi32>
            %mul3A_1866 = arith.constant 928 : i32
            %mul3A_1867 = vector.broadcast %mul3A_1866 : i32 to vector<16xi32>
            %mul3A_1868 = arith.muli %min3A_1865, %mul3A_1867 : vector<16xi32>
            %max3A_1869 = arith.maxui %max3A_1848, %mul3A_1868 : vector<16xi32>
            %get3A_1870 = arith.index_cast %scan3A_777 : i32 to index
            %get3A_1871 = arith.constant 944 : index
            %get3A_1872 = tpu.vector_load %arg5[%get3A_1870, %get3A_1871] {strides = array<i32>} : memref<48x1024xf32, #tpu.memory_space<vmem>>, vector<1x16xf32>,
            %get3A_1873 = vector.shape_cast %get3A_1872 : vector<1x16xf32> to vector<16xf32>
            %bitcast_convert_type3A_1874 = tpu.bitcast %get3A_1873 : vector<16xf32> -> vector<16xi32>
            %shift_left3A_1875 = arith.constant 20 : i32
            %shift_left3A_1876 = vector.broadcast %shift_left3A_1875 : i32 to vector<16xi32>
            %shift_left3A_1877 = arith.shli %scan3A_779, %shift_left3A_1876 : vector<16xi32>
            %shift_right_arithmetic3A_1878 = arith.constant 31 : i32
            %shift_right_arithmetic3A_1879 = vector.broadcast %shift_right_arithmetic3A_1878 : i32 to vector<16xi32>
            %shift_right_arithmetic3A_1880 = arith.shrsi %shift_left3A_1877, %shift_right_arithmetic3A_1879 : vector<16xi32>
            %bitcast_convert_type3A_1881 = tpu.bitcast %shift_right_arithmetic3A_1880 : vector<16xi32> -> vector<16xi32>
            %and3A_1882 = arith.andi %bitcast_convert_type3A_1874, %bitcast_convert_type3A_1881 : vector<16xi32>
            %max3A_1883 = arith.maxui %max3A_1862, %and3A_1882 : vector<16xi32>
            %sub3A_1884 = arith.subi %max3A_1883, %max3A_1862 : vector<16xi32>
            %min3A_1885 = vector.broadcast %scan3A : i32 to vector<16xi32>
            %min3A_1886 = arith.minui %sub3A_1884, %min3A_1885 : vector<16xi32>
            %mul3A_1887 = arith.constant 944 : i32
            %mul3A_1888 = vector.broadcast %mul3A_1887 : i32 to vector<16xi32>
            %mul3A_1889 = arith.muli %min3A_1886, %mul3A_1888 : vector<16xi32>
            %max3A_1890 = arith.maxui %max3A_1869, %mul3A_1889 : vector<16xi32>
            %get3A_1891 = arith.index_cast %scan3A_777 : i32 to index
            %get3A_1892 = arith.constant 960 : index
            %get3A_1893 = tpu.vector_load %arg5[%get3A_1891, %get3A_1892] {strides = array<i32>} : memref<48x1024xf32, #tpu.memory_space<vmem>>, vector<1x16xf32>,
            %get3A_1894 = vector.shape_cast %get3A_1893 : vector<1x16xf32> to vector<16xf32>
            %bitcast_convert_type3A_1895 = tpu.bitcast %get3A_1894 : vector<16xf32> -> vector<16xi32>
            %shift_left3A_1896 = arith.constant 19 : i32
            %shift_left3A_1897 = vector.broadcast %shift_left3A_1896 : i32 to vector<16xi32>
            %shift_left3A_1898 = arith.shli %scan3A_779, %shift_left3A_1897 : vector<16xi32>
            %shift_right_arithmetic3A_1899 = arith.constant 31 : i32
            %shift_right_arithmetic3A_1900 = vector.broadcast %shift_right_arithmetic3A_1899 : i32 to vector<16xi32>
            %shift_right_arithmetic3A_1901 = arith.shrsi %shift_left3A_1898, %shift_right_arithmetic3A_1900 : vector<16xi32>
            %bitcast_convert_type3A_1902 = tpu.bitcast %shift_right_arithmetic3A_1901 : vector<16xi32> -> vector<16xi32>
            %and3A_1903 = arith.andi %bitcast_convert_type3A_1895, %bitcast_convert_type3A_1902 : vector<16xi32>
            %max3A_1904 = arith.maxui %max3A_1883, %and3A_1903 : vector<16xi32>
            %sub3A_1905 = arith.subi %max3A_1904, %max3A_1883 : vector<16xi32>
            %min3A_1906 = vector.broadcast %scan3A : i32 to vector<16xi32>
            %min3A_1907 = arith.minui %sub3A_1905, %min3A_1906 : vector<16xi32>
            %mul3A_1908 = arith.constant 960 : i32
            %mul3A_1909 = vector.broadcast %mul3A_1908 : i32 to vector<16xi32>
            %mul3A_1910 = arith.muli %min3A_1907, %mul3A_1909 : vector<16xi32>
            %max3A_1911 = arith.maxui %max3A_1890, %mul3A_1910 : vector<16xi32>
            %get3A_1912 = arith.index_cast %scan3A_777 : i32 to index
            %get3A_1913 = arith.constant 976 : index
            %get3A_1914 = tpu.vector_load %arg5[%get3A_1912, %get3A_1913] {strides = array<i32>} : memref<48x1024xf32, #tpu.memory_space<vmem>>, vector<1x16xf32>,
            %get3A_1915 = vector.shape_cast %get3A_1914 : vector<1x16xf32> to vector<16xf32>
            %bitcast_convert_type3A_1916 = tpu.bitcast %get3A_1915 : vector<16xf32> -> vector<16xi32>
            %shift_left3A_1917 = arith.constant 18 : i32
            %shift_left3A_1918 = vector.broadcast %shift_left3A_1917 : i32 to vector<16xi32>
            %shift_left3A_1919 = arith.shli %scan3A_779, %shift_left3A_1918 : vector<16xi32>
            %shift_right_arithmetic3A_1920 = arith.constant 31 : i32
            %shift_right_arithmetic3A_1921 = vector.broadcast %shift_right_arithmetic3A_1920 : i32 to vector<16xi32>
            %shift_right_arithmetic3A_1922 = arith.shrsi %shift_left3A_1919, %shift_right_arithmetic3A_1921 : vector<16xi32>
            %bitcast_convert_type3A_1923 = tpu.bitcast %shift_right_arithmetic3A_1922 : vector<16xi32> -> vector<16xi32>
            %and3A_1924 = arith.andi %bitcast_convert_type3A_1916, %bitcast_convert_type3A_1923 : vector<16xi32>
            %max3A_1925 = arith.maxui %max3A_1904, %and3A_1924 : vector<16xi32>
            %sub3A_1926 = arith.subi %max3A_1925, %max3A_1904 : vector<16xi32>
            %min3A_1927 = vector.broadcast %scan3A : i32 to vector<16xi32>
            %min3A_1928 = arith.minui %sub3A_1926, %min3A_1927 : vector<16xi32>
            %mul3A_1929 = arith.constant 976 : i32
            %mul3A_1930 = vector.broadcast %mul3A_1929 : i32 to vector<16xi32>
            %mul3A_1931 = arith.muli %min3A_1928, %mul3A_1930 : vector<16xi32>
            %max3A_1932 = arith.maxui %max3A_1911, %mul3A_1931 : vector<16xi32>
            %get3A_1933 = arith.index_cast %scan3A_777 : i32 to index
            %get3A_1934 = arith.constant 992 : index
            %get3A_1935 = tpu.vector_load %arg5[%get3A_1933, %get3A_1934] {strides = array<i32>} : memref<48x1024xf32, #tpu.memory_space<vmem>>, vector<1x16xf32>,
            %get3A_1936 = vector.shape_cast %get3A_1935 : vector<1x16xf32> to vector<16xf32>
            %bitcast_convert_type3A_1937 = tpu.bitcast %get3A_1936 : vector<16xf32> -> vector<16xi32>
            %shift_left3A_1938 = arith.constant 17 : i32
            %shift_left3A_1939 = vector.broadcast %shift_left3A_1938 : i32 to vector<16xi32>
            %shift_left3A_1940 = arith.shli %scan3A_779, %shift_left3A_1939 : vector<16xi32>
            %shift_right_arithmetic3A_1941 = arith.constant 31 : i32
            %shift_right_arithmetic3A_1942 = vector.broadcast %shift_right_arithmetic3A_1941 : i32 to vector<16xi32>
            %shift_right_arithmetic3A_1943 = arith.shrsi %shift_left3A_1940, %shift_right_arithmetic3A_1942 : vector<16xi32>
            %bitcast_convert_type3A_1944 = tpu.bitcast %shift_right_arithmetic3A_1943 : vector<16xi32> -> vector<16xi32>
            %and3A_1945 = arith.andi %bitcast_convert_type3A_1937, %bitcast_convert_type3A_1944 : vector<16xi32>
            %max3A_1946 = arith.maxui %max3A_1925, %and3A_1945 : vector<16xi32>
            %sub3A_1947 = arith.subi %max3A_1946, %max3A_1925 : vector<16xi32>
            %min3A_1948 = vector.broadcast %scan3A : i32 to vector<16xi32>
            %min3A_1949 = arith.minui %sub3A_1947, %min3A_1948 : vector<16xi32>
            %mul3A_1950 = arith.constant 992 : i32
            %mul3A_1951 = vector.broadcast %mul3A_1950 : i32 to vector<16xi32>
            %mul3A_1952 = arith.muli %min3A_1949, %mul3A_1951 : vector<16xi32>
            %max3A_1953 = arith.maxui %max3A_1932, %mul3A_1952 : vector<16xi32>
            %get3A_1954 = arith.index_cast %scan3A_777 : i32 to index
            %get3A_1955 = arith.constant 1008 : index
            %get3A_1956 = tpu.vector_load %arg5[%get3A_1954, %get3A_1955] {strides = array<i32>} : memref<48x1024xf32, #tpu.memory_space<vmem>>, vector<1x16xf32>,
            %get3A_1957 = vector.shape_cast %get3A_1956 : vector<1x16xf32> to vector<16xf32>
            %bitcast_convert_type3A_1958 = tpu.bitcast %get3A_1957 : vector<16xf32> -> vector<16xi32>
            %shift_left3A_1959 = arith.constant 16 : i32
            %shift_left3A_1960 = vector.broadcast %shift_left3A_1959 : i32 to vector<16xi32>
            %shift_left3A_1961 = arith.shli %scan3A_779, %shift_left3A_1960 : vector<16xi32>
            %shift_right_arithmetic3A_1962 = arith.constant 31 : i32
            %shift_right_arithmetic3A_1963 = vector.broadcast %shift_right_arithmetic3A_1962 : i32 to vector<16xi32>
            %shift_right_arithmetic3A_1964 = arith.shrsi %shift_left3A_1961, %shift_right_arithmetic3A_1963 : vector<16xi32>
            %bitcast_convert_type3A_1965 = tpu.bitcast %shift_right_arithmetic3A_1964 : vector<16xi32> -> vector<16xi32>
            %and3A_1966 = arith.andi %bitcast_convert_type3A_1958, %bitcast_convert_type3A_1965 : vector<16xi32>
            %max3A_1967 = arith.maxui %max3A_1946, %and3A_1966 : vector<16xi32>
            %sub3A_1968 = arith.subi %max3A_1967, %max3A_1946 : vector<16xi32>
            %min3A_1969 = vector.broadcast %scan3A : i32 to vector<16xi32>
            %min3A_1970 = arith.minui %sub3A_1968, %min3A_1969 : vector<16xi32>
            %mul3A_1971 = arith.constant 1008 : i32
            %mul3A_1972 = vector.broadcast %mul3A_1971 : i32 to vector<16xi32>
            %mul3A_1973 = arith.muli %min3A_1970, %mul3A_1972 : vector<16xi32>
            %max3A_1974 = arith.maxui %max3A_1953, %mul3A_1973 : vector<16xi32>
            %max3A_1975 = arith.maxui %max3A_1043, %max3A_1309 : vector<16xi32>
            %sub3A_1976 = arith.subi %max3A_1975, %max3A_1043 : vector<16xi32>
            %min3A_1977 = vector.broadcast %scan3A : i32 to vector<16xi32>
            %min3A_1978 = arith.minui %sub3A_1976, %min3A_1977 : vector<16xi32>
            %mul3A_1979 = arith.muli %min3A_1978, %max3A_1316 : vector<16xi32>
            %max3A_1980 = arith.maxui %max3A_1050, %mul3A_1979 : vector<16xi32>
            %max3A_1981 = arith.maxui %max3A_1637, %max3A_1967 : vector<16xi32>
            %sub3A_1982 = arith.subi %max3A_1981, %max3A_1637 : vector<16xi32>
            %min3A_1983 = vector.broadcast %scan3A : i32 to vector<16xi32>
            %min3A_1984 = arith.minui %sub3A_1982, %min3A_1983 : vector<16xi32>
            %mul3A_1985 = arith.muli %min3A_1984, %max3A_1974 : vector<16xi32>
            %max3A_1986 = arith.maxui %max3A_1644, %mul3A_1985 : vector<16xi32>
            %max3A_1987 = arith.maxui %max3A_1975, %max3A_1981 : vector<16xi32>
            %sub3A_1988 = arith.subi %max3A_1987, %max3A_1975 : vector<16xi32>
            %min3A_1989 = vector.broadcast %scan3A : i32 to vector<16xi32>
            %min3A_1990 = arith.minui %sub3A_1988, %min3A_1989 : vector<16xi32>
            %mul3A_1991 = arith.muli %min3A_1990, %max3A_1986 : vector<16xi32>
            %max3A_1992 = arith.maxui %max3A_1980, %mul3A_1991 : vector<16xi32>
            %xor3A = arith.constant 1 : i32
            %xor3A_1993 = vector.broadcast %xor3A : i32 to vector<16xi32>
            %xor3A_1994 = arith.xori %iota3A, %xor3A_1993 : vector<16xi32>
            %lt3A_1995 = arith.constant 0 : i32
            %lt3A_1996 = vector.broadcast %lt3A_1995 : i32 to vector<16xi32>
            %lt3A_1997 = arith.cmpi slt, %xor3A_1994, %lt3A_1996 : vector<16xi32>
            %add3A_1998 = arith.constant 16 : i32
            %add3A_1999 = vector.broadcast %add3A_1998 : i32 to vector<16xi32>
            %add3A_2000 = arith.addi %xor3A_1994, %add3A_1999 : vector<16xi32>
            %select_n3A = arith.select %lt3A_1997, %add3A_2000, %xor3A_1994 : vector<16xi1>, vector<16xi32>
            %broadcast_in_dim3A_2001 = vector.shape_cast %select_n3A : vector<16xi32> to vector<16x1xi32>
            %gather3A = vector.shape_cast %broadcast_in_dim3A_2001 : vector<16x1xi32> to vector<16xi32>
            %gather3A_2002 = tpu.dynamic_gather %max3A_1987[%gather3A] in [0] : vector<16xi32>, vector<16xi32> -> vector<16xi32>
            %max3A_2003 = arith.maxui %max3A_1987, %gather3A_2002 : vector<16xi32>
            %xor3A_2004 = arith.constant 2 : i32
            %xor3A_2005 = vector.broadcast %xor3A_2004 : i32 to vector<16xi32>
            %xor3A_2006 = arith.xori %iota3A, %xor3A_2005 : vector<16xi32>
            %lt3A_2007 = arith.constant 0 : i32
            %lt3A_2008 = vector.broadcast %lt3A_2007 : i32 to vector<16xi32>
            %lt3A_2009 = arith.cmpi slt, %xor3A_2006, %lt3A_2008 : vector<16xi32>
            %add3A_2010 = arith.constant 16 : i32
            %add3A_2011 = vector.broadcast %add3A_2010 : i32 to vector<16xi32>
            %add3A_2012 = arith.addi %xor3A_2006, %add3A_2011 : vector<16xi32>
            %select_n3A_2013 = arith.select %lt3A_2009, %add3A_2012, %xor3A_2006 : vector<16xi1>, vector<16xi32>
            %broadcast_in_dim3A_2014 = vector.shape_cast %select_n3A_2013 : vector<16xi32> to vector<16x1xi32>
            %gather3A_2015 = vector.shape_cast %broadcast_in_dim3A_2014 : vector<16x1xi32> to vector<16xi32>
            %gather3A_2016 = tpu.dynamic_gather %max3A_2003[%gather3A_2015] in [0] : vector<16xi32>, vector<16xi32> -> vector<16xi32>
            %max3A_2017 = arith.maxui %max3A_2003, %gather3A_2016 : vector<16xi32>
            %xor3A_2018 = arith.constant 4 : i32
            %xor3A_2019 = vector.broadcast %xor3A_2018 : i32 to vector<16xi32>
            %xor3A_2020 = arith.xori %iota3A, %xor3A_2019 : vector<16xi32>
            %lt3A_2021 = arith.constant 0 : i32
            %lt3A_2022 = vector.broadcast %lt3A_2021 : i32 to vector<16xi32>
            %lt3A_2023 = arith.cmpi slt, %xor3A_2020, %lt3A_2022 : vector<16xi32>
            %add3A_2024 = arith.constant 16 : i32
            %add3A_2025 = vector.broadcast %add3A_2024 : i32 to vector<16xi32>
            %add3A_2026 = arith.addi %xor3A_2020, %add3A_2025 : vector<16xi32>
            %select_n3A_2027 = arith.select %lt3A_2023, %add3A_2026, %xor3A_2020 : vector<16xi1>, vector<16xi32>
            %broadcast_in_dim3A_2028 = vector.shape_cast %select_n3A_2027 : vector<16xi32> to vector<16x1xi32>
            %gather3A_2029 = vector.shape_cast %broadcast_in_dim3A_2028 : vector<16x1xi32> to vector<16xi32>
            %gather3A_2030 = tpu.dynamic_gather %max3A_2017[%gather3A_2029] in [0] : vector<16xi32>, vector<16xi32> -> vector<16xi32>
            %max3A_2031 = arith.maxui %max3A_2017, %gather3A_2030 : vector<16xi32>
            %xor3A_2032 = arith.constant 8 : i32
            %xor3A_2033 = vector.broadcast %xor3A_2032 : i32 to vector<16xi32>
            %xor3A_2034 = arith.xori %iota3A, %xor3A_2033 : vector<16xi32>
            %lt3A_2035 = arith.constant 0 : i32
            %lt3A_2036 = vector.broadcast %lt3A_2035 : i32 to vector<16xi32>
            %lt3A_2037 = arith.cmpi slt, %xor3A_2034, %lt3A_2036 : vector<16xi32>
            %add3A_2038 = arith.constant 16 : i32
            %add3A_2039 = vector.broadcast %add3A_2038 : i32 to vector<16xi32>
            %add3A_2040 = arith.addi %xor3A_2034, %add3A_2039 : vector<16xi32>
            %select_n3A_2041 = arith.select %lt3A_2037, %add3A_2040, %xor3A_2034 : vector<16xi1>, vector<16xi32>
            %broadcast_in_dim3A_2042 = vector.shape_cast %select_n3A_2041 : vector<16xi32> to vector<16x1xi32>
            %gather3A_2043 = vector.shape_cast %broadcast_in_dim3A_2042 : vector<16x1xi32> to vector<16xi32>
            %gather3A_2044 = tpu.dynamic_gather %max3A_2031[%gather3A_2043] in [0] : vector<16xi32>, vector<16xi32> -> vector<16xi32>
            %max3A_2045 = arith.maxui %max3A_2031, %gather3A_2044 : vector<16xi32>
            %add3A_2046 = arith.addi %max3A_1992, %iota3A : vector<16xi32>
            %sub3A_2047 = arith.subi %max3A_2045, %max3A_1987 : vector<16xi32>
            %min3A_2048 = vector.broadcast %scan3A : i32 to vector<16xi32>
            %min3A_2049 = arith.minui %sub3A_2047, %min3A_2048 : vector<16xi32>
            %mul3A_2050 = vector.broadcast %scan3A_677 : i32 to vector<16xi32>
            %mul3A_2051 = arith.muli %min3A_2049, %mul3A_2050 : vector<16xi32>
            %add3A_2052 = arith.addi %add3A_2046, %mul3A_2051 : vector<16xi32>
            %xor3A_2053 = arith.constant 1 : i32
            %xor3A_2054 = vector.broadcast %xor3A_2053 : i32 to vector<16xi32>
            %xor3A_2055 = arith.xori %iota3A, %xor3A_2054 : vector<16xi32>
            %lt3A_2056 = arith.constant 0 : i32
            %lt3A_2057 = vector.broadcast %lt3A_2056 : i32 to vector<16xi32>
            %lt3A_2058 = arith.cmpi slt, %xor3A_2055, %lt3A_2057 : vector<16xi32>
            %add3A_2059 = arith.constant 16 : i32
            %add3A_2060 = vector.broadcast %add3A_2059 : i32 to vector<16xi32>
            %add3A_2061 = arith.addi %xor3A_2055, %add3A_2060 : vector<16xi32>
            %select_n3A_2062 = arith.select %lt3A_2058, %add3A_2061, %xor3A_2055 : vector<16xi1>, vector<16xi32>
            %broadcast_in_dim3A_2063 = vector.shape_cast %select_n3A_2062 : vector<16xi32> to vector<16x1xi32>
            %gather3A_2064 = vector.shape_cast %broadcast_in_dim3A_2063 : vector<16x1xi32> to vector<16xi32>
            %gather3A_2065 = tpu.dynamic_gather %add3A_2052[%gather3A_2064] in [0] : vector<16xi32>, vector<16xi32> -> vector<16xi32>
            %min3A_2066 = arith.minui %add3A_2052, %gather3A_2065 : vector<16xi32>
            %xor3A_2067 = arith.constant 2 : i32
            %xor3A_2068 = vector.broadcast %xor3A_2067 : i32 to vector<16xi32>
            %xor3A_2069 = arith.xori %iota3A, %xor3A_2068 : vector<16xi32>
            %lt3A_2070 = arith.constant 0 : i32
            %lt3A_2071 = vector.broadcast %lt3A_2070 : i32 to vector<16xi32>
            %lt3A_2072 = arith.cmpi slt, %xor3A_2069, %lt3A_2071 : vector<16xi32>
            %add3A_2073 = arith.constant 16 : i32
            %add3A_2074 = vector.broadcast %add3A_2073 : i32 to vector<16xi32>
            %add3A_2075 = arith.addi %xor3A_2069, %add3A_2074 : vector<16xi32>
            %select_n3A_2076 = arith.select %lt3A_2072, %add3A_2075, %xor3A_2069 : vector<16xi1>, vector<16xi32>
            %broadcast_in_dim3A_2077 = vector.shape_cast %select_n3A_2076 : vector<16xi32> to vector<16x1xi32>
            %gather3A_2078 = vector.shape_cast %broadcast_in_dim3A_2077 : vector<16x1xi32> to vector<16xi32>
            %gather3A_2079 = tpu.dynamic_gather %min3A_2066[%gather3A_2078] in [0] : vector<16xi32>, vector<16xi32> -> vector<16xi32>
            %min3A_2080 = arith.minui %min3A_2066, %gather3A_2079 : vector<16xi32>
            %xor3A_2081 = arith.constant 4 : i32
            %xor3A_2082 = vector.broadcast %xor3A_2081 : i32 to vector<16xi32>
            %xor3A_2083 = arith.xori %iota3A, %xor3A_2082 : vector<16xi32>
            %lt3A_2084 = arith.constant 0 : i32
            %lt3A_2085 = vector.broadcast %lt3A_2084 : i32 to vector<16xi32>
            %lt3A_2086 = arith.cmpi slt, %xor3A_2083, %lt3A_2085 : vector<16xi32>
            %add3A_2087 = arith.constant 16 : i32
            %add3A_2088 = vector.broadcast %add3A_2087 : i32 to vector<16xi32>
            %add3A_2089 = arith.addi %xor3A_2083, %add3A_2088 : vector<16xi32>
            %select_n3A_2090 = arith.select %lt3A_2086, %add3A_2089, %xor3A_2083 : vector<16xi1>, vector<16xi32>
            %broadcast_in_dim3A_2091 = vector.shape_cast %select_n3A_2090 : vector<16xi32> to vector<16x1xi32>
            %gather3A_2092 = vector.shape_cast %broadcast_in_dim3A_2091 : vector<16x1xi32> to vector<16xi32>
            %gather3A_2093 = tpu.dynamic_gather %min3A_2080[%gather3A_2092] in [0] : vector<16xi32>, vector<16xi32> -> vector<16xi32>
            %min3A_2094 = arith.minui %min3A_2080, %gather3A_2093 : vector<16xi32>
            %xor3A_2095 = arith.constant 8 : i32
            %xor3A_2096 = vector.broadcast %xor3A_2095 : i32 to vector<16xi32>
            %xor3A_2097 = arith.xori %iota3A, %xor3A_2096 : vector<16xi32>
            %lt3A_2098 = arith.constant 0 : i32
            %lt3A_2099 = vector.broadcast %lt3A_2098 : i32 to vector<16xi32>
            %lt3A_2100 = arith.cmpi slt, %xor3A_2097, %lt3A_2099 : vector<16xi32>
            %add3A_2101 = arith.constant 16 : i32
            %add3A_2102 = vector.broadcast %add3A_2101 : i32 to vector<16xi32>
            %add3A_2103 = arith.addi %xor3A_2097, %add3A_2102 : vector<16xi32>
            %select_n3A_2104 = arith.select %lt3A_2100, %add3A_2103, %xor3A_2097 : vector<16xi1>, vector<16xi32>
            %broadcast_in_dim3A_2105 = vector.shape_cast %select_n3A_2104 : vector<16xi32> to vector<16x1xi32>
            %gather3A_2106 = vector.shape_cast %broadcast_in_dim3A_2105 : vector<16x1xi32> to vector<16xi32>
            %gather3A_2107 = tpu.dynamic_gather %min3A_2094[%gather3A_2106] in [0] : vector<16xi32>, vector<16xi32> -> vector<16xi32>
            %min3A_2108 = arith.minui %min3A_2094, %gather3A_2107 : vector<16xi32>
            %slice3A = vector.extract_strided_slice %min3A_2108 {offsets = [0], sizes = [1], strides = [1]} : vector<16xi32> to vector<1xi32>
            %squeeze3A = vector.extract %slice3A[0] : i32 from vector<1xi32>
            %bitcast_convert_type3A_2109 = tpu.bitcast %max3A_2045 : vector<16xi32> -> vector<16xf32>
            %sub3A_2110 = arith.constant 753 : i32
            %sub3A_2111 = arith.subi %add3A_785, %sub3A_2110 : i32
            %shift_right_logical3A = arith.constant 31 : i32
            %shift_right_logical3A_2112 = arith.shrui %sub3A_2111, %shift_right_logical3A : i32
            %sub3A_2113 = arith.subi %scan3A_678, %shift_right_logical3A_2112 : i32
            %min3A_2114 = arith.minsi %squeeze3A, %scan3A_678 : i32
            %mul3A_2115 = arith.muli %sub3A_2113, %min3A_2114 : i32
            %and3A_2116 = arith.constant 15 : i32
            %and3A_2117 = arith.andi %add3A_785, %and3A_2116 : i32
            %sub3A_2118 = arith.subi %add3A_785, %and3A_2117 : i32
            %sub3A_2119 = vector.broadcast %and3A_2117 : i32 to vector<16xi32>
            %sub3A_2120 = arith.subi %iota3A, %sub3A_2119 : vector<16xi32>
            %mul3A_2121 = arith.muli %sub3A_2120, %sub3A_2120 : vector<16xi32>
            %min3A_2122 = vector.broadcast %scan3A_678 : i32 to vector<16xi32>
            %min3A_2123 = arith.minsi %mul3A_2121, %min3A_2122 : vector<16xi32>
            %sub3A_2124 = arith.subi %scan3A_678, %sub3A_2113 : i32
            %max3A_2125 = vector.broadcast %sub3A_2124 : i32 to vector<16xi32>
            %max3A_2126 = arith.maxsi %min3A_2123, %max3A_2125 : vector<16xi32>
            %get3A_2127 = arith.index_cast %sub3A_2118 : i32 to index
            %get3A_2128 = tpu.vector_load %arg9[%get3A_2127] {strides = array<i32>} : memref<2048xi32, #tpu.memory_space<vmem>>, vector<16xi32>,
            %get3A_2129 = vector.shape_cast %get3A_2128 : vector<16xi32> to vector<16xi32>
            %mul3A_2130 = arith.muli %get3A_2129, %max3A_2126 : vector<16xi32>
            %sub3A_2131 = vector.broadcast %scan3A_678 : i32 to vector<16xi32>
            %sub3A_2132 = arith.subi %sub3A_2131, %max3A_2126 : vector<16xi32>
            %mul3A_2133 = vector.broadcast %squeeze3A : i32 to vector<16xi32>
            %mul3A_2134 = arith.muli %mul3A_2133, %sub3A_2132 : vector<16xi32>
            %add3A_2135 = arith.addi %mul3A_2130, %mul3A_2134 : vector<16xi32>
            %swap3A_2136 = arith.index_cast %sub3A_2118 : i32 to index
            %swap3A_2137 = tpu.vector_load %arg9[%swap3A_2136] {strides = array<i32>} : memref<2048xi32, #tpu.memory_space<vmem>>, vector<16xi32>,
            %swap3A_2138 = vector.shape_cast %swap3A_2137 : vector<16xi32> to vector<16xi32>
            %swap3A_2139 = vector.shape_cast %add3A_2135 : vector<16xi32> to vector<16xi32>
            tpu.vector_store %arg9[%swap3A_2136], %swap3A_2139 {strides = array<i32>} : memref<2048xi32, #tpu.memory_space<vmem>>, vector<16xi32>,
            %get3A_2140 = arith.constant 0 : i32
            %get3A_2141 = arith.index_cast %get3A_2140 : i32 to index
            %get3A_2142 = memref.load %arg11[%get3A_2141] : memref<1xi32, #tpu.memory_space<smem>>
            %add3A_2143 = arith.addi %get3A_2142, %mul3A_2115 : i32
            %swap3A_2144 = arith.constant 0 : i32
            %swap3A_2145 = arith.index_cast %swap3A_2144 : i32 to index
            %swap3A_2146 = memref.load %arg11[%swap3A_2145] : memref<1xi32, #tpu.memory_space<smem>>
            memref.store %add3A_2143, %arg11[%swap3A_2145] : memref<1xi32, #tpu.memory_space<smem>>
            %and3A_2147 = arith.constant 15 : i32
            %and3A_2148 = arith.andi %squeeze3A, %and3A_2147 : i32
            %sub3A_2149 = vector.broadcast %and3A_2148 : i32 to vector<16xi32>
            %sub3A_2150 = arith.subi %iota3A, %sub3A_2149 : vector<16xi32>
            %mul3A_2151 = arith.muli %sub3A_2150, %sub3A_2150 : vector<16xi32>
            %min3A_2152 = vector.broadcast %scan3A_678 : i32 to vector<16xi32>
            %min3A_2153 = arith.minsi %mul3A_2151, %min3A_2152 : vector<16xi32>
            %sub3A_2154 = vector.broadcast %scan3A_678 : i32 to vector<16xi32>
            %sub3A_2155 = arith.subi %sub3A_2154, %min3A_2153 : vector<16xi32>
            %sub3A_2156 = arith.constant 512 : i32
            %sub3A_2157 = arith.subi %squeeze3A, %sub3A_2156 : i32
            %shift_right_logical3A_2158 = arith.constant 31 : i32
            %shift_right_logical3A_2159 = arith.shrui %sub3A_2157, %shift_right_logical3A_2158 : i32
            %mul3A_2160 = arith.muli %mul3A_2115, %shift_right_logical3A_2159 : i32
            %sub3A_2161 = arith.subi %squeeze3A, %and3A_2148 : i32
            %min3A_2162 = arith.constant 496 : i32
            %min3A_2163 = arith.minsi %sub3A_2161, %min3A_2162 : i32
            %mul3A_2164 = vector.broadcast %mul3A_2160 : i32 to vector<16xi32>
            %mul3A_2165 = arith.muli %sub3A_2155, %mul3A_2164 : vector<16xi32>
            %get3A_2166 = arith.index_cast %min3A_2163 : i32 to index
            %get3A_2167 = tpu.vector_load %arg7[%get3A_2166] {strides = array<i32>} : memref<512xi32, #tpu.memory_space<vmem>>, vector<16xi32>,
            %get3A_2168 = vector.shape_cast %get3A_2167 : vector<16xi32> to vector<16xi32>
            %sub3A_2169 = arith.constant 0 : i32
            %sub3A_2170 = vector.broadcast %sub3A_2169 : i32 to vector<16xi32>
            %sub3A_2171 = arith.subi %sub3A_2170, %mul3A_2165 : vector<16xi32>
            %xor3A_2172 = arith.xori %get3A_2168, %sub3A_2171 : vector<16xi32>
            %swap3A_2173 = arith.index_cast %min3A_2163 : i32 to index
            %swap3A_2174 = tpu.vector_load %arg7[%swap3A_2173] {strides = array<i32>} : memref<512xi32, #tpu.memory_space<vmem>>, vector<16xi32>,
            %swap3A_2175 = vector.shape_cast %swap3A_2174 : vector<16xi32> to vector<16xi32>
            %swap3A_2176 = vector.shape_cast %xor3A_2172 : vector<16xi32> to vector<16xi32>
            tpu.vector_store %arg7[%swap3A_2173], %swap3A_2176 {strides = array<i32>} : memref<512xi32, #tpu.memory_space<vmem>>, vector<16xi32>,
            %shift_right_arithmetic3A_2177 = arith.constant 8 : i32
            %shift_right_arithmetic3A_2178 = arith.shrsi %squeeze3A, %shift_right_arithmetic3A_2177 : i32
            %shift_right_arithmetic3A_2179 = arith.constant 4 : i32
            %shift_right_arithmetic3A_2180 = arith.shrsi %squeeze3A, %shift_right_arithmetic3A_2179 : i32
            %and3A_2181 = arith.constant 15 : i32
            %and3A_2182 = arith.andi %shift_right_arithmetic3A_2180, %and3A_2181 : i32
            %shift_left3A_2183 = vector.broadcast %and3A_2182 : i32 to vector<16xi32>
            %shift_left3A_2184 = arith.shli %sub3A_2155, %shift_left3A_2183 : vector<16xi32>
            %sub3A_2185 = arith.constant 2 : i32
            %sub3A_2186 = arith.subi %shift_right_arithmetic3A_2178, %sub3A_2185 : i32
            %mul3A_2187 = arith.muli %sub3A_2186, %sub3A_2186 : i32
            %min3A_2188 = arith.minsi %mul3A_2187, %scan3A_678 : i32
            %sub3A_2189 = arith.subi %scan3A_678, %min3A_2188 : i32
            %mul3A_2190 = arith.muli %mul3A_2115, %sub3A_2189 : i32
            %sub3A_2191 = arith.constant 3 : i32
            %sub3A_2192 = arith.subi %shift_right_arithmetic3A_2178, %sub3A_2191 : i32
            %mul3A_2193 = arith.muli %sub3A_2192, %sub3A_2192 : i32
            %min3A_2194 = arith.minsi %mul3A_2193, %scan3A_678 : i32
            %sub3A_2195 = arith.subi %scan3A_678, %min3A_2194 : i32
            %mul3A_2196 = arith.muli %mul3A_2115, %sub3A_2195 : i32
            %mul3A_2197 = vector.broadcast %mul3A_2190 : i32 to vector<16xi32>
            %mul3A_2198 = arith.muli %shift_left3A_2184, %mul3A_2197 : vector<16xi32>
            %xor3A_2199 = arith.xori %scan3A_778, %mul3A_2198 : vector<16xi32>
            %mul3A_2200 = vector.broadcast %mul3A_2196 : i32 to vector<16xi32>
            %mul3A_2201 = arith.muli %shift_left3A_2184, %mul3A_2200 : vector<16xi32>
            %xor3A_2202 = arith.xori %scan3A_779, %mul3A_2201 : vector<16xi32>
            %slice3A_2203 = vector.extract_strided_slice %bitcast_convert_type3A_2109 {offsets = [0], sizes = [1], strides = [1]} : vector<16xf32> to vector<1xf32>
            %squeeze3A_2204 = vector.extract %slice3A_2203[0] : f32 from vector<1xf32>
            %convert_element_type3A_2205 = arith.sitofp %sub3A_2113 : i32 to f32
            %mul3A_2206 = arith.mulf %squeeze3A_2204, %convert_element_type3A_2205 : f32
            %add3A_2207 = arith.addf %scan3A_780, %mul3A_2206 : f32
            scf.yield %xor3A_2199, %xor3A_2202, %add3A_2207 : vector<16xi32>, vector<16xi32>, f32
          }
          %scan3A_768 = arith.constant 48 : i32
          %swap3A_769 = arith.constant 0 : index
          %swap3A_770 = tpu.vector_load %arg8[%swap3A_769] {strides = array<i32>} : memref<32xi32, #tpu.memory_space<vmem>>, vector<16xi32>,
          %swap3A_771 = vector.shape_cast %swap3A_770 : vector<16xi32> to vector<16xi32>
          %swap3A_772 = vector.shape_cast %scan3A_767#0 : vector<16xi32> to vector<16xi32>
          tpu.vector_store %arg8[%swap3A_769], %swap3A_772 {strides = array<i32>} : memref<32xi32, #tpu.memory_space<vmem>>, vector<16xi32>,
          %swap3A_773 = arith.constant 16 : index
          %swap3A_774 = tpu.vector_load %arg8[%swap3A_773] {strides = array<i32>} : memref<32xi32, #tpu.memory_space<vmem>>, vector<16xi32>,
          %swap3A_775 = vector.shape_cast %swap3A_774 : vector<16xi32> to vector<16xi32>
          %swap3A_776 = vector.shape_cast %scan3A_767#1 : vector<16xi32> to vector<16xi32>
          tpu.vector_store %arg8[%swap3A_773], %swap3A_776 {strides = array<i32>} : memref<32xi32, #tpu.memory_space<vmem>>, vector<16xi32>,
          scf.yield %scan3A_767#2 : f32
        } else {
          scf.yield %scan3A_694 : f32
        }
        %mul3A_724 = arith.constant 2 : i32
        %mul3A_725 = arith.muli %mul3A_724, %scan3A_693 : i32
        %add3A_726 = arith.constant 1 : i32
        %add3A_727 = arith.addi %mul3A_725, %add3A_726 : i32
        %add3A_728 = arith.constant 1 : i32
        %add3A_729 = arith.addi %add3A_727, %add3A_728 : i32
        %lt3A_730 = arith.constant 28 : i32
        %lt3A_731 = arith.cmpi slt, %add3A_729, %lt3A_730 : i32
        %convert_element_type3A_732 = arith.extui %lt3A_731 : i1 to i32
        %cond3A_733 = arith.constant 0 : i32
        %cond3A_734 = arith.cmpi ne, %convert_element_type3A_732, %cond3A_733 : i32
        scf.if %cond3A_734 {
          %add3A_757 = arith.constant 1 : i32
          %add3A_758 = arith.addi %add3A_727, %add3A_757 : i32
          %mul3A_759 = arith.constant 48 : i32
          %mul3A_760 = arith.muli %add3A_758, %mul3A_759 : i32
          %add3A_761 = arith.constant 704 : i32
          %add3A_762 = arith.addi %add3A_761, %mul3A_760 : i32
          %dma_start3A_763 = arith.constant 0 : i32
          %dma_start3A_764 = tpu.memref_slice %arg2[%add3A, %add3A_762, %dma_start3A_763] : memref<16x2048x1024xf32, #tpu.memory_space<hbm>> -> memref<1x48x1024xf32, #tpu.memory_space<hbm>>
          %dma_start3A_765 = tpu.memref_squeeze %dma_start3A_764 : memref<1x48x1024xf32, #tpu.memory_space<hbm>> -> memref<48x1024xf32, #tpu.memory_space<hbm>>
          %dma_start3A_766 = arith.constant 0 : i32
          %dma_start3A_767 = tpu.memref_slice %arg2[%add3A, %add3A_762, %dma_start3A_766] : memref<16x2048x1024xf32, #tpu.memory_space<hbm>> -> memref<1x48x1024xf32, #tpu.memory_space<hbm>>
          %dma_start3A_768 = tpu.memref_squeeze %dma_start3A_767 : memref<1x48x1024xf32, #tpu.memory_space<hbm>> -> memref<48x1024xf32, #tpu.memory_space<hbm>>
          tpu.enqueue_dma source(%dma_start3A_768 : memref<48x1024xf32, #tpu.memory_space<hbm>>) target(%arg5 : memref<48x1024xf32, #tpu.memory_space<vmem>>) target_semaphore(%arg12 : memref<!tpu.dma_semaphore, #tpu.memory_space<semaphore_mem>>)
        } else {
        }
        %mul3A_735 = arith.constant 48 : i32
        %mul3A_736 = arith.muli %add3A_727, %mul3A_735 : i32
        %add3A_737 = arith.constant 704 : i32
        %add3A_738 = arith.addi %add3A_737, %mul3A_736 : i32
        %dma_wait3A_739 = arith.constant 0 : i32
        %dma_wait3A_740 = tpu.memref_slice %arg2[%add3A, %add3A_738, %dma_wait3A_739] : memref<16x2048x1024xf32, #tpu.memory_space<hbm>> -> memref<1x48x1024xf32, #tpu.memory_space<hbm>>
        %dma_wait3A_741 = tpu.memref_squeeze %dma_wait3A_740 : memref<1x48x1024xf32, #tpu.memory_space<hbm>> -> memref<48x1024xf32, #tpu.memory_space<hbm>>
        %dma_wait3A_742 = arith.constant 0 : i32
        %dma_wait3A_743 = tpu.memref_slice %arg2[%add3A, %add3A_738, %dma_wait3A_742] : memref<16x2048x1024xf32, #tpu.memory_space<hbm>> -> memref<1x48x1024xf32, #tpu.memory_space<hbm>>
        %dma_wait3A_744 = tpu.memref_squeeze %dma_wait3A_743 : memref<1x48x1024xf32, #tpu.memory_space<hbm>> -> memref<48x1024xf32, #tpu.memory_space<hbm>>
        tpu.wait_dma2 semaphore(%arg13 : memref<!tpu.dma_semaphore, #tpu.memory_space<semaphore_mem>>) src(%dma_wait3A_744 : memref<48x1024xf32, #tpu.memory_space<hbm>>) dst(%arg6 : memref<48x1024xf32, #tpu.memory_space<vmem>>)
        %ge3A_745 = arith.constant 1 : i32
        %ge3A_746 = arith.cmpi sge, %add3A_727, %ge3A_745 : i32
        %get3A_747 = arith.constant 0 : i32
        %get3A_748 = arith.index_cast %get3A_747 : i32 to index
        %get3A_749 = memref.load %arg11[%get3A_748] : memref<1xi32, #tpu.memory_space<smem>>
        %lt3A_750 = arith.constant 1023 : i32
        %lt3A_751 = arith.cmpi slt, %get3A_749, %lt3A_750 : i32
        %and3A_752 = arith.andi %ge3A_746, %lt3A_751 : i1
        %convert_element_type3A_753 = arith.extui %and3A_752 : i1 to i32
        %cond3A_754 = arith.constant 0 : i32
        %cond3A_755 = arith.cmpi ne, %convert_element_type3A_753, %cond3A_754 : i32
        %cond3A_756 = scf.if %cond3A_755 -> (f32) {
          %get3A_757 = arith.constant 0 : index
          %get3A_758 = tpu.vector_load %arg8[%get3A_757] {strides = array<i32>} : memref<32xi32, #tpu.memory_space<vmem>>, vector<16xi32>,
          %get3A_759 = vector.shape_cast %get3A_758 : vector<16xi32> to vector<16xi32>
          %get3A_760 = arith.constant 16 : index
          %get3A_761 = tpu.vector_load %arg8[%get3A_760] {strides = array<i32>} : memref<32xi32, #tpu.memory_space<vmem>>, vector<16xi32>,
          %get3A_762 = vector.shape_cast %get3A_761 : vector<16xi32> to vector<16xi32>
          %scan3A_763 = arith.constant 0 : i32
          %scan3A_764 = arith.constant 48 : i32
          %scan3A_765 = arith.addi %scan3A_763, %scan3A_764 : i32
          %scan3A_766 = arith.constant 1 : i32
          %scan3A_767:3 = scf.for %scan3A_777 = %scan3A_763 to %scan3A_765 step %scan3A_766 iter_args(%scan3A_778 = %get3A_759, %scan3A_779 = %get3A_762, %scan3A_780 = %cond3A_723) -> (vector<16xi32>, vector<16xi32>, f32)  : i32 {
            %mul3A_781 = arith.constant 48 : i32
            %mul3A_782 = arith.muli %add3A_727, %mul3A_781 : i32
            %add3A_783 = arith.constant 704 : i32
            %add3A_784 = arith.addi %add3A_783, %mul3A_782 : i32
            %add3A_785 = arith.addi %add3A_784, %scan3A_777 : i32
            %broadcast_in_dim3A_786 = arith.constant 0 : i32
            %broadcast_in_dim3A_787 = vector.broadcast %broadcast_in_dim3A_786 : i32 to vector<16xi32>
            %get3A_788 = arith.index_cast %scan3A_777 : i32 to index
            %get3A_789 = arith.constant 0 : index
            %get3A_790 = tpu.vector_load %arg6[%get3A_788, %get3A_789] {strides = array<i32>} : memref<48x1024xf32, #tpu.memory_space<vmem>>, vector<1x16xf32>,
            %get3A_791 = vector.shape_cast %get3A_790 : vector<1x16xf32> to vector<16xf32>
            %bitcast_convert_type3A = tpu.bitcast %get3A_791 : vector<16xf32> -> vector<16xi32>
            %and3A_792 = arith.andi %bitcast_convert_type3A, %sub3A_6 : vector<16xi32>
            %get3A_793 = arith.constant 0 : index
            %get3A_794 = tpu.vector_load %arg7[%get3A_793] {strides = array<i32>} : memref<512xi32, #tpu.memory_space<vmem>>, vector<16xi32>,
            %get3A_795 = vector.shape_cast %get3A_794 : vector<16xi32> to vector<16xi32>
            %min3A_796 = arith.minui %and3A_792, %get3A_795 : vector<16xi32>
            %get3A_797 = arith.index_cast %scan3A_777 : i32 to index
            %get3A_798 = arith.constant 16 : index
            %get3A_799 = tpu.vector_load %arg6[%get3A_797, %get3A_798] {strides = array<i32>} : memref<48x1024xf32, #tpu.memory_space<vmem>>, vector<1x16xf32>,
            %get3A_800 = vector.shape_cast %get3A_799 : vector<1x16xf32> to vector<16xf32>
            %bitcast_convert_type3A_801 = tpu.bitcast %get3A_800 : vector<16xf32> -> vector<16xi32>
            %get3A_802 = arith.constant 16 : index
            %get3A_803 = tpu.vector_load %arg7[%get3A_802] {strides = array<i32>} : memref<512xi32, #tpu.memory_space<vmem>>, vector<16xi32>,
            %get3A_804 = vector.shape_cast %get3A_803 : vector<16xi32> to vector<16xi32>
            %min3A_805 = arith.minui %bitcast_convert_type3A_801, %get3A_804 : vector<16xi32>
            %max3A = arith.maxui %min3A_796, %min3A_805 : vector<16xi32>
            %sub3A_806 = arith.subi %max3A, %min3A_796 : vector<16xi32>
            %min3A_807 = vector.broadcast %scan3A : i32 to vector<16xi32>
            %min3A_808 = arith.minui %sub3A_806, %min3A_807 : vector<16xi32>
            %mul3A_809 = arith.constant 16 : i32
            %mul3A_810 = vector.broadcast %mul3A_809 : i32 to vector<16xi32>
            %mul3A_811 = arith.muli %min3A_808, %mul3A_810 : vector<16xi32>
            %max3A_812 = arith.maxui %broadcast_in_dim3A_787, %mul3A_811 : vector<16xi32>
            %get3A_813 = arith.index_cast %scan3A_777 : i32 to index
            %get3A_814 = arith.constant 32 : index
            %get3A_815 = tpu.vector_load %arg6[%get3A_813, %get3A_814] {strides = array<i32>} : memref<48x1024xf32, #tpu.memory_space<vmem>>, vector<1x16xf32>,
            %get3A_816 = vector.shape_cast %get3A_815 : vector<1x16xf32> to vector<16xf32>
            %bitcast_convert_type3A_817 = tpu.bitcast %get3A_816 : vector<16xf32> -> vector<16xi32>
            %get3A_818 = arith.constant 32 : index
            %get3A_819 = tpu.vector_load %arg7[%get3A_818] {strides = array<i32>} : memref<512xi32, #tpu.memory_space<vmem>>, vector<16xi32>,
            %get3A_820 = vector.shape_cast %get3A_819 : vector<16xi32> to vector<16xi32>
            %min3A_821 = arith.minui %bitcast_convert_type3A_817, %get3A_820 : vector<16xi32>
            %max3A_822 = arith.maxui %max3A, %min3A_821 : vector<16xi32>
            %sub3A_823 = arith.subi %max3A_822, %max3A : vector<16xi32>
            %min3A_824 = vector.broadcast %scan3A : i32 to vector<16xi32>
            %min3A_825 = arith.minui %sub3A_823, %min3A_824 : vector<16xi32>
            %mul3A_826 = arith.constant 32 : i32
            %mul3A_827 = vector.broadcast %mul3A_826 : i32 to vector<16xi32>
            %mul3A_828 = arith.muli %min3A_825, %mul3A_827 : vector<16xi32>
            %max3A_829 = arith.maxui %max3A_812, %mul3A_828 : vector<16xi32>
            %get3A_830 = arith.index_cast %scan3A_777 : i32 to index
            %get3A_831 = arith.constant 48 : index
            %get3A_832 = tpu.vector_load %arg6[%get3A_830, %get3A_831] {strides = array<i32>} : memref<48x1024xf32, #tpu.memory_space<vmem>>, vector<1x16xf32>,
            %get3A_833 = vector.shape_cast %get3A_832 : vector<1x16xf32> to vector<16xf32>
            %bitcast_convert_type3A_834 = tpu.bitcast %get3A_833 : vector<16xf32> -> vector<16xi32>
            %get3A_835 = arith.constant 48 : index
            %get3A_836 = tpu.vector_load %arg7[%get3A_835] {strides = array<i32>} : memref<512xi32, #tpu.memory_space<vmem>>, vector<16xi32>,
            %get3A_837 = vector.shape_cast %get3A_836 : vector<16xi32> to vector<16xi32>
            %min3A_838 = arith.minui %bitcast_convert_type3A_834, %get3A_837 : vector<16xi32>
            %max3A_839 = arith.maxui %max3A_822, %min3A_838 : vector<16xi32>
            %sub3A_840 = arith.subi %max3A_839, %max3A_822 : vector<16xi32>
            %min3A_841 = vector.broadcast %scan3A : i32 to vector<16xi32>
            %min3A_842 = arith.minui %sub3A_840, %min3A_841 : vector<16xi32>
            %mul3A_843 = arith.constant 48 : i32
            %mul3A_844 = vector.broadcast %mul3A_843 : i32 to vector<16xi32>
            %mul3A_845 = arith.muli %min3A_842, %mul3A_844 : vector<16xi32>
            %max3A_846 = arith.maxui %max3A_829, %mul3A_845 : vector<16xi32>
            %get3A_847 = arith.index_cast %scan3A_777 : i32 to index
            %get3A_848 = arith.constant 64 : index
            %get3A_849 = tpu.vector_load %arg6[%get3A_847, %get3A_848] {strides = array<i32>} : memref<48x1024xf32, #tpu.memory_space<vmem>>, vector<1x16xf32>,
            %get3A_850 = vector.shape_cast %get3A_849 : vector<1x16xf32> to vector<16xf32>
            %bitcast_convert_type3A_851 = tpu.bitcast %get3A_850 : vector<16xf32> -> vector<16xi32>
            %get3A_852 = arith.constant 64 : index
            %get3A_853 = tpu.vector_load %arg7[%get3A_852] {strides = array<i32>} : memref<512xi32, #tpu.memory_space<vmem>>, vector<16xi32>,
            %get3A_854 = vector.shape_cast %get3A_853 : vector<16xi32> to vector<16xi32>
            %min3A_855 = arith.minui %bitcast_convert_type3A_851, %get3A_854 : vector<16xi32>
            %max3A_856 = arith.maxui %max3A_839, %min3A_855 : vector<16xi32>
            %sub3A_857 = arith.subi %max3A_856, %max3A_839 : vector<16xi32>
            %min3A_858 = vector.broadcast %scan3A : i32 to vector<16xi32>
            %min3A_859 = arith.minui %sub3A_857, %min3A_858 : vector<16xi32>
            %mul3A_860 = arith.constant 64 : i32
            %mul3A_861 = vector.broadcast %mul3A_860 : i32 to vector<16xi32>
            %mul3A_862 = arith.muli %min3A_859, %mul3A_861 : vector<16xi32>
            %max3A_863 = arith.maxui %max3A_846, %mul3A_862 : vector<16xi32>
            %get3A_864 = arith.index_cast %scan3A_777 : i32 to index
            %get3A_865 = arith.constant 80 : index
            %get3A_866 = tpu.vector_load %arg6[%get3A_864, %get3A_865] {strides = array<i32>} : memref<48x1024xf32, #tpu.memory_space<vmem>>, vector<1x16xf32>,
            %get3A_867 = vector.shape_cast %get3A_866 : vector<1x16xf32> to vector<16xf32>
            %bitcast_convert_type3A_868 = tpu.bitcast %get3A_867 : vector<16xf32> -> vector<16xi32>
            %get3A_869 = arith.constant 80 : index
            %get3A_870 = tpu.vector_load %arg7[%get3A_869] {strides = array<i32>} : memref<512xi32, #tpu.memory_space<vmem>>, vector<16xi32>,
            %get3A_871 = vector.shape_cast %get3A_870 : vector<16xi32> to vector<16xi32>
            %min3A_872 = arith.minui %bitcast_convert_type3A_868, %get3A_871 : vector<16xi32>
            %max3A_873 = arith.maxui %max3A_856, %min3A_872 : vector<16xi32>
            %sub3A_874 = arith.subi %max3A_873, %max3A_856 : vector<16xi32>
            %min3A_875 = vector.broadcast %scan3A : i32 to vector<16xi32>
            %min3A_876 = arith.minui %sub3A_874, %min3A_875 : vector<16xi32>
            %mul3A_877 = arith.constant 80 : i32
            %mul3A_878 = vector.broadcast %mul3A_877 : i32 to vector<16xi32>
            %mul3A_879 = arith.muli %min3A_876, %mul3A_878 : vector<16xi32>
            %max3A_880 = arith.maxui %max3A_863, %mul3A_879 : vector<16xi32>
            %get3A_881 = arith.index_cast %scan3A_777 : i32 to index
            %get3A_882 = arith.constant 96 : index
            %get3A_883 = tpu.vector_load %arg6[%get3A_881, %get3A_882] {strides = array<i32>} : memref<48x1024xf32, #tpu.memory_space<vmem>>, vector<1x16xf32>,
            %get3A_884 = vector.shape_cast %get3A_883 : vector<1x16xf32> to vector<16xf32>
            %bitcast_convert_type3A_885 = tpu.bitcast %get3A_884 : vector<16xf32> -> vector<16xi32>
            %get3A_886 = arith.constant 96 : index
            %get3A_887 = tpu.vector_load %arg7[%get3A_886] {strides = array<i32>} : memref<512xi32, #tpu.memory_space<vmem>>, vector<16xi32>,
            %get3A_888 = vector.shape_cast %get3A_887 : vector<16xi32> to vector<16xi32>
            %min3A_889 = arith.minui %bitcast_convert_type3A_885, %get3A_888 : vector<16xi32>
            %max3A_890 = arith.maxui %max3A_873, %min3A_889 : vector<16xi32>
            %sub3A_891 = arith.subi %max3A_890, %max3A_873 : vector<16xi32>
            %min3A_892 = vector.broadcast %scan3A : i32 to vector<16xi32>
            %min3A_893 = arith.minui %sub3A_891, %min3A_892 : vector<16xi32>
            %mul3A_894 = arith.constant 96 : i32
            %mul3A_895 = vector.broadcast %mul3A_894 : i32 to vector<16xi32>
            %mul3A_896 = arith.muli %min3A_893, %mul3A_895 : vector<16xi32>
            %max3A_897 = arith.maxui %max3A_880, %mul3A_896 : vector<16xi32>
            %get3A_898 = arith.index_cast %scan3A_777 : i32 to index
            %get3A_899 = arith.constant 112 : index
            %get3A_900 = tpu.vector_load %arg6[%get3A_898, %get3A_899] {strides = array<i32>} : memref<48x1024xf32, #tpu.memory_space<vmem>>, vector<1x16xf32>,
            %get3A_901 = vector.shape_cast %get3A_900 : vector<1x16xf32> to vector<16xf32>
            %bitcast_convert_type3A_902 = tpu.bitcast %get3A_901 : vector<16xf32> -> vector<16xi32>
            %get3A_903 = arith.constant 112 : index
            %get3A_904 = tpu.vector_load %arg7[%get3A_903] {strides = array<i32>} : memref<512xi32, #tpu.memory_space<vmem>>, vector<16xi32>,
            %get3A_905 = vector.shape_cast %get3A_904 : vector<16xi32> to vector<16xi32>
            %min3A_906 = arith.minui %bitcast_convert_type3A_902, %get3A_905 : vector<16xi32>
            %max3A_907 = arith.maxui %max3A_890, %min3A_906 : vector<16xi32>
            %sub3A_908 = arith.subi %max3A_907, %max3A_890 : vector<16xi32>
            %min3A_909 = vector.broadcast %scan3A : i32 to vector<16xi32>
            %min3A_910 = arith.minui %sub3A_908, %min3A_909 : vector<16xi32>
            %mul3A_911 = arith.constant 112 : i32
            %mul3A_912 = vector.broadcast %mul3A_911 : i32 to vector<16xi32>
            %mul3A_913 = arith.muli %min3A_910, %mul3A_912 : vector<16xi32>
            %max3A_914 = arith.maxui %max3A_897, %mul3A_913 : vector<16xi32>
            %get3A_915 = arith.index_cast %scan3A_777 : i32 to index
            %get3A_916 = arith.constant 128 : index
            %get3A_917 = tpu.vector_load %arg6[%get3A_915, %get3A_916] {strides = array<i32>} : memref<48x1024xf32, #tpu.memory_space<vmem>>, vector<1x16xf32>,
            %get3A_918 = vector.shape_cast %get3A_917 : vector<1x16xf32> to vector<16xf32>
            %bitcast_convert_type3A_919 = tpu.bitcast %get3A_918 : vector<16xf32> -> vector<16xi32>
            %get3A_920 = arith.constant 128 : index
            %get3A_921 = tpu.vector_load %arg7[%get3A_920] {strides = array<i32>} : memref<512xi32, #tpu.memory_space<vmem>>, vector<16xi32>,
            %get3A_922 = vector.shape_cast %get3A_921 : vector<16xi32> to vector<16xi32>
            %min3A_923 = arith.minui %bitcast_convert_type3A_919, %get3A_922 : vector<16xi32>
            %max3A_924 = arith.maxui %max3A_907, %min3A_923 : vector<16xi32>
            %sub3A_925 = arith.subi %max3A_924, %max3A_907 : vector<16xi32>
            %min3A_926 = vector.broadcast %scan3A : i32 to vector<16xi32>
            %min3A_927 = arith.minui %sub3A_925, %min3A_926 : vector<16xi32>
            %mul3A_928 = arith.constant 128 : i32
            %mul3A_929 = vector.broadcast %mul3A_928 : i32 to vector<16xi32>
            %mul3A_930 = arith.muli %min3A_927, %mul3A_929 : vector<16xi32>
            %max3A_931 = arith.maxui %max3A_914, %mul3A_930 : vector<16xi32>
            %get3A_932 = arith.index_cast %scan3A_777 : i32 to index
            %get3A_933 = arith.constant 144 : index
            %get3A_934 = tpu.vector_load %arg6[%get3A_932, %get3A_933] {strides = array<i32>} : memref<48x1024xf32, #tpu.memory_space<vmem>>, vector<1x16xf32>,
            %get3A_935 = vector.shape_cast %get3A_934 : vector<1x16xf32> to vector<16xf32>
            %bitcast_convert_type3A_936 = tpu.bitcast %get3A_935 : vector<16xf32> -> vector<16xi32>
            %get3A_937 = arith.constant 144 : index
            %get3A_938 = tpu.vector_load %arg7[%get3A_937] {strides = array<i32>} : memref<512xi32, #tpu.memory_space<vmem>>, vector<16xi32>,
            %get3A_939 = vector.shape_cast %get3A_938 : vector<16xi32> to vector<16xi32>
            %min3A_940 = arith.minui %bitcast_convert_type3A_936, %get3A_939 : vector<16xi32>
            %max3A_941 = arith.maxui %max3A_924, %min3A_940 : vector<16xi32>
            %sub3A_942 = arith.subi %max3A_941, %max3A_924 : vector<16xi32>
            %min3A_943 = vector.broadcast %scan3A : i32 to vector<16xi32>
            %min3A_944 = arith.minui %sub3A_942, %min3A_943 : vector<16xi32>
            %mul3A_945 = arith.constant 144 : i32
            %mul3A_946 = vector.broadcast %mul3A_945 : i32 to vector<16xi32>
            %mul3A_947 = arith.muli %min3A_944, %mul3A_946 : vector<16xi32>
            %max3A_948 = arith.maxui %max3A_931, %mul3A_947 : vector<16xi32>
            %get3A_949 = arith.index_cast %scan3A_777 : i32 to index
            %get3A_950 = arith.constant 160 : index
            %get3A_951 = tpu.vector_load %arg6[%get3A_949, %get3A_950] {strides = array<i32>} : memref<48x1024xf32, #tpu.memory_space<vmem>>, vector<1x16xf32>,
            %get3A_952 = vector.shape_cast %get3A_951 : vector<1x16xf32> to vector<16xf32>
            %bitcast_convert_type3A_953 = tpu.bitcast %get3A_952 : vector<16xf32> -> vector<16xi32>
            %get3A_954 = arith.constant 160 : index
            %get3A_955 = tpu.vector_load %arg7[%get3A_954] {strides = array<i32>} : memref<512xi32, #tpu.memory_space<vmem>>, vector<16xi32>,
            %get3A_956 = vector.shape_cast %get3A_955 : vector<16xi32> to vector<16xi32>
            %min3A_957 = arith.minui %bitcast_convert_type3A_953, %get3A_956 : vector<16xi32>
            %max3A_958 = arith.maxui %max3A_941, %min3A_957 : vector<16xi32>
            %sub3A_959 = arith.subi %max3A_958, %max3A_941 : vector<16xi32>
            %min3A_960 = vector.broadcast %scan3A : i32 to vector<16xi32>
            %min3A_961 = arith.minui %sub3A_959, %min3A_960 : vector<16xi32>
            %mul3A_962 = arith.constant 160 : i32
            %mul3A_963 = vector.broadcast %mul3A_962 : i32 to vector<16xi32>
            %mul3A_964 = arith.muli %min3A_961, %mul3A_963 : vector<16xi32>
            %max3A_965 = arith.maxui %max3A_948, %mul3A_964 : vector<16xi32>
            %get3A_966 = arith.index_cast %scan3A_777 : i32 to index
            %get3A_967 = arith.constant 176 : index
            %get3A_968 = tpu.vector_load %arg6[%get3A_966, %get3A_967] {strides = array<i32>} : memref<48x1024xf32, #tpu.memory_space<vmem>>, vector<1x16xf32>,
            %get3A_969 = vector.shape_cast %get3A_968 : vector<1x16xf32> to vector<16xf32>
            %bitcast_convert_type3A_970 = tpu.bitcast %get3A_969 : vector<16xf32> -> vector<16xi32>
            %get3A_971 = arith.constant 176 : index
            %get3A_972 = tpu.vector_load %arg7[%get3A_971] {strides = array<i32>} : memref<512xi32, #tpu.memory_space<vmem>>, vector<16xi32>,
            %get3A_973 = vector.shape_cast %get3A_972 : vector<16xi32> to vector<16xi32>
            %min3A_974 = arith.minui %bitcast_convert_type3A_970, %get3A_973 : vector<16xi32>
            %max3A_975 = arith.maxui %max3A_958, %min3A_974 : vector<16xi32>
            %sub3A_976 = arith.subi %max3A_975, %max3A_958 : vector<16xi32>
            %min3A_977 = vector.broadcast %scan3A : i32 to vector<16xi32>
            %min3A_978 = arith.minui %sub3A_976, %min3A_977 : vector<16xi32>
            %mul3A_979 = arith.constant 176 : i32
            %mul3A_980 = vector.broadcast %mul3A_979 : i32 to vector<16xi32>
            %mul3A_981 = arith.muli %min3A_978, %mul3A_980 : vector<16xi32>
            %max3A_982 = arith.maxui %max3A_965, %mul3A_981 : vector<16xi32>
            %get3A_983 = arith.index_cast %scan3A_777 : i32 to index
            %get3A_984 = arith.constant 192 : index
            %get3A_985 = tpu.vector_load %arg6[%get3A_983, %get3A_984] {strides = array<i32>} : memref<48x1024xf32, #tpu.memory_space<vmem>>, vector<1x16xf32>,
            %get3A_986 = vector.shape_cast %get3A_985 : vector<1x16xf32> to vector<16xf32>
            %bitcast_convert_type3A_987 = tpu.bitcast %get3A_986 : vector<16xf32> -> vector<16xi32>
            %get3A_988 = arith.constant 192 : index
            %get3A_989 = tpu.vector_load %arg7[%get3A_988] {strides = array<i32>} : memref<512xi32, #tpu.memory_space<vmem>>, vector<16xi32>,
            %get3A_990 = vector.shape_cast %get3A_989 : vector<16xi32> to vector<16xi32>
            %min3A_991 = arith.minui %bitcast_convert_type3A_987, %get3A_990 : vector<16xi32>
            %max3A_992 = arith.maxui %max3A_975, %min3A_991 : vector<16xi32>
            %sub3A_993 = arith.subi %max3A_992, %max3A_975 : vector<16xi32>
            %min3A_994 = vector.broadcast %scan3A : i32 to vector<16xi32>
            %min3A_995 = arith.minui %sub3A_993, %min3A_994 : vector<16xi32>
            %mul3A_996 = arith.constant 192 : i32
            %mul3A_997 = vector.broadcast %mul3A_996 : i32 to vector<16xi32>
            %mul3A_998 = arith.muli %min3A_995, %mul3A_997 : vector<16xi32>
            %max3A_999 = arith.maxui %max3A_982, %mul3A_998 : vector<16xi32>
            %get3A_1000 = arith.index_cast %scan3A_777 : i32 to index
            %get3A_1001 = arith.constant 208 : index
            %get3A_1002 = tpu.vector_load %arg6[%get3A_1000, %get3A_1001] {strides = array<i32>} : memref<48x1024xf32, #tpu.memory_space<vmem>>, vector<1x16xf32>,
            %get3A_1003 = vector.shape_cast %get3A_1002 : vector<1x16xf32> to vector<16xf32>
            %bitcast_convert_type3A_1004 = tpu.bitcast %get3A_1003 : vector<16xf32> -> vector<16xi32>
            %get3A_1005 = arith.constant 208 : index
            %get3A_1006 = tpu.vector_load %arg7[%get3A_1005] {strides = array<i32>} : memref<512xi32, #tpu.memory_space<vmem>>, vector<16xi32>,
            %get3A_1007 = vector.shape_cast %get3A_1006 : vector<16xi32> to vector<16xi32>
            %min3A_1008 = arith.minui %bitcast_convert_type3A_1004, %get3A_1007 : vector<16xi32>
            %max3A_1009 = arith.maxui %max3A_992, %min3A_1008 : vector<16xi32>
            %sub3A_1010 = arith.subi %max3A_1009, %max3A_992 : vector<16xi32>
            %min3A_1011 = vector.broadcast %scan3A : i32 to vector<16xi32>
            %min3A_1012 = arith.minui %sub3A_1010, %min3A_1011 : vector<16xi32>
            %mul3A_1013 = arith.constant 208 : i32
            %mul3A_1014 = vector.broadcast %mul3A_1013 : i32 to vector<16xi32>
            %mul3A_1015 = arith.muli %min3A_1012, %mul3A_1014 : vector<16xi32>
            %max3A_1016 = arith.maxui %max3A_999, %mul3A_1015 : vector<16xi32>
            %get3A_1017 = arith.index_cast %scan3A_777 : i32 to index
            %get3A_1018 = arith.constant 224 : index
            %get3A_1019 = tpu.vector_load %arg6[%get3A_1017, %get3A_1018] {strides = array<i32>} : memref<48x1024xf32, #tpu.memory_space<vmem>>, vector<1x16xf32>,
            %get3A_1020 = vector.shape_cast %get3A_1019 : vector<1x16xf32> to vector<16xf32>
            %bitcast_convert_type3A_1021 = tpu.bitcast %get3A_1020 : vector<16xf32> -> vector<16xi32>
            %get3A_1022 = arith.constant 224 : index
            %get3A_1023 = tpu.vector_load %arg7[%get3A_1022] {strides = array<i32>} : memref<512xi32, #tpu.memory_space<vmem>>, vector<16xi32>,
            %get3A_1024 = vector.shape_cast %get3A_1023 : vector<16xi32> to vector<16xi32>
            %min3A_1025 = arith.minui %bitcast_convert_type3A_1021, %get3A_1024 : vector<16xi32>
            %max3A_1026 = arith.maxui %max3A_1009, %min3A_1025 : vector<16xi32>
            %sub3A_1027 = arith.subi %max3A_1026, %max3A_1009 : vector<16xi32>
            %min3A_1028 = vector.broadcast %scan3A : i32 to vector<16xi32>
            %min3A_1029 = arith.minui %sub3A_1027, %min3A_1028 : vector<16xi32>
            %mul3A_1030 = arith.constant 224 : i32
            %mul3A_1031 = vector.broadcast %mul3A_1030 : i32 to vector<16xi32>
            %mul3A_1032 = arith.muli %min3A_1029, %mul3A_1031 : vector<16xi32>
            %max3A_1033 = arith.maxui %max3A_1016, %mul3A_1032 : vector<16xi32>
            %get3A_1034 = arith.index_cast %scan3A_777 : i32 to index
            %get3A_1035 = arith.constant 240 : index
            %get3A_1036 = tpu.vector_load %arg6[%get3A_1034, %get3A_1035] {strides = array<i32>} : memref<48x1024xf32, #tpu.memory_space<vmem>>, vector<1x16xf32>,
            %get3A_1037 = vector.shape_cast %get3A_1036 : vector<1x16xf32> to vector<16xf32>
            %bitcast_convert_type3A_1038 = tpu.bitcast %get3A_1037 : vector<16xf32> -> vector<16xi32>
            %get3A_1039 = arith.constant 240 : index
            %get3A_1040 = tpu.vector_load %arg7[%get3A_1039] {strides = array<i32>} : memref<512xi32, #tpu.memory_space<vmem>>, vector<16xi32>,
            %get3A_1041 = vector.shape_cast %get3A_1040 : vector<16xi32> to vector<16xi32>
            %min3A_1042 = arith.minui %bitcast_convert_type3A_1038, %get3A_1041 : vector<16xi32>
            %max3A_1043 = arith.maxui %max3A_1026, %min3A_1042 : vector<16xi32>
            %sub3A_1044 = arith.subi %max3A_1043, %max3A_1026 : vector<16xi32>
            %min3A_1045 = vector.broadcast %scan3A : i32 to vector<16xi32>
            %min3A_1046 = arith.minui %sub3A_1044, %min3A_1045 : vector<16xi32>
            %mul3A_1047 = arith.constant 240 : i32
            %mul3A_1048 = vector.broadcast %mul3A_1047 : i32 to vector<16xi32>
            %mul3A_1049 = arith.muli %min3A_1046, %mul3A_1048 : vector<16xi32>
            %max3A_1050 = arith.maxui %max3A_1033, %mul3A_1049 : vector<16xi32>
            %broadcast_in_dim3A_1051 = arith.constant 256 : i32
            %broadcast_in_dim3A_1052 = vector.broadcast %broadcast_in_dim3A_1051 : i32 to vector<16xi32>
            %get3A_1053 = arith.index_cast %scan3A_777 : i32 to index
            %get3A_1054 = arith.constant 256 : index
            %get3A_1055 = tpu.vector_load %arg6[%get3A_1053, %get3A_1054] {strides = array<i32>} : memref<48x1024xf32, #tpu.memory_space<vmem>>, vector<1x16xf32>,
            %get3A_1056 = vector.shape_cast %get3A_1055 : vector<1x16xf32> to vector<16xf32>
            %bitcast_convert_type3A_1057 = tpu.bitcast %get3A_1056 : vector<16xf32> -> vector<16xi32>
            %get3A_1058 = arith.constant 256 : index
            %get3A_1059 = tpu.vector_load %arg7[%get3A_1058] {strides = array<i32>} : memref<512xi32, #tpu.memory_space<vmem>>, vector<16xi32>,
            %get3A_1060 = vector.shape_cast %get3A_1059 : vector<16xi32> to vector<16xi32>
            %min3A_1061 = arith.minui %bitcast_convert_type3A_1057, %get3A_1060 : vector<16xi32>
            %get3A_1062 = arith.index_cast %scan3A_777 : i32 to index
            %get3A_1063 = arith.constant 272 : index
            %get3A_1064 = tpu.vector_load %arg6[%get3A_1062, %get3A_1063] {strides = array<i32>} : memref<48x1024xf32, #tpu.memory_space<vmem>>, vector<1x16xf32>,
            %get3A_1065 = vector.shape_cast %get3A_1064 : vector<1x16xf32> to vector<16xf32>
            %bitcast_convert_type3A_1066 = tpu.bitcast %get3A_1065 : vector<16xf32> -> vector<16xi32>
            %get3A_1067 = arith.constant 272 : index
            %get3A_1068 = tpu.vector_load %arg7[%get3A_1067] {strides = array<i32>} : memref<512xi32, #tpu.memory_space<vmem>>, vector<16xi32>,
            %get3A_1069 = vector.shape_cast %get3A_1068 : vector<16xi32> to vector<16xi32>
            %min3A_1070 = arith.minui %bitcast_convert_type3A_1066, %get3A_1069 : vector<16xi32>
            %max3A_1071 = arith.maxui %min3A_1061, %min3A_1070 : vector<16xi32>
            %sub3A_1072 = arith.subi %max3A_1071, %min3A_1061 : vector<16xi32>
            %min3A_1073 = vector.broadcast %scan3A : i32 to vector<16xi32>
            %min3A_1074 = arith.minui %sub3A_1072, %min3A_1073 : vector<16xi32>
            %mul3A_1075 = arith.constant 272 : i32
            %mul3A_1076 = vector.broadcast %mul3A_1075 : i32 to vector<16xi32>
            %mul3A_1077 = arith.muli %min3A_1074, %mul3A_1076 : vector<16xi32>
            %max3A_1078 = arith.maxui %broadcast_in_dim3A_1052, %mul3A_1077 : vector<16xi32>
            %get3A_1079 = arith.index_cast %scan3A_777 : i32 to index
            %get3A_1080 = arith.constant 288 : index
            %get3A_1081 = tpu.vector_load %arg6[%get3A_1079, %get3A_1080] {strides = array<i32>} : memref<48x1024xf32, #tpu.memory_space<vmem>>, vector<1x16xf32>,
            %get3A_1082 = vector.shape_cast %get3A_1081 : vector<1x16xf32> to vector<16xf32>
            %bitcast_convert_type3A_1083 = tpu.bitcast %get3A_1082 : vector<16xf32> -> vector<16xi32>
            %get3A_1084 = arith.constant 288 : index
            %get3A_1085 = tpu.vector_load %arg7[%get3A_1084] {strides = array<i32>} : memref<512xi32, #tpu.memory_space<vmem>>, vector<16xi32>,
            %get3A_1086 = vector.shape_cast %get3A_1085 : vector<16xi32> to vector<16xi32>
            %min3A_1087 = arith.minui %bitcast_convert_type3A_1083, %get3A_1086 : vector<16xi32>
            %max3A_1088 = arith.maxui %max3A_1071, %min3A_1087 : vector<16xi32>
            %sub3A_1089 = arith.subi %max3A_1088, %max3A_1071 : vector<16xi32>
            %min3A_1090 = vector.broadcast %scan3A : i32 to vector<16xi32>
            %min3A_1091 = arith.minui %sub3A_1089, %min3A_1090 : vector<16xi32>
            %mul3A_1092 = arith.constant 288 : i32
            %mul3A_1093 = vector.broadcast %mul3A_1092 : i32 to vector<16xi32>
            %mul3A_1094 = arith.muli %min3A_1091, %mul3A_1093 : vector<16xi32>
            %max3A_1095 = arith.maxui %max3A_1078, %mul3A_1094 : vector<16xi32>
            %get3A_1096 = arith.index_cast %scan3A_777 : i32 to index
            %get3A_1097 = arith.constant 304 : index
            %get3A_1098 = tpu.vector_load %arg6[%get3A_1096, %get3A_1097] {strides = array<i32>} : memref<48x1024xf32, #tpu.memory_space<vmem>>, vector<1x16xf32>,
            %get3A_1099 = vector.shape_cast %get3A_1098 : vector<1x16xf32> to vector<16xf32>
            %bitcast_convert_type3A_1100 = tpu.bitcast %get3A_1099 : vector<16xf32> -> vector<16xi32>
            %get3A_1101 = arith.constant 304 : index
            %get3A_1102 = tpu.vector_load %arg7[%get3A_1101] {strides = array<i32>} : memref<512xi32, #tpu.memory_space<vmem>>, vector<16xi32>,
            %get3A_1103 = vector.shape_cast %get3A_1102 : vector<16xi32> to vector<16xi32>
            %min3A_1104 = arith.minui %bitcast_convert_type3A_1100, %get3A_1103 : vector<16xi32>
            %max3A_1105 = arith.maxui %max3A_1088, %min3A_1104 : vector<16xi32>
            %sub3A_1106 = arith.subi %max3A_1105, %max3A_1088 : vector<16xi32>
            %min3A_1107 = vector.broadcast %scan3A : i32 to vector<16xi32>
            %min3A_1108 = arith.minui %sub3A_1106, %min3A_1107 : vector<16xi32>
            %mul3A_1109 = arith.constant 304 : i32
            %mul3A_1110 = vector.broadcast %mul3A_1109 : i32 to vector<16xi32>
            %mul3A_1111 = arith.muli %min3A_1108, %mul3A_1110 : vector<16xi32>
            %max3A_1112 = arith.maxui %max3A_1095, %mul3A_1111 : vector<16xi32>
            %get3A_1113 = arith.index_cast %scan3A_777 : i32 to index
            %get3A_1114 = arith.constant 320 : index
            %get3A_1115 = tpu.vector_load %arg6[%get3A_1113, %get3A_1114] {strides = array<i32>} : memref<48x1024xf32, #tpu.memory_space<vmem>>, vector<1x16xf32>,
            %get3A_1116 = vector.shape_cast %get3A_1115 : vector<1x16xf32> to vector<16xf32>
            %bitcast_convert_type3A_1117 = tpu.bitcast %get3A_1116 : vector<16xf32> -> vector<16xi32>
            %get3A_1118 = arith.constant 320 : index
            %get3A_1119 = tpu.vector_load %arg7[%get3A_1118] {strides = array<i32>} : memref<512xi32, #tpu.memory_space<vmem>>, vector<16xi32>,
            %get3A_1120 = vector.shape_cast %get3A_1119 : vector<16xi32> to vector<16xi32>
            %min3A_1121 = arith.minui %bitcast_convert_type3A_1117, %get3A_1120 : vector<16xi32>
            %max3A_1122 = arith.maxui %max3A_1105, %min3A_1121 : vector<16xi32>
            %sub3A_1123 = arith.subi %max3A_1122, %max3A_1105 : vector<16xi32>
            %min3A_1124 = vector.broadcast %scan3A : i32 to vector<16xi32>
            %min3A_1125 = arith.minui %sub3A_1123, %min3A_1124 : vector<16xi32>
            %mul3A_1126 = arith.constant 320 : i32
            %mul3A_1127 = vector.broadcast %mul3A_1126 : i32 to vector<16xi32>
            %mul3A_1128 = arith.muli %min3A_1125, %mul3A_1127 : vector<16xi32>
            %max3A_1129 = arith.maxui %max3A_1112, %mul3A_1128 : vector<16xi32>
            %get3A_1130 = arith.index_cast %scan3A_777 : i32 to index
            %get3A_1131 = arith.constant 336 : index
            %get3A_1132 = tpu.vector_load %arg6[%get3A_1130, %get3A_1131] {strides = array<i32>} : memref<48x1024xf32, #tpu.memory_space<vmem>>, vector<1x16xf32>,
            %get3A_1133 = vector.shape_cast %get3A_1132 : vector<1x16xf32> to vector<16xf32>
            %bitcast_convert_type3A_1134 = tpu.bitcast %get3A_1133 : vector<16xf32> -> vector<16xi32>
            %get3A_1135 = arith.constant 336 : index
            %get3A_1136 = tpu.vector_load %arg7[%get3A_1135] {strides = array<i32>} : memref<512xi32, #tpu.memory_space<vmem>>, vector<16xi32>,
            %get3A_1137 = vector.shape_cast %get3A_1136 : vector<16xi32> to vector<16xi32>
            %min3A_1138 = arith.minui %bitcast_convert_type3A_1134, %get3A_1137 : vector<16xi32>
            %max3A_1139 = arith.maxui %max3A_1122, %min3A_1138 : vector<16xi32>
            %sub3A_1140 = arith.subi %max3A_1139, %max3A_1122 : vector<16xi32>
            %min3A_1141 = vector.broadcast %scan3A : i32 to vector<16xi32>
            %min3A_1142 = arith.minui %sub3A_1140, %min3A_1141 : vector<16xi32>
            %mul3A_1143 = arith.constant 336 : i32
            %mul3A_1144 = vector.broadcast %mul3A_1143 : i32 to vector<16xi32>
            %mul3A_1145 = arith.muli %min3A_1142, %mul3A_1144 : vector<16xi32>
            %max3A_1146 = arith.maxui %max3A_1129, %mul3A_1145 : vector<16xi32>
            %get3A_1147 = arith.index_cast %scan3A_777 : i32 to index
            %get3A_1148 = arith.constant 352 : index
            %get3A_1149 = tpu.vector_load %arg6[%get3A_1147, %get3A_1148] {strides = array<i32>} : memref<48x1024xf32, #tpu.memory_space<vmem>>, vector<1x16xf32>,
            %get3A_1150 = vector.shape_cast %get3A_1149 : vector<1x16xf32> to vector<16xf32>
            %bitcast_convert_type3A_1151 = tpu.bitcast %get3A_1150 : vector<16xf32> -> vector<16xi32>
            %get3A_1152 = arith.constant 352 : index
            %get3A_1153 = tpu.vector_load %arg7[%get3A_1152] {strides = array<i32>} : memref<512xi32, #tpu.memory_space<vmem>>, vector<16xi32>,
            %get3A_1154 = vector.shape_cast %get3A_1153 : vector<16xi32> to vector<16xi32>
            %min3A_1155 = arith.minui %bitcast_convert_type3A_1151, %get3A_1154 : vector<16xi32>
            %max3A_1156 = arith.maxui %max3A_1139, %min3A_1155 : vector<16xi32>
            %sub3A_1157 = arith.subi %max3A_1156, %max3A_1139 : vector<16xi32>
            %min3A_1158 = vector.broadcast %scan3A : i32 to vector<16xi32>
            %min3A_1159 = arith.minui %sub3A_1157, %min3A_1158 : vector<16xi32>
            %mul3A_1160 = arith.constant 352 : i32
            %mul3A_1161 = vector.broadcast %mul3A_1160 : i32 to vector<16xi32>
            %mul3A_1162 = arith.muli %min3A_1159, %mul3A_1161 : vector<16xi32>
            %max3A_1163 = arith.maxui %max3A_1146, %mul3A_1162 : vector<16xi32>
            %get3A_1164 = arith.index_cast %scan3A_777 : i32 to index
            %get3A_1165 = arith.constant 368 : index
            %get3A_1166 = tpu.vector_load %arg6[%get3A_1164, %get3A_1165] {strides = array<i32>} : memref<48x1024xf32, #tpu.memory_space<vmem>>, vector<1x16xf32>,
            %get3A_1167 = vector.shape_cast %get3A_1166 : vector<1x16xf32> to vector<16xf32>
            %bitcast_convert_type3A_1168 = tpu.bitcast %get3A_1167 : vector<16xf32> -> vector<16xi32>
            %get3A_1169 = arith.constant 368 : index
            %get3A_1170 = tpu.vector_load %arg7[%get3A_1169] {strides = array<i32>} : memref<512xi32, #tpu.memory_space<vmem>>, vector<16xi32>,
            %get3A_1171 = vector.shape_cast %get3A_1170 : vector<16xi32> to vector<16xi32>
            %min3A_1172 = arith.minui %bitcast_convert_type3A_1168, %get3A_1171 : vector<16xi32>
            %max3A_1173 = arith.maxui %max3A_1156, %min3A_1172 : vector<16xi32>
            %sub3A_1174 = arith.subi %max3A_1173, %max3A_1156 : vector<16xi32>
            %min3A_1175 = vector.broadcast %scan3A : i32 to vector<16xi32>
            %min3A_1176 = arith.minui %sub3A_1174, %min3A_1175 : vector<16xi32>
            %mul3A_1177 = arith.constant 368 : i32
            %mul3A_1178 = vector.broadcast %mul3A_1177 : i32 to vector<16xi32>
            %mul3A_1179 = arith.muli %min3A_1176, %mul3A_1178 : vector<16xi32>
            %max3A_1180 = arith.maxui %max3A_1163, %mul3A_1179 : vector<16xi32>
            %get3A_1181 = arith.index_cast %scan3A_777 : i32 to index
            %get3A_1182 = arith.constant 384 : index
            %get3A_1183 = tpu.vector_load %arg6[%get3A_1181, %get3A_1182] {strides = array<i32>} : memref<48x1024xf32, #tpu.memory_space<vmem>>, vector<1x16xf32>,
            %get3A_1184 = vector.shape_cast %get3A_1183 : vector<1x16xf32> to vector<16xf32>
            %bitcast_convert_type3A_1185 = tpu.bitcast %get3A_1184 : vector<16xf32> -> vector<16xi32>
            %get3A_1186 = arith.constant 384 : index
            %get3A_1187 = tpu.vector_load %arg7[%get3A_1186] {strides = array<i32>} : memref<512xi32, #tpu.memory_space<vmem>>, vector<16xi32>,
            %get3A_1188 = vector.shape_cast %get3A_1187 : vector<16xi32> to vector<16xi32>
            %min3A_1189 = arith.minui %bitcast_convert_type3A_1185, %get3A_1188 : vector<16xi32>
            %max3A_1190 = arith.maxui %max3A_1173, %min3A_1189 : vector<16xi32>
            %sub3A_1191 = arith.subi %max3A_1190, %max3A_1173 : vector<16xi32>
            %min3A_1192 = vector.broadcast %scan3A : i32 to vector<16xi32>
            %min3A_1193 = arith.minui %sub3A_1191, %min3A_1192 : vector<16xi32>
            %mul3A_1194 = arith.constant 384 : i32
            %mul3A_1195 = vector.broadcast %mul3A_1194 : i32 to vector<16xi32>
            %mul3A_1196 = arith.muli %min3A_1193, %mul3A_1195 : vector<16xi32>
            %max3A_1197 = arith.maxui %max3A_1180, %mul3A_1196 : vector<16xi32>
            %get3A_1198 = arith.index_cast %scan3A_777 : i32 to index
            %get3A_1199 = arith.constant 400 : index
            %get3A_1200 = tpu.vector_load %arg6[%get3A_1198, %get3A_1199] {strides = array<i32>} : memref<48x1024xf32, #tpu.memory_space<vmem>>, vector<1x16xf32>,
            %get3A_1201 = vector.shape_cast %get3A_1200 : vector<1x16xf32> to vector<16xf32>
            %bitcast_convert_type3A_1202 = tpu.bitcast %get3A_1201 : vector<16xf32> -> vector<16xi32>
            %get3A_1203 = arith.constant 400 : index
            %get3A_1204 = tpu.vector_load %arg7[%get3A_1203] {strides = array<i32>} : memref<512xi32, #tpu.memory_space<vmem>>, vector<16xi32>,
            %get3A_1205 = vector.shape_cast %get3A_1204 : vector<16xi32> to vector<16xi32>
            %min3A_1206 = arith.minui %bitcast_convert_type3A_1202, %get3A_1205 : vector<16xi32>
            %max3A_1207 = arith.maxui %max3A_1190, %min3A_1206 : vector<16xi32>
            %sub3A_1208 = arith.subi %max3A_1207, %max3A_1190 : vector<16xi32>
            %min3A_1209 = vector.broadcast %scan3A : i32 to vector<16xi32>
            %min3A_1210 = arith.minui %sub3A_1208, %min3A_1209 : vector<16xi32>
            %mul3A_1211 = arith.constant 400 : i32
            %mul3A_1212 = vector.broadcast %mul3A_1211 : i32 to vector<16xi32>
            %mul3A_1213 = arith.muli %min3A_1210, %mul3A_1212 : vector<16xi32>
            %max3A_1214 = arith.maxui %max3A_1197, %mul3A_1213 : vector<16xi32>
            %get3A_1215 = arith.index_cast %scan3A_777 : i32 to index
            %get3A_1216 = arith.constant 416 : index
            %get3A_1217 = tpu.vector_load %arg6[%get3A_1215, %get3A_1216] {strides = array<i32>} : memref<48x1024xf32, #tpu.memory_space<vmem>>, vector<1x16xf32>,
            %get3A_1218 = vector.shape_cast %get3A_1217 : vector<1x16xf32> to vector<16xf32>
            %bitcast_convert_type3A_1219 = tpu.bitcast %get3A_1218 : vector<16xf32> -> vector<16xi32>
            %get3A_1220 = arith.constant 416 : index
            %get3A_1221 = tpu.vector_load %arg7[%get3A_1220] {strides = array<i32>} : memref<512xi32, #tpu.memory_space<vmem>>, vector<16xi32>,
            %get3A_1222 = vector.shape_cast %get3A_1221 : vector<16xi32> to vector<16xi32>
            %min3A_1223 = arith.minui %bitcast_convert_type3A_1219, %get3A_1222 : vector<16xi32>
            %max3A_1224 = arith.maxui %max3A_1207, %min3A_1223 : vector<16xi32>
            %sub3A_1225 = arith.subi %max3A_1224, %max3A_1207 : vector<16xi32>
            %min3A_1226 = vector.broadcast %scan3A : i32 to vector<16xi32>
            %min3A_1227 = arith.minui %sub3A_1225, %min3A_1226 : vector<16xi32>
            %mul3A_1228 = arith.constant 416 : i32
            %mul3A_1229 = vector.broadcast %mul3A_1228 : i32 to vector<16xi32>
            %mul3A_1230 = arith.muli %min3A_1227, %mul3A_1229 : vector<16xi32>
            %max3A_1231 = arith.maxui %max3A_1214, %mul3A_1230 : vector<16xi32>
            %get3A_1232 = arith.index_cast %scan3A_777 : i32 to index
            %get3A_1233 = arith.constant 432 : index
            %get3A_1234 = tpu.vector_load %arg6[%get3A_1232, %get3A_1233] {strides = array<i32>} : memref<48x1024xf32, #tpu.memory_space<vmem>>, vector<1x16xf32>,
            %get3A_1235 = vector.shape_cast %get3A_1234 : vector<1x16xf32> to vector<16xf32>
            %bitcast_convert_type3A_1236 = tpu.bitcast %get3A_1235 : vector<16xf32> -> vector<16xi32>
            %get3A_1237 = arith.constant 432 : index
            %get3A_1238 = tpu.vector_load %arg7[%get3A_1237] {strides = array<i32>} : memref<512xi32, #tpu.memory_space<vmem>>, vector<16xi32>,
            %get3A_1239 = vector.shape_cast %get3A_1238 : vector<16xi32> to vector<16xi32>
            %min3A_1240 = arith.minui %bitcast_convert_type3A_1236, %get3A_1239 : vector<16xi32>
            %max3A_1241 = arith.maxui %max3A_1224, %min3A_1240 : vector<16xi32>
            %sub3A_1242 = arith.subi %max3A_1241, %max3A_1224 : vector<16xi32>
            %min3A_1243 = vector.broadcast %scan3A : i32 to vector<16xi32>
            %min3A_1244 = arith.minui %sub3A_1242, %min3A_1243 : vector<16xi32>
            %mul3A_1245 = arith.constant 432 : i32
            %mul3A_1246 = vector.broadcast %mul3A_1245 : i32 to vector<16xi32>
            %mul3A_1247 = arith.muli %min3A_1244, %mul3A_1246 : vector<16xi32>
            %max3A_1248 = arith.maxui %max3A_1231, %mul3A_1247 : vector<16xi32>
            %get3A_1249 = arith.index_cast %scan3A_777 : i32 to index
            %get3A_1250 = arith.constant 448 : index
            %get3A_1251 = tpu.vector_load %arg6[%get3A_1249, %get3A_1250] {strides = array<i32>} : memref<48x1024xf32, #tpu.memory_space<vmem>>, vector<1x16xf32>,
            %get3A_1252 = vector.shape_cast %get3A_1251 : vector<1x16xf32> to vector<16xf32>
            %bitcast_convert_type3A_1253 = tpu.bitcast %get3A_1252 : vector<16xf32> -> vector<16xi32>
            %get3A_1254 = arith.constant 448 : index
            %get3A_1255 = tpu.vector_load %arg7[%get3A_1254] {strides = array<i32>} : memref<512xi32, #tpu.memory_space<vmem>>, vector<16xi32>,
            %get3A_1256 = vector.shape_cast %get3A_1255 : vector<16xi32> to vector<16xi32>
            %min3A_1257 = arith.minui %bitcast_convert_type3A_1253, %get3A_1256 : vector<16xi32>
            %max3A_1258 = arith.maxui %max3A_1241, %min3A_1257 : vector<16xi32>
            %sub3A_1259 = arith.subi %max3A_1258, %max3A_1241 : vector<16xi32>
            %min3A_1260 = vector.broadcast %scan3A : i32 to vector<16xi32>
            %min3A_1261 = arith.minui %sub3A_1259, %min3A_1260 : vector<16xi32>
            %mul3A_1262 = arith.constant 448 : i32
            %mul3A_1263 = vector.broadcast %mul3A_1262 : i32 to vector<16xi32>
            %mul3A_1264 = arith.muli %min3A_1261, %mul3A_1263 : vector<16xi32>
            %max3A_1265 = arith.maxui %max3A_1248, %mul3A_1264 : vector<16xi32>
            %get3A_1266 = arith.index_cast %scan3A_777 : i32 to index
            %get3A_1267 = arith.constant 464 : index
            %get3A_1268 = tpu.vector_load %arg6[%get3A_1266, %get3A_1267] {strides = array<i32>} : memref<48x1024xf32, #tpu.memory_space<vmem>>, vector<1x16xf32>,
            %get3A_1269 = vector.shape_cast %get3A_1268 : vector<1x16xf32> to vector<16xf32>
            %bitcast_convert_type3A_1270 = tpu.bitcast %get3A_1269 : vector<16xf32> -> vector<16xi32>
            %get3A_1271 = arith.constant 464 : index
            %get3A_1272 = tpu.vector_load %arg7[%get3A_1271] {strides = array<i32>} : memref<512xi32, #tpu.memory_space<vmem>>, vector<16xi32>,
            %get3A_1273 = vector.shape_cast %get3A_1272 : vector<16xi32> to vector<16xi32>
            %min3A_1274 = arith.minui %bitcast_convert_type3A_1270, %get3A_1273 : vector<16xi32>
            %max3A_1275 = arith.maxui %max3A_1258, %min3A_1274 : vector<16xi32>
            %sub3A_1276 = arith.subi %max3A_1275, %max3A_1258 : vector<16xi32>
            %min3A_1277 = vector.broadcast %scan3A : i32 to vector<16xi32>
            %min3A_1278 = arith.minui %sub3A_1276, %min3A_1277 : vector<16xi32>
            %mul3A_1279 = arith.constant 464 : i32
            %mul3A_1280 = vector.broadcast %mul3A_1279 : i32 to vector<16xi32>
            %mul3A_1281 = arith.muli %min3A_1278, %mul3A_1280 : vector<16xi32>
            %max3A_1282 = arith.maxui %max3A_1265, %mul3A_1281 : vector<16xi32>
            %get3A_1283 = arith.index_cast %scan3A_777 : i32 to index
            %get3A_1284 = arith.constant 480 : index
            %get3A_1285 = tpu.vector_load %arg6[%get3A_1283, %get3A_1284] {strides = array<i32>} : memref<48x1024xf32, #tpu.memory_space<vmem>>, vector<1x16xf32>,
            %get3A_1286 = vector.shape_cast %get3A_1285 : vector<1x16xf32> to vector<16xf32>
            %bitcast_convert_type3A_1287 = tpu.bitcast %get3A_1286 : vector<16xf32> -> vector<16xi32>
            %get3A_1288 = arith.constant 480 : index
            %get3A_1289 = tpu.vector_load %arg7[%get3A_1288] {strides = array<i32>} : memref<512xi32, #tpu.memory_space<vmem>>, vector<16xi32>,
            %get3A_1290 = vector.shape_cast %get3A_1289 : vector<16xi32> to vector<16xi32>
            %min3A_1291 = arith.minui %bitcast_convert_type3A_1287, %get3A_1290 : vector<16xi32>
            %max3A_1292 = arith.maxui %max3A_1275, %min3A_1291 : vector<16xi32>
            %sub3A_1293 = arith.subi %max3A_1292, %max3A_1275 : vector<16xi32>
            %min3A_1294 = vector.broadcast %scan3A : i32 to vector<16xi32>
            %min3A_1295 = arith.minui %sub3A_1293, %min3A_1294 : vector<16xi32>
            %mul3A_1296 = arith.constant 480 : i32
            %mul3A_1297 = vector.broadcast %mul3A_1296 : i32 to vector<16xi32>
            %mul3A_1298 = arith.muli %min3A_1295, %mul3A_1297 : vector<16xi32>
            %max3A_1299 = arith.maxui %max3A_1282, %mul3A_1298 : vector<16xi32>
            %get3A_1300 = arith.index_cast %scan3A_777 : i32 to index
            %get3A_1301 = arith.constant 496 : index
            %get3A_1302 = tpu.vector_load %arg6[%get3A_1300, %get3A_1301] {strides = array<i32>} : memref<48x1024xf32, #tpu.memory_space<vmem>>, vector<1x16xf32>,
            %get3A_1303 = vector.shape_cast %get3A_1302 : vector<1x16xf32> to vector<16xf32>
            %bitcast_convert_type3A_1304 = tpu.bitcast %get3A_1303 : vector<16xf32> -> vector<16xi32>
            %get3A_1305 = arith.constant 496 : index
            %get3A_1306 = tpu.vector_load %arg7[%get3A_1305] {strides = array<i32>} : memref<512xi32, #tpu.memory_space<vmem>>, vector<16xi32>,
            %get3A_1307 = vector.shape_cast %get3A_1306 : vector<16xi32> to vector<16xi32>
            %min3A_1308 = arith.minui %bitcast_convert_type3A_1304, %get3A_1307 : vector<16xi32>
            %max3A_1309 = arith.maxui %max3A_1292, %min3A_1308 : vector<16xi32>
            %sub3A_1310 = arith.subi %max3A_1309, %max3A_1292 : vector<16xi32>
            %min3A_1311 = vector.broadcast %scan3A : i32 to vector<16xi32>
            %min3A_1312 = arith.minui %sub3A_1310, %min3A_1311 : vector<16xi32>
            %mul3A_1313 = arith.constant 496 : i32
            %mul3A_1314 = vector.broadcast %mul3A_1313 : i32 to vector<16xi32>
            %mul3A_1315 = arith.muli %min3A_1312, %mul3A_1314 : vector<16xi32>
            %max3A_1316 = arith.maxui %max3A_1299, %mul3A_1315 : vector<16xi32>
            %broadcast_in_dim3A_1317 = arith.constant 512 : i32
            %broadcast_in_dim3A_1318 = vector.broadcast %broadcast_in_dim3A_1317 : i32 to vector<16xi32>
            %get3A_1319 = arith.index_cast %scan3A_777 : i32 to index
            %get3A_1320 = arith.constant 512 : index
            %get3A_1321 = tpu.vector_load %arg6[%get3A_1319, %get3A_1320] {strides = array<i32>} : memref<48x1024xf32, #tpu.memory_space<vmem>>, vector<1x16xf32>,
            %get3A_1322 = vector.shape_cast %get3A_1321 : vector<1x16xf32> to vector<16xf32>
            %bitcast_convert_type3A_1323 = tpu.bitcast %get3A_1322 : vector<16xf32> -> vector<16xi32>
            %shift_left3A = arith.constant 31 : i32
            %shift_left3A_1324 = vector.broadcast %shift_left3A : i32 to vector<16xi32>
            %shift_left3A_1325 = arith.shli %scan3A_778, %shift_left3A_1324 : vector<16xi32>
            %shift_right_arithmetic3A = arith.constant 31 : i32
            %shift_right_arithmetic3A_1326 = vector.broadcast %shift_right_arithmetic3A : i32 to vector<16xi32>
            %shift_right_arithmetic3A_1327 = arith.shrsi %shift_left3A_1325, %shift_right_arithmetic3A_1326 : vector<16xi32>
            %bitcast_convert_type3A_1328 = tpu.bitcast %shift_right_arithmetic3A_1327 : vector<16xi32> -> vector<16xi32>
            %and3A_1329 = arith.andi %bitcast_convert_type3A_1323, %bitcast_convert_type3A_1328 : vector<16xi32>
            %get3A_1330 = arith.index_cast %scan3A_777 : i32 to index
            %get3A_1331 = arith.constant 528 : index
            %get3A_1332 = tpu.vector_load %arg6[%get3A_1330, %get3A_1331] {strides = array<i32>} : memref<48x1024xf32, #tpu.memory_space<vmem>>, vector<1x16xf32>,
            %get3A_1333 = vector.shape_cast %get3A_1332 : vector<1x16xf32> to vector<16xf32>
            %bitcast_convert_type3A_1334 = tpu.bitcast %get3A_1333 : vector<16xf32> -> vector<16xi32>
            %shift_left3A_1335 = arith.constant 30 : i32
            %shift_left3A_1336 = vector.broadcast %shift_left3A_1335 : i32 to vector<16xi32>
            %shift_left3A_1337 = arith.shli %scan3A_778, %shift_left3A_1336 : vector<16xi32>
            %shift_right_arithmetic3A_1338 = arith.constant 31 : i32
            %shift_right_arithmetic3A_1339 = vector.broadcast %shift_right_arithmetic3A_1338 : i32 to vector<16xi32>
            %shift_right_arithmetic3A_1340 = arith.shrsi %shift_left3A_1337, %shift_right_arithmetic3A_1339 : vector<16xi32>
            %bitcast_convert_type3A_1341 = tpu.bitcast %shift_right_arithmetic3A_1340 : vector<16xi32> -> vector<16xi32>
            %and3A_1342 = arith.andi %bitcast_convert_type3A_1334, %bitcast_convert_type3A_1341 : vector<16xi32>
            %max3A_1343 = arith.maxui %and3A_1329, %and3A_1342 : vector<16xi32>
            %sub3A_1344 = arith.subi %max3A_1343, %and3A_1329 : vector<16xi32>
            %min3A_1345 = vector.broadcast %scan3A : i32 to vector<16xi32>
            %min3A_1346 = arith.minui %sub3A_1344, %min3A_1345 : vector<16xi32>
            %mul3A_1347 = arith.constant 528 : i32
            %mul3A_1348 = vector.broadcast %mul3A_1347 : i32 to vector<16xi32>
            %mul3A_1349 = arith.muli %min3A_1346, %mul3A_1348 : vector<16xi32>
            %max3A_1350 = arith.maxui %broadcast_in_dim3A_1318, %mul3A_1349 : vector<16xi32>
            %get3A_1351 = arith.index_cast %scan3A_777 : i32 to index
            %get3A_1352 = arith.constant 544 : index
            %get3A_1353 = tpu.vector_load %arg6[%get3A_1351, %get3A_1352] {strides = array<i32>} : memref<48x1024xf32, #tpu.memory_space<vmem>>, vector<1x16xf32>,
            %get3A_1354 = vector.shape_cast %get3A_1353 : vector<1x16xf32> to vector<16xf32>
            %bitcast_convert_type3A_1355 = tpu.bitcast %get3A_1354 : vector<16xf32> -> vector<16xi32>
            %shift_left3A_1356 = arith.constant 29 : i32
            %shift_left3A_1357 = vector.broadcast %shift_left3A_1356 : i32 to vector<16xi32>
            %shift_left3A_1358 = arith.shli %scan3A_778, %shift_left3A_1357 : vector<16xi32>
            %shift_right_arithmetic3A_1359 = arith.constant 31 : i32
            %shift_right_arithmetic3A_1360 = vector.broadcast %shift_right_arithmetic3A_1359 : i32 to vector<16xi32>
            %shift_right_arithmetic3A_1361 = arith.shrsi %shift_left3A_1358, %shift_right_arithmetic3A_1360 : vector<16xi32>
            %bitcast_convert_type3A_1362 = tpu.bitcast %shift_right_arithmetic3A_1361 : vector<16xi32> -> vector<16xi32>
            %and3A_1363 = arith.andi %bitcast_convert_type3A_1355, %bitcast_convert_type3A_1362 : vector<16xi32>
            %max3A_1364 = arith.maxui %max3A_1343, %and3A_1363 : vector<16xi32>
            %sub3A_1365 = arith.subi %max3A_1364, %max3A_1343 : vector<16xi32>
            %min3A_1366 = vector.broadcast %scan3A : i32 to vector<16xi32>
            %min3A_1367 = arith.minui %sub3A_1365, %min3A_1366 : vector<16xi32>
            %mul3A_1368 = arith.constant 544 : i32
            %mul3A_1369 = vector.broadcast %mul3A_1368 : i32 to vector<16xi32>
            %mul3A_1370 = arith.muli %min3A_1367, %mul3A_1369 : vector<16xi32>
            %max3A_1371 = arith.maxui %max3A_1350, %mul3A_1370 : vector<16xi32>
            %get3A_1372 = arith.index_cast %scan3A_777 : i32 to index
            %get3A_1373 = arith.constant 560 : index
            %get3A_1374 = tpu.vector_load %arg6[%get3A_1372, %get3A_1373] {strides = array<i32>} : memref<48x1024xf32, #tpu.memory_space<vmem>>, vector<1x16xf32>,
            %get3A_1375 = vector.shape_cast %get3A_1374 : vector<1x16xf32> to vector<16xf32>
            %bitcast_convert_type3A_1376 = tpu.bitcast %get3A_1375 : vector<16xf32> -> vector<16xi32>
            %shift_left3A_1377 = arith.constant 28 : i32
            %shift_left3A_1378 = vector.broadcast %shift_left3A_1377 : i32 to vector<16xi32>
            %shift_left3A_1379 = arith.shli %scan3A_778, %shift_left3A_1378 : vector<16xi32>
            %shift_right_arithmetic3A_1380 = arith.constant 31 : i32
            %shift_right_arithmetic3A_1381 = vector.broadcast %shift_right_arithmetic3A_1380 : i32 to vector<16xi32>
            %shift_right_arithmetic3A_1382 = arith.shrsi %shift_left3A_1379, %shift_right_arithmetic3A_1381 : vector<16xi32>
            %bitcast_convert_type3A_1383 = tpu.bitcast %shift_right_arithmetic3A_1382 : vector<16xi32> -> vector<16xi32>
            %and3A_1384 = arith.andi %bitcast_convert_type3A_1376, %bitcast_convert_type3A_1383 : vector<16xi32>
            %max3A_1385 = arith.maxui %max3A_1364, %and3A_1384 : vector<16xi32>
            %sub3A_1386 = arith.subi %max3A_1385, %max3A_1364 : vector<16xi32>
            %min3A_1387 = vector.broadcast %scan3A : i32 to vector<16xi32>
            %min3A_1388 = arith.minui %sub3A_1386, %min3A_1387 : vector<16xi32>
            %mul3A_1389 = arith.constant 560 : i32
            %mul3A_1390 = vector.broadcast %mul3A_1389 : i32 to vector<16xi32>
            %mul3A_1391 = arith.muli %min3A_1388, %mul3A_1390 : vector<16xi32>
            %max3A_1392 = arith.maxui %max3A_1371, %mul3A_1391 : vector<16xi32>
            %get3A_1393 = arith.index_cast %scan3A_777 : i32 to index
            %get3A_1394 = arith.constant 576 : index
            %get3A_1395 = tpu.vector_load %arg6[%get3A_1393, %get3A_1394] {strides = array<i32>} : memref<48x1024xf32, #tpu.memory_space<vmem>>, vector<1x16xf32>,
            %get3A_1396 = vector.shape_cast %get3A_1395 : vector<1x16xf32> to vector<16xf32>
            %bitcast_convert_type3A_1397 = tpu.bitcast %get3A_1396 : vector<16xf32> -> vector<16xi32>
            %shift_left3A_1398 = arith.constant 27 : i32
            %shift_left3A_1399 = vector.broadcast %shift_left3A_1398 : i32 to vector<16xi32>
            %shift_left3A_1400 = arith.shli %scan3A_778, %shift_left3A_1399 : vector<16xi32>
            %shift_right_arithmetic3A_1401 = arith.constant 31 : i32
            %shift_right_arithmetic3A_1402 = vector.broadcast %shift_right_arithmetic3A_1401 : i32 to vector<16xi32>
            %shift_right_arithmetic3A_1403 = arith.shrsi %shift_left3A_1400, %shift_right_arithmetic3A_1402 : vector<16xi32>
            %bitcast_convert_type3A_1404 = tpu.bitcast %shift_right_arithmetic3A_1403 : vector<16xi32> -> vector<16xi32>
            %and3A_1405 = arith.andi %bitcast_convert_type3A_1397, %bitcast_convert_type3A_1404 : vector<16xi32>
            %max3A_1406 = arith.maxui %max3A_1385, %and3A_1405 : vector<16xi32>
            %sub3A_1407 = arith.subi %max3A_1406, %max3A_1385 : vector<16xi32>
            %min3A_1408 = vector.broadcast %scan3A : i32 to vector<16xi32>
            %min3A_1409 = arith.minui %sub3A_1407, %min3A_1408 : vector<16xi32>
            %mul3A_1410 = arith.constant 576 : i32
            %mul3A_1411 = vector.broadcast %mul3A_1410 : i32 to vector<16xi32>
            %mul3A_1412 = arith.muli %min3A_1409, %mul3A_1411 : vector<16xi32>
            %max3A_1413 = arith.maxui %max3A_1392, %mul3A_1412 : vector<16xi32>
            %get3A_1414 = arith.index_cast %scan3A_777 : i32 to index
            %get3A_1415 = arith.constant 592 : index
            %get3A_1416 = tpu.vector_load %arg6[%get3A_1414, %get3A_1415] {strides = array<i32>} : memref<48x1024xf32, #tpu.memory_space<vmem>>, vector<1x16xf32>,
            %get3A_1417 = vector.shape_cast %get3A_1416 : vector<1x16xf32> to vector<16xf32>
            %bitcast_convert_type3A_1418 = tpu.bitcast %get3A_1417 : vector<16xf32> -> vector<16xi32>
            %shift_left3A_1419 = arith.constant 26 : i32
            %shift_left3A_1420 = vector.broadcast %shift_left3A_1419 : i32 to vector<16xi32>
            %shift_left3A_1421 = arith.shli %scan3A_778, %shift_left3A_1420 : vector<16xi32>
            %shift_right_arithmetic3A_1422 = arith.constant 31 : i32
            %shift_right_arithmetic3A_1423 = vector.broadcast %shift_right_arithmetic3A_1422 : i32 to vector<16xi32>
            %shift_right_arithmetic3A_1424 = arith.shrsi %shift_left3A_1421, %shift_right_arithmetic3A_1423 : vector<16xi32>
            %bitcast_convert_type3A_1425 = tpu.bitcast %shift_right_arithmetic3A_1424 : vector<16xi32> -> vector<16xi32>
            %and3A_1426 = arith.andi %bitcast_convert_type3A_1418, %bitcast_convert_type3A_1425 : vector<16xi32>
            %max3A_1427 = arith.maxui %max3A_1406, %and3A_1426 : vector<16xi32>
            %sub3A_1428 = arith.subi %max3A_1427, %max3A_1406 : vector<16xi32>
            %min3A_1429 = vector.broadcast %scan3A : i32 to vector<16xi32>
            %min3A_1430 = arith.minui %sub3A_1428, %min3A_1429 : vector<16xi32>
            %mul3A_1431 = arith.constant 592 : i32
            %mul3A_1432 = vector.broadcast %mul3A_1431 : i32 to vector<16xi32>
            %mul3A_1433 = arith.muli %min3A_1430, %mul3A_1432 : vector<16xi32>
            %max3A_1434 = arith.maxui %max3A_1413, %mul3A_1433 : vector<16xi32>
            %get3A_1435 = arith.index_cast %scan3A_777 : i32 to index
            %get3A_1436 = arith.constant 608 : index
            %get3A_1437 = tpu.vector_load %arg6[%get3A_1435, %get3A_1436] {strides = array<i32>} : memref<48x1024xf32, #tpu.memory_space<vmem>>, vector<1x16xf32>,
            %get3A_1438 = vector.shape_cast %get3A_1437 : vector<1x16xf32> to vector<16xf32>
            %bitcast_convert_type3A_1439 = tpu.bitcast %get3A_1438 : vector<16xf32> -> vector<16xi32>
            %shift_left3A_1440 = arith.constant 25 : i32
            %shift_left3A_1441 = vector.broadcast %shift_left3A_1440 : i32 to vector<16xi32>
            %shift_left3A_1442 = arith.shli %scan3A_778, %shift_left3A_1441 : vector<16xi32>
            %shift_right_arithmetic3A_1443 = arith.constant 31 : i32
            %shift_right_arithmetic3A_1444 = vector.broadcast %shift_right_arithmetic3A_1443 : i32 to vector<16xi32>
            %shift_right_arithmetic3A_1445 = arith.shrsi %shift_left3A_1442, %shift_right_arithmetic3A_1444 : vector<16xi32>
            %bitcast_convert_type3A_1446 = tpu.bitcast %shift_right_arithmetic3A_1445 : vector<16xi32> -> vector<16xi32>
            %and3A_1447 = arith.andi %bitcast_convert_type3A_1439, %bitcast_convert_type3A_1446 : vector<16xi32>
            %max3A_1448 = arith.maxui %max3A_1427, %and3A_1447 : vector<16xi32>
            %sub3A_1449 = arith.subi %max3A_1448, %max3A_1427 : vector<16xi32>
            %min3A_1450 = vector.broadcast %scan3A : i32 to vector<16xi32>
            %min3A_1451 = arith.minui %sub3A_1449, %min3A_1450 : vector<16xi32>
            %mul3A_1452 = arith.constant 608 : i32
            %mul3A_1453 = vector.broadcast %mul3A_1452 : i32 to vector<16xi32>
            %mul3A_1454 = arith.muli %min3A_1451, %mul3A_1453 : vector<16xi32>
            %max3A_1455 = arith.maxui %max3A_1434, %mul3A_1454 : vector<16xi32>
            %get3A_1456 = arith.index_cast %scan3A_777 : i32 to index
            %get3A_1457 = arith.constant 624 : index
            %get3A_1458 = tpu.vector_load %arg6[%get3A_1456, %get3A_1457] {strides = array<i32>} : memref<48x1024xf32, #tpu.memory_space<vmem>>, vector<1x16xf32>,
            %get3A_1459 = vector.shape_cast %get3A_1458 : vector<1x16xf32> to vector<16xf32>
            %bitcast_convert_type3A_1460 = tpu.bitcast %get3A_1459 : vector<16xf32> -> vector<16xi32>
            %shift_left3A_1461 = arith.constant 24 : i32
            %shift_left3A_1462 = vector.broadcast %shift_left3A_1461 : i32 to vector<16xi32>
            %shift_left3A_1463 = arith.shli %scan3A_778, %shift_left3A_1462 : vector<16xi32>
            %shift_right_arithmetic3A_1464 = arith.constant 31 : i32
            %shift_right_arithmetic3A_1465 = vector.broadcast %shift_right_arithmetic3A_1464 : i32 to vector<16xi32>
            %shift_right_arithmetic3A_1466 = arith.shrsi %shift_left3A_1463, %shift_right_arithmetic3A_1465 : vector<16xi32>
            %bitcast_convert_type3A_1467 = tpu.bitcast %shift_right_arithmetic3A_1466 : vector<16xi32> -> vector<16xi32>
            %and3A_1468 = arith.andi %bitcast_convert_type3A_1460, %bitcast_convert_type3A_1467 : vector<16xi32>
            %max3A_1469 = arith.maxui %max3A_1448, %and3A_1468 : vector<16xi32>
            %sub3A_1470 = arith.subi %max3A_1469, %max3A_1448 : vector<16xi32>
            %min3A_1471 = vector.broadcast %scan3A : i32 to vector<16xi32>
            %min3A_1472 = arith.minui %sub3A_1470, %min3A_1471 : vector<16xi32>
            %mul3A_1473 = arith.constant 624 : i32
            %mul3A_1474 = vector.broadcast %mul3A_1473 : i32 to vector<16xi32>
            %mul3A_1475 = arith.muli %min3A_1472, %mul3A_1474 : vector<16xi32>
            %max3A_1476 = arith.maxui %max3A_1455, %mul3A_1475 : vector<16xi32>
            %get3A_1477 = arith.index_cast %scan3A_777 : i32 to index
            %get3A_1478 = arith.constant 640 : index
            %get3A_1479 = tpu.vector_load %arg6[%get3A_1477, %get3A_1478] {strides = array<i32>} : memref<48x1024xf32, #tpu.memory_space<vmem>>, vector<1x16xf32>,
            %get3A_1480 = vector.shape_cast %get3A_1479 : vector<1x16xf32> to vector<16xf32>
            %bitcast_convert_type3A_1481 = tpu.bitcast %get3A_1480 : vector<16xf32> -> vector<16xi32>
            %shift_left3A_1482 = arith.constant 23 : i32
            %shift_left3A_1483 = vector.broadcast %shift_left3A_1482 : i32 to vector<16xi32>
            %shift_left3A_1484 = arith.shli %scan3A_778, %shift_left3A_1483 : vector<16xi32>
            %shift_right_arithmetic3A_1485 = arith.constant 31 : i32
            %shift_right_arithmetic3A_1486 = vector.broadcast %shift_right_arithmetic3A_1485 : i32 to vector<16xi32>
            %shift_right_arithmetic3A_1487 = arith.shrsi %shift_left3A_1484, %shift_right_arithmetic3A_1486 : vector<16xi32>
            %bitcast_convert_type3A_1488 = tpu.bitcast %shift_right_arithmetic3A_1487 : vector<16xi32> -> vector<16xi32>
            %and3A_1489 = arith.andi %bitcast_convert_type3A_1481, %bitcast_convert_type3A_1488 : vector<16xi32>
            %max3A_1490 = arith.maxui %max3A_1469, %and3A_1489 : vector<16xi32>
            %sub3A_1491 = arith.subi %max3A_1490, %max3A_1469 : vector<16xi32>
            %min3A_1492 = vector.broadcast %scan3A : i32 to vector<16xi32>
            %min3A_1493 = arith.minui %sub3A_1491, %min3A_1492 : vector<16xi32>
            %mul3A_1494 = arith.constant 640 : i32
            %mul3A_1495 = vector.broadcast %mul3A_1494 : i32 to vector<16xi32>
            %mul3A_1496 = arith.muli %min3A_1493, %mul3A_1495 : vector<16xi32>
            %max3A_1497 = arith.maxui %max3A_1476, %mul3A_1496 : vector<16xi32>
            %get3A_1498 = arith.index_cast %scan3A_777 : i32 to index
            %get3A_1499 = arith.constant 656 : index
            %get3A_1500 = tpu.vector_load %arg6[%get3A_1498, %get3A_1499] {strides = array<i32>} : memref<48x1024xf32, #tpu.memory_space<vmem>>, vector<1x16xf32>,
            %get3A_1501 = vector.shape_cast %get3A_1500 : vector<1x16xf32> to vector<16xf32>
            %bitcast_convert_type3A_1502 = tpu.bitcast %get3A_1501 : vector<16xf32> -> vector<16xi32>
            %shift_left3A_1503 = arith.constant 22 : i32
            %shift_left3A_1504 = vector.broadcast %shift_left3A_1503 : i32 to vector<16xi32>
            %shift_left3A_1505 = arith.shli %scan3A_778, %shift_left3A_1504 : vector<16xi32>
            %shift_right_arithmetic3A_1506 = arith.constant 31 : i32
            %shift_right_arithmetic3A_1507 = vector.broadcast %shift_right_arithmetic3A_1506 : i32 to vector<16xi32>
            %shift_right_arithmetic3A_1508 = arith.shrsi %shift_left3A_1505, %shift_right_arithmetic3A_1507 : vector<16xi32>
            %bitcast_convert_type3A_1509 = tpu.bitcast %shift_right_arithmetic3A_1508 : vector<16xi32> -> vector<16xi32>
            %and3A_1510 = arith.andi %bitcast_convert_type3A_1502, %bitcast_convert_type3A_1509 : vector<16xi32>
            %max3A_1511 = arith.maxui %max3A_1490, %and3A_1510 : vector<16xi32>
            %sub3A_1512 = arith.subi %max3A_1511, %max3A_1490 : vector<16xi32>
            %min3A_1513 = vector.broadcast %scan3A : i32 to vector<16xi32>
            %min3A_1514 = arith.minui %sub3A_1512, %min3A_1513 : vector<16xi32>
            %mul3A_1515 = arith.constant 656 : i32
            %mul3A_1516 = vector.broadcast %mul3A_1515 : i32 to vector<16xi32>
            %mul3A_1517 = arith.muli %min3A_1514, %mul3A_1516 : vector<16xi32>
            %max3A_1518 = arith.maxui %max3A_1497, %mul3A_1517 : vector<16xi32>
            %get3A_1519 = arith.index_cast %scan3A_777 : i32 to index
            %get3A_1520 = arith.constant 672 : index
            %get3A_1521 = tpu.vector_load %arg6[%get3A_1519, %get3A_1520] {strides = array<i32>} : memref<48x1024xf32, #tpu.memory_space<vmem>>, vector<1x16xf32>,
            %get3A_1522 = vector.shape_cast %get3A_1521 : vector<1x16xf32> to vector<16xf32>
            %bitcast_convert_type3A_1523 = tpu.bitcast %get3A_1522 : vector<16xf32> -> vector<16xi32>
            %shift_left3A_1524 = arith.constant 21 : i32
            %shift_left3A_1525 = vector.broadcast %shift_left3A_1524 : i32 to vector<16xi32>
            %shift_left3A_1526 = arith.shli %scan3A_778, %shift_left3A_1525 : vector<16xi32>
            %shift_right_arithmetic3A_1527 = arith.constant 31 : i32
            %shift_right_arithmetic3A_1528 = vector.broadcast %shift_right_arithmetic3A_1527 : i32 to vector<16xi32>
            %shift_right_arithmetic3A_1529 = arith.shrsi %shift_left3A_1526, %shift_right_arithmetic3A_1528 : vector<16xi32>
            %bitcast_convert_type3A_1530 = tpu.bitcast %shift_right_arithmetic3A_1529 : vector<16xi32> -> vector<16xi32>
            %and3A_1531 = arith.andi %bitcast_convert_type3A_1523, %bitcast_convert_type3A_1530 : vector<16xi32>
            %max3A_1532 = arith.maxui %max3A_1511, %and3A_1531 : vector<16xi32>
            %sub3A_1533 = arith.subi %max3A_1532, %max3A_1511 : vector<16xi32>
            %min3A_1534 = vector.broadcast %scan3A : i32 to vector<16xi32>
            %min3A_1535 = arith.minui %sub3A_1533, %min3A_1534 : vector<16xi32>
            %mul3A_1536 = arith.constant 672 : i32
            %mul3A_1537 = vector.broadcast %mul3A_1536 : i32 to vector<16xi32>
            %mul3A_1538 = arith.muli %min3A_1535, %mul3A_1537 : vector<16xi32>
            %max3A_1539 = arith.maxui %max3A_1518, %mul3A_1538 : vector<16xi32>
            %get3A_1540 = arith.index_cast %scan3A_777 : i32 to index
            %get3A_1541 = arith.constant 688 : index
            %get3A_1542 = tpu.vector_load %arg6[%get3A_1540, %get3A_1541] {strides = array<i32>} : memref<48x1024xf32, #tpu.memory_space<vmem>>, vector<1x16xf32>,
            %get3A_1543 = vector.shape_cast %get3A_1542 : vector<1x16xf32> to vector<16xf32>
            %bitcast_convert_type3A_1544 = tpu.bitcast %get3A_1543 : vector<16xf32> -> vector<16xi32>
            %shift_left3A_1545 = arith.constant 20 : i32
            %shift_left3A_1546 = vector.broadcast %shift_left3A_1545 : i32 to vector<16xi32>
            %shift_left3A_1547 = arith.shli %scan3A_778, %shift_left3A_1546 : vector<16xi32>
            %shift_right_arithmetic3A_1548 = arith.constant 31 : i32
            %shift_right_arithmetic3A_1549 = vector.broadcast %shift_right_arithmetic3A_1548 : i32 to vector<16xi32>
            %shift_right_arithmetic3A_1550 = arith.shrsi %shift_left3A_1547, %shift_right_arithmetic3A_1549 : vector<16xi32>
            %bitcast_convert_type3A_1551 = tpu.bitcast %shift_right_arithmetic3A_1550 : vector<16xi32> -> vector<16xi32>
            %and3A_1552 = arith.andi %bitcast_convert_type3A_1544, %bitcast_convert_type3A_1551 : vector<16xi32>
            %max3A_1553 = arith.maxui %max3A_1532, %and3A_1552 : vector<16xi32>
            %sub3A_1554 = arith.subi %max3A_1553, %max3A_1532 : vector<16xi32>
            %min3A_1555 = vector.broadcast %scan3A : i32 to vector<16xi32>
            %min3A_1556 = arith.minui %sub3A_1554, %min3A_1555 : vector<16xi32>
            %mul3A_1557 = arith.constant 688 : i32
            %mul3A_1558 = vector.broadcast %mul3A_1557 : i32 to vector<16xi32>
            %mul3A_1559 = arith.muli %min3A_1556, %mul3A_1558 : vector<16xi32>
            %max3A_1560 = arith.maxui %max3A_1539, %mul3A_1559 : vector<16xi32>
            %get3A_1561 = arith.index_cast %scan3A_777 : i32 to index
            %get3A_1562 = arith.constant 704 : index
            %get3A_1563 = tpu.vector_load %arg6[%get3A_1561, %get3A_1562] {strides = array<i32>} : memref<48x1024xf32, #tpu.memory_space<vmem>>, vector<1x16xf32>,
            %get3A_1564 = vector.shape_cast %get3A_1563 : vector<1x16xf32> to vector<16xf32>
            %bitcast_convert_type3A_1565 = tpu.bitcast %get3A_1564 : vector<16xf32> -> vector<16xi32>
            %shift_left3A_1566 = arith.constant 19 : i32
            %shift_left3A_1567 = vector.broadcast %shift_left3A_1566 : i32 to vector<16xi32>
            %shift_left3A_1568 = arith.shli %scan3A_778, %shift_left3A_1567 : vector<16xi32>
            %shift_right_arithmetic3A_1569 = arith.constant 31 : i32
            %shift_right_arithmetic3A_1570 = vector.broadcast %shift_right_arithmetic3A_1569 : i32 to vector<16xi32>
            %shift_right_arithmetic3A_1571 = arith.shrsi %shift_left3A_1568, %shift_right_arithmetic3A_1570 : vector<16xi32>
            %bitcast_convert_type3A_1572 = tpu.bitcast %shift_right_arithmetic3A_1571 : vector<16xi32> -> vector<16xi32>
            %and3A_1573 = arith.andi %bitcast_convert_type3A_1565, %bitcast_convert_type3A_1572 : vector<16xi32>
            %max3A_1574 = arith.maxui %max3A_1553, %and3A_1573 : vector<16xi32>
            %sub3A_1575 = arith.subi %max3A_1574, %max3A_1553 : vector<16xi32>
            %min3A_1576 = vector.broadcast %scan3A : i32 to vector<16xi32>
            %min3A_1577 = arith.minui %sub3A_1575, %min3A_1576 : vector<16xi32>
            %mul3A_1578 = arith.constant 704 : i32
            %mul3A_1579 = vector.broadcast %mul3A_1578 : i32 to vector<16xi32>
            %mul3A_1580 = arith.muli %min3A_1577, %mul3A_1579 : vector<16xi32>
            %max3A_1581 = arith.maxui %max3A_1560, %mul3A_1580 : vector<16xi32>
            %get3A_1582 = arith.index_cast %scan3A_777 : i32 to index
            %get3A_1583 = arith.constant 720 : index
            %get3A_1584 = tpu.vector_load %arg6[%get3A_1582, %get3A_1583] {strides = array<i32>} : memref<48x1024xf32, #tpu.memory_space<vmem>>, vector<1x16xf32>,
            %get3A_1585 = vector.shape_cast %get3A_1584 : vector<1x16xf32> to vector<16xf32>
            %bitcast_convert_type3A_1586 = tpu.bitcast %get3A_1585 : vector<16xf32> -> vector<16xi32>
            %shift_left3A_1587 = arith.constant 18 : i32
            %shift_left3A_1588 = vector.broadcast %shift_left3A_1587 : i32 to vector<16xi32>
            %shift_left3A_1589 = arith.shli %scan3A_778, %shift_left3A_1588 : vector<16xi32>
            %shift_right_arithmetic3A_1590 = arith.constant 31 : i32
            %shift_right_arithmetic3A_1591 = vector.broadcast %shift_right_arithmetic3A_1590 : i32 to vector<16xi32>
            %shift_right_arithmetic3A_1592 = arith.shrsi %shift_left3A_1589, %shift_right_arithmetic3A_1591 : vector<16xi32>
            %bitcast_convert_type3A_1593 = tpu.bitcast %shift_right_arithmetic3A_1592 : vector<16xi32> -> vector<16xi32>
            %and3A_1594 = arith.andi %bitcast_convert_type3A_1586, %bitcast_convert_type3A_1593 : vector<16xi32>
            %max3A_1595 = arith.maxui %max3A_1574, %and3A_1594 : vector<16xi32>
            %sub3A_1596 = arith.subi %max3A_1595, %max3A_1574 : vector<16xi32>
            %min3A_1597 = vector.broadcast %scan3A : i32 to vector<16xi32>
            %min3A_1598 = arith.minui %sub3A_1596, %min3A_1597 : vector<16xi32>
            %mul3A_1599 = arith.constant 720 : i32
            %mul3A_1600 = vector.broadcast %mul3A_1599 : i32 to vector<16xi32>
            %mul3A_1601 = arith.muli %min3A_1598, %mul3A_1600 : vector<16xi32>
            %max3A_1602 = arith.maxui %max3A_1581, %mul3A_1601 : vector<16xi32>
            %get3A_1603 = arith.index_cast %scan3A_777 : i32 to index
            %get3A_1604 = arith.constant 736 : index
            %get3A_1605 = tpu.vector_load %arg6[%get3A_1603, %get3A_1604] {strides = array<i32>} : memref<48x1024xf32, #tpu.memory_space<vmem>>, vector<1x16xf32>,
            %get3A_1606 = vector.shape_cast %get3A_1605 : vector<1x16xf32> to vector<16xf32>
            %bitcast_convert_type3A_1607 = tpu.bitcast %get3A_1606 : vector<16xf32> -> vector<16xi32>
            %shift_left3A_1608 = arith.constant 17 : i32
            %shift_left3A_1609 = vector.broadcast %shift_left3A_1608 : i32 to vector<16xi32>
            %shift_left3A_1610 = arith.shli %scan3A_778, %shift_left3A_1609 : vector<16xi32>
            %shift_right_arithmetic3A_1611 = arith.constant 31 : i32
            %shift_right_arithmetic3A_1612 = vector.broadcast %shift_right_arithmetic3A_1611 : i32 to vector<16xi32>
            %shift_right_arithmetic3A_1613 = arith.shrsi %shift_left3A_1610, %shift_right_arithmetic3A_1612 : vector<16xi32>
            %bitcast_convert_type3A_1614 = tpu.bitcast %shift_right_arithmetic3A_1613 : vector<16xi32> -> vector<16xi32>
            %and3A_1615 = arith.andi %bitcast_convert_type3A_1607, %bitcast_convert_type3A_1614 : vector<16xi32>
            %max3A_1616 = arith.maxui %max3A_1595, %and3A_1615 : vector<16xi32>
            %sub3A_1617 = arith.subi %max3A_1616, %max3A_1595 : vector<16xi32>
            %min3A_1618 = vector.broadcast %scan3A : i32 to vector<16xi32>
            %min3A_1619 = arith.minui %sub3A_1617, %min3A_1618 : vector<16xi32>
            %mul3A_1620 = arith.constant 736 : i32
            %mul3A_1621 = vector.broadcast %mul3A_1620 : i32 to vector<16xi32>
            %mul3A_1622 = arith.muli %min3A_1619, %mul3A_1621 : vector<16xi32>
            %max3A_1623 = arith.maxui %max3A_1602, %mul3A_1622 : vector<16xi32>
            %get3A_1624 = arith.index_cast %scan3A_777 : i32 to index
            %get3A_1625 = arith.constant 752 : index
            %get3A_1626 = tpu.vector_load %arg6[%get3A_1624, %get3A_1625] {strides = array<i32>} : memref<48x1024xf32, #tpu.memory_space<vmem>>, vector<1x16xf32>,
            %get3A_1627 = vector.shape_cast %get3A_1626 : vector<1x16xf32> to vector<16xf32>
            %bitcast_convert_type3A_1628 = tpu.bitcast %get3A_1627 : vector<16xf32> -> vector<16xi32>
            %shift_left3A_1629 = arith.constant 16 : i32
            %shift_left3A_1630 = vector.broadcast %shift_left3A_1629 : i32 to vector<16xi32>
            %shift_left3A_1631 = arith.shli %scan3A_778, %shift_left3A_1630 : vector<16xi32>
            %shift_right_arithmetic3A_1632 = arith.constant 31 : i32
            %shift_right_arithmetic3A_1633 = vector.broadcast %shift_right_arithmetic3A_1632 : i32 to vector<16xi32>
            %shift_right_arithmetic3A_1634 = arith.shrsi %shift_left3A_1631, %shift_right_arithmetic3A_1633 : vector<16xi32>
            %bitcast_convert_type3A_1635 = tpu.bitcast %shift_right_arithmetic3A_1634 : vector<16xi32> -> vector<16xi32>
            %and3A_1636 = arith.andi %bitcast_convert_type3A_1628, %bitcast_convert_type3A_1635 : vector<16xi32>
            %max3A_1637 = arith.maxui %max3A_1616, %and3A_1636 : vector<16xi32>
            %sub3A_1638 = arith.subi %max3A_1637, %max3A_1616 : vector<16xi32>
            %min3A_1639 = vector.broadcast %scan3A : i32 to vector<16xi32>
            %min3A_1640 = arith.minui %sub3A_1638, %min3A_1639 : vector<16xi32>
            %mul3A_1641 = arith.constant 752 : i32
            %mul3A_1642 = vector.broadcast %mul3A_1641 : i32 to vector<16xi32>
            %mul3A_1643 = arith.muli %min3A_1640, %mul3A_1642 : vector<16xi32>
            %max3A_1644 = arith.maxui %max3A_1623, %mul3A_1643 : vector<16xi32>
            %broadcast_in_dim3A_1645 = arith.constant 768 : i32
            %broadcast_in_dim3A_1646 = vector.broadcast %broadcast_in_dim3A_1645 : i32 to vector<16xi32>
            %get3A_1647 = arith.index_cast %scan3A_777 : i32 to index
            %get3A_1648 = arith.constant 768 : index
            %get3A_1649 = tpu.vector_load %arg6[%get3A_1647, %get3A_1648] {strides = array<i32>} : memref<48x1024xf32, #tpu.memory_space<vmem>>, vector<1x16xf32>,
            %get3A_1650 = vector.shape_cast %get3A_1649 : vector<1x16xf32> to vector<16xf32>
            %bitcast_convert_type3A_1651 = tpu.bitcast %get3A_1650 : vector<16xf32> -> vector<16xi32>
            %shift_left3A_1652 = arith.constant 31 : i32
            %shift_left3A_1653 = vector.broadcast %shift_left3A_1652 : i32 to vector<16xi32>
            %shift_left3A_1654 = arith.shli %scan3A_779, %shift_left3A_1653 : vector<16xi32>
            %shift_right_arithmetic3A_1655 = arith.constant 31 : i32
            %shift_right_arithmetic3A_1656 = vector.broadcast %shift_right_arithmetic3A_1655 : i32 to vector<16xi32>
            %shift_right_arithmetic3A_1657 = arith.shrsi %shift_left3A_1654, %shift_right_arithmetic3A_1656 : vector<16xi32>
            %bitcast_convert_type3A_1658 = tpu.bitcast %shift_right_arithmetic3A_1657 : vector<16xi32> -> vector<16xi32>
            %and3A_1659 = arith.andi %bitcast_convert_type3A_1651, %bitcast_convert_type3A_1658 : vector<16xi32>
            %get3A_1660 = arith.index_cast %scan3A_777 : i32 to index
            %get3A_1661 = arith.constant 784 : index
            %get3A_1662 = tpu.vector_load %arg6[%get3A_1660, %get3A_1661] {strides = array<i32>} : memref<48x1024xf32, #tpu.memory_space<vmem>>, vector<1x16xf32>,
            %get3A_1663 = vector.shape_cast %get3A_1662 : vector<1x16xf32> to vector<16xf32>
            %bitcast_convert_type3A_1664 = tpu.bitcast %get3A_1663 : vector<16xf32> -> vector<16xi32>
            %shift_left3A_1665 = arith.constant 30 : i32
            %shift_left3A_1666 = vector.broadcast %shift_left3A_1665 : i32 to vector<16xi32>
            %shift_left3A_1667 = arith.shli %scan3A_779, %shift_left3A_1666 : vector<16xi32>
            %shift_right_arithmetic3A_1668 = arith.constant 31 : i32
            %shift_right_arithmetic3A_1669 = vector.broadcast %shift_right_arithmetic3A_1668 : i32 to vector<16xi32>
            %shift_right_arithmetic3A_1670 = arith.shrsi %shift_left3A_1667, %shift_right_arithmetic3A_1669 : vector<16xi32>
            %bitcast_convert_type3A_1671 = tpu.bitcast %shift_right_arithmetic3A_1670 : vector<16xi32> -> vector<16xi32>
            %and3A_1672 = arith.andi %bitcast_convert_type3A_1664, %bitcast_convert_type3A_1671 : vector<16xi32>
            %max3A_1673 = arith.maxui %and3A_1659, %and3A_1672 : vector<16xi32>
            %sub3A_1674 = arith.subi %max3A_1673, %and3A_1659 : vector<16xi32>
            %min3A_1675 = vector.broadcast %scan3A : i32 to vector<16xi32>
            %min3A_1676 = arith.minui %sub3A_1674, %min3A_1675 : vector<16xi32>
            %mul3A_1677 = arith.constant 784 : i32
            %mul3A_1678 = vector.broadcast %mul3A_1677 : i32 to vector<16xi32>
            %mul3A_1679 = arith.muli %min3A_1676, %mul3A_1678 : vector<16xi32>
            %max3A_1680 = arith.maxui %broadcast_in_dim3A_1646, %mul3A_1679 : vector<16xi32>
            %get3A_1681 = arith.index_cast %scan3A_777 : i32 to index
            %get3A_1682 = arith.constant 800 : index
            %get3A_1683 = tpu.vector_load %arg6[%get3A_1681, %get3A_1682] {strides = array<i32>} : memref<48x1024xf32, #tpu.memory_space<vmem>>, vector<1x16xf32>,
            %get3A_1684 = vector.shape_cast %get3A_1683 : vector<1x16xf32> to vector<16xf32>
            %bitcast_convert_type3A_1685 = tpu.bitcast %get3A_1684 : vector<16xf32> -> vector<16xi32>
            %shift_left3A_1686 = arith.constant 29 : i32
            %shift_left3A_1687 = vector.broadcast %shift_left3A_1686 : i32 to vector<16xi32>
            %shift_left3A_1688 = arith.shli %scan3A_779, %shift_left3A_1687 : vector<16xi32>
            %shift_right_arithmetic3A_1689 = arith.constant 31 : i32
            %shift_right_arithmetic3A_1690 = vector.broadcast %shift_right_arithmetic3A_1689 : i32 to vector<16xi32>
            %shift_right_arithmetic3A_1691 = arith.shrsi %shift_left3A_1688, %shift_right_arithmetic3A_1690 : vector<16xi32>
            %bitcast_convert_type3A_1692 = tpu.bitcast %shift_right_arithmetic3A_1691 : vector<16xi32> -> vector<16xi32>
            %and3A_1693 = arith.andi %bitcast_convert_type3A_1685, %bitcast_convert_type3A_1692 : vector<16xi32>
            %max3A_1694 = arith.maxui %max3A_1673, %and3A_1693 : vector<16xi32>
            %sub3A_1695 = arith.subi %max3A_1694, %max3A_1673 : vector<16xi32>
            %min3A_1696 = vector.broadcast %scan3A : i32 to vector<16xi32>
            %min3A_1697 = arith.minui %sub3A_1695, %min3A_1696 : vector<16xi32>
            %mul3A_1698 = arith.constant 800 : i32
            %mul3A_1699 = vector.broadcast %mul3A_1698 : i32 to vector<16xi32>
            %mul3A_1700 = arith.muli %min3A_1697, %mul3A_1699 : vector<16xi32>
            %max3A_1701 = arith.maxui %max3A_1680, %mul3A_1700 : vector<16xi32>
            %get3A_1702 = arith.index_cast %scan3A_777 : i32 to index
            %get3A_1703 = arith.constant 816 : index
            %get3A_1704 = tpu.vector_load %arg6[%get3A_1702, %get3A_1703] {strides = array<i32>} : memref<48x1024xf32, #tpu.memory_space<vmem>>, vector<1x16xf32>,
            %get3A_1705 = vector.shape_cast %get3A_1704 : vector<1x16xf32> to vector<16xf32>
            %bitcast_convert_type3A_1706 = tpu.bitcast %get3A_1705 : vector<16xf32> -> vector<16xi32>
            %shift_left3A_1707 = arith.constant 28 : i32
            %shift_left3A_1708 = vector.broadcast %shift_left3A_1707 : i32 to vector<16xi32>
            %shift_left3A_1709 = arith.shli %scan3A_779, %shift_left3A_1708 : vector<16xi32>
            %shift_right_arithmetic3A_1710 = arith.constant 31 : i32
            %shift_right_arithmetic3A_1711 = vector.broadcast %shift_right_arithmetic3A_1710 : i32 to vector<16xi32>
            %shift_right_arithmetic3A_1712 = arith.shrsi %shift_left3A_1709, %shift_right_arithmetic3A_1711 : vector<16xi32>
            %bitcast_convert_type3A_1713 = tpu.bitcast %shift_right_arithmetic3A_1712 : vector<16xi32> -> vector<16xi32>
            %and3A_1714 = arith.andi %bitcast_convert_type3A_1706, %bitcast_convert_type3A_1713 : vector<16xi32>
            %max3A_1715 = arith.maxui %max3A_1694, %and3A_1714 : vector<16xi32>
            %sub3A_1716 = arith.subi %max3A_1715, %max3A_1694 : vector<16xi32>
            %min3A_1717 = vector.broadcast %scan3A : i32 to vector<16xi32>
            %min3A_1718 = arith.minui %sub3A_1716, %min3A_1717 : vector<16xi32>
            %mul3A_1719 = arith.constant 816 : i32
            %mul3A_1720 = vector.broadcast %mul3A_1719 : i32 to vector<16xi32>
            %mul3A_1721 = arith.muli %min3A_1718, %mul3A_1720 : vector<16xi32>
            %max3A_1722 = arith.maxui %max3A_1701, %mul3A_1721 : vector<16xi32>
            %get3A_1723 = arith.index_cast %scan3A_777 : i32 to index
            %get3A_1724 = arith.constant 832 : index
            %get3A_1725 = tpu.vector_load %arg6[%get3A_1723, %get3A_1724] {strides = array<i32>} : memref<48x1024xf32, #tpu.memory_space<vmem>>, vector<1x16xf32>,
            %get3A_1726 = vector.shape_cast %get3A_1725 : vector<1x16xf32> to vector<16xf32>
            %bitcast_convert_type3A_1727 = tpu.bitcast %get3A_1726 : vector<16xf32> -> vector<16xi32>
            %shift_left3A_1728 = arith.constant 27 : i32
            %shift_left3A_1729 = vector.broadcast %shift_left3A_1728 : i32 to vector<16xi32>
            %shift_left3A_1730 = arith.shli %scan3A_779, %shift_left3A_1729 : vector<16xi32>
            %shift_right_arithmetic3A_1731 = arith.constant 31 : i32
            %shift_right_arithmetic3A_1732 = vector.broadcast %shift_right_arithmetic3A_1731 : i32 to vector<16xi32>
            %shift_right_arithmetic3A_1733 = arith.shrsi %shift_left3A_1730, %shift_right_arithmetic3A_1732 : vector<16xi32>
            %bitcast_convert_type3A_1734 = tpu.bitcast %shift_right_arithmetic3A_1733 : vector<16xi32> -> vector<16xi32>
            %and3A_1735 = arith.andi %bitcast_convert_type3A_1727, %bitcast_convert_type3A_1734 : vector<16xi32>
            %max3A_1736 = arith.maxui %max3A_1715, %and3A_1735 : vector<16xi32>
            %sub3A_1737 = arith.subi %max3A_1736, %max3A_1715 : vector<16xi32>
            %min3A_1738 = vector.broadcast %scan3A : i32 to vector<16xi32>
            %min3A_1739 = arith.minui %sub3A_1737, %min3A_1738 : vector<16xi32>
            %mul3A_1740 = arith.constant 832 : i32
            %mul3A_1741 = vector.broadcast %mul3A_1740 : i32 to vector<16xi32>
            %mul3A_1742 = arith.muli %min3A_1739, %mul3A_1741 : vector<16xi32>
            %max3A_1743 = arith.maxui %max3A_1722, %mul3A_1742 : vector<16xi32>
            %get3A_1744 = arith.index_cast %scan3A_777 : i32 to index
            %get3A_1745 = arith.constant 848 : index
            %get3A_1746 = tpu.vector_load %arg6[%get3A_1744, %get3A_1745] {strides = array<i32>} : memref<48x1024xf32, #tpu.memory_space<vmem>>, vector<1x16xf32>,
            %get3A_1747 = vector.shape_cast %get3A_1746 : vector<1x16xf32> to vector<16xf32>
            %bitcast_convert_type3A_1748 = tpu.bitcast %get3A_1747 : vector<16xf32> -> vector<16xi32>
            %shift_left3A_1749 = arith.constant 26 : i32
            %shift_left3A_1750 = vector.broadcast %shift_left3A_1749 : i32 to vector<16xi32>
            %shift_left3A_1751 = arith.shli %scan3A_779, %shift_left3A_1750 : vector<16xi32>
            %shift_right_arithmetic3A_1752 = arith.constant 31 : i32
            %shift_right_arithmetic3A_1753 = vector.broadcast %shift_right_arithmetic3A_1752 : i32 to vector<16xi32>
            %shift_right_arithmetic3A_1754 = arith.shrsi %shift_left3A_1751, %shift_right_arithmetic3A_1753 : vector<16xi32>
            %bitcast_convert_type3A_1755 = tpu.bitcast %shift_right_arithmetic3A_1754 : vector<16xi32> -> vector<16xi32>
            %and3A_1756 = arith.andi %bitcast_convert_type3A_1748, %bitcast_convert_type3A_1755 : vector<16xi32>
            %max3A_1757 = arith.maxui %max3A_1736, %and3A_1756 : vector<16xi32>
            %sub3A_1758 = arith.subi %max3A_1757, %max3A_1736 : vector<16xi32>
            %min3A_1759 = vector.broadcast %scan3A : i32 to vector<16xi32>
            %min3A_1760 = arith.minui %sub3A_1758, %min3A_1759 : vector<16xi32>
            %mul3A_1761 = arith.constant 848 : i32
            %mul3A_1762 = vector.broadcast %mul3A_1761 : i32 to vector<16xi32>
            %mul3A_1763 = arith.muli %min3A_1760, %mul3A_1762 : vector<16xi32>
            %max3A_1764 = arith.maxui %max3A_1743, %mul3A_1763 : vector<16xi32>
            %get3A_1765 = arith.index_cast %scan3A_777 : i32 to index
            %get3A_1766 = arith.constant 864 : index
            %get3A_1767 = tpu.vector_load %arg6[%get3A_1765, %get3A_1766] {strides = array<i32>} : memref<48x1024xf32, #tpu.memory_space<vmem>>, vector<1x16xf32>,
            %get3A_1768 = vector.shape_cast %get3A_1767 : vector<1x16xf32> to vector<16xf32>
            %bitcast_convert_type3A_1769 = tpu.bitcast %get3A_1768 : vector<16xf32> -> vector<16xi32>
            %shift_left3A_1770 = arith.constant 25 : i32
            %shift_left3A_1771 = vector.broadcast %shift_left3A_1770 : i32 to vector<16xi32>
            %shift_left3A_1772 = arith.shli %scan3A_779, %shift_left3A_1771 : vector<16xi32>
            %shift_right_arithmetic3A_1773 = arith.constant 31 : i32
            %shift_right_arithmetic3A_1774 = vector.broadcast %shift_right_arithmetic3A_1773 : i32 to vector<16xi32>
            %shift_right_arithmetic3A_1775 = arith.shrsi %shift_left3A_1772, %shift_right_arithmetic3A_1774 : vector<16xi32>
            %bitcast_convert_type3A_1776 = tpu.bitcast %shift_right_arithmetic3A_1775 : vector<16xi32> -> vector<16xi32>
            %and3A_1777 = arith.andi %bitcast_convert_type3A_1769, %bitcast_convert_type3A_1776 : vector<16xi32>
            %max3A_1778 = arith.maxui %max3A_1757, %and3A_1777 : vector<16xi32>
            %sub3A_1779 = arith.subi %max3A_1778, %max3A_1757 : vector<16xi32>
            %min3A_1780 = vector.broadcast %scan3A : i32 to vector<16xi32>
            %min3A_1781 = arith.minui %sub3A_1779, %min3A_1780 : vector<16xi32>
            %mul3A_1782 = arith.constant 864 : i32
            %mul3A_1783 = vector.broadcast %mul3A_1782 : i32 to vector<16xi32>
            %mul3A_1784 = arith.muli %min3A_1781, %mul3A_1783 : vector<16xi32>
            %max3A_1785 = arith.maxui %max3A_1764, %mul3A_1784 : vector<16xi32>
            %get3A_1786 = arith.index_cast %scan3A_777 : i32 to index
            %get3A_1787 = arith.constant 880 : index
            %get3A_1788 = tpu.vector_load %arg6[%get3A_1786, %get3A_1787] {strides = array<i32>} : memref<48x1024xf32, #tpu.memory_space<vmem>>, vector<1x16xf32>,
            %get3A_1789 = vector.shape_cast %get3A_1788 : vector<1x16xf32> to vector<16xf32>
            %bitcast_convert_type3A_1790 = tpu.bitcast %get3A_1789 : vector<16xf32> -> vector<16xi32>
            %shift_left3A_1791 = arith.constant 24 : i32
            %shift_left3A_1792 = vector.broadcast %shift_left3A_1791 : i32 to vector<16xi32>
            %shift_left3A_1793 = arith.shli %scan3A_779, %shift_left3A_1792 : vector<16xi32>
            %shift_right_arithmetic3A_1794 = arith.constant 31 : i32
            %shift_right_arithmetic3A_1795 = vector.broadcast %shift_right_arithmetic3A_1794 : i32 to vector<16xi32>
            %shift_right_arithmetic3A_1796 = arith.shrsi %shift_left3A_1793, %shift_right_arithmetic3A_1795 : vector<16xi32>
            %bitcast_convert_type3A_1797 = tpu.bitcast %shift_right_arithmetic3A_1796 : vector<16xi32> -> vector<16xi32>
            %and3A_1798 = arith.andi %bitcast_convert_type3A_1790, %bitcast_convert_type3A_1797 : vector<16xi32>
            %max3A_1799 = arith.maxui %max3A_1778, %and3A_1798 : vector<16xi32>
            %sub3A_1800 = arith.subi %max3A_1799, %max3A_1778 : vector<16xi32>
            %min3A_1801 = vector.broadcast %scan3A : i32 to vector<16xi32>
            %min3A_1802 = arith.minui %sub3A_1800, %min3A_1801 : vector<16xi32>
            %mul3A_1803 = arith.constant 880 : i32
            %mul3A_1804 = vector.broadcast %mul3A_1803 : i32 to vector<16xi32>
            %mul3A_1805 = arith.muli %min3A_1802, %mul3A_1804 : vector<16xi32>
            %max3A_1806 = arith.maxui %max3A_1785, %mul3A_1805 : vector<16xi32>
            %get3A_1807 = arith.index_cast %scan3A_777 : i32 to index
            %get3A_1808 = arith.constant 896 : index
            %get3A_1809 = tpu.vector_load %arg6[%get3A_1807, %get3A_1808] {strides = array<i32>} : memref<48x1024xf32, #tpu.memory_space<vmem>>, vector<1x16xf32>,
            %get3A_1810 = vector.shape_cast %get3A_1809 : vector<1x16xf32> to vector<16xf32>
            %bitcast_convert_type3A_1811 = tpu.bitcast %get3A_1810 : vector<16xf32> -> vector<16xi32>
            %shift_left3A_1812 = arith.constant 23 : i32
            %shift_left3A_1813 = vector.broadcast %shift_left3A_1812 : i32 to vector<16xi32>
            %shift_left3A_1814 = arith.shli %scan3A_779, %shift_left3A_1813 : vector<16xi32>
            %shift_right_arithmetic3A_1815 = arith.constant 31 : i32
            %shift_right_arithmetic3A_1816 = vector.broadcast %shift_right_arithmetic3A_1815 : i32 to vector<16xi32>
            %shift_right_arithmetic3A_1817 = arith.shrsi %shift_left3A_1814, %shift_right_arithmetic3A_1816 : vector<16xi32>
            %bitcast_convert_type3A_1818 = tpu.bitcast %shift_right_arithmetic3A_1817 : vector<16xi32> -> vector<16xi32>
            %and3A_1819 = arith.andi %bitcast_convert_type3A_1811, %bitcast_convert_type3A_1818 : vector<16xi32>
            %max3A_1820 = arith.maxui %max3A_1799, %and3A_1819 : vector<16xi32>
            %sub3A_1821 = arith.subi %max3A_1820, %max3A_1799 : vector<16xi32>
            %min3A_1822 = vector.broadcast %scan3A : i32 to vector<16xi32>
            %min3A_1823 = arith.minui %sub3A_1821, %min3A_1822 : vector<16xi32>
            %mul3A_1824 = arith.constant 896 : i32
            %mul3A_1825 = vector.broadcast %mul3A_1824 : i32 to vector<16xi32>
            %mul3A_1826 = arith.muli %min3A_1823, %mul3A_1825 : vector<16xi32>
            %max3A_1827 = arith.maxui %max3A_1806, %mul3A_1826 : vector<16xi32>
            %get3A_1828 = arith.index_cast %scan3A_777 : i32 to index
            %get3A_1829 = arith.constant 912 : index
            %get3A_1830 = tpu.vector_load %arg6[%get3A_1828, %get3A_1829] {strides = array<i32>} : memref<48x1024xf32, #tpu.memory_space<vmem>>, vector<1x16xf32>,
            %get3A_1831 = vector.shape_cast %get3A_1830 : vector<1x16xf32> to vector<16xf32>
            %bitcast_convert_type3A_1832 = tpu.bitcast %get3A_1831 : vector<16xf32> -> vector<16xi32>
            %shift_left3A_1833 = arith.constant 22 : i32
            %shift_left3A_1834 = vector.broadcast %shift_left3A_1833 : i32 to vector<16xi32>
            %shift_left3A_1835 = arith.shli %scan3A_779, %shift_left3A_1834 : vector<16xi32>
            %shift_right_arithmetic3A_1836 = arith.constant 31 : i32
            %shift_right_arithmetic3A_1837 = vector.broadcast %shift_right_arithmetic3A_1836 : i32 to vector<16xi32>
            %shift_right_arithmetic3A_1838 = arith.shrsi %shift_left3A_1835, %shift_right_arithmetic3A_1837 : vector<16xi32>
            %bitcast_convert_type3A_1839 = tpu.bitcast %shift_right_arithmetic3A_1838 : vector<16xi32> -> vector<16xi32>
            %and3A_1840 = arith.andi %bitcast_convert_type3A_1832, %bitcast_convert_type3A_1839 : vector<16xi32>
            %max3A_1841 = arith.maxui %max3A_1820, %and3A_1840 : vector<16xi32>
            %sub3A_1842 = arith.subi %max3A_1841, %max3A_1820 : vector<16xi32>
            %min3A_1843 = vector.broadcast %scan3A : i32 to vector<16xi32>
            %min3A_1844 = arith.minui %sub3A_1842, %min3A_1843 : vector<16xi32>
            %mul3A_1845 = arith.constant 912 : i32
            %mul3A_1846 = vector.broadcast %mul3A_1845 : i32 to vector<16xi32>
            %mul3A_1847 = arith.muli %min3A_1844, %mul3A_1846 : vector<16xi32>
            %max3A_1848 = arith.maxui %max3A_1827, %mul3A_1847 : vector<16xi32>
            %get3A_1849 = arith.index_cast %scan3A_777 : i32 to index
            %get3A_1850 = arith.constant 928 : index
            %get3A_1851 = tpu.vector_load %arg6[%get3A_1849, %get3A_1850] {strides = array<i32>} : memref<48x1024xf32, #tpu.memory_space<vmem>>, vector<1x16xf32>,
            %get3A_1852 = vector.shape_cast %get3A_1851 : vector<1x16xf32> to vector<16xf32>
            %bitcast_convert_type3A_1853 = tpu.bitcast %get3A_1852 : vector<16xf32> -> vector<16xi32>
            %shift_left3A_1854 = arith.constant 21 : i32
            %shift_left3A_1855 = vector.broadcast %shift_left3A_1854 : i32 to vector<16xi32>
            %shift_left3A_1856 = arith.shli %scan3A_779, %shift_left3A_1855 : vector<16xi32>
            %shift_right_arithmetic3A_1857 = arith.constant 31 : i32
            %shift_right_arithmetic3A_1858 = vector.broadcast %shift_right_arithmetic3A_1857 : i32 to vector<16xi32>
            %shift_right_arithmetic3A_1859 = arith.shrsi %shift_left3A_1856, %shift_right_arithmetic3A_1858 : vector<16xi32>
            %bitcast_convert_type3A_1860 = tpu.bitcast %shift_right_arithmetic3A_1859 : vector<16xi32> -> vector<16xi32>
            %and3A_1861 = arith.andi %bitcast_convert_type3A_1853, %bitcast_convert_type3A_1860 : vector<16xi32>
            %max3A_1862 = arith.maxui %max3A_1841, %and3A_1861 : vector<16xi32>
            %sub3A_1863 = arith.subi %max3A_1862, %max3A_1841 : vector<16xi32>
            %min3A_1864 = vector.broadcast %scan3A : i32 to vector<16xi32>
            %min3A_1865 = arith.minui %sub3A_1863, %min3A_1864 : vector<16xi32>
            %mul3A_1866 = arith.constant 928 : i32
            %mul3A_1867 = vector.broadcast %mul3A_1866 : i32 to vector<16xi32>
            %mul3A_1868 = arith.muli %min3A_1865, %mul3A_1867 : vector<16xi32>
            %max3A_1869 = arith.maxui %max3A_1848, %mul3A_1868 : vector<16xi32>
            %get3A_1870 = arith.index_cast %scan3A_777 : i32 to index
            %get3A_1871 = arith.constant 944 : index
            %get3A_1872 = tpu.vector_load %arg6[%get3A_1870, %get3A_1871] {strides = array<i32>} : memref<48x1024xf32, #tpu.memory_space<vmem>>, vector<1x16xf32>,
            %get3A_1873 = vector.shape_cast %get3A_1872 : vector<1x16xf32> to vector<16xf32>
            %bitcast_convert_type3A_1874 = tpu.bitcast %get3A_1873 : vector<16xf32> -> vector<16xi32>
            %shift_left3A_1875 = arith.constant 20 : i32
            %shift_left3A_1876 = vector.broadcast %shift_left3A_1875 : i32 to vector<16xi32>
            %shift_left3A_1877 = arith.shli %scan3A_779, %shift_left3A_1876 : vector<16xi32>
            %shift_right_arithmetic3A_1878 = arith.constant 31 : i32
            %shift_right_arithmetic3A_1879 = vector.broadcast %shift_right_arithmetic3A_1878 : i32 to vector<16xi32>
            %shift_right_arithmetic3A_1880 = arith.shrsi %shift_left3A_1877, %shift_right_arithmetic3A_1879 : vector<16xi32>
            %bitcast_convert_type3A_1881 = tpu.bitcast %shift_right_arithmetic3A_1880 : vector<16xi32> -> vector<16xi32>
            %and3A_1882 = arith.andi %bitcast_convert_type3A_1874, %bitcast_convert_type3A_1881 : vector<16xi32>
            %max3A_1883 = arith.maxui %max3A_1862, %and3A_1882 : vector<16xi32>
            %sub3A_1884 = arith.subi %max3A_1883, %max3A_1862 : vector<16xi32>
            %min3A_1885 = vector.broadcast %scan3A : i32 to vector<16xi32>
            %min3A_1886 = arith.minui %sub3A_1884, %min3A_1885 : vector<16xi32>
            %mul3A_1887 = arith.constant 944 : i32
            %mul3A_1888 = vector.broadcast %mul3A_1887 : i32 to vector<16xi32>
            %mul3A_1889 = arith.muli %min3A_1886, %mul3A_1888 : vector<16xi32>
            %max3A_1890 = arith.maxui %max3A_1869, %mul3A_1889 : vector<16xi32>
            %get3A_1891 = arith.index_cast %scan3A_777 : i32 to index
            %get3A_1892 = arith.constant 960 : index
            %get3A_1893 = tpu.vector_load %arg6[%get3A_1891, %get3A_1892] {strides = array<i32>} : memref<48x1024xf32, #tpu.memory_space<vmem>>, vector<1x16xf32>,
            %get3A_1894 = vector.shape_cast %get3A_1893 : vector<1x16xf32> to vector<16xf32>
            %bitcast_convert_type3A_1895 = tpu.bitcast %get3A_1894 : vector<16xf32> -> vector<16xi32>
            %shift_left3A_1896 = arith.constant 19 : i32
            %shift_left3A_1897 = vector.broadcast %shift_left3A_1896 : i32 to vector<16xi32>
            %shift_left3A_1898 = arith.shli %scan3A_779, %shift_left3A_1897 : vector<16xi32>
            %shift_right_arithmetic3A_1899 = arith.constant 31 : i32
            %shift_right_arithmetic3A_1900 = vector.broadcast %shift_right_arithmetic3A_1899 : i32 to vector<16xi32>
            %shift_right_arithmetic3A_1901 = arith.shrsi %shift_left3A_1898, %shift_right_arithmetic3A_1900 : vector<16xi32>
            %bitcast_convert_type3A_1902 = tpu.bitcast %shift_right_arithmetic3A_1901 : vector<16xi32> -> vector<16xi32>
            %and3A_1903 = arith.andi %bitcast_convert_type3A_1895, %bitcast_convert_type3A_1902 : vector<16xi32>
            %max3A_1904 = arith.maxui %max3A_1883, %and3A_1903 : vector<16xi32>
            %sub3A_1905 = arith.subi %max3A_1904, %max3A_1883 : vector<16xi32>
            %min3A_1906 = vector.broadcast %scan3A : i32 to vector<16xi32>
            %min3A_1907 = arith.minui %sub3A_1905, %min3A_1906 : vector<16xi32>
            %mul3A_1908 = arith.constant 960 : i32
            %mul3A_1909 = vector.broadcast %mul3A_1908 : i32 to vector<16xi32>
            %mul3A_1910 = arith.muli %min3A_1907, %mul3A_1909 : vector<16xi32>
            %max3A_1911 = arith.maxui %max3A_1890, %mul3A_1910 : vector<16xi32>
            %get3A_1912 = arith.index_cast %scan3A_777 : i32 to index
            %get3A_1913 = arith.constant 976 : index
            %get3A_1914 = tpu.vector_load %arg6[%get3A_1912, %get3A_1913] {strides = array<i32>} : memref<48x1024xf32, #tpu.memory_space<vmem>>, vector<1x16xf32>,
            %get3A_1915 = vector.shape_cast %get3A_1914 : vector<1x16xf32> to vector<16xf32>
            %bitcast_convert_type3A_1916 = tpu.bitcast %get3A_1915 : vector<16xf32> -> vector<16xi32>
            %shift_left3A_1917 = arith.constant 18 : i32
            %shift_left3A_1918 = vector.broadcast %shift_left3A_1917 : i32 to vector<16xi32>
            %shift_left3A_1919 = arith.shli %scan3A_779, %shift_left3A_1918 : vector<16xi32>
            %shift_right_arithmetic3A_1920 = arith.constant 31 : i32
            %shift_right_arithmetic3A_1921 = vector.broadcast %shift_right_arithmetic3A_1920 : i32 to vector<16xi32>
            %shift_right_arithmetic3A_1922 = arith.shrsi %shift_left3A_1919, %shift_right_arithmetic3A_1921 : vector<16xi32>
            %bitcast_convert_type3A_1923 = tpu.bitcast %shift_right_arithmetic3A_1922 : vector<16xi32> -> vector<16xi32>
            %and3A_1924 = arith.andi %bitcast_convert_type3A_1916, %bitcast_convert_type3A_1923 : vector<16xi32>
            %max3A_1925 = arith.maxui %max3A_1904, %and3A_1924 : vector<16xi32>
            %sub3A_1926 = arith.subi %max3A_1925, %max3A_1904 : vector<16xi32>
            %min3A_1927 = vector.broadcast %scan3A : i32 to vector<16xi32>
            %min3A_1928 = arith.minui %sub3A_1926, %min3A_1927 : vector<16xi32>
            %mul3A_1929 = arith.constant 976 : i32
            %mul3A_1930 = vector.broadcast %mul3A_1929 : i32 to vector<16xi32>
            %mul3A_1931 = arith.muli %min3A_1928, %mul3A_1930 : vector<16xi32>
            %max3A_1932 = arith.maxui %max3A_1911, %mul3A_1931 : vector<16xi32>
            %get3A_1933 = arith.index_cast %scan3A_777 : i32 to index
            %get3A_1934 = arith.constant 992 : index
            %get3A_1935 = tpu.vector_load %arg6[%get3A_1933, %get3A_1934] {strides = array<i32>} : memref<48x1024xf32, #tpu.memory_space<vmem>>, vector<1x16xf32>,
            %get3A_1936 = vector.shape_cast %get3A_1935 : vector<1x16xf32> to vector<16xf32>
            %bitcast_convert_type3A_1937 = tpu.bitcast %get3A_1936 : vector<16xf32> -> vector<16xi32>
            %shift_left3A_1938 = arith.constant 17 : i32
            %shift_left3A_1939 = vector.broadcast %shift_left3A_1938 : i32 to vector<16xi32>
            %shift_left3A_1940 = arith.shli %scan3A_779, %shift_left3A_1939 : vector<16xi32>
            %shift_right_arithmetic3A_1941 = arith.constant 31 : i32
            %shift_right_arithmetic3A_1942 = vector.broadcast %shift_right_arithmetic3A_1941 : i32 to vector<16xi32>
            %shift_right_arithmetic3A_1943 = arith.shrsi %shift_left3A_1940, %shift_right_arithmetic3A_1942 : vector<16xi32>
            %bitcast_convert_type3A_1944 = tpu.bitcast %shift_right_arithmetic3A_1943 : vector<16xi32> -> vector<16xi32>
            %and3A_1945 = arith.andi %bitcast_convert_type3A_1937, %bitcast_convert_type3A_1944 : vector<16xi32>
            %max3A_1946 = arith.maxui %max3A_1925, %and3A_1945 : vector<16xi32>
            %sub3A_1947 = arith.subi %max3A_1946, %max3A_1925 : vector<16xi32>
            %min3A_1948 = vector.broadcast %scan3A : i32 to vector<16xi32>
            %min3A_1949 = arith.minui %sub3A_1947, %min3A_1948 : vector<16xi32>
            %mul3A_1950 = arith.constant 992 : i32
            %mul3A_1951 = vector.broadcast %mul3A_1950 : i32 to vector<16xi32>
            %mul3A_1952 = arith.muli %min3A_1949, %mul3A_1951 : vector<16xi32>
            %max3A_1953 = arith.maxui %max3A_1932, %mul3A_1952 : vector<16xi32>
            %get3A_1954 = arith.index_cast %scan3A_777 : i32 to index
            %get3A_1955 = arith.constant 1008 : index
            %get3A_1956 = tpu.vector_load %arg6[%get3A_1954, %get3A_1955] {strides = array<i32>} : memref<48x1024xf32, #tpu.memory_space<vmem>>, vector<1x16xf32>,
            %get3A_1957 = vector.shape_cast %get3A_1956 : vector<1x16xf32> to vector<16xf32>
            %bitcast_convert_type3A_1958 = tpu.bitcast %get3A_1957 : vector<16xf32> -> vector<16xi32>
            %shift_left3A_1959 = arith.constant 16 : i32
            %shift_left3A_1960 = vector.broadcast %shift_left3A_1959 : i32 to vector<16xi32>
            %shift_left3A_1961 = arith.shli %scan3A_779, %shift_left3A_1960 : vector<16xi32>
            %shift_right_arithmetic3A_1962 = arith.constant 31 : i32
            %shift_right_arithmetic3A_1963 = vector.broadcast %shift_right_arithmetic3A_1962 : i32 to vector<16xi32>
            %shift_right_arithmetic3A_1964 = arith.shrsi %shift_left3A_1961, %shift_right_arithmetic3A_1963 : vector<16xi32>
            %bitcast_convert_type3A_1965 = tpu.bitcast %shift_right_arithmetic3A_1964 : vector<16xi32> -> vector<16xi32>
            %and3A_1966 = arith.andi %bitcast_convert_type3A_1958, %bitcast_convert_type3A_1965 : vector<16xi32>
            %max3A_1967 = arith.maxui %max3A_1946, %and3A_1966 : vector<16xi32>
            %sub3A_1968 = arith.subi %max3A_1967, %max3A_1946 : vector<16xi32>
            %min3A_1969 = vector.broadcast %scan3A : i32 to vector<16xi32>
            %min3A_1970 = arith.minui %sub3A_1968, %min3A_1969 : vector<16xi32>
            %mul3A_1971 = arith.constant 1008 : i32
            %mul3A_1972 = vector.broadcast %mul3A_1971 : i32 to vector<16xi32>
            %mul3A_1973 = arith.muli %min3A_1970, %mul3A_1972 : vector<16xi32>
            %max3A_1974 = arith.maxui %max3A_1953, %mul3A_1973 : vector<16xi32>
            %max3A_1975 = arith.maxui %max3A_1043, %max3A_1309 : vector<16xi32>
            %sub3A_1976 = arith.subi %max3A_1975, %max3A_1043 : vector<16xi32>
            %min3A_1977 = vector.broadcast %scan3A : i32 to vector<16xi32>
            %min3A_1978 = arith.minui %sub3A_1976, %min3A_1977 : vector<16xi32>
            %mul3A_1979 = arith.muli %min3A_1978, %max3A_1316 : vector<16xi32>
            %max3A_1980 = arith.maxui %max3A_1050, %mul3A_1979 : vector<16xi32>
            %max3A_1981 = arith.maxui %max3A_1637, %max3A_1967 : vector<16xi32>
            %sub3A_1982 = arith.subi %max3A_1981, %max3A_1637 : vector<16xi32>
            %min3A_1983 = vector.broadcast %scan3A : i32 to vector<16xi32>
            %min3A_1984 = arith.minui %sub3A_1982, %min3A_1983 : vector<16xi32>
            %mul3A_1985 = arith.muli %min3A_1984, %max3A_1974 : vector<16xi32>
            %max3A_1986 = arith.maxui %max3A_1644, %mul3A_1985 : vector<16xi32>
            %max3A_1987 = arith.maxui %max3A_1975, %max3A_1981 : vector<16xi32>
            %sub3A_1988 = arith.subi %max3A_1987, %max3A_1975 : vector<16xi32>
            %min3A_1989 = vector.broadcast %scan3A : i32 to vector<16xi32>
            %min3A_1990 = arith.minui %sub3A_1988, %min3A_1989 : vector<16xi32>
            %mul3A_1991 = arith.muli %min3A_1990, %max3A_1986 : vector<16xi32>
            %max3A_1992 = arith.maxui %max3A_1980, %mul3A_1991 : vector<16xi32>
            %xor3A = arith.constant 1 : i32
            %xor3A_1993 = vector.broadcast %xor3A : i32 to vector<16xi32>
            %xor3A_1994 = arith.xori %iota3A, %xor3A_1993 : vector<16xi32>
            %lt3A_1995 = arith.constant 0 : i32
            %lt3A_1996 = vector.broadcast %lt3A_1995 : i32 to vector<16xi32>
            %lt3A_1997 = arith.cmpi slt, %xor3A_1994, %lt3A_1996 : vector<16xi32>
            %add3A_1998 = arith.constant 16 : i32
            %add3A_1999 = vector.broadcast %add3A_1998 : i32 to vector<16xi32>
            %add3A_2000 = arith.addi %xor3A_1994, %add3A_1999 : vector<16xi32>
            %select_n3A = arith.select %lt3A_1997, %add3A_2000, %xor3A_1994 : vector<16xi1>, vector<16xi32>
            %broadcast_in_dim3A_2001 = vector.shape_cast %select_n3A : vector<16xi32> to vector<16x1xi32>
            %gather3A = vector.shape_cast %broadcast_in_dim3A_2001 : vector<16x1xi32> to vector<16xi32>
            %gather3A_2002 = tpu.dynamic_gather %max3A_1987[%gather3A] in [0] : vector<16xi32>, vector<16xi32> -> vector<16xi32>
            %max3A_2003 = arith.maxui %max3A_1987, %gather3A_2002 : vector<16xi32>
            %xor3A_2004 = arith.constant 2 : i32
            %xor3A_2005 = vector.broadcast %xor3A_2004 : i32 to vector<16xi32>
            %xor3A_2006 = arith.xori %iota3A, %xor3A_2005 : vector<16xi32>
            %lt3A_2007 = arith.constant 0 : i32
            %lt3A_2008 = vector.broadcast %lt3A_2007 : i32 to vector<16xi32>
            %lt3A_2009 = arith.cmpi slt, %xor3A_2006, %lt3A_2008 : vector<16xi32>
            %add3A_2010 = arith.constant 16 : i32
            %add3A_2011 = vector.broadcast %add3A_2010 : i32 to vector<16xi32>
            %add3A_2012 = arith.addi %xor3A_2006, %add3A_2011 : vector<16xi32>
            %select_n3A_2013 = arith.select %lt3A_2009, %add3A_2012, %xor3A_2006 : vector<16xi1>, vector<16xi32>
            %broadcast_in_dim3A_2014 = vector.shape_cast %select_n3A_2013 : vector<16xi32> to vector<16x1xi32>
            %gather3A_2015 = vector.shape_cast %broadcast_in_dim3A_2014 : vector<16x1xi32> to vector<16xi32>
            %gather3A_2016 = tpu.dynamic_gather %max3A_2003[%gather3A_2015] in [0] : vector<16xi32>, vector<16xi32> -> vector<16xi32>
            %max3A_2017 = arith.maxui %max3A_2003, %gather3A_2016 : vector<16xi32>
            %xor3A_2018 = arith.constant 4 : i32
            %xor3A_2019 = vector.broadcast %xor3A_2018 : i32 to vector<16xi32>
            %xor3A_2020 = arith.xori %iota3A, %xor3A_2019 : vector<16xi32>
            %lt3A_2021 = arith.constant 0 : i32
            %lt3A_2022 = vector.broadcast %lt3A_2021 : i32 to vector<16xi32>
            %lt3A_2023 = arith.cmpi slt, %xor3A_2020, %lt3A_2022 : vector<16xi32>
            %add3A_2024 = arith.constant 16 : i32
            %add3A_2025 = vector.broadcast %add3A_2024 : i32 to vector<16xi32>
            %add3A_2026 = arith.addi %xor3A_2020, %add3A_2025 : vector<16xi32>
            %select_n3A_2027 = arith.select %lt3A_2023, %add3A_2026, %xor3A_2020 : vector<16xi1>, vector<16xi32>
            %broadcast_in_dim3A_2028 = vector.shape_cast %select_n3A_2027 : vector<16xi32> to vector<16x1xi32>
            %gather3A_2029 = vector.shape_cast %broadcast_in_dim3A_2028 : vector<16x1xi32> to vector<16xi32>
            %gather3A_2030 = tpu.dynamic_gather %max3A_2017[%gather3A_2029] in [0] : vector<16xi32>, vector<16xi32> -> vector<16xi32>
            %max3A_2031 = arith.maxui %max3A_2017, %gather3A_2030 : vector<16xi32>
            %xor3A_2032 = arith.constant 8 : i32
            %xor3A_2033 = vector.broadcast %xor3A_2032 : i32 to vector<16xi32>
            %xor3A_2034 = arith.xori %iota3A, %xor3A_2033 : vector<16xi32>
            %lt3A_2035 = arith.constant 0 : i32
            %lt3A_2036 = vector.broadcast %lt3A_2035 : i32 to vector<16xi32>
            %lt3A_2037 = arith.cmpi slt, %xor3A_2034, %lt3A_2036 : vector<16xi32>
            %add3A_2038 = arith.constant 16 : i32
            %add3A_2039 = vector.broadcast %add3A_2038 : i32 to vector<16xi32>
            %add3A_2040 = arith.addi %xor3A_2034, %add3A_2039 : vector<16xi32>
            %select_n3A_2041 = arith.select %lt3A_2037, %add3A_2040, %xor3A_2034 : vector<16xi1>, vector<16xi32>
            %broadcast_in_dim3A_2042 = vector.shape_cast %select_n3A_2041 : vector<16xi32> to vector<16x1xi32>
            %gather3A_2043 = vector.shape_cast %broadcast_in_dim3A_2042 : vector<16x1xi32> to vector<16xi32>
            %gather3A_2044 = tpu.dynamic_gather %max3A_2031[%gather3A_2043] in [0] : vector<16xi32>, vector<16xi32> -> vector<16xi32>
            %max3A_2045 = arith.maxui %max3A_2031, %gather3A_2044 : vector<16xi32>
            %add3A_2046 = arith.addi %max3A_1992, %iota3A : vector<16xi32>
            %sub3A_2047 = arith.subi %max3A_2045, %max3A_1987 : vector<16xi32>
            %min3A_2048 = vector.broadcast %scan3A : i32 to vector<16xi32>
            %min3A_2049 = arith.minui %sub3A_2047, %min3A_2048 : vector<16xi32>
            %mul3A_2050 = vector.broadcast %scan3A_677 : i32 to vector<16xi32>
            %mul3A_2051 = arith.muli %min3A_2049, %mul3A_2050 : vector<16xi32>
            %add3A_2052 = arith.addi %add3A_2046, %mul3A_2051 : vector<16xi32>
            %xor3A_2053 = arith.constant 1 : i32
            %xor3A_2054 = vector.broadcast %xor3A_2053 : i32 to vector<16xi32>
            %xor3A_2055 = arith.xori %iota3A, %xor3A_2054 : vector<16xi32>
            %lt3A_2056 = arith.constant 0 : i32
            %lt3A_2057 = vector.broadcast %lt3A_2056 : i32 to vector<16xi32>
            %lt3A_2058 = arith.cmpi slt, %xor3A_2055, %lt3A_2057 : vector<16xi32>
            %add3A_2059 = arith.constant 16 : i32
            %add3A_2060 = vector.broadcast %add3A_2059 : i32 to vector<16xi32>
            %add3A_2061 = arith.addi %xor3A_2055, %add3A_2060 : vector<16xi32>
            %select_n3A_2062 = arith.select %lt3A_2058, %add3A_2061, %xor3A_2055 : vector<16xi1>, vector<16xi32>
            %broadcast_in_dim3A_2063 = vector.shape_cast %select_n3A_2062 : vector<16xi32> to vector<16x1xi32>
            %gather3A_2064 = vector.shape_cast %broadcast_in_dim3A_2063 : vector<16x1xi32> to vector<16xi32>
            %gather3A_2065 = tpu.dynamic_gather %add3A_2052[%gather3A_2064] in [0] : vector<16xi32>, vector<16xi32> -> vector<16xi32>
            %min3A_2066 = arith.minui %add3A_2052, %gather3A_2065 : vector<16xi32>
            %xor3A_2067 = arith.constant 2 : i32
            %xor3A_2068 = vector.broadcast %xor3A_2067 : i32 to vector<16xi32>
            %xor3A_2069 = arith.xori %iota3A, %xor3A_2068 : vector<16xi32>
            %lt3A_2070 = arith.constant 0 : i32
            %lt3A_2071 = vector.broadcast %lt3A_2070 : i32 to vector<16xi32>
            %lt3A_2072 = arith.cmpi slt, %xor3A_2069, %lt3A_2071 : vector<16xi32>
            %add3A_2073 = arith.constant 16 : i32
            %add3A_2074 = vector.broadcast %add3A_2073 : i32 to vector<16xi32>
            %add3A_2075 = arith.addi %xor3A_2069, %add3A_2074 : vector<16xi32>
            %select_n3A_2076 = arith.select %lt3A_2072, %add3A_2075, %xor3A_2069 : vector<16xi1>, vector<16xi32>
            %broadcast_in_dim3A_2077 = vector.shape_cast %select_n3A_2076 : vector<16xi32> to vector<16x1xi32>
            %gather3A_2078 = vector.shape_cast %broadcast_in_dim3A_2077 : vector<16x1xi32> to vector<16xi32>
            %gather3A_2079 = tpu.dynamic_gather %min3A_2066[%gather3A_2078] in [0] : vector<16xi32>, vector<16xi32> -> vector<16xi32>
            %min3A_2080 = arith.minui %min3A_2066, %gather3A_2079 : vector<16xi32>
            %xor3A_2081 = arith.constant 4 : i32
            %xor3A_2082 = vector.broadcast %xor3A_2081 : i32 to vector<16xi32>
            %xor3A_2083 = arith.xori %iota3A, %xor3A_2082 : vector<16xi32>
            %lt3A_2084 = arith.constant 0 : i32
            %lt3A_2085 = vector.broadcast %lt3A_2084 : i32 to vector<16xi32>
            %lt3A_2086 = arith.cmpi slt, %xor3A_2083, %lt3A_2085 : vector<16xi32>
            %add3A_2087 = arith.constant 16 : i32
            %add3A_2088 = vector.broadcast %add3A_2087 : i32 to vector<16xi32>
            %add3A_2089 = arith.addi %xor3A_2083, %add3A_2088 : vector<16xi32>
            %select_n3A_2090 = arith.select %lt3A_2086, %add3A_2089, %xor3A_2083 : vector<16xi1>, vector<16xi32>
            %broadcast_in_dim3A_2091 = vector.shape_cast %select_n3A_2090 : vector<16xi32> to vector<16x1xi32>
            %gather3A_2092 = vector.shape_cast %broadcast_in_dim3A_2091 : vector<16x1xi32> to vector<16xi32>
            %gather3A_2093 = tpu.dynamic_gather %min3A_2080[%gather3A_2092] in [0] : vector<16xi32>, vector<16xi32> -> vector<16xi32>
            %min3A_2094 = arith.minui %min3A_2080, %gather3A_2093 : vector<16xi32>
            %xor3A_2095 = arith.constant 8 : i32
            %xor3A_2096 = vector.broadcast %xor3A_2095 : i32 to vector<16xi32>
            %xor3A_2097 = arith.xori %iota3A, %xor3A_2096 : vector<16xi32>
            %lt3A_2098 = arith.constant 0 : i32
            %lt3A_2099 = vector.broadcast %lt3A_2098 : i32 to vector<16xi32>
            %lt3A_2100 = arith.cmpi slt, %xor3A_2097, %lt3A_2099 : vector<16xi32>
            %add3A_2101 = arith.constant 16 : i32
            %add3A_2102 = vector.broadcast %add3A_2101 : i32 to vector<16xi32>
            %add3A_2103 = arith.addi %xor3A_2097, %add3A_2102 : vector<16xi32>
            %select_n3A_2104 = arith.select %lt3A_2100, %add3A_2103, %xor3A_2097 : vector<16xi1>, vector<16xi32>
            %broadcast_in_dim3A_2105 = vector.shape_cast %select_n3A_2104 : vector<16xi32> to vector<16x1xi32>
            %gather3A_2106 = vector.shape_cast %broadcast_in_dim3A_2105 : vector<16x1xi32> to vector<16xi32>
            %gather3A_2107 = tpu.dynamic_gather %min3A_2094[%gather3A_2106] in [0] : vector<16xi32>, vector<16xi32> -> vector<16xi32>
            %min3A_2108 = arith.minui %min3A_2094, %gather3A_2107 : vector<16xi32>
            %slice3A = vector.extract_strided_slice %min3A_2108 {offsets = [0], sizes = [1], strides = [1]} : vector<16xi32> to vector<1xi32>
            %squeeze3A = vector.extract %slice3A[0] : i32 from vector<1xi32>
            %bitcast_convert_type3A_2109 = tpu.bitcast %max3A_2045 : vector<16xi32> -> vector<16xf32>
            %sub3A_2110 = arith.constant 753 : i32
            %sub3A_2111 = arith.subi %add3A_785, %sub3A_2110 : i32
            %shift_right_logical3A = arith.constant 31 : i32
            %shift_right_logical3A_2112 = arith.shrui %sub3A_2111, %shift_right_logical3A : i32
            %sub3A_2113 = arith.subi %scan3A_678, %shift_right_logical3A_2112 : i32
            %min3A_2114 = arith.minsi %squeeze3A, %scan3A_678 : i32
            %mul3A_2115 = arith.muli %sub3A_2113, %min3A_2114 : i32
            %and3A_2116 = arith.constant 15 : i32
            %and3A_2117 = arith.andi %add3A_785, %and3A_2116 : i32
            %sub3A_2118 = arith.subi %add3A_785, %and3A_2117 : i32
            %sub3A_2119 = vector.broadcast %and3A_2117 : i32 to vector<16xi32>
            %sub3A_2120 = arith.subi %iota3A, %sub3A_2119 : vector<16xi32>
            %mul3A_2121 = arith.muli %sub3A_2120, %sub3A_2120 : vector<16xi32>
            %min3A_2122 = vector.broadcast %scan3A_678 : i32 to vector<16xi32>
            %min3A_2123 = arith.minsi %mul3A_2121, %min3A_2122 : vector<16xi32>
            %sub3A_2124 = arith.subi %scan3A_678, %sub3A_2113 : i32
            %max3A_2125 = vector.broadcast %sub3A_2124 : i32 to vector<16xi32>
            %max3A_2126 = arith.maxsi %min3A_2123, %max3A_2125 : vector<16xi32>
            %get3A_2127 = arith.index_cast %sub3A_2118 : i32 to index
            %get3A_2128 = tpu.vector_load %arg9[%get3A_2127] {strides = array<i32>} : memref<2048xi32, #tpu.memory_space<vmem>>, vector<16xi32>,
            %get3A_2129 = vector.shape_cast %get3A_2128 : vector<16xi32> to vector<16xi32>
            %mul3A_2130 = arith.muli %get3A_2129, %max3A_2126 : vector<16xi32>
            %sub3A_2131 = vector.broadcast %scan3A_678 : i32 to vector<16xi32>
            %sub3A_2132 = arith.subi %sub3A_2131, %max3A_2126 : vector<16xi32>
            %mul3A_2133 = vector.broadcast %squeeze3A : i32 to vector<16xi32>
            %mul3A_2134 = arith.muli %mul3A_2133, %sub3A_2132 : vector<16xi32>
            %add3A_2135 = arith.addi %mul3A_2130, %mul3A_2134 : vector<16xi32>
            %swap3A_2136 = arith.index_cast %sub3A_2118 : i32 to index
            %swap3A_2137 = tpu.vector_load %arg9[%swap3A_2136] {strides = array<i32>} : memref<2048xi32, #tpu.memory_space<vmem>>, vector<16xi32>,
            %swap3A_2138 = vector.shape_cast %swap3A_2137 : vector<16xi32> to vector<16xi32>
            %swap3A_2139 = vector.shape_cast %add3A_2135 : vector<16xi32> to vector<16xi32>
            tpu.vector_store %arg9[%swap3A_2136], %swap3A_2139 {strides = array<i32>} : memref<2048xi32, #tpu.memory_space<vmem>>, vector<16xi32>,
            %get3A_2140 = arith.constant 0 : i32
            %get3A_2141 = arith.index_cast %get3A_2140 : i32 to index
            %get3A_2142 = memref.load %arg11[%get3A_2141] : memref<1xi32, #tpu.memory_space<smem>>
            %add3A_2143 = arith.addi %get3A_2142, %mul3A_2115 : i32
            %swap3A_2144 = arith.constant 0 : i32
            %swap3A_2145 = arith.index_cast %swap3A_2144 : i32 to index
            %swap3A_2146 = memref.load %arg11[%swap3A_2145] : memref<1xi32, #tpu.memory_space<smem>>
            memref.store %add3A_2143, %arg11[%swap3A_2145] : memref<1xi32, #tpu.memory_space<smem>>
            %and3A_2147 = arith.constant 15 : i32
            %and3A_2148 = arith.andi %squeeze3A, %and3A_2147 : i32
            %sub3A_2149 = vector.broadcast %and3A_2148 : i32 to vector<16xi32>
            %sub3A_2150 = arith.subi %iota3A, %sub3A_2149 : vector<16xi32>
            %mul3A_2151 = arith.muli %sub3A_2150, %sub3A_2150 : vector<16xi32>
            %min3A_2152 = vector.broadcast %scan3A_678 : i32 to vector<16xi32>
            %min3A_2153 = arith.minsi %mul3A_2151, %min3A_2152 : vector<16xi32>
            %sub3A_2154 = vector.broadcast %scan3A_678 : i32 to vector<16xi32>
            %sub3A_2155 = arith.subi %sub3A_2154, %min3A_2153 : vector<16xi32>
            %sub3A_2156 = arith.constant 512 : i32
            %sub3A_2157 = arith.subi %squeeze3A, %sub3A_2156 : i32
            %shift_right_logical3A_2158 = arith.constant 31 : i32
            %shift_right_logical3A_2159 = arith.shrui %sub3A_2157, %shift_right_logical3A_2158 : i32
            %mul3A_2160 = arith.muli %mul3A_2115, %shift_right_logical3A_2159 : i32
            %sub3A_2161 = arith.subi %squeeze3A, %and3A_2148 : i32
            %min3A_2162 = arith.constant 496 : i32
            %min3A_2163 = arith.minsi %sub3A_2161, %min3A_2162 : i32
            %mul3A_2164 = vector.broadcast %mul3A_2160 : i32 to vector<16xi32>
            %mul3A_2165 = arith.muli %sub3A_2155, %mul3A_2164 : vector<16xi32>
            %get3A_2166 = arith.index_cast %min3A_2163 : i32 to index
            %get3A_2167 = tpu.vector_load %arg7[%get3A_2166] {strides = array<i32>} : memref<512xi32, #tpu.memory_space<vmem>>, vector<16xi32>,
            %get3A_2168 = vector.shape_cast %get3A_2167 : vector<16xi32> to vector<16xi32>
            %sub3A_2169 = arith.constant 0 : i32
            %sub3A_2170 = vector.broadcast %sub3A_2169 : i32 to vector<16xi32>
            %sub3A_2171 = arith.subi %sub3A_2170, %mul3A_2165 : vector<16xi32>
            %xor3A_2172 = arith.xori %get3A_2168, %sub3A_2171 : vector<16xi32>
            %swap3A_2173 = arith.index_cast %min3A_2163 : i32 to index
            %swap3A_2174 = tpu.vector_load %arg7[%swap3A_2173] {strides = array<i32>} : memref<512xi32, #tpu.memory_space<vmem>>, vector<16xi32>,
            %swap3A_2175 = vector.shape_cast %swap3A_2174 : vector<16xi32> to vector<16xi32>
            %swap3A_2176 = vector.shape_cast %xor3A_2172 : vector<16xi32> to vector<16xi32>
            tpu.vector_store %arg7[%swap3A_2173], %swap3A_2176 {strides = array<i32>} : memref<512xi32, #tpu.memory_space<vmem>>, vector<16xi32>,
            %shift_right_arithmetic3A_2177 = arith.constant 8 : i32
            %shift_right_arithmetic3A_2178 = arith.shrsi %squeeze3A, %shift_right_arithmetic3A_2177 : i32
            %shift_right_arithmetic3A_2179 = arith.constant 4 : i32
            %shift_right_arithmetic3A_2180 = arith.shrsi %squeeze3A, %shift_right_arithmetic3A_2179 : i32
            %and3A_2181 = arith.constant 15 : i32
            %and3A_2182 = arith.andi %shift_right_arithmetic3A_2180, %and3A_2181 : i32
            %shift_left3A_2183 = vector.broadcast %and3A_2182 : i32 to vector<16xi32>
            %shift_left3A_2184 = arith.shli %sub3A_2155, %shift_left3A_2183 : vector<16xi32>
            %sub3A_2185 = arith.constant 2 : i32
            %sub3A_2186 = arith.subi %shift_right_arithmetic3A_2178, %sub3A_2185 : i32
            %mul3A_2187 = arith.muli %sub3A_2186, %sub3A_2186 : i32
            %min3A_2188 = arith.minsi %mul3A_2187, %scan3A_678 : i32
            %sub3A_2189 = arith.subi %scan3A_678, %min3A_2188 : i32
            %mul3A_2190 = arith.muli %mul3A_2115, %sub3A_2189 : i32
            %sub3A_2191 = arith.constant 3 : i32
            %sub3A_2192 = arith.subi %shift_right_arithmetic3A_2178, %sub3A_2191 : i32
            %mul3A_2193 = arith.muli %sub3A_2192, %sub3A_2192 : i32
            %min3A_2194 = arith.minsi %mul3A_2193, %scan3A_678 : i32
            %sub3A_2195 = arith.subi %scan3A_678, %min3A_2194 : i32
            %mul3A_2196 = arith.muli %mul3A_2115, %sub3A_2195 : i32
            %mul3A_2197 = vector.broadcast %mul3A_2190 : i32 to vector<16xi32>
            %mul3A_2198 = arith.muli %shift_left3A_2184, %mul3A_2197 : vector<16xi32>
            %xor3A_2199 = arith.xori %scan3A_778, %mul3A_2198 : vector<16xi32>
            %mul3A_2200 = vector.broadcast %mul3A_2196 : i32 to vector<16xi32>
            %mul3A_2201 = arith.muli %shift_left3A_2184, %mul3A_2200 : vector<16xi32>
            %xor3A_2202 = arith.xori %scan3A_779, %mul3A_2201 : vector<16xi32>
            %slice3A_2203 = vector.extract_strided_slice %bitcast_convert_type3A_2109 {offsets = [0], sizes = [1], strides = [1]} : vector<16xf32> to vector<1xf32>
            %squeeze3A_2204 = vector.extract %slice3A_2203[0] : f32 from vector<1xf32>
            %convert_element_type3A_2205 = arith.sitofp %sub3A_2113 : i32 to f32
            %mul3A_2206 = arith.mulf %squeeze3A_2204, %convert_element_type3A_2205 : f32
            %add3A_2207 = arith.addf %scan3A_780, %mul3A_2206 : f32
            scf.yield %xor3A_2199, %xor3A_2202, %add3A_2207 : vector<16xi32>, vector<16xi32>, f32
          }
          %scan3A_768 = arith.constant 48 : i32
          %swap3A_769 = arith.constant 0 : index
          %swap3A_770 = tpu.vector_load %arg8[%swap3A_769] {strides = array<i32>} : memref<32xi32, #tpu.memory_space<vmem>>, vector<16xi32>,
          %swap3A_771 = vector.shape_cast %swap3A_770 : vector<16xi32> to vector<16xi32>
          %swap3A_772 = vector.shape_cast %scan3A_767#0 : vector<16xi32> to vector<16xi32>
          tpu.vector_store %arg8[%swap3A_769], %swap3A_772 {strides = array<i32>} : memref<32xi32, #tpu.memory_space<vmem>>, vector<16xi32>,
          %swap3A_773 = arith.constant 16 : index
          %swap3A_774 = tpu.vector_load %arg8[%swap3A_773] {strides = array<i32>} : memref<32xi32, #tpu.memory_space<vmem>>, vector<16xi32>,
          %swap3A_775 = vector.shape_cast %swap3A_774 : vector<16xi32> to vector<16xi32>
          %swap3A_776 = vector.shape_cast %scan3A_767#1 : vector<16xi32> to vector<16xi32>
          tpu.vector_store %arg8[%swap3A_773], %swap3A_776 {strides = array<i32>} : memref<32xi32, #tpu.memory_space<vmem>>, vector<16xi32>,
          scf.yield %scan3A_767#2 : f32
        } else {
          scf.yield %cond3A_723 : f32
        }
        scf.yield %cond3A_756 : f32
      }
      %scan3A_685 = arith.constant 14 : i32
      %neg3A = arith.constant 0.000000e+00 : f32
      %neg3A_686 = arith.subf %neg3A, %scan3A_684 : f32
      %mul3A_687 = vector.broadcast %neg3A_686 : f32 to vector<16xf32>
      %mul3A_688 = arith.mulf %convert_element_type3A_13, %mul3A_687 : vector<16xf32>
      %swap3A_689 = arith.constant 0 : index
      %swap3A_690 = tpu.vector_load %arg10[%swap3A_689] {strides = array<i32>} : memref<16xf32, #tpu.memory_space<vmem>>, vector<16xf32>,
      %swap3A_691 = vector.shape_cast %swap3A_690 : vector<16xf32> to vector<16xf32>
      %swap3A_692 = vector.shape_cast %mul3A_688 : vector<16xf32> to vector<16xf32>
      tpu.vector_store %arg10[%swap3A_689], %swap3A_692 {strides = array<i32>} : memref<16xf32, #tpu.memory_space<vmem>>, vector<16xf32>,
      "tpu.region"() ({
        %run_scoped3A = tpu.sem_alloc : memref<!tpu.dma_semaphore, #tpu.memory_space<semaphore_mem>>
        %dma_start3A_693 = arith.constant 0 : i32
        %dma_start3A_694 = tpu.memref_slice %arg3[%add3A, %dma_start3A_693] : memref<16x16xf32, #tpu.memory_space<hbm>> -> memref<1x16xf32, #tpu.memory_space<hbm>>
        %dma_start3A_695 = tpu.memref_squeeze %dma_start3A_694 : memref<1x16xf32, #tpu.memory_space<hbm>> -> memref<16xf32, #tpu.memory_space<hbm>>
        %dma_start3A_696 = arith.constant 0 : i32
        %dma_start3A_697 = tpu.memref_slice %arg3[%add3A, %dma_start3A_696] : memref<16x16xf32, #tpu.memory_space<hbm>> -> memref<1x16xf32, #tpu.memory_space<hbm>>
        %dma_start3A_698 = tpu.memref_squeeze %dma_start3A_697 : memref<1x16xf32, #tpu.memory_space<hbm>> -> memref<16xf32, #tpu.memory_space<hbm>>
        tpu.enqueue_dma source(%arg10 : memref<16xf32, #tpu.memory_space<vmem>>) target(%dma_start3A_698 : memref<16xf32, #tpu.memory_space<hbm>>) target_semaphore(%run_scoped3A : memref<!tpu.dma_semaphore, #tpu.memory_space<semaphore_mem>>)
        %dma_wait3A = arith.constant 0 : i32
        %dma_wait3A_699 = tpu.memref_slice %arg3[%add3A, %dma_wait3A] : memref<16x16xf32, #tpu.memory_space<hbm>> -> memref<1x16xf32, #tpu.memory_space<hbm>>
        %dma_wait3A_700 = tpu.memref_squeeze %dma_wait3A_699 : memref<1x16xf32, #tpu.memory_space<hbm>> -> memref<16xf32, #tpu.memory_space<hbm>>
        %dma_wait3A_701 = arith.constant 0 : i32
        %dma_wait3A_702 = tpu.memref_slice %arg3[%add3A, %dma_wait3A_701] : memref<16x16xf32, #tpu.memory_space<hbm>> -> memref<1x16xf32, #tpu.memory_space<hbm>>
        %dma_wait3A_703 = tpu.memref_squeeze %dma_wait3A_702 : memref<1x16xf32, #tpu.memory_space<hbm>> -> memref<16xf32, #tpu.memory_space<hbm>>
        tpu.wait_dma2 semaphore(%run_scoped3A : memref<!tpu.dma_semaphore, #tpu.memory_space<semaphore_mem>>) src(%arg10 : memref<16xf32, #tpu.memory_space<vmem>>) dst(%dma_wait3A_703 : memref<16xf32, #tpu.memory_space<hbm>>)
        tpu.yield
      }) : () -> ()
      "tpu.region"() ({
        %run_scoped3A = tpu.sem_alloc : memref<!tpu.dma_semaphore, #tpu.memory_space<semaphore_mem>>
        %dma_start3A_693 = arith.constant 0 : i32
        %dma_start3A_694 = tpu.memref_slice %arg4[%add3A, %dma_start3A_693] : memref<16x2048xi32, #tpu.memory_space<hbm>> -> memref<1x2048xi32, #tpu.memory_space<hbm>>
        %dma_start3A_695 = tpu.memref_squeeze %dma_start3A_694 : memref<1x2048xi32, #tpu.memory_space<hbm>> -> memref<2048xi32, #tpu.memory_space<hbm>>
        %dma_start3A_696 = arith.constant 0 : i32
        %dma_start3A_697 = tpu.memref_slice %arg4[%add3A, %dma_start3A_696] : memref<16x2048xi32, #tpu.memory_space<hbm>> -> memref<1x2048xi32, #tpu.memory_space<hbm>>
        %dma_start3A_698 = tpu.memref_squeeze %dma_start3A_697 : memref<1x2048xi32, #tpu.memory_space<hbm>> -> memref<2048xi32, #tpu.memory_space<hbm>>
        tpu.enqueue_dma source(%arg9 : memref<2048xi32, #tpu.memory_space<vmem>>) target(%dma_start3A_698 : memref<2048xi32, #tpu.memory_space<hbm>>) target_semaphore(%run_scoped3A : memref<!tpu.dma_semaphore, #tpu.memory_space<semaphore_mem>>)
        %dma_wait3A = arith.constant 0 : i32
        %dma_wait3A_699 = tpu.memref_slice %arg4[%add3A, %dma_wait3A] : memref<16x2048xi32, #tpu.memory_space<hbm>> -> memref<1x2048xi32, #tpu.memory_space<hbm>>
        %dma_wait3A_700 = tpu.memref_squeeze %dma_wait3A_699 : memref<1x2048xi32, #tpu.memory_space<hbm>> -> memref<2048xi32, #tpu.memory_space<hbm>>
        %dma_wait3A_701 = arith.constant 0 : i32
        %dma_wait3A_702 = tpu.memref_slice %arg4[%add3A, %dma_wait3A_701] : memref<16x2048xi32, #tpu.memory_space<hbm>> -> memref<1x2048xi32, #tpu.memory_space<hbm>>
        %dma_wait3A_703 = tpu.memref_squeeze %dma_wait3A_702 : memref<1x2048xi32, #tpu.memory_space<hbm>> -> memref<2048xi32, #tpu.memory_space<hbm>>
        tpu.wait_dma2 semaphore(%run_scoped3A : memref<!tpu.dma_semaphore, #tpu.memory_space<semaphore_mem>>) src(%arg9 : memref<2048xi32, #tpu.memory_space<vmem>>) dst(%dma_wait3A_703 : memref<2048xi32, #tpu.memory_space<hbm>>)
        tpu.yield
      }) : () -> ()
    } else {
    }
    return
  }
}

</mosaic_0001>

<sc_bundles>
// kernel: kernel.3.cloned.1.call-start
scs
__scs_entry_jumppad:
0x0: {  	(pc) =	sbr.rel $0x88, $3  }
0x1: {  	(tag) =	ssettag $0x0;
	lr =	simm.s32 $0x1  }
0x2: {  	[smem:$0x3FA0] =	sst lr;
	_ =	strace $0xD0000000  }
0x3: {  	_ = 	snop  }
0x4: {  	_ = 	snop  }
0x5: {  	_ = 	snop  }
0x6: {  	_ = 	snop  }
0x7: {  	_ = 	snop  }
__scs_overlays_trampoline_lowered:
0x8: {  	[smem:$0x3FAF] =	sst s0  }
0x9: {  	[smem:$0x3FB0] =	sst s1  }
0xa: {  	[smem:$0x3FB1] =	sst s2  }
0xb: {  	[smem:$0x3FB2] =	sst s3  }
0xc: {  	[smem:$0x3FB3] =	sst s4  }
0xd: {  	[smem:$0x3FB4] =	sst s5  }
0xe: {  	[smem:$0x3FB5] =	sst s6  }
0xf: {  	[smem:$0x3FB6] =	sst s7  }
0x10: {  	[smem:$0x3FB7] =	sst s8  }
0x11: {  	[smem:$0x3FB8] =	sst s9;
	s0 =	simm.s32 @!p0 $0x0  }
0x12: {  	s1 =	sld [smem:$0x3F9E];
	s0 =	simm.s32 @p0 $0x1  }
0x13: {  	[smem:$0x3FB9] =	sst s0;
	s0 =	simm.s32 @!p1 $0x0  }
0x14: {  	s2 =	sld [smem:$0x3F9D];
	s0 =	simm.s32 @p1 $0x1  }
0x15: {  	[smem:$0x3FBA] =	sst s0;
	s0 =	simm.s32 @!p2 $0x0  }
0x16: {  	s3 =	sld [smem:$0x3FDB];
	s0 =	simm.s32 @p2 $0x1  }
0x17: {  	s4 =	simm.s32 $0x1BF5;
	[smem:$0x3FBC] =	sst s0  }
0x18: {  	s0 =	sld [smem:$0x3F9F];
	_ =	swait.ge [sflag:s4], $0x0  }
0x19: {  	s7 =	sld [smem:$0x3FA0]  }
0x1a: {  	s8 =	sadd.s32 $0xFFFFE003, lr  }
0x1b: {  	s9 =	sadd.s32 $0xFFFFFEF7, lr;
	s5 =	simm.s32 $0xFFFFFFFF;
	p2 =	slt.u32 s8, $0xFFFFF086  }
0x1c: {  	p1 =	slt.u32 s9, $0xF7A;
	s5 =	simm.s32 @!p2 $0x0  }
0x1d: {  	s5 =	simm.s32 @p1 $0x1;
	p0 =	seq.s32 s7, s2  }
0x1e: {  	s7 =	smul.u32 @!p0 $0xF7A, s2;
	p2 =	seq.s32 @!p0 s5, $0x0  }
0x1f: {  	s9 =	smul.u32 $0xF7A, s1;
	s8 =	simm.s32 @!p0 $0x1BF5;
	p2 =	por !p2, p0  }
0x20: {  	[sflag:s8] =	ssyncset.s32 @!p0 $0xFFFFF086;
	s6 =	sadd.s32 @!p0 s3, s7;
	s7 =	simm.s32 @!p0 $0x108  }
0x21: {  	s3 =	sadd.s32 s3, s9;
	s6 =	sadd.s32 @!p0 $0x88, s6;
	s7 =	simm.s32 @p2 $0x1082  }
0x22: {  	[simem:s7], [sflag:s8] =	dma.local @!p0 [hbm:s6], $0xF7A  }
0x23: {  	s9 =	sor.u32 $0xD0000000, s2;
	s6 =	simm.s32 $0x108;
	_ =	swait.ge @!p0 [sflag:s8], $0x0  }
0x24: {  	s3 =	sadd.s32 $0x88, s3;
	s6 =	simm.s32 @!p1 $0x1082;
	[sflag:s4] =	ssyncset.s32 $0xFFFFF086  }
0x25: {  	[simem:s6], [sflag:s4] =	dma.local [hbm:s3], $0xF7A  }
0x26: {  	[smem:$0x3FA0] =	sst s1;
	(tag) =	ssettag s2;
	_ =	strace s9  }
0x27: {  	s1 =	sld [smem:$0x3FB0]  }
0x28: {  	s2 =	sld [smem:$0x3FB1]  }
0x29: {  	s4 =	sld [smem:$0x3FB3]  }
0x2a: {  	p0 =	seq.s32 s5, $0x0;
	s5 =	sld [smem:$0x3FB4]  }
0x2b: {  	s6 =	sld [smem:$0x3FB5]  }
0x2c: {  	s7 =	sld [smem:$0x3FB6]  }
0x2d: {  	s3 =	simm.s32 $0x108;
	s8 =	sld [smem:$0x3FB7]  }
0x2e: {  	s3 =	simm.s32 @!p0 $0x1082;
	s9 =	sld [smem:$0x3FB8]  }
0x2f: {  	lr =	sadd.s32 s0, s3;
	s0 =	sld [smem:$0x3FAF]  }
0x30: {  	s3 =	sld [smem:$0x3FB2]  }
0x31: {  	[smem:$0x3FBB] =	sst s10  }
0x32: {  	s10 =	sld [smem:$0x3FB9];
	_ =	sdelay $0x3  }
0x33: {  	p0 =	seq.s32 s10, $0x1;
	s10 =	sld [smem:$0x3FBB];
	_ =	sdelay $0x3  }
0x34: {  	[smem:$0x3FBB] =	sst s10  }
0x35: {  	s10 =	sld [smem:$0x3FBA];
	_ =	sdelay $0x3  }
0x36: {  	p1 =	seq.s32 s10, $0x1;
	s10 =	sld [smem:$0x3FBB];
	_ =	sdelay $0x3  }
0x37: {  	[smem:$0x3FBB] =	sst s10  }
0x38: {  	s10 =	sld [smem:$0x3FBC]  }
0x39: {  	_ = 	snop;
	(pc) =	sbr.ind lr, $3  }
0x3a: {  	_ = 	snop  }
0x3b: {  	_ = 	snop  }
0x3c: {  	p2 =	seq.s32 s10, $0x1;
	s10 =	sld [smem:$0x3FBB]  }
0x3d: {  	_ =	shalt  }
0x3e: {  	_ =	shalt  }
0x3f: {  	_ =	shalt  }
0x40: {  	_ =	shalt  }
0x41: {  	_ =	shalt  }
0x42: {  	_ =	shalt  }
0x43: {  	_ =	shalt  }
0x44: {  	_ =	shalt  }
0x45: {  	_ =	shalt  }
0x46: {  	_ =	shalt  }
0x47: {  	_ =	shalt  }
0x48: {  	_ =	shalt  }
0x49: {  	_ =	shalt  }
0x4a: {  	_ =	shalt  }
0x4b: {  	_ =	shalt  }
0x4c: {  	_ =	shalt  }
0x4d: {  	_ =	shalt  }
0x4e: {  	_ =	shalt  }
0x4f: {  	_ =	shalt  }
0x50: {  	_ =	shalt  }
0x51: {  	_ =	shalt  }
0x52: {  	_ =	shalt  }
0x53: {  	_ =	shalt  }
0x54: {  	_ =	shalt  }
0x55: {  	_ =	shalt  }
0x56: {  	_ =	shalt  }
0x57: {  	_ =	shalt  }
0x58: {  	_ =	shalt  }
0x59: {  	_ =	shalt  }
0x5a: {  	_ =	shalt  }
0x5b: {  	_ =	shalt  }
0x5c: {  	_ =	shalt  }
0x5d: {  	_ =	shalt  }
0x5e: {  	_ =	shalt  }
0x5f: {  	_ =	shalt  }
0x60: {  	_ =	shalt  }
0x61: {  	_ =	shalt  }
0x62: {  	_ =	shalt  }
0x63: {  	_ =	shalt  }
0x64: {  	_ =	shalt  }
0x65: {  	_ =	shalt  }
0x66: {  	_ =	shalt  }
0x67: {  	_ =	shalt  }
0x68: {  	_ =	shalt  }
0x69: {  	_ =	shalt  }
0x6a: {  	_ =	shalt  }
0x6b: {  	_ =	shalt  }
0x6c: {  	_ =	shalt  }
0x6d: {  	_ =	shalt  }
0x6e: {  	_ =	shalt  }
0x6f: {  	_ =	shalt  }
0x70: {  	_ =	shalt  }
0x71: {  	_ =	shalt  }
0x72: {  	_ =	shalt  }
0x73: {  	_ =	shalt  }
0x74: {  	_ =	shalt  }
0x75: {  	_ =	shalt  }
0x76: {  	_ =	shalt  }
0x77: {  	_ =	shalt  }
0x78: {  	_ =	shalt  }
0x79: {  	_ =	shalt  }
0x7a: {  	_ =	shalt  }
0x7b: {  	_ =	shalt  }
0x7c: {  	_ =	shalt  }
0x7d: {  	_ =	shalt  }
0x7e: {  	_ =	shalt  }
0x7f: {  	_ =	shalt  }
0x80: {  	_ =	shalt  }
0x81: {  	_ =	shalt  }
0x82: {  	_ =	shalt  }
0x83: {  	_ =	shalt  }
0x84: {  	_ =	shalt  }
0x85: {  	_ =	shalt  }
0x86: {  	_ =	shalt  }
0x87: {  	_ =	shalt  }
.Lfunc_end0:
.L_simem_size_0:
called_computation_lowered:
.L_overlay_start_0:
0x88: {  	s2 =	sld [smem:$0x3FD9]  }
0x89: {  	s3 =	sld [smem:$0x3FFE];
	_ =	sdelay $0x1  }
0x8a: {  	s1 =	srdreg.scid  }
0x8b: {  	s0 =	sand.u32 $0x1, s1  }
0x8c: {  	s14 =	sshll.u32 s0, $0xA;
	s2 =	sadd.s32 s3, s2  }
0x8d: {  	s2 =	sadd.s32 s2, s14  }
0x8e: {  	[smem:$0x3FC7] =	sst s2  }
0x8f: {  	_ = 	snop  }
0x90: {  	s2 =	sld [smem:$0x3FD0];
	_ =	sdelay $0x2  }
0x91: {  	s4 =	simm.s32 $0xA;
	s5 =	simm.s32 $0x10;
	s15 =	sld [smem:$0x3FC9]  }
0x92: {  	[smem:s5], [sflag:s4] =	dma.local [hbm:s2], $0x1  }
0x93: {  	_ =	swait.eq [sflag:s4], $0x1  }
0x94: {  	[sflag:s4] =	ssyncset.done $0x0  }
0x95: {  	[sflag:s4] =	ssyncadd.s32 $0xFFFFFFFF  }
0x96: {  	s16 =	sld [smem:$0x11];
	(tm) =	ssettm $0x1  }
0x97: {  	s17 =	sld [smem:$0x3FFB];
	_ =	sdelay $0x3  }
0x98: {  	_ =	strace s17  }
0x99: {  	s4 =	sld [smem:$0x3FFC];
	_ =	sdelay $0x3  }
0x9a: {  	_ =	strace s4  }
0x9b: {  	s4 =	sld [smem:$0x3FFD];
	_ =	sdelay $0x3  }
0x9c: {  	_ =	strace s4  }
0x9d: {  	_ =	strace $0x8FFFFFFF  }
0x9e: {  	s18 =	sld [smem:$0x3FDB];
	_ =	sdelay $0x1  }
0x9f: {  	s19 =	simm.s32 $_scs_section_size  }
0xa0: {  	s6 =	simm.s32 $_size__tile_overlayer_lowered;
	s7 =	simm.s32 $_tile_overlayer_lowered  }
0xa1: {  	s22 =	simm.s32 $0x1BFF;
	s21 =	sshll.u32 s7, $0x1;
	s4 =	sadd.s32 s19, s18  }
0xa2: {  	s8 =	simm.s32 $0x0;
	s20 =	sshll.u32 s6, $0x1;
	s6 =	sadd.s32 s21, s4  }
0xa3: {  	[timem:s8], [sflag:s22] =	dma.local [hbm:s6], s20  }
0xa4: {  	_ =	swait.ge [sflag:s22], s20  }
0xa5: {  	s5 =	ssub.s32 $0x0, s20;
	[sflag:s22] =	ssyncset.done $0x0  }
0xa6: {  	[sflag:s22] =	ssyncadd.s32 s5;
	_ =	sdelay $0x1  }
0xa7: {  	s23 =	simm.s32 $0x1B8B  }
0xa8: {  	_ =	swait.ge [sflag:s23], $0x1  }
0xa9: {  	[sflag:s23] =	ssyncset.done $0x0  }
0xaa: {  	s25 =	simm.s32 $0x1B8E;
	s24 =	sld [smem:$0x3FFE];
	[sflag:s23] =	ssyncadd.s32 $0xFFFFFFFF  }
0xab: {  	s26 =	simm.s32 $execute0_lowered;
	[smem:$0x3FD2] =	sst s25  }
0xac: {  	s6 =	sshll.u32 s26, $0x1;
	_ =	strace $0x80000046;
	[dreg:$0x1] =	wrdreg $0xFFFFFFFF  }
0xad: {  	s28 =	simm.s32 $_size_execute0_lowered;
	s4 =	sadd.s32 s4, s6;
	[dreg:$0x0] =	wrdreg $0x0  }
0xae: {  	s6 =	sshll.u32 s28, $0x1;
	[dreg:$0x2] =	wrdreg s4  }
0xaf: {  	[dreg:$0x3] =	wrdreg s6  }
0xb0: {  	[dreg:$0x4] =	wrdreg $0xC0  }
0xb1: {  	_ =	task [dreg:s8], $0x5FFFF  }
0xb2: {  	[dreg:$0x1] =	wrdreg $0xFFFFFFFF  }
0xb3: {  	[dreg:$0x0] =	wrdreg $0x60  }
0xb4: {  	[dreg:$0x2] =	wrdreg s15  }
0xb5: {  	[dreg:$0x3] =	wrdreg s24  }
0xb6: {  	[dreg:$0x4] =	wrdreg s16  }
0xb7: {  	[dreg:$0x5] =	wrdreg $0x9  }
0xb8: {  	_ =	task.clear_ibuf [dreg:s8], $0x6FFFF;
	_ =	strace $0x90000046  }
0xb9: {  	s29 =	simm.s32 $0x9;
	_ =	strace $0x80000048  }
0xba: {  	_ =	swait.ge [sflag:s29], $0x1  }
0xbb: {  	[sflag:s29] =	ssyncadd.s32 $0xFFFFFFFF  }
0xbc: {  	_ =	strace $0x90000048  }
0xbd: {  	_ =	sfence  }
0xbe: {  	s30 =	sld [smem:$0x0];
	_ =	sdelay $0x2  }
0xbf: {  	s31 =	sshll.u32 s1, $0xD;
	s1 =	sshrl.u32 s1, $0x2  }
0xc0: {  	s3 =	sand.u32 $0x4000, s31;
	s1 =	sadd.s32 s1, s30  }
0xc1: {  	s0 =	sor.u32 s3, s0;
	s1 =	sshll.u32 s1, $0x11  }
0xc2: {  	s0 =	sor.u32 s1, s0  }
0xc3: {  	s0 =	sadd.s32 $0x8F2B, s0  }
0xc4: {  	[sflag:s0] =	ssyncadd.remote.s32 $0x1  }
0xc5: {  	_ =	sfence.sel $0xFFFF  }
0xc6: {  	[dreg:$0x0] =	wrdreg $0xFFFFFFFF;
	(pc) =	sbr.abs _section_cstart, $3  }
0xc7: {  	[dreg:$0x1] =	wrdreg $0xFFFFFFFF  }
0xc8: {  	_ =	task.clear_ibuf [dreg:s8], $0x2FFFF;
	_ =	strace $0x9FFFFFFF  }
0xc9: {  	(tm) =	ssettm $0x7FFFFFFF  }
tec
execute0_lowered:
.L_overlay_start_1:
0x0: {  	(tag) =	ssettag $0x1  }
0x1: {  	s4 =	stileid.u32  }
0x2: {  	p0 =	sgt.u32 s4, $0x7  }
.Ltmp0:
0x3: {  	_ = 	snop;
	(pc) =	sbr.rel @p0 .LBB2_14-.Ltmp0, $4  }
0x4: {  	s1 =	rddreg [dreg:$0x0]  }
0x5: {  	s2 =	rddreg [dreg:$0x1];
	s3 =	simm.s32 $0x0  }
0x6: {  	[smem:$0x7FF] =	sst s3  }
0x7: {  	s0 =	rddreg [dreg:$0x2];
	_ =	strace $0x80000047  }
0x8: {  	v0 =	vimm.s32 $0xFFFFFFFF  }
0x9: {  	v1 =	vimm.s32 $0x0;
	vm0 =	vcmask $0x300;
	v2 =	vimm.s32 $0xEFCDAB89  }
0xa: {  	s4 =	srdreg.scid;
	s5 =	stileid.u32;
	v3 =	vimm.s32 $0x67452301;
	v4 =	vimm.s32 $0xDCFE98BA;
	v8 =	vimm.s32 $0x54761032  }
0xb: {  	v9 =	vimm.s32 $0xBA98FEDC;
	v10 =	vimm.s32 $0x32107654;
	v11 =	vimm.s32 $0xFEDCBA98;
	s7 =	sand.u32 $0x1, s4;
	s26 =	sshll.u32 s5, $0x1  }
0xc: {  	v12 =	vimm.s32 $0x76543210;
	s11 =	simm.s32 $0x1;
	v5 =	vunpack.c.l.s4.s8 v2;
	v2 =	vsel vm0, $0x0, v0;
	s8 =	sor.u32 s7, s26  }
0xd: {  	s12 =	simm.s32 $0x2;
	s9 =	sshrl.u32 s5, $0x2;
	v6 =	vunpack.c.l.s4.s8 v3;
	v7 =	vunpack.c.l.s4.s8 v4;
	v3 =	vimm.s32 $0x100;
	s4 =	sshll.u32 s8, $0x7  }
0xe: {  	s14 =	simm.s32 $0x3;
	v4 =	vimm.s32 $0x210;
	v8 =	vunpack.c.l.s4.s8 v8;
	v9 =	vunpack.c.l.s4.s8 v9;
	s5 =	sshll.u32 s9, $0xA;
	s10 =	sand.u32 $0x380, s4  }
0xf: {  	s18 =	simm.s32 $0x0;
	v10 =	vunpack.c.l.s4.s8 v10;
	v11 =	vunpack.c.l.s4.s8 v11;
	s29 =	sshll.u32 s9, $0xE;
	v5 =	vunpack.c.0.s8.s32 v5;
	s4 =	sor.u32 s5, s10  }
0x10: {  	s7 =	ssub.s32 $0x2, s7;
	v6 =	vunpack.c.0.s8.s32 v6;
	v7 =	vunpack.c.0.s8.s32 v7;
	s28 =	sshll.u32 s8, $0x15;
	v8 =	vunpack.c.0.s8.s32 v8;
	s4 =	sshrl.u32 s4, $0x3  }
0x11: {  	v12 =	vunpack.c.l.s4.s8 v12;
	s30 =	sshrl.u32 s7, $0x1;
	s8 =	sshll.u32 s8, $0x12;
	v9 =	vunpack.c.0.s8.s32 v9;
	v10 =	vunpack.c.0.s8.s32 v10;
	s2 =	sadd.s32 s4, s2  }
.Ltmp1:
0x12: {  	s9 =	ssub.s32 s7, s30;
	v6 =	vcombine.low v6, v5;
	v7 =	vcombine.low v8, v7;
	v8 =	vunpack.c.0.s8.s32 v11;
	s2 =	sadd.s32 $0x400, s2;
	(pc) =	sbr.rel .LBB2_2-.Ltmp1, $4  }
0x13: {  	s8 =	sadd.s32 s8, s1;
	v9 =	vcombine.low v10, v9;
	v10 =	vunpack.c.0.s8.s32 v12;
	v12 =	vimm.f32 $0.0e+00;
	[dreg:$0x4] =	wrdreg s2;
	s2 =	sor.u32 s29, s10  }
0x14: {  	s5 =	sor.u32 $0xC8000, s28;
	s31 =	sadd.s32 $0x16000, s8;
	v5 =	vimm.s32 $0x310;
	v12 =	vsel vm0, $0x3F800000, v12;
	v6 =	vand.u32 $0xF, v6;
	s2 =	sshrl.u32 s2, $0x3  }
0x15: {  	s9 =	smax.u32 s9, $0x1;
	[dreg:$0x6] =	wrdreg s31;
	v7 =	vand.u32 $0xF, v7;
	v11 =	vand.u32 $0xF, v8;
	v8 =	vand.u32 $0xF, v9;
	s0 =	sadd.s32 s0, s2  }
0x16: {  	s4 =	sor.u32 $0xB0000, s28;
	v9 =	vcombine.low v11, v10;
	v10 =	vimm.s32 $0x40000000;
	v11 =	vlaneseq.u32;
	s10 =	simm.s32 $0xC000;
	[dreg:$0x5] =	wrdreg s0  }
.LBB2_13:
0x17: {  	_ = 	snop  }
0x18: {  	s0 =	ssub.f32 $0.0e+00, s19;
	_ =	sdelay $0x1  }
0x19: {  	v13 =	vmul.f32 s0, v12;
	_ =	sdelay $0x1  }
0x1a: {  	s29 =	rddreg [dreg:$0x4];
	s2 =	simm.s32 $0x18A80;
	s31 =	simm.s32 $0x80;
	[tilespmem:$0x18A80] =	vst v13  }
0x1b: {  	[hbm4b:s29+s3] =	stream.linear.scatter [tilespmem:s2], [sflag:$0x3], $0x80, $0x38;
	[tilespmem:$0x18B00] =	vst v63  }
0x1c: {  	s6 =	simm.s32 $0x400;
	s18 =	sadd.s32 $0x1, s18;
	_ =	swait.ge [sflag:s14], $0x80  }
0x1d: {  	s7 =	simm.s32 $0x18280;
	p0 =	sne.s32 s18, s9;
	[sflag:s14] =	ssyncset.done $0x0  }
.Ltmp2:
0x1e: {  	s30 =	rddreg [dreg:$0x5];
	[sflag:s14] =	ssyncadd.s32 $0xFFFFFF80;
	(pc) =	sbr.rel @!p0 .LBB2_14-.Ltmp2, $4  }
0x1f: {  	[hbm4b:s30+s31] =	stream.strided.scatter [tilespmem:s7], [sflag:$0x3], $0x800, s6, s31, $0x38;
	[tilespmem:$0x18B00] =	vst v63  }
0x20: {  	_ =	swait.ge [sflag:s14], $0x800  }
0x21: {  	[sflag:s14] =	ssyncset.done $0x0  }
0x22: {  	[sflag:s14] =	ssyncadd.s32 $0xFFFFF800  }
.LBB2_2:
0x23: {  	[tilespmem:$0x18000] =	vst v0  }
0x24: {  	[tilespmem:$0x18010] =	vst v0  }
0x25: {  	[tilespmem:$0x18020] =	vst v0  }
0x26: {  	[tilespmem:$0x18030] =	vst v0  }
0x27: {  	[tilespmem:$0x18040] =	vst v0  }
0x28: {  	[tilespmem:$0x18050] =	vst v0  }
0x29: {  	[tilespmem:$0x18060] =	vst v0  }
0x2a: {  	[tilespmem:$0x18070] =	vst v0  }
0x2b: {  	[tilespmem:$0x18080] =	vst v0  }
0x2c: {  	[tilespmem:$0x18090] =	vst v0  }
0x2d: {  	[tilespmem:$0x180A0] =	vst v0  }
0x2e: {  	[tilespmem:$0x180B0] =	vst v0  }
0x2f: {  	[tilespmem:$0x180C0] =	vst v0  }
0x30: {  	[tilespmem:$0x180D0] =	vst v0  }
0x31: {  	[tilespmem:$0x180E0] =	vst v0  }
0x32: {  	[tilespmem:$0x180F0] =	vst v0  }
0x33: {  	[tilespmem:$0x18100] =	vst v0  }
0x34: {  	[tilespmem:$0x18110] =	vst v0  }
0x35: {  	[tilespmem:$0x18120] =	vst v0  }
0x36: {  	[tilespmem:$0x18130] =	vst v0  }
0x37: {  	[tilespmem:$0x18140] =	vst v0  }
0x38: {  	[tilespmem:$0x18150] =	vst v0  }
0x39: {  	[tilespmem:$0x18160] =	vst v0  }
0x3a: {  	[tilespmem:$0x18170] =	vst v0  }
0x3b: {  	[tilespmem:$0x18180] =	vst v0  }
0x3c: {  	[tilespmem:$0x18190] =	vst v0  }
0x3d: {  	[tilespmem:$0x181A0] =	vst v0  }
0x3e: {  	[tilespmem:$0x181B0] =	vst v0  }
0x3f: {  	[tilespmem:$0x181C0] =	vst v0  }
0x40: {  	[tilespmem:$0x181D0] =	vst v0  }
0x41: {  	[tilespmem:$0x181E0] =	vst v0  }
0x42: {  	[tilespmem:$0x181F0] =	vst v0  }
0x43: {  	[tilespmem:$0x18200] =	vst v0  }
0x44: {  	[tilespmem:$0x18210] =	vst v0  }
0x45: {  	[tilespmem:$0x18280] =	vst v1  }
0x46: {  	[tilespmem:$0x18290] =	vst v1  }
0x47: {  	[tilespmem:$0x182A0] =	vst v1  }
0x48: {  	[tilespmem:$0x182B0] =	vst v1  }
0x49: {  	[tilespmem:$0x182C0] =	vst v1  }
0x4a: {  	[tilespmem:$0x182D0] =	vst v1  }
0x4b: {  	[tilespmem:$0x182E0] =	vst v1  }
0x4c: {  	[tilespmem:$0x182F0] =	vst v1  }
0x4d: {  	[tilespmem:$0x18300] =	vst v1  }
0x4e: {  	[tilespmem:$0x18310] =	vst v1  }
0x4f: {  	[tilespmem:$0x18320] =	vst v1  }
0x50: {  	[tilespmem:$0x18330] =	vst v1  }
0x51: {  	[tilespmem:$0x18340] =	vst v1  }
0x52: {  	[tilespmem:$0x18350] =	vst v1  }
0x53: {  	[tilespmem:$0x18360] =	vst v1  }
0x54: {  	[tilespmem:$0x18370] =	vst v1  }
0x55: {  	[tilespmem:$0x18380] =	vst v1  }
0x56: {  	[tilespmem:$0x18390] =	vst v1  }
0x57: {  	[tilespmem:$0x183A0] =	vst v1  }
0x58: {  	[tilespmem:$0x183B0] =	vst v1  }
0x59: {  	[tilespmem:$0x183C0] =	vst v1  }
0x5a: {  	[tilespmem:$0x183D0] =	vst v1  }
0x5b: {  	[tilespmem:$0x183E0] =	vst v1  }
0x5c: {  	[tilespmem:$0x183F0] =	vst v1  }
0x5d: {  	[tilespmem:$0x18400] =	vst v1  }
0x5e: {  	[tilespmem:$0x18410] =	vst v1  }
0x5f: {  	[tilespmem:$0x18420] =	vst v1  }
0x60: {  	[tilespmem:$0x18430] =	vst v1  }
0x61: {  	[tilespmem:$0x18440] =	vst v1  }
0x62: {  	[tilespmem:$0x18450] =	vst v1  }
0x63: {  	[tilespmem:$0x18460] =	vst v1  }
0x64: {  	[tilespmem:$0x18470] =	vst v1  }
0x65: {  	[tilespmem:$0x18480] =	vst v1  }
0x66: {  	[tilespmem:$0x18490] =	vst v1  }
0x67: {  	[tilespmem:$0x184A0] =	vst v1  }
0x68: {  	[tilespmem:$0x184B0] =	vst v1  }
0x69: {  	[tilespmem:$0x184C0] =	vst v1  }
0x6a: {  	[tilespmem:$0x184D0] =	vst v1  }
0x6b: {  	[tilespmem:$0x184E0] =	vst v1  }
0x6c: {  	[tilespmem:$0x184F0] =	vst v1  }
0x6d: {  	[tilespmem:$0x18500] =	vst v1  }
0x6e: {  	[tilespmem:$0x18510] =	vst v1  }
0x6f: {  	[tilespmem:$0x18520] =	vst v1  }
0x70: {  	[tilespmem:$0x18530] =	vst v1  }
0x71: {  	[tilespmem:$0x18540] =	vst v1  }
0x72: {  	[tilespmem:$0x18550] =	vst v1  }
0x73: {  	[tilespmem:$0x18560] =	vst v1  }
0x74: {  	[tilespmem:$0x18570] =	vst v1  }
0x75: {  	[tilespmem:$0x18580] =	vst v1  }
0x76: {  	[tilespmem:$0x18590] =	vst v1  }
0x77: {  	[tilespmem:$0x185A0] =	vst v1  }
0x78: {  	[tilespmem:$0x185B0] =	vst v1  }
0x79: {  	[tilespmem:$0x185C0] =	vst v1  }
0x7a: {  	[tilespmem:$0x185D0] =	vst v1  }
0x7b: {  	[tilespmem:$0x185E0] =	vst v1  }
0x7c: {  	[tilespmem:$0x185F0] =	vst v1  }
0x7d: {  	[tilespmem:$0x18600] =	vst v1  }
0x7e: {  	[tilespmem:$0x18610] =	vst v1  }
0x7f: {  	[tilespmem:$0x18620] =	vst v1  }
0x80: {  	[tilespmem:$0x18630] =	vst v1  }
0x81: {  	[tilespmem:$0x18640] =	vst v1  }
0x82: {  	[tilespmem:$0x18650] =	vst v1  }
0x83: {  	[tilespmem:$0x18660] =	vst v1  }
0x84: {  	[tilespmem:$0x18670] =	vst v1  }
0x85: {  	[tilespmem:$0x18680] =	vst v1  }
0x86: {  	[tilespmem:$0x18690] =	vst v1  }
0x87: {  	[tilespmem:$0x186A0] =	vst v1  }
0x88: {  	[tilespmem:$0x186B0] =	vst v1  }
0x89: {  	[tilespmem:$0x186C0] =	vst v1  }
0x8a: {  	[tilespmem:$0x186D0] =	vst v1  }
0x8b: {  	[tilespmem:$0x186E0] =	vst v1  }
0x8c: {  	[tilespmem:$0x186F0] =	vst v1  }
0x8d: {  	[tilespmem:$0x18700] =	vst v1  }
0x8e: {  	[tilespmem:$0x18710] =	vst v1  }
0x8f: {  	[tilespmem:$0x18720] =	vst v1  }
0x90: {  	[tilespmem:$0x18730] =	vst v1  }
0x91: {  	[tilespmem:$0x18740] =	vst v1  }
0x92: {  	[tilespmem:$0x18750] =	vst v1  }
0x93: {  	[tilespmem:$0x18760] =	vst v1  }
0x94: {  	[tilespmem:$0x18770] =	vst v1  }
0x95: {  	[tilespmem:$0x18780] =	vst v1  }
0x96: {  	[tilespmem:$0x18790] =	vst v1  }
0x97: {  	[tilespmem:$0x187A0] =	vst v1  }
0x98: {  	[tilespmem:$0x187B0] =	vst v1  }
0x99: {  	[tilespmem:$0x187C0] =	vst v1  }
0x9a: {  	[tilespmem:$0x187D0] =	vst v1  }
0x9b: {  	[tilespmem:$0x187E0] =	vst v1  }
0x9c: {  	[tilespmem:$0x187F0] =	vst v1  }
0x9d: {  	[tilespmem:$0x18800] =	vst v1  }
0x9e: {  	[tilespmem:$0x18810] =	vst v1  }
0x9f: {  	[tilespmem:$0x18820] =	vst v1  }
0xa0: {  	[tilespmem:$0x18830] =	vst v1  }
0xa1: {  	[tilespmem:$0x18840] =	vst v1  }
0xa2: {  	[tilespmem:$0x18850] =	vst v1  }
0xa3: {  	[tilespmem:$0x18860] =	vst v1  }
0xa4: {  	[tilespmem:$0x18870] =	vst v1  }
0xa5: {  	[tilespmem:$0x18880] =	vst v1  }
0xa6: {  	[tilespmem:$0x18890] =	vst v1  }
0xa7: {  	[tilespmem:$0x188A0] =	vst v1  }
0xa8: {  	[tilespmem:$0x188B0] =	vst v1  }
0xa9: {  	[tilespmem:$0x188C0] =	vst v1  }
0xaa: {  	[tilespmem:$0x188D0] =	vst v1  }
0xab: {  	[tilespmem:$0x188E0] =	vst v1  }
0xac: {  	[tilespmem:$0x188F0] =	vst v1  }
0xad: {  	[tilespmem:$0x18900] =	vst v1  }
0xae: {  	[tilespmem:$0x18910] =	vst v1  }
0xaf: {  	[tilespmem:$0x18920] =	vst v1  }
0xb0: {  	[tilespmem:$0x18930] =	vst v1  }
0xb1: {  	[tilespmem:$0x18940] =	vst v1  }
0xb2: {  	[tilespmem:$0x18950] =	vst v1  }
0xb3: {  	[tilespmem:$0x18960] =	vst v1  }
0xb4: {  	[tilespmem:$0x18970] =	vst v1  }
0xb5: {  	[tilespmem:$0x18980] =	vst v1  }
0xb6: {  	[tilespmem:$0x18990] =	vst v1  }
0xb7: {  	[tilespmem:$0x189A0] =	vst v1  }
0xb8: {  	[tilespmem:$0x189B0] =	vst v1  }
0xb9: {  	[tilespmem:$0x189C0] =	vst v1  }
0xba: {  	[tilespmem:$0x189D0] =	vst v1  }
0xbb: {  	[tilespmem:$0x189E0] =	vst v1  }
0xbc: {  	[tilespmem:$0x189F0] =	vst v1  }
0xbd: {  	[tilespmem:$0x18A00] =	vst v1  }
0xbe: {  	[tilespmem:$0x18A10] =	vst v1  }
0xbf: {  	[tilespmem:$0x18A20] =	vst v1  }
0xc0: {  	[tilespmem:$0x18A30] =	vst v1  }
.Ltmp3:
0xc1: {  	[tilespmem:$0x18A40] =	vst v1;
	(pc) =	sbr.rel .LBB2_3-.Ltmp3, $4  }
0xc2: {  	[tilespmem:$0x18A50] =	vst v1;
	s0 =	simm.s32 $0x0;
	s2 =	rddreg [dreg:$0x6];
	s19 =	simm.f32 $0.0e+00  }
0xc3: {  	[tilespmem:$0x18A60] =	vst v1;
	s20 =	simm.s32 $0xFFFFFFCF;
	s21 =	simm.s32 $0x18540;
	s22 =	simm.s32 $0xFFFFFFFF  }
0xc4: {  	[tilespmem:$0x18A70] =	vst v1;
	s23 =	simm.s32 $0x18570;
	s24 =	simm.s32 $0x0;
	[smem:$0x0] =	sst s0  }
0xc5: {  	[tilespmem:s0], [sflag:$0x1] =	stream.linear.gather [hbm4b:s2+s0], $0xC000, $0x38;
	[tilespmem:$0x18B00] =	vst v63  }
.LBB2_12:
0xc6: {  	s24 =	sadd.s32 $0x1, s24  }
0xc7: {  	p0 =	sne.s32 s24, $0xE  }
.Ltmp4:
0xc8: {  	_ = 	snop;
	(pc) =	sbr.rel @!p0 .LBB2_13-.Ltmp4, $3  }
0xc9: {  	_ =	sdelay $0x1  }
0xca: {  	s20 =	sadd.s32 $0x60, s20  }
0xcb: {  	s21 =	sadd.s32 $0x60, s21;
	s22 =	sadd.s32 $0x60, s22;
	s23 =	sadd.s32 $0x60, s23  }
.LBB2_3:
0xcc: {  	s2 =	sshllo.u32 s24, $0x1  }
0xcd: {  	s2 =	smul.u32 $0xC000, s2  }
0xce: {  	p0 =	seq.s32 s24, $0x0  }
0xcf: {  	p1 =	sgt.s32 @!p0 s0, $0x3FE;
	s2 =	sadd.s32 s2, s4  }
0xd0: {  	p1 =	por p0, p1;
	s2 =	sshrl.u32 s2, $0x3  }
.Ltmp5:
0xd1: {  	s2 =	sadd.s32 s1, s2;
	(pc) =	sbr.rel @p1 .LBB2_4-.Ltmp5, $4  }
0xd2: {  	[tilespmem:s10], [sflag:$0x2] =	stream.linear.gather [hbm4b:s2+s3], $0xC000, $0x38;
	[tilespmem:$0x18B00] =	vst v63  }
0xd3: {  	_ =	swait.ge [sflag:s11], $0xC000  }
0xd4: {  	[sflag:s11] =	ssyncset.done $0x0  }
0xd5: {  	[sflag:s11] =	ssyncadd.s32 $0xFFFF4000  }
0xd6: {  	v13 =	vld [tilespmem:$0x18200];
	s25 =	simm.s32 $0x0;
	s26 =	simm.s32 $0x0;
	s28 =	smov.u32 s21  }
0xd7: {  	v14 =	vld [tilespmem:$0x18210];
	s29 =	simm.s32 $0x0;
	s30 =	simm.s32 $0x0;
	s31 =	simm.s32 $0x0  }
.LBB2_6:
0xd8: {  	v16 =	vld [tilespmem:$0x18000]  }
0xd9: {  	v18 =	vld [tilespmem:$0x18010]  }
0xda: {  	v20 =	vld [tilespmem:$0x18020]  }
0xdb: {  	v22 =	vld [tilespmem:$0x18030]  }
0xdc: {  	v24 =	vld [tilespmem:$0x18040]  }
0xdd: {  	v26 =	vld [tilespmem:$0x18050]  }
0xde: {  	v28 =	vld [tilespmem:$0x18060]  }
0xdf: {  	v30 =	vld [tilespmem:$0x18070]  }
0xe0: {  	v32 =	vld [tilespmem:$0x18080]  }
0xe1: {  	v34 =	vld [tilespmem:$0x18090]  }
0xe2: {  	v36 =	vld [tilespmem:$0x180A0]  }
0xe3: {  	v38 =	vld [tilespmem:$0x180B0]  }
0xe4: {  	v60 =	vld [tilespmem:$0x180C0]  }
0xe5: {  	v42 =	vld [tilespmem:$0x18100]  }
0xe6: {  	s0 =	sand.u32 $0xE000, s29;
	s2 =	sand.u32 $0x380, s30;
	v46 =	vld [tilespmem:$0x18110]  }
0xe7: {  	v49 =	vld [tilespmem:$0x18120];
	s0 =	sor.u32 s2, s0  }
0xe8: {  	v15 =	vld [tilespmem:s0+$0x0]  }
0xe9: {  	v17 =	vld [tilespmem:s0+$0x10]  }
0xea: {  	v19 =	vld [tilespmem:s0+$0x20]  }
0xeb: {  	v21 =	vld [tilespmem:s0+$0x30]  }
0xec: {  	v23 =	vld [tilespmem:s0+$0x40]  }
0xed: {  	v25 =	vld [tilespmem:s0+$0x50]  }
0xee: {  	v27 =	vld [tilespmem:s0+$0x60]  }
0xef: {  	v29 =	vld [tilespmem:s0+$0x70]  }
0xf0: {  	v31 =	vld [tilespmem:s0+$0x400]  }
0xf1: {  	v33 =	vld [tilespmem:s0+$0x410]  }
0xf2: {  	v35 =	vld [tilespmem:s0+$0x420]  }
0xf3: {  	v37 =	vld [tilespmem:s0+$0x430]  }
0xf4: {  	v39 =	vld [tilespmem:s0+$0x440]  }
0xf5: {  	v41 =	vld [tilespmem:s0+$0x800]  }
0xf6: {  	v44 =	vld [tilespmem:s0+$0x810]  }
0xf7: {  	v47 =	vld [tilespmem:s0+$0x820];
	v15 =	vand.u32 v2, v15;
	v59 =	vmin.u32 v17, v18;
	v19 =	vmin.u32 v19, v20  }
0xf8: {  	v40 =	vld [tilespmem:$0x180D0];
	v21 =	vmin.u32 v21, v22;
	v62 =	vmin.u32 v23, v24;
	v63 =	vmin.u32 v25, v26  }
0xf9: {  	v53 =	vld [tilespmem:$0x18130];
	v43 =	vmin.u32 v27, v28;
	v45 =	vmin.u32 v29, v30;
	v48 =	vmin.u32 v31, v32  }
0xfa: {  	v52 =	vld [tilespmem:s0+$0x830];
	v51 =	vmin.u32 v33, v34;
	v54 =	vmin.u32 v35, v36;
	v57 =	vmin.u32 v37, v38  }
0xfb: {  	v20 =	vld [tilespmem:s0+$0x450];
	v17 =	vmin.u32 v39, v60;
	v37 =	vmin.u32 v41, v42;
	v38 =	vmin.u32 v44, v46  }
0xfc: {  	v22 =	vld [tilespmem:$0x180E0];
	v28 =	vmin.u32 v47, v49;
	v31 =	vand.u32 $0x80, v13;
	v15 =	vmin.u32 v15, v16  }
0xfd: {  	v16 =	vld [tilespmem:s0+$0x460];
	vm6 =	vlt.u32 v37, v38;
	v18 =	vmax.u32 v15, v59;
	vm1 =	vlt.u32 v15, v59  }
0xfe: {  	v42 =	vsel vm6, $0x110, v3;
	vm0 =	vlt.u32 v18, v19;
	v18 =	vmax.u32 v18, v19  }
0xff: {  	v58 =	vld [tilespmem:$0x18140];
	v15 =	vsel vm0, $0x20, v1;
	vm7 =	vlt.u32 v18, v21;
	v18 =	vmax.u32 v18, v21  }
0x100: {  	v23 =	vld [tilespmem:$0x180F0];
	v21 =	vmin.u32 v52, v53;
	v61 =	vmax.u32 v15, $0x10;
	vm8 =	vlt.u32 v18, v62  }
0x101: {  	v19 =	vld [tilespmem:s0+$0x470];
	v18 =	vmax.u32 v18, v62;
	v62 =	vmin.u32 v20, v40;
	v15 =	vsel vm1, v61, v15  }
0x102: {  	v55 =	vld [tilespmem:s0+$0x840];
	vm9 =	vlt.u32 v18, v63;
	v18 =	vmax.u32 v18, v63;
	v16 =	vmin.u32 v16, v22  }
0x103: {  	v39 =	vld [tilespmem:s0+$0x870];
	v22 =	vmax.u32 v37, v38;
	v15 =	vsel vm7, $0x30, v15;
	vm10 =	vlt.u32 v18, v43  }
0x104: {  	v41 =	vld [tilespmem:$0x18170];
	v18 =	vmax.u32 v18, v43;
	v44 =	vmax.u32 v22, v28;
	vm7 =	vlt.u32 v22, v28  }
0x105: {  	v60 =	vld [tilespmem:$0x18150];
	v15 =	vsel vm8, $0x40, v15;
	vm11 =	vlt.u32 v18, v45;
	v18 =	vmax.u32 v18, v45  }
0x106: {  	v59 =	vld [tilespmem:s0+$0x850];
	v46 =	vsel vm7, $0x120, v42;
	v19 =	vmin.u32 v19, v23;
	v42 =	vand.u32 $0x1, v13  }
0x107: {  	v36 =	vld [tilespmem:$0x18160];
	v15 =	vsel vm9, $0x50, v15;
	v50 =	vmax.u32 v18, v48;
	vm12 =	vlt.u32 v18, v48  }
0x108: {  	v47 =	vld [tilespmem:s0+$0xC10];
	vm9 =	vlt.u32 v44, v21;
	v21 =	vmax.u32 v44, v21;
	v48 =	vmin.u32 v55, v58  }
0x109: {  	v49 =	vld [tilespmem:$0x18190];
	v55 =	vmin.u32 v39, v41;
	v44 =	vand.u32 $0x2, v13;
	v15 =	vsel vm10, $0x60, v15  }
0x10a: {  	v63 =	vld [tilespmem:s0+$0x860];
	vm13 =	vlt.u32 v50, v51;
	v18 =	vmax.u32 v50, v51;
	v30 =	vmax.u32 v21, v48  }
0x10b: {  	v53 =	vld [tilespmem:$0x181A0];
	vm10 =	vlt.u32 v21, v48;
	v50 =	vmin.u32 v59, v60;
	v15 =	vsel vm11, $0x70, v15  }
0x10c: {  	v43 =	vld [tilespmem:s0+$0xC00];
	v56 =	vmax.u32 v18, v54;
	vm14 =	vlt.u32 v18, v54;
	vm11 =	vlt.u32 v30, v50  }
0x10d: {  	v51 =	vld [tilespmem:s0+$0xC20];
	v21 =	vmax.u32 v30, v50;
	v50 =	vand.u32 $0x8, v13;
	v15 =	vsel vm12, $0x80, v15  }
0x10e: {  	v59 =	vld [tilespmem:$0x181C0];
	vm15 =	vlt.u32 v56, v57;
	v18 =	vmax.u32 v56, v57;
	v15 =	vsel vm13, $0x90, v15  }
0x10f: {  	v54 =	vld [tilespmem:s0+$0xC30];
	v61 =	vmax.u32 v18, v17;
	vm4 =	vlt.u32 v18, v17;
	v17 =	vmin.u32 v63, v36  }
0x110: {  	v56 =	vld [tilespmem:$0x181B0];
	v15 =	vsel vm14, $0xA0, v15;
	v20 =	vmax.u32 v61, v62;
	vm5 =	vlt.u32 v61, v62  }
0x111: {  	v57 =	vld [tilespmem:s0+$0xC40];
	v30 =	vmax.u32 v21, v17;
	vm12 =	vlt.u32 v21, v17;
	v61 =	vmin.u32 v47, v49  }
0x112: {  	v63 =	vld [tilespmem:$0x181D0];
	v47 =	vand.u32 $0x4, v13;
	v15 =	vsel vm15, $0xB0, v15;
	v40 =	vmax.u32 v20, v16  }
0x113: {  	v62 =	vld [tilespmem:s0+$0xC50];
	vm8 =	vlt.u32 v20, v16;
	v16 =	vsel vm9, $0x130, v46;
	vm13 =	vlt.u32 v30, v55  }
0x114: {  	v45 =	vld [tilespmem:$0x18180];
	v17 =	vmax.u32 v30, v55;
	vm9 =	veq.s32 v42, $0x0;
	v15 =	vsel vm4, $0xC0, v15  }
0x115: {  	v41 =	vld [tilespmem:$0x181F0];
	v15 =	vsel vm5, $0xD0, v15;
	v33 =	vmin.u32 v54, v56;
	vm5 =	vlt.u32 v40, v19  }
0x116: {  	v36 =	vld [tilespmem:s0+$0xC70];
	v37 =	vmin.u32 v57, v59;
	v52 =	vsel vm8, $0xE0, v15;
	v15 =	vsel vm10, $0x140, v16  }
0x117: {  	v54 =	vand.u32 $0x10, v13;
	v16 =	vmin.u32 v51, v53;
	v15 =	vsel vm11, $0x150, v15  }
0x118: {  	v32 =	vld [tilespmem:s0+$0xC60];
	v20 =	vmin.u32 v62, v63;
	vm11 =	veq.s32 v44, $0x0;
	v15 =	vsel vm12, $0x160, v15  }
0x119: {  	v34 =	vld [tilespmem:$0x181E0];
	v62 =	vand.u32 $0x40, v13;
	v58 =	vsel vm13, $0x170, v15;
	v15 =	vmin.u32 v43, v45  }
0x11a: {  	vm12 =	veq.s32 v47, $0x0;
	v47 =	vand.u32 $0x1, v14;
	v60 =	vmax.u32 v17, v15  }
0x11b: {  	vm14 =	vlt.u32 v17, v15;
	v15 =	vmax.u32 v40, v19;
	v19 =	vmin.u32 v36, v41  }
0x11c: {  	v25 =	vsel vm14, $0x180, v58;
	vm15 =	vlt.u32 v60, v61;
	v17 =	vmax.u32 v60, v61  }
0x11d: {  	vm14 =	veq.s32 v50, $0x0;
	v58 =	vand.u32 $0x20, v13;
	v25 =	vsel vm15, $0x190, v25  }
0x11e: {  	v27 =	vmax.u32 v17, v16;
	vm4 =	vlt.u32 v17, v16;
	v17 =	vmin.u32 v32, v34  }
0x11f: {  	v38 =	vld [tilespmem:s0+$0x1000];
	v35 =	vsel vm4, $0x1A0, v25;
	vm6 =	vlt.u32 v27, v33;
	v16 =	vmax.u32 v27, v33  }
0x120: {  	v39 =	vld [tilespmem:s0+$0x1010];
	vm4 =	veq.s32 v54, $0x0;
	v54 =	vand.u32 $0x4, v14;
	v18 =	vsel vm6, $0x1B0, v35  }
0x121: {  	v23 =	vmax.u32 v16, v37;
	vm7 =	vlt.u32 v16, v37;
	v16 =	vsel vm5, $0xF0, v52  }
0x122: {  	vm6 =	veq.s32 v58, $0x0;
	v35 =	vand.u32 $0x100, v13;
	v58 =	vand.u32 $0x8, v14  }
0x123: {  	v43 =	vld [tilespmem:s0+$0x1020];
	v18 =	vsel vm7, $0x1C0, v18;
	v40 =	vmax.u32 v23, v20;
	vm8 =	vlt.u32 v23, v20  }
0x124: {  	v20 =	vsel vm9, $0x0, v38;
	v18 =	vsel vm8, $0x1D0, v18;
	v24 =	vmax.u32 v40, v17  }
0x125: {  	v45 =	vld [tilespmem:s0+$0x1030];
	vm10 =	vlt.u32 v40, v17;
	v46 =	vmax.u32 v20, v39;
	vm8 =	veq.s32 v62, $0x0  }
0x126: {  	v39 =	vand.u32 $0x200, v13;
	v62 =	vand.u32 $0x10, v14;
	v18 =	vsel vm10, $0x1E0, v18  }
0x127: {  	v48 =	vld [tilespmem:s0+$0x1040];
	v21 =	vsel vm11, v20, v46;
	v17 =	vmax.u32 v24, v19;
	vm10 =	veq.s32 v31, $0x0  }
0x128: {  	v46 =	vand.u32 $0x400, v13;
	v23 =	vmax.u32 v21, v43;
	vm13 =	veq.s32 v21, v20  }
0x129: {  	v51 =	vld [tilespmem:s0+$0x1050];
	v49 =	vsel vm12, v21, v23;
	v52 =	vsel vm13, $0x200, v4;
	vm12 =	veq.s32 v35, $0x0  }
0x12a: {  	v35 =	vand.u32 $0x20, v14;
	v22 =	vmax.u32 v49, v45;
	vm15 =	veq.s32 v49, v21  }
0x12b: {  	v53 =	vsel vm14, v49, v22;
	v27 =	vnsel vm15, $0x220, v52;
	vm14 =	veq.s32 v39, $0x0  }
0x12c: {  	v55 =	vld [tilespmem:s0+$0x1060];
	vm15 =	vlt.u32 v24, v19;
	v39 =	vand.u32 $0x40, v14;
	v56 =	vmax.u32 v53, v48  }
0x12d: {  	v42 =	vld [tilespmem:s0+$0x1800];
	vm5 =	veq.s32 v53, v49;
	v18 =	vsel vm15, $0x1F0, v18;
	v57 =	vsel vm4, v53, v56  }
0x12e: {  	v44 =	vld [tilespmem:s0+$0x1810];
	v27 =	vnsel vm5, $0x230, v27;
	v56 =	vand.u32 $0x800, v13;
	v60 =	vmax.u32 v57, v51  }
0x12f: {  	v59 =	vld [tilespmem:s0+$0x1070];
	vm7 =	veq.s32 v57, v53;
	v51 =	vand.u32 $0x2, v14;
	v61 =	vsel vm6, v57, v60  }
0x130: {  	v63 =	vld [tilespmem:s0+$0x1400];
	v27 =	vnsel vm7, $0x240, v27;
	vm6 =	veq.s32 v46, $0x0;
	vm7 =	veq.s32 v47, $0x0  }
0x131: {  	v48 =	vld [tilespmem:s0+$0x1820];
	v46 =	vand.u32 $0x100, v14;
	v29 =	vmax.u32 v61, v55;
	vm9 =	veq.s32 v61, v57  }
0x132: {  	v23 =	vsel vm7, $0x0, v42;
	vm7 =	veq.s32 v46, $0x0;
	v30 =	vsel vm8, v61, v29  }
0x133: {  	v32 =	vld [tilespmem:s0+$0x1410];
	v27 =	vnsel vm9, $0x250, v27;
	vm8 =	veq.s32 v51, $0x0;
	v53 =	vmax.u32 v23, v44  }
0x134: {  	v40 =	vld [tilespmem:s0+$0x1420];
	vm9 =	veq.s32 v54, $0x0;
	v33 =	vmax.u32 v30, v59;
	vm11 =	veq.s32 v30, v61  }
0x135: {  	v52 =	vld [tilespmem:s0+$0x1830];
	v19 =	vsel vm8, v23, v53;
	v53 =	vand.u32 $0x400, v14;
	v34 =	vsel vm10, v30, v33  }
0x136: {  	v36 =	vnsel vm11, $0x260, v27;
	v57 =	vmax.u32 v19, v48;
	v37 =	vmax.u32 v34, v63  }
0x137: {  	v50 =	vld [tilespmem:s0+$0x1430];
	vm10 =	veq.s32 v56, $0x0;
	vm11 =	veq.s32 v58, $0x0;
	v38 =	vsel vm12, v34, v37  }
0x138: {  	v55 =	vld [tilespmem:s0+$0x1840];
	v48 =	vand.u32 $0x2000, v13;
	v56 =	vand.u32 $0x800, v14;
	v41 =	vmax.u32 v38, v32  }
0x139: {  	vm13 =	veq.s32 v34, v30;
	v21 =	vsel vm9, v19, v57;
	v43 =	vsel vm14, v38, v41  }
0x13a: {  	v59 =	vld [tilespmem:s0+$0x1850];
	v26 =	vnsel vm13, $0x270, v36;
	v61 =	vmax.u32 v21, v52;
	v49 =	vmax.u32 v43, v40  }
0x13b: {  	vm13 =	veq.s32 v62, $0x0;
	vm4 =	veq.s32 v38, v34;
	v22 =	vsel vm6, v43, v49  }
0x13c: {  	s17 =	sand.u32 $0x7, s26;
	v63 =	vld [tilespmem:s0+$0x1860];
	v45 =	vnsel vm4, $0x280, v26;
	v26 =	vsel vm11, v21, v61;
	v25 =	vmax.u32 v22, v50  }
0x13d: {  	s2 =	sshll.u32 s17, $0x7;
	v60 =	vld [tilespmem:s0+$0x1440];
	v37 =	vand.u32 $0x1000, v13;
	v34 =	vmax.u32 v26, v55;
	v25 =	vsel vm10, v22, v25  }
0x13e: {  	s2 =	sadd.s32 s2, s29;
	v36 =	vld [tilespmem:s0+$0x1870];
	vm0 =	veq.s32 v22, v43;
	vm12 =	veq.s32 v25, v22;
	v22 =	vsel vm13, v26, v34  }
0x13f: {  	s13 =	sor.u32 $0x1C00, s2;
	vm14 =	veq.s32 v35, $0x0;
	vm5 =	veq.s32 v43, v38;
	v38 =	vmax.u32 v22, v59  }
0x140: {  	v58 =	vand.u32 $0x4000, v13;
	vm15 =	veq.s32 v37, $0x0;
	v40 =	vld [tilespmem:s13+$0x0];
	v24 =	vsel vm14, v22, v38  }
0x141: {  	s6 =	sor.u32 $0x1C10, s2;
	vm4 =	veq.s32 v39, $0x0;
	v20 =	vnsel vm5, $0x290, v45;
	v42 =	vmax.u32 v24, v63  }
0x142: {  	v44 =	vld [tilespmem:s6+$0x0];
	v43 =	vand.u32 $0x80, v14;
	v29 =	vmax.u32 v25, v60;
	v28 =	vsel vm4, v24, v42  }
0x143: {  	s7 =	sor.u32 $0x1C20, s2;
	vm6 =	veq.s32 v43, $0x0;
	v29 =	vsel vm15, v25, v29;
	v45 =	vmax.u32 v28, v36  }
0x144: {  	v47 =	vld [tilespmem:s7+$0x0];
	vm8 =	veq.s32 v48, $0x0;
	vm5 =	veq.s32 v29, v25;
	v25 =	vsel vm6, v28, v45  }
0x145: {  	s8 =	sor.u32 $0x1C30, s2;
	v41 =	vld [tilespmem:s0+$0x1450];
	vm11 =	veq.s32 v53, $0x0;
	v39 =	vand.u32 $0x2000, v14;
	v49 =	vmax.u32 v25, v40  }
0x146: {  	v51 =	vld [tilespmem:s8+$0x0];
	v50 =	vand.u32 $0x200, v14;
	v20 =	vnsel vm0, $0x2A0, v20;
	v27 =	vsel vm7, v25, v49  }
0x147: {  	s15 =	sor.u32 $0x1C40, s2;
	vm9 =	veq.s32 v50, $0x0;
	vm13 =	veq.s32 v58, $0x0;
	v52 =	vmax.u32 v27, v44  }
0x148: {  	v54 =	vld [tilespmem:s15+$0x0];
	v60 =	vand.u32 $0x1000, v14;
	v20 =	vnsel vm12, $0x2B0, v20;
	v31 =	vsel vm9, v27, v52  }
0x149: {  	s16 =	sor.u32 $0x1C50, s2;
	v55 =	vld [tilespmem:s0+$0x1460];
	vm12 =	veq.s32 v56, $0x0;
	vm15 =	veq.s32 v39, $0x0;
	v30 =	vmax.u32 v31, v47  }
0x14a: {  	v57 =	vld [tilespmem:s16+$0x0];
	v32 =	vmax.u32 v29, v41;
	vm14 =	veq.s32 v60, $0x0;
	v30 =	vsel vm11, v31, v30  }
0x14b: {  	s17 =	sor.u32 $0x1C60, s2;
	v41 =	vand.u32 $0x4000, v14;
	v20 =	vnsel vm5, $0x2C0, v20;
	v59 =	vmax.u32 v30, v51  }
0x14c: {  	v61 =	vld [tilespmem:s17+$0x0];
	v32 =	vsel vm8, v29, v32;
	vm5 =	veq.s32 v41, $0x0;
	v33 =	vsel vm12, v30, v59  }
0x14d: {  	s2 =	sor.u32 $0x1C70, s2;
	v62 =	vld [tilespmem:s0+$0x1470];
	vm8 =	veq.s32 v19, v23;
	vm10 =	veq.s32 v32, v29;
	v63 =	vmax.u32 v33, v54  }
0x14e: {  	v29 =	vmax.u32 v32, v55;
	vm4 =	vlt.u32 v15, v17;
	v40 =	vld [tilespmem:s2+$0x0];
	v34 =	vsel vm14, v33, v63  }
0x14f: {  	v42 =	vand.u32 $0x8000, v13;
	v15 =	vmax.u32 v15, v17;
	v36 =	vmax.u32 v34, v57  }
0x150: {  	v20 =	vnsel vm10, $0x2D0, v20;
	v29 =	vsel vm13, v32, v29;
	v36 =	vsel vm15, v34, v36  }
0x151: {  	v16 =	vsel vm4, v18, v16;
	vm6 =	veq.s32 v42, $0x0;
	v37 =	vmax.u32 v36, v61  }
0x152: {  	v45 =	vmax.u32 v29, v62;
	v44 =	vand.u32 $0x8000, v14;
	v43 =	vsel vm5, v36, v37  }
0x153: {  	vm7 =	veq.s32 v44, $0x0;
	vm9 =	veq.s32 v21, v19;
	v35 =	vmax.u32 v43, v40  }
0x154: {  	v47 =	vsel vm8, $0x300, v5;
	v37 =	vsel vm6, v29, v45;
	v46 =	vsel vm7, v43, v35  }
0x155: {  	vm10 =	veq.s32 v26, v21;
	v19 =	vnsel vm9, $0x320, v47;
	v48 =	vmax.u32 v37, v46  }
0x156: {  	vm11 =	veq.s32 v22, v26;
	v19 =	vnsel vm10, $0x330, v19;
	v49 =	vmax.u32 v15, v48  }
0x157: {  	v19 =	vnsel vm11, $0x340, v19;
	vm12 =	veq.s32 v24, v22;
	v50 =	vperm.xlane v49, v6  }
0x158: {  	vm13 =	veq.s32 v29, v32;
	v19 =	vnsel vm12, $0x350, v19;
	vm14 =	veq.s32 v28, v24  }
0x159: {  	v19 =	vnsel vm14, $0x360, v19;
	vm15 =	veq.s32 v25, v28;
	v22 =	vmax.u32 v49, v50  }
0x15a: {  	vm4 =	veq.s32 v27, v25;
	v19 =	vnsel vm15, $0x370, v19;
	v51 =	vperm.xlane v22, v7  }
0x15b: {  	v20 =	vnsel vm13, $0x2E0, v20;
	vm5 =	veq.s32 v31, v27;
	v19 =	vnsel vm4, $0x380, v19  }
0x15c: {  	vm6 =	veq.s32 v30, v31;
	v19 =	vnsel vm5, $0x390, v19;
	v22 =	vmax.u32 v22, v51  }
0x15d: {  	v19 =	vnsel vm6, $0x3A0, v19;
	vm7 =	veq.s32 v33, v30;
	v24 =	vperm.xlane v22, v8  }
0x15e: {  	vm9 =	veq.s32 v34, v33;
	vm10 =	veq.s32 v36, v34;
	v19 =	vnsel vm7, $0x3B0, v19  }
0x15f: {  	vm8 =	veq.s32 v37, v29;
	v19 =	vnsel vm9, $0x3C0, v19;
	v22 =	vmax.u32 v22, v24  }
0x160: {  	vm11 =	veq.s32 v43, v36;
	v19 =	vnsel vm10, $0x3D0, v19;
	v24 =	vperm.xlane v22, v9  }
0x161: {  	v20 =	vnsel vm8, $0x2F0, v20;
	vm12 =	veq.s32 v46, v43;
	v52 =	vnsel vm11, $0x3E0, v19  }
0x162: {  	vm13 =	vlt.u32 v37, v46;
	v18 =	vnsel vm12, $0x3F0, v52;
	v53 =	vmax.u32 v22, v24  }
0x163: {  	vm14 =	vlt.u32 v15, v48;
	v18 =	vsel vm13, v18, v20;
	vm15 =	veq.s32 v53, v49  }
0x164: {  	v15 =	vsel vm14, v18, v16;
	v54 =	vsel vm15, $0x0, v10  }
0x165: {  	v15 =	vadd.s32 v54, v15  }
0x166: {  	v15 =	vadd.s32 v11, v15  }
0x167: {  	v55 =	vperm.xlane v15, v6;
	_ =	sdelay $0x1  }
0x168: {  	v15 =	vmin.u32 v15, v55  }
0x169: {  	v16 =	vperm.xlane v15, v7;
	_ =	sdelay $0x1  }
0x16a: {  	v15 =	vmin.u32 v15, v16  }
0x16b: {  	v16 =	vperm.xlane v15, v8;
	_ =	sdelay $0x1  }
0x16c: {  	v15 =	vmin.u32 v15, v16  }
0x16d: {  	v16 =	vperm.xlane v15, v9;
	_ =	sdelay $0x1  }
0x16e: {  	v15 =	vmin.u32 v15, v16  }
0x16f: {  	(v2sf) =	vpush v15, $0x0;
	_ =	sdelay $0x1  }
0x170: {  	s6 =	sand.u32 $0xF, s25  }
0x171: {  	s0 =	sshll.u32 s6, $0x2  }
0x172: {  	s7 =	sand.u32 $0xF, s31;
	s0 =	ssub.s32 $0x0, s0  }
0x173: {  	s0 =	sshra.s32 s0, $0x2;
	v56 =	vmov s7  }
0x174: {  	s0 =	sadd.s32 s0, s28;
	v16 =	vsub.s32 v11, v56  }
0x175: {  	v57 =	vld [tilespmem:s0+$0x0];
	v16 =	vmul.u32 v16, v16  }
0x176: {  	s8 =	sadd.s32 s31, s20  }
0x177: {  	s13 =	sshrl.u32 s8, $0x1F;
	(v2sf) =	vpush v53, $0x0;
	v16 =	vmin.u32 v16, $0x1  }
0x178: {  	v15 =	vbroadcast v15, $0x0;
	v16 =	vmax.u32 v16, s13  }
0x179: {  	v58 =	vxor.u32 $0x1, v16  }
0x17a: {  	v16 =	vmul.u32 v16, v57;
	v15 =	vmul.u32 v58, v15;
	_ =	sdelay $0x1  }
0x17b: {  	v15 =	vadd.s32 v16, v15  }
0x17c: {  	s16 =	sxor.u32 $0x1, s13;
	[tilespmem:s0+$0x0] =	vst v15;
	s0 =	sld [smem:$0x0];
	s15 =	spop (v2sf)  }
0x17d: {  	p0 =	slt.s32 s15, $0x1;
	s2 =	smov.u32 s15;
	s17 =	sshra.s32 s15, $0x8  }
0x17e: {  	s13 =	sand.u32 $0xF, s15;
	s7 =	sand.u32 $0xFFFFFFF0, s15;
	s6 =	sadd.s32 $0xFFFFFFFE, s17  }
0x17f: {  	s8 =	sadd.s32 $0xFFFFFE00, s15;
	s17 =	sadd.s32 $0xFFFFFFFD, s17;
	s6 =	smul.u32 s6, s6  }
0x180: {  	s2 =	simm.s32 @!p0 $0x1;
	p0 =	slt.s32 s7, $0x1F0;
	s17 =	smul.u32 s17, s17  }
0x181: {  	s2 =	smul.u32 s16, s2;
	s7 =	simm.s32 @!p0 $0x1F0;
	p0 =	slt.s32 s6, $0x1  }
0x182: {  	v59 =	vmov s13;
	s8 =	sshra.s32 s8, $0x1F;
	s6 =	simm.s32 @!p0 $0x1;
	p0 =	slt.s32 s17, $0x1  }
0x183: {  	v60 =	vsub.s32 v11, v59;
	s8 =	sand.u32 s2, s8;
	s6 =	ssub.s32 $0x1, s6;
	s17 =	simm.s32 @!p0 $0x1  }
0x184: {  	s16 =	scvt.s32.f32 s16;
	v15 =	vmul.u32 v60, v60;
	v61 =	vmov s8;
	s6 =	smul.u32 s2, s6;
	s13 =	ssub.s32 $0x1, s17  }
0x185: {  	v62 =	vld [tilespmem:s7+$0x18000];
	v16 =	vsub.s32 $0x0, v61;
	s17 =	spop (v2sf);
	s8 =	smul.u32 s2, s13  }
0x186: {  	s15 =	sshrl.u32 s15, $0x4;
	v15 =	vmin.u32 v15, $0x1;
	p0 =	sne.s32 s31, $0x2F;
	v16 =	vbroadcast v16, $0x0;
	s16 =	smul.f32 s16, s17  }
.Ltmp6:
0x187: {  	v15 =	vxor.u32 $0x1, v15;
	s17 =	sand.u32 $0xF, s15;
	(pc) =	sbr.rel @p0 .LBB2_6-.Ltmp6, $4  }
0x188: {  	v16 =	vmul.u32 v15, v16;
	v15 =	vshll.u32 v15, s17  }
0x189: {  	s30 =	sadd.s32 $0x80, s30;
	s26 =	sadd.s32 $0x1, s26;
	s0 =	sadd.s32 s0, s2;
	v63 =	vmul.u32 s6, v15;
	v15 =	vmul.u32 s8, v15  }
0x18a: {  	s29 =	sadd.s32 $0x400, s29;
	s25 =	sadd.s32 $0x1, s25;
	[smem:$0x0] =	sst s0;
	v16 =	vxor.u32 v62, v16  }
0x18b: {  	s28 =	sadd.s32 $0x1, s28;
	s31 =	sadd.s32 $0x1, s31;
	s19 =	sadd.f32 s16, s19;
	[tilespmem:s7+$0x18000] =	vst v16;
	v13 =	vxor.u32 v13, v63;
	v14 =	vxor.u32 v14, v15  }
.Ltmp7:
0x18c: {  	(pc) =	sbr.rel .LBB2_8-.Ltmp7, $3  }
0x18d: {  	_ =	sdelay $0x1  }
0x18e: {  	[tilespmem:$0x18200] =	vst v13  }
0x18f: {  	[tilespmem:$0x18210] =	vst v14  }
.LBB2_4:
0x190: {  	s0 =	smov.u32 @p0 s0;
	s19 =	smov.u32 @p0 s19  }
.LBB2_8:
0x191: {  	p0 =	seq.s32 s24, $0xD  }
0x192: {  	s2 =	smul.u32 @!p0 $0x18000, s24;
	_ =	sdelay $0x1  }
0x193: {  	s2 =	sadd.s32 @!p0 s2, s5  }
0x194: {  	s2 =	sshrl.u32 @!p0 s2, $0x3  }
0x195: {  	s6 =	simm.s32 @!p0 $0x0;
	s2 =	sadd.s32 @!p0 s1, s2  }
0x196: {  	[tilespmem:s6], [sflag:$0x1] =	stream.linear.gather @!p0 [hbm4b:s2+s6], $0xC000, $0x38;
	[tilespmem:$0x18B00] =	vst v63  }
0x197: {  	p0 =	sgt.s32 s0, $0x3FE  }
.Ltmp8:
0x198: {  	_ = 	snop;
	(pc) =	sbr.rel @p0 .LBB2_12-.Ltmp8, $4  }
0x199: {  	_ = 	snop  }
0x19a: {  	_ =	swait.ge [sflag:s12], $0xC000  }
0x19b: {  	[sflag:s12] =	ssyncset.done $0x0  }
0x19c: {  	[sflag:s12] =	ssyncadd.s32 $0xFFFF4000  }
0x19d: {  	v13 =	vld [tilespmem:$0x18200];
	s25 =	simm.s32 $0x0;
	s26 =	simm.s32 $0x0;
	s28 =	smov.u32 s23  }
0x19e: {  	v14 =	vld [tilespmem:$0x18210];
	s29 =	simm.s32 $0x0;
	s30 =	simm.s32 $0x0;
	s31 =	simm.s32 $0x0  }
.LBB2_10:
0x19f: {  	v16 =	vld [tilespmem:$0x18000]  }
0x1a0: {  	v18 =	vld [tilespmem:$0x18010]  }
0x1a1: {  	v20 =	vld [tilespmem:$0x18020]  }
0x1a2: {  	v22 =	vld [tilespmem:$0x18030]  }
0x1a3: {  	v24 =	vld [tilespmem:$0x18040]  }
0x1a4: {  	v26 =	vld [tilespmem:$0x18050]  }
0x1a5: {  	v28 =	vld [tilespmem:$0x18060]  }
0x1a6: {  	v30 =	vld [tilespmem:$0x18070]  }
0x1a7: {  	v32 =	vld [tilespmem:$0x18080]  }
0x1a8: {  	v34 =	vld [tilespmem:$0x18090]  }
0x1a9: {  	v36 =	vld [tilespmem:$0x180A0]  }
0x1aa: {  	v38 =	vld [tilespmem:$0x180B0]  }
0x1ab: {  	v60 =	vld [tilespmem:$0x180C0]  }
0x1ac: {  	v42 =	vld [tilespmem:$0x18100]  }
0x1ad: {  	s0 =	sand.u32 $0xE000, s29;
	s2 =	sand.u32 $0x380, s30;
	v46 =	vld [tilespmem:$0x18110]  }
0x1ae: {  	v49 =	vld [tilespmem:$0x18120];
	s0 =	sor.u32 s2, s0  }
0x1af: {  	v15 =	vld [tilespmem:s0+$0xC000]  }
0x1b0: {  	v17 =	vld [tilespmem:s0+$0xC010]  }
0x1b1: {  	v19 =	vld [tilespmem:s0+$0xC020]  }
0x1b2: {  	v21 =	vld [tilespmem:s0+$0xC030]  }
0x1b3: {  	v23 =	vld [tilespmem:s0+$0xC040]  }
0x1b4: {  	v25 =	vld [tilespmem:s0+$0xC050]  }
0x1b5: {  	v27 =	vld [tilespmem:s0+$0xC060]  }
0x1b6: {  	v29 =	vld [tilespmem:s0+$0xC070]  }
0x1b7: {  	v31 =	vld [tilespmem:s0+$0xC400]  }
0x1b8: {  	v33 =	vld [tilespmem:s0+$0xC410]  }
0x1b9: {  	v35 =	vld [tilespmem:s0+$0xC420]  }
0x1ba: {  	v37 =	vld [tilespmem:s0+$0xC430]  }
0x1bb: {  	v39 =	vld [tilespmem:s0+$0xC440]  }
0x1bc: {  	v41 =	vld [tilespmem:s0+$0xC800]  }
0x1bd: {  	v44 =	vld [tilespmem:s0+$0xC810]  }
0x1be: {  	v47 =	vld [tilespmem:s0+$0xC820];
	v15 =	vand.u32 v2, v15;
	v59 =	vmin.u32 v17, v18;
	v19 =	vmin.u32 v19, v20  }
0x1bf: {  	v40 =	vld [tilespmem:$0x180D0];
	v21 =	vmin.u32 v21, v22;
	v62 =	vmin.u32 v23, v24;
	v63 =	vmin.u32 v25, v26  }
0x1c0: {  	v53 =	vld [tilespmem:$0x18130];
	v43 =	vmin.u32 v27, v28;
	v45 =	vmin.u32 v29, v30;
	v48 =	vmin.u32 v31, v32  }
0x1c1: {  	v52 =	vld [tilespmem:s0+$0xC830];
	v51 =	vmin.u32 v33, v34;
	v54 =	vmin.u32 v35, v36;
	v57 =	vmin.u32 v37, v38  }
0x1c2: {  	v20 =	vld [tilespmem:s0+$0xC450];
	v17 =	vmin.u32 v39, v60;
	v37 =	vmin.u32 v41, v42;
	v38 =	vmin.u32 v44, v46  }
0x1c3: {  	v22 =	vld [tilespmem:$0x180E0];
	v28 =	vmin.u32 v47, v49;
	v31 =	vand.u32 $0x80, v13;
	v15 =	vmin.u32 v15, v16  }
0x1c4: {  	v16 =	vld [tilespmem:s0+$0xC460];
	vm6 =	vlt.u32 v37, v38;
	v18 =	vmax.u32 v15, v59;
	vm1 =	vlt.u32 v15, v59  }
0x1c5: {  	v42 =	vsel vm6, $0x110, v3;
	vm0 =	vlt.u32 v18, v19;
	v18 =	vmax.u32 v18, v19  }
0x1c6: {  	v58 =	vld [tilespmem:$0x18140];
	v15 =	vsel vm0, $0x20, v1;
	vm7 =	vlt.u32 v18, v21;
	v18 =	vmax.u32 v18, v21  }
0x1c7: {  	v23 =	vld [tilespmem:$0x180F0];
	v21 =	vmin.u32 v52, v53;
	v61 =	vmax.u32 v15, $0x10;
	vm8 =	vlt.u32 v18, v62  }
0x1c8: {  	v19 =	vld [tilespmem:s0+$0xC470];
	v18 =	vmax.u32 v18, v62;
	v62 =	vmin.u32 v20, v40;
	v15 =	vsel vm1, v61, v15  }
0x1c9: {  	v55 =	vld [tilespmem:s0+$0xC840];
	vm9 =	vlt.u32 v18, v63;
	v18 =	vmax.u32 v18, v63;
	v16 =	vmin.u32 v16, v22  }
0x1ca: {  	v39 =	vld [tilespmem:s0+$0xC870];
	v22 =	vmax.u32 v37, v38;
	v15 =	vsel vm7, $0x30, v15;
	vm10 =	vlt.u32 v18, v43  }
0x1cb: {  	v41 =	vld [tilespmem:$0x18170];
	v18 =	vmax.u32 v18, v43;
	v44 =	vmax.u32 v22, v28;
	vm7 =	vlt.u32 v22, v28  }
0x1cc: {  	v60 =	vld [tilespmem:$0x18150];
	v15 =	vsel vm8, $0x40, v15;
	vm11 =	vlt.u32 v18, v45;
	v18 =	vmax.u32 v18, v45  }
0x1cd: {  	v59 =	vld [tilespmem:s0+$0xC850];
	v46 =	vsel vm7, $0x120, v42;
	v19 =	vmin.u32 v19, v23;
	v42 =	vand.u32 $0x1, v13  }
0x1ce: {  	v36 =	vld [tilespmem:$0x18160];
	v15 =	vsel vm9, $0x50, v15;
	v50 =	vmax.u32 v18, v48;
	vm12 =	vlt.u32 v18, v48  }
0x1cf: {  	v47 =	vld [tilespmem:s0+$0xCC10];
	vm9 =	vlt.u32 v44, v21;
	v21 =	vmax.u32 v44, v21;
	v48 =	vmin.u32 v55, v58  }
0x1d0: {  	v49 =	vld [tilespmem:$0x18190];
	v55 =	vmin.u32 v39, v41;
	v44 =	vand.u32 $0x2, v13;
	v15 =	vsel vm10, $0x60, v15  }
0x1d1: {  	v63 =	vld [tilespmem:s0+$0xC860];
	vm13 =	vlt.u32 v50, v51;
	v18 =	vmax.u32 v50, v51;
	v30 =	vmax.u32 v21, v48  }
0x1d2: {  	v53 =	vld [tilespmem:$0x181A0];
	vm10 =	vlt.u32 v21, v48;
	v50 =	vmin.u32 v59, v60;
	v15 =	vsel vm11, $0x70, v15  }
0x1d3: {  	v43 =	vld [tilespmem:s0+$0xCC00];
	v56 =	vmax.u32 v18, v54;
	vm14 =	vlt.u32 v18, v54;
	vm11 =	vlt.u32 v30, v50  }
0x1d4: {  	v51 =	vld [tilespmem:s0+$0xCC20];
	v21 =	vmax.u32 v30, v50;
	v50 =	vand.u32 $0x8, v13;
	v15 =	vsel vm12, $0x80, v15  }
0x1d5: {  	v59 =	vld [tilespmem:$0x181C0];
	vm15 =	vlt.u32 v56, v57;
	v18 =	vmax.u32 v56, v57;
	v15 =	vsel vm13, $0x90, v15  }
0x1d6: {  	v54 =	vld [tilespmem:s0+$0xCC30];
	v61 =	vmax.u32 v18, v17;
	vm4 =	vlt.u32 v18, v17;
	v17 =	vmin.u32 v63, v36  }
0x1d7: {  	v56 =	vld [tilespmem:$0x181B0];
	v15 =	vsel vm14, $0xA0, v15;
	v20 =	vmax.u32 v61, v62;
	vm5 =	vlt.u32 v61, v62  }
0x1d8: {  	v57 =	vld [tilespmem:s0+$0xCC40];
	v30 =	vmax.u32 v21, v17;
	vm12 =	vlt.u32 v21, v17;
	v61 =	vmin.u32 v47, v49  }
0x1d9: {  	v63 =	vld [tilespmem:$0x181D0];
	v47 =	vand.u32 $0x4, v13;
	v15 =	vsel vm15, $0xB0, v15;
	v40 =	vmax.u32 v20, v16  }
0x1da: {  	v62 =	vld [tilespmem:s0+$0xCC50];
	vm8 =	vlt.u32 v20, v16;
	v16 =	vsel vm9, $0x130, v46;
	vm13 =	vlt.u32 v30, v55  }
0x1db: {  	v45 =	vld [tilespmem:$0x18180];
	v17 =	vmax.u32 v30, v55;
	vm9 =	veq.s32 v42, $0x0;
	v15 =	vsel vm4, $0xC0, v15  }
0x1dc: {  	v41 =	vld [tilespmem:$0x181F0];
	v15 =	vsel vm5, $0xD0, v15;
	v33 =	vmin.u32 v54, v56;
	vm5 =	vlt.u32 v40, v19  }
0x1dd: {  	v36 =	vld [tilespmem:s0+$0xCC70];
	v37 =	vmin.u32 v57, v59;
	v52 =	vsel vm8, $0xE0, v15;
	v15 =	vsel vm10, $0x140, v16  }
0x1de: {  	v54 =	vand.u32 $0x10, v13;
	v16 =	vmin.u32 v51, v53;
	v15 =	vsel vm11, $0x150, v15  }
0x1df: {  	v32 =	vld [tilespmem:s0+$0xCC60];
	v20 =	vmin.u32 v62, v63;
	vm11 =	veq.s32 v44, $0x0;
	v15 =	vsel vm12, $0x160, v15  }
0x1e0: {  	v34 =	vld [tilespmem:$0x181E0];
	v62 =	vand.u32 $0x40, v13;
	v58 =	vsel vm13, $0x170, v15;
	v15 =	vmin.u32 v43, v45  }
0x1e1: {  	vm12 =	veq.s32 v47, $0x0;
	v47 =	vand.u32 $0x1, v14;
	v60 =	vmax.u32 v17, v15  }
0x1e2: {  	vm14 =	vlt.u32 v17, v15;
	v15 =	vmax.u32 v40, v19;
	v19 =	vmin.u32 v36, v41  }
0x1e3: {  	v25 =	vsel vm14, $0x180, v58;
	vm15 =	vlt.u32 v60, v61;
	v17 =	vmax.u32 v60, v61  }
0x1e4: {  	vm14 =	veq.s32 v50, $0x0;
	v58 =	vand.u32 $0x20, v13;
	v25 =	vsel vm15, $0x190, v25  }
0x1e5: {  	v27 =	vmax.u32 v17, v16;
	vm4 =	vlt.u32 v17, v16;
	v17 =	vmin.u32 v32, v34  }
0x1e6: {  	v38 =	vld [tilespmem:s0+$0xD000];
	v35 =	vsel vm4, $0x1A0, v25;
	vm6 =	vlt.u32 v27, v33;
	v16 =	vmax.u32 v27, v33  }
0x1e7: {  	v39 =	vld [tilespmem:s0+$0xD010];
	vm4 =	veq.s32 v54, $0x0;
	v54 =	vand.u32 $0x4, v14;
	v18 =	vsel vm6, $0x1B0, v35  }
0x1e8: {  	v23 =	vmax.u32 v16, v37;
	vm7 =	vlt.u32 v16, v37;
	v16 =	vsel vm5, $0xF0, v52  }
0x1e9: {  	vm6 =	veq.s32 v58, $0x0;
	v35 =	vand.u32 $0x100, v13;
	v58 =	vand.u32 $0x8, v14  }
0x1ea: {  	v43 =	vld [tilespmem:s0+$0xD020];
	v18 =	vsel vm7, $0x1C0, v18;
	v40 =	vmax.u32 v23, v20;
	vm8 =	vlt.u32 v23, v20  }
0x1eb: {  	v20 =	vsel vm9, $0x0, v38;
	v18 =	vsel vm8, $0x1D0, v18;
	v24 =	vmax.u32 v40, v17  }
0x1ec: {  	v45 =	vld [tilespmem:s0+$0xD030];
	vm10 =	vlt.u32 v40, v17;
	v46 =	vmax.u32 v20, v39;
	vm8 =	veq.s32 v62, $0x0  }
0x1ed: {  	v39 =	vand.u32 $0x200, v13;
	v62 =	vand.u32 $0x10, v14;
	v18 =	vsel vm10, $0x1E0, v18  }
0x1ee: {  	v48 =	vld [tilespmem:s0+$0xD040];
	v21 =	vsel vm11, v20, v46;
	v17 =	vmax.u32 v24, v19;
	vm10 =	veq.s32 v31, $0x0  }
0x1ef: {  	v46 =	vand.u32 $0x400, v13;
	v23 =	vmax.u32 v21, v43;
	vm13 =	veq.s32 v21, v20  }
0x1f0: {  	v51 =	vld [tilespmem:s0+$0xD050];
	v49 =	vsel vm12, v21, v23;
	v52 =	vsel vm13, $0x200, v4;
	vm12 =	veq.s32 v35, $0x0  }
0x1f1: {  	v35 =	vand.u32 $0x20, v14;
	v22 =	vmax.u32 v49, v45;
	vm15 =	veq.s32 v49, v21  }
0x1f2: {  	v53 =	vsel vm14, v49, v22;
	v27 =	vnsel vm15, $0x220, v52;
	vm14 =	veq.s32 v39, $0x0  }
0x1f3: {  	v55 =	vld [tilespmem:s0+$0xD060];
	vm15 =	vlt.u32 v24, v19;
	v39 =	vand.u32 $0x40, v14;
	v56 =	vmax.u32 v53, v48  }
0x1f4: {  	v42 =	vld [tilespmem:s0+$0xD800];
	vm5 =	veq.s32 v53, v49;
	v18 =	vsel vm15, $0x1F0, v18;
	v57 =	vsel vm4, v53, v56  }
0x1f5: {  	v44 =	vld [tilespmem:s0+$0xD810];
	v27 =	vnsel vm5, $0x230, v27;
	v56 =	vand.u32 $0x800, v13;
	v60 =	vmax.u32 v57, v51  }
0x1f6: {  	v59 =	vld [tilespmem:s0+$0xD070];
	vm7 =	veq.s32 v57, v53;
	v51 =	vand.u32 $0x2, v14;
	v61 =	vsel vm6, v57, v60  }
0x1f7: {  	v63 =	vld [tilespmem:s0+$0xD400];
	v27 =	vnsel vm7, $0x240, v27;
	vm6 =	veq.s32 v46, $0x0;
	vm7 =	veq.s32 v47, $0x0  }
0x1f8: {  	v48 =	vld [tilespmem:s0+$0xD820];
	v46 =	vand.u32 $0x100, v14;
	v29 =	vmax.u32 v61, v55;
	vm9 =	veq.s32 v61, v57  }
0x1f9: {  	v23 =	vsel vm7, $0x0, v42;
	vm7 =	veq.s32 v46, $0x0;
	v30 =	vsel vm8, v61, v29  }
0x1fa: {  	v32 =	vld [tilespmem:s0+$0xD410];
	v27 =	vnsel vm9, $0x250, v27;
	vm8 =	veq.s32 v51, $0x0;
	v53 =	vmax.u32 v23, v44  }
0x1fb: {  	v40 =	vld [tilespmem:s0+$0xD420];
	vm9 =	veq.s32 v54, $0x0;
	v33 =	vmax.u32 v30, v59;
	vm11 =	veq.s32 v30, v61  }
0x1fc: {  	v52 =	vld [tilespmem:s0+$0xD830];
	v19 =	vsel vm8, v23, v53;
	v53 =	vand.u32 $0x400, v14;
	v34 =	vsel vm10, v30, v33  }
0x1fd: {  	v36 =	vnsel vm11, $0x260, v27;
	v57 =	vmax.u32 v19, v48;
	v37 =	vmax.u32 v34, v63  }
0x1fe: {  	v50 =	vld [tilespmem:s0+$0xD430];
	vm10 =	veq.s32 v56, $0x0;
	vm11 =	veq.s32 v58, $0x0;
	v38 =	vsel vm12, v34, v37  }
0x1ff: {  	v55 =	vld [tilespmem:s0+$0xD840];
	v48 =	vand.u32 $0x2000, v13;
	v56 =	vand.u32 $0x800, v14;
	v41 =	vmax.u32 v38, v32  }
0x200: {  	vm13 =	veq.s32 v34, v30;
	v21 =	vsel vm9, v19, v57;
	v43 =	vsel vm14, v38, v41  }
0x201: {  	v59 =	vld [tilespmem:s0+$0xD850];
	v26 =	vnsel vm13, $0x270, v36;
	v61 =	vmax.u32 v21, v52;
	v49 =	vmax.u32 v43, v40  }
0x202: {  	vm13 =	veq.s32 v62, $0x0;
	vm4 =	veq.s32 v38, v34;
	v22 =	vsel vm6, v43, v49  }
0x203: {  	s7 =	sand.u32 $0x7, s26;
	v63 =	vld [tilespmem:s0+$0xD860];
	v45 =	vnsel vm4, $0x280, v26;
	v26 =	vsel vm11, v21, v61;
	v25 =	vmax.u32 v22, v50  }
0x204: {  	s2 =	sshll.u32 s7, $0x7;
	v60 =	vld [tilespmem:s0+$0xD440];
	v37 =	vand.u32 $0x1000, v13;
	v34 =	vmax.u32 v26, v55;
	v25 =	vsel vm10, v22, v25  }
0x205: {  	s2 =	sadd.s32 s2, s29;
	v36 =	vld [tilespmem:s0+$0xD870];
	vm0 =	veq.s32 v22, v43;
	vm12 =	veq.s32 v25, v22;
	v22 =	vsel vm13, v26, v34  }
0x206: {  	s6 =	sor.u32 $0x1C00, s2;
	vm14 =	veq.s32 v35, $0x0;
	vm5 =	veq.s32 v43, v38;
	v38 =	vmax.u32 v22, v59  }
0x207: {  	v58 =	vand.u32 $0x4000, v13;
	vm15 =	veq.s32 v37, $0x0;
	v40 =	vld [tilespmem:s6+$0xC000];
	v24 =	vsel vm14, v22, v38  }
0x208: {  	s8 =	sor.u32 $0x1C10, s2;
	vm4 =	veq.s32 v39, $0x0;
	v20 =	vnsel vm5, $0x290, v45;
	v42 =	vmax.u32 v24, v63  }
0x209: {  	v44 =	vld [tilespmem:s8+$0xC000];
	v43 =	vand.u32 $0x80, v14;
	v29 =	vmax.u32 v25, v60;
	v28 =	vsel vm4, v24, v42  }
0x20a: {  	s13 =	sor.u32 $0x1C20, s2;
	vm6 =	veq.s32 v43, $0x0;
	v29 =	vsel vm15, v25, v29;
	v45 =	vmax.u32 v28, v36  }
0x20b: {  	v47 =	vld [tilespmem:s13+$0xC000];
	vm8 =	veq.s32 v48, $0x0;
	vm5 =	veq.s32 v29, v25;
	v25 =	vsel vm6, v28, v45  }
0x20c: {  	s15 =	sor.u32 $0x1C30, s2;
	v41 =	vld [tilespmem:s0+$0xD450];
	vm11 =	veq.s32 v53, $0x0;
	v39 =	vand.u32 $0x2000, v14;
	v49 =	vmax.u32 v25, v40  }
0x20d: {  	v51 =	vld [tilespmem:s15+$0xC000];
	v50 =	vand.u32 $0x200, v14;
	v20 =	vnsel vm0, $0x2A0, v20;
	v27 =	vsel vm7, v25, v49  }
0x20e: {  	s16 =	sor.u32 $0x1C40, s2;
	vm9 =	veq.s32 v50, $0x0;
	vm13 =	veq.s32 v58, $0x0;
	v52 =	vmax.u32 v27, v44  }
0x20f: {  	v54 =	vld [tilespmem:s16+$0xC000];
	v60 =	vand.u32 $0x1000, v14;
	v20 =	vnsel vm12, $0x2B0, v20;
	v31 =	vsel vm9, v27, v52  }
0x210: {  	s17 =	sor.u32 $0x1C50, s2;
	v55 =	vld [tilespmem:s0+$0xD460];
	vm12 =	veq.s32 v56, $0x0;
	vm15 =	veq.s32 v39, $0x0;
	v30 =	vmax.u32 v31, v47  }
0x211: {  	v57 =	vld [tilespmem:s17+$0xC000];
	v32 =	vmax.u32 v29, v41;
	vm14 =	veq.s32 v60, $0x0;
	v30 =	vsel vm11, v31, v30  }
0x212: {  	s7 =	sor.u32 $0x1C60, s2;
	v41 =	vand.u32 $0x4000, v14;
	v20 =	vnsel vm5, $0x2C0, v20;
	v59 =	vmax.u32 v30, v51  }
0x213: {  	v61 =	vld [tilespmem:s7+$0xC000];
	v32 =	vsel vm8, v29, v32;
	vm5 =	veq.s32 v41, $0x0;
	v33 =	vsel vm12, v30, v59  }
0x214: {  	s8 =	sor.u32 $0x1C70, s2;
	v62 =	vld [tilespmem:s0+$0xD470];
	vm8 =	veq.s32 v19, v23;
	vm10 =	veq.s32 v32, v29;
	v63 =	vmax.u32 v33, v54  }
0x215: {  	v29 =	vmax.u32 v32, v55;
	vm4 =	vlt.u32 v15, v17;
	v40 =	vld [tilespmem:s8+$0xC000];
	v34 =	vsel vm14, v33, v63  }
0x216: {  	v42 =	vand.u32 $0x8000, v13;
	v15 =	vmax.u32 v15, v17;
	v36 =	vmax.u32 v34, v57  }
0x217: {  	v20 =	vnsel vm10, $0x2D0, v20;
	v29 =	vsel vm13, v32, v29;
	v36 =	vsel vm15, v34, v36  }
0x218: {  	v16 =	vsel vm4, v18, v16;
	vm6 =	veq.s32 v42, $0x0;
	v37 =	vmax.u32 v36, v61  }
0x219: {  	v45 =	vmax.u32 v29, v62;
	v44 =	vand.u32 $0x8000, v14;
	v43 =	vsel vm5, v36, v37  }
0x21a: {  	vm7 =	veq.s32 v44, $0x0;
	vm9 =	veq.s32 v21, v19;
	v35 =	vmax.u32 v43, v40  }
0x21b: {  	v47 =	vsel vm8, $0x300, v5;
	v37 =	vsel vm6, v29, v45;
	v46 =	vsel vm7, v43, v35  }
0x21c: {  	vm10 =	veq.s32 v26, v21;
	v19 =	vnsel vm9, $0x320, v47;
	v48 =	vmax.u32 v37, v46  }
0x21d: {  	vm11 =	veq.s32 v22, v26;
	v19 =	vnsel vm10, $0x330, v19;
	v49 =	vmax.u32 v15, v48  }
0x21e: {  	v19 =	vnsel vm11, $0x340, v19;
	vm12 =	veq.s32 v24, v22;
	v50 =	vperm.xlane v49, v6  }
0x21f: {  	vm13 =	veq.s32 v29, v32;
	v19 =	vnsel vm12, $0x350, v19;
	vm14 =	veq.s32 v28, v24  }
0x220: {  	v19 =	vnsel vm14, $0x360, v19;
	vm15 =	veq.s32 v25, v28;
	v22 =	vmax.u32 v49, v50  }
0x221: {  	vm4 =	veq.s32 v27, v25;
	v19 =	vnsel vm15, $0x370, v19;
	v51 =	vperm.xlane v22, v7  }
0x222: {  	v20 =	vnsel vm13, $0x2E0, v20;
	vm5 =	veq.s32 v31, v27;
	v19 =	vnsel vm4, $0x380, v19  }
0x223: {  	vm6 =	veq.s32 v30, v31;
	v19 =	vnsel vm5, $0x390, v19;
	v22 =	vmax.u32 v22, v51  }
0x224: {  	v19 =	vnsel vm6, $0x3A0, v19;
	vm7 =	veq.s32 v33, v30;
	v24 =	vperm.xlane v22, v8  }
0x225: {  	vm9 =	veq.s32 v34, v33;
	vm10 =	veq.s32 v36, v34;
	v19 =	vnsel vm7, $0x3B0, v19  }
0x226: {  	vm8 =	veq.s32 v37, v29;
	v19 =	vnsel vm9, $0x3C0, v19;
	v22 =	vmax.u32 v22, v24  }
0x227: {  	vm11 =	veq.s32 v43, v36;
	v19 =	vnsel vm10, $0x3D0, v19;
	v24 =	vperm.xlane v22, v9  }
0x228: {  	v20 =	vnsel vm8, $0x2F0, v20;
	vm12 =	veq.s32 v46, v43;
	v52 =	vnsel vm11, $0x3E0, v19  }
0x229: {  	vm13 =	vlt.u32 v37, v46;
	v18 =	vnsel vm12, $0x3F0, v52;
	v53 =	vmax.u32 v22, v24  }
0x22a: {  	vm14 =	vlt.u32 v15, v48;
	v18 =	vsel vm13, v18, v20;
	vm15 =	veq.s32 v53, v49  }
0x22b: {  	v15 =	vsel vm14, v18, v16;
	v54 =	vsel vm15, $0x0, v10  }
0x22c: {  	v15 =	vadd.s32 v54, v15  }
0x22d: {  	v15 =	vadd.s32 v11, v15  }
0x22e: {  	v55 =	vperm.xlane v15, v6;
	_ =	sdelay $0x1  }
0x22f: {  	v15 =	vmin.u32 v15, v55  }
0x230: {  	v16 =	vperm.xlane v15, v7;
	_ =	sdelay $0x1  }
0x231: {  	v15 =	vmin.u32 v15, v16  }
0x232: {  	v16 =	vperm.xlane v15, v8;
	_ =	sdelay $0x1  }
0x233: {  	v15 =	vmin.u32 v15, v16  }
0x234: {  	v16 =	vperm.xlane v15, v9;
	_ =	sdelay $0x1  }
0x235: {  	v15 =	vmin.u32 v15, v16  }
0x236: {  	(v2sf) =	vpush v15, $0x0;
	_ =	sdelay $0x9  }
0x237: {  	s13 =	sand.u32 $0xF, s25  }
0x238: {  	s0 =	sshll.u32 s13, $0x2  }
0x239: {  	s15 =	sand.u32 $0xF, s31;
	s0 =	ssub.s32 $0x0, s0;
	(v2sf) =	vpush v53, $0x0  }
0x23a: {  	s0 =	sshra.s32 s0, $0x2;
	v56 =	vmov s15  }
0x23b: {  	s0 =	sadd.s32 s0, s28;
	v16 =	vsub.s32 v11, v56  }
0x23c: {  	s16 =	sadd.s32 s31, s22;
	v57 =	vld [tilespmem:s0+$0x0];
	v16 =	vmul.u32 v16, v16;
	s2 =	spop (v2sf)  }
0x23d: {  	s6 =	sshrl.u32 s16, $0x1F;
	p0 =	slt.s32 s2, $0x1;
	s7 =	smov.u32 s2  }
0x23e: {  	s8 =	sxor.u32 $0x1, s6;
	v16 =	vmin.u32 v16, $0x1;
	s13 =	sshra.s32 s2, $0x8;
	s7 =	simm.s32 @!p0 $0x1  }
0x23f: {  	v15 =	vbroadcast v15, $0x0;
	v16 =	vmax.u32 v16, s6;
	s6 =	sand.u32 $0xF, s2;
	s15 =	sadd.s32 $0xFFFFFFFE, s13;
	s7 =	smul.u32 s8, s7  }
0x240: {  	v58 =	vxor.u32 $0x1, v16;
	s16 =	sand.u32 $0xFFFFFFF0, s2;
	s13 =	sadd.s32 $0xFFFFFFFD, s13;
	s15 =	smul.u32 s15, s15  }
0x241: {  	v16 =	vmul.u32 v16, v57;
	v15 =	vmul.u32 v58, v15;
	s17 =	sadd.s32 $0xFFFFFE00, s2;
	p0 =	slt.s32 s16, $0x1F0;
	s13 =	smul.u32 s13, s13  }
0x242: {  	v59 =	vmov s6;
	s17 =	sshra.s32 s17, $0x1F;
	s16 =	simm.s32 @!p0 $0x1F0;
	p0 =	slt.s32 s15, $0x1  }
0x243: {  	v15 =	vadd.s32 v16, v15;
	v60 =	vsub.s32 v11, v59;
	s6 =	sand.u32 s7, s17;
	s15 =	simm.s32 @!p0 $0x1;
	p0 =	slt.s32 s13, $0x1  }
0x244: {  	[tilespmem:s0+$0x0] =	vst v15;
	v15 =	vmul.u32 v60, v60;
	v61 =	vmov s6;
	s15 =	ssub.s32 $0x1, s15;
	s13 =	simm.s32 @!p0 $0x1  }
0x245: {  	s0 =	sld [smem:$0x0];
	v62 =	vld [tilespmem:s16+$0x18000];
	v16 =	vsub.s32 $0x0, v61;
	s6 =	smul.u32 s7, s15;
	s13 =	ssub.s32 $0x1, s13  }
0x246: {  	s2 =	sshrl.u32 s2, $0x4;
	v15 =	vmin.u32 v15, $0x1;
	p0 =	sne.s32 s31, $0x2F;
	v16 =	vbroadcast v16, $0x0;
	s13 =	smul.u32 s7, s13  }
.Ltmp9:
0x247: {  	s2 =	sand.u32 $0xF, s2;
	s8 =	scvt.s32.f32 s8;
	v15 =	vxor.u32 $0x1, v15;
	(pc) =	sbr.rel @p0 .LBB2_10-.Ltmp9, $4  }
0x248: {  	s30 =	sadd.s32 $0x80, s30;
	s17 =	spop (v2sf);
	v16 =	vmul.u32 v15, v16;
	v15 =	vshll.u32 v15, s2  }
0x249: {  	s26 =	sadd.s32 $0x1, s26;
	s0 =	sadd.s32 s0, s7;
	s17 =	smul.f32 s8, s17;
	v63 =	vmul.u32 s6, v15;
	v15 =	vmul.u32 s13, v15  }
0x24a: {  	s29 =	sadd.s32 $0x400, s29;
	s25 =	sadd.s32 $0x1, s25;
	[smem:$0x0] =	sst s0;
	v16 =	vxor.u32 v62, v16  }
0x24b: {  	s28 =	sadd.s32 $0x1, s28;
	s31 =	sadd.s32 $0x1, s31;
	s19 =	sadd.f32 s17, s19;
	[tilespmem:s16+$0x18000] =	vst v16;
	v13 =	vxor.u32 v13, v63;
	v14 =	vxor.u32 v14, v15  }
.Ltmp10:
0x24c: {  	(pc) =	sbr.rel .LBB2_12-.Ltmp10, $3  }
0x24d: {  	_ =	sdelay $0x1  }
0x24e: {  	[tilespmem:$0x18200] =	vst v13  }
0x24f: {  	[tilespmem:$0x18210] =	vst v14  }
.LBB2_14:
0x250: {  	_ =	sfence.sel $0x180000  }
0x251: {  	[bflag:$0x0] =	sbarrier.arrive $0xFFFF  }
0x252: {  	_ =	strace $0x90000047  }
0x253: {  	s0 =	stileid.u32;
	[bflag:$0x2] =	sbarrier.arrive $0xFFFF  }
0x254: {  	p0 =	sne.s32 s0, $0x0;
	s0 =	rddreg [dreg:$0x3]  }
0x255: {  	s0 =	sadd.s32 @!p0 $0x100000, s0  }
0x256: {  	[sflag:s0] =	ssyncadd.tile.s32 @!p0 $0x1;
	_ =	shalt  }
.Lfunc_end2:
_tile_overlayer_lowered:
.L_overlay_start_2:
0x257: {  	(tag) =	ssettag $0x2  }
0x258: {  	s0 =	rddreg [dreg:$0x0];
	s2 =	stileid.u32  }
0x259: {  	s1 =	rddreg [dreg:$0x1];
	p0 =	sne.s32 s2, $0x0  }
0x25a: {  	s3 =	rddreg [dreg:$0x2];
	[bflag:$0x3] =	sbarrier.arrive $0xFFFF;
	s2 =	simm.s32 @!p0 $0x1C03  }
0x25b: {  	[timem:s3], [sflag:s2] =	dma.local @!p0 [hbm:s0], s1  }
0x25c: {  	s0 =	simm.s32 @!p0 $0x3  }
0x25d: {  	_ =	swait.ge @!p0 [sflag:s0], s1  }
0x25e: {  	s1 =	ssub.s32 @!p0 $0x0, s1;
	[sflag:s0] =	ssyncset.done @!p0 $0x0  }
0x25f: {  	[sflag:s0] =	ssyncadd.s32 @!p0 s1  }
0x260: {  	[bflag:$0x3] =	sbarrier.arrive $0xFFFF  }
0x261: {  	_ =	shalt  }

</sc_bundles>
